<compile_context>
chip_gen: v7x
topology: tpu7x:2x2x1
jax: 0.10.2.dev20260603
libtpu: 0.0.44.dev20260713+nightly
codegen_flags: <defaults>
</compile_context>

<pallas_src>
import functools

import jax
import jax.numpy as jnp
from jax import lax
from jax.experimental import pallas as pl
from jax.experimental.pallas import tpu as pltpu
from jax.experimental.pallas import tpu_sc as plsc

N = 10000
E = 320000
D = 128
R = 4
NB = 8

CB = 4
CW = D // CB
NS = 16
EPT = E // NS
CHW = 128
NCH = -(-EPT // CHW)
EPT_PAD = NCH * CHW
DUMMY = R * N
ACC_ROWS = R * N + 8
RPT = 2496
RTAIL = R * N - NS * RPT
BN = 1000
CNTW = 8



def _edge_prep_body(src_ref, dst_ref, et_ref, ci_ref, src4_ref):
    ci_ref[...] = et_ref[...] * N + dst_ref[...]
    for cb in range(CB):
        src4_ref[cb] = src_ref[...] + cb * N


def _edge_prep(src_p, dst_p, et_p):
    return pl.pallas_call(
        _edge_prep_body,
        out_shape=(
            jax.ShapeDtypeStruct((NS, NCH, CHW), jnp.int32),
            jax.ShapeDtypeStruct((CB, NS, NCH, CHW), jnp.int32),
        ),
    )(src_p, dst_p, et_p)


def _weights_body(comp_ref, bases_ref, w_ref):
    w_ref[...] = jnp.dot(comp_ref[...], bases_ref[...],
                         preferred_element_type=jnp.float32)


def _make_weights(comp, bases):
    w = pl.pallas_call(
        _weights_body,
        out_shape=jax.ShapeDtypeStruct((R, D * D), jnp.float32),
    )(comp, bases.reshape(NB, D * D))
    return w.reshape(R, D, D)


def _proj_body(x_ref, w_ref, b_ref, h_ref, hblk_ref):
    h = jnp.dot(x_ref[...], w_ref[...], preferred_element_type=jnp.float32)
    h = jnp.maximum(h + b_ref[...], 0.0)
    h_ref[...] = h
    for cb in range(CB):
        hblk_ref[cb] = h[:, cb * CW:(cb + 1) * CW]


def _proj(x, w, b):
    return pl.pallas_call(
        _proj_body,
        grid=(N // BN,),
        in_specs=[
            pl.BlockSpec((BN, D), lambda i: (i, 0)),
            pl.BlockSpec((D, D), lambda i: (0, 0)),
            pl.BlockSpec((1, D), lambda i: (0, 0)),
        ],
        out_specs=(
            pl.BlockSpec((BN, D), lambda i: (i, 0)),
            pl.BlockSpec((CB, BN, CW), lambda i: (0, i, 0)),
        ),
        out_shape=(
            jax.ShapeDtypeStruct((N, D), jnp.float32),
            jax.ShapeDtypeStruct((CB, N, CW), jnp.float32),
        ),
    )(x, w, b)


def _layer_body(sums_ref, cnt_ref, w_ref, hprev_ref, root_ref,
                h_ref, hblk_ref, *, relu, want_blk):
    rec = 1.0 / jnp.maximum(cnt_ref[...], 1.0)
    acc = jnp.zeros((BN, D), jnp.float32)
    for r in range(R):
        rr = rec[r, :, 0:1]
        for cb in range(CB):
            acc = acc + jnp.dot(sums_ref[cb, r] * rr,
                                w_ref[r, cb * CW:(cb + 1) * CW, :],
                                preferred_element_type=jnp.float32)
    if root_ref is not None:
        acc = acc + jnp.dot(hprev_ref[...], root_ref[...],
                            preferred_element_type=jnp.float32)
    if relu:
        acc = jnp.maximum(acc, 0.0)
    h_ref[...] = acc
    if want_blk:
        for cb in range(CB):
            hblk_ref[cb] = acc[:, cb * CW:(cb + 1) * CW]


def _layer_tc(sums4, counts, w, hprev, root, relu, want_blk):
    in_specs = [
        pl.BlockSpec((CB, R, BN, CW), lambda i: (0, 0, i, 0)),
        pl.BlockSpec((R, BN, CNTW), lambda i: (0, i, 0)),
        pl.BlockSpec((R, D, D), lambda i: (0, 0, 0)),
    ]
    args = [sums4, counts, w]
    if root is not None:
        in_specs.append(pl.BlockSpec((BN, D), lambda i: (i, 0)))
        in_specs.append(pl.BlockSpec((D, D), lambda i: (0, 0)))
        args.append(hprev)
        args.append(root)

    out_specs = [pl.BlockSpec((BN, D), lambda i: (i, 0))]
    out_shape = [jax.ShapeDtypeStruct((N, D), jnp.float32)]
    if want_blk:
        out_specs.append(pl.BlockSpec((CB, BN, CW), lambda i: (0, i, 0)))
        out_shape.append(jax.ShapeDtypeStruct((CB, N, CW), jnp.float32))

    def body(*refs):
        if root is not None:
            sums_ref, cnt_ref, w_ref, hp_ref, rt_ref = refs[:5]
            orefs = refs[5:]
        else:
            sums_ref, cnt_ref, w_ref = refs[:3]
            hp_ref = rt_ref = None
            orefs = refs[3:]
        h_ref = orefs[0]
        hblk_ref = orefs[1] if want_blk else None
        _layer_body(sums_ref, cnt_ref, w_ref, hp_ref, rt_ref,
                    h_ref, hblk_ref, relu=relu, want_blk=want_blk)

    res = pl.pallas_call(
        body,
        grid=(N // BN,),
        in_specs=in_specs,
        out_specs=tuple(out_specs) if want_blk else out_specs[0],
        out_shape=tuple(out_shape) if want_blk else out_shape[0],
    )(*args)
    return res if want_blk else (res, None)



def _make_agg():
    mesh = plsc.VectorSubcoreMesh(core_axis_name="c", subcore_axis_name="s")

    scratch = [
        pltpu.VMEM((NCH, CHW), jnp.int32),
        pltpu.VMEM((NCH, CHW), jnp.int32),
        pltpu.VMEM((CHW, CW), jnp.float32),
        pltpu.VMEM((CHW, CW), jnp.float32),
        pltpu.VMEM_SHARED((ACC_ROWS, CW), jnp.float32),
        pltpu.SemaphoreType.DMA,
        pltpu.SemaphoreType.DMA,
    ]

    def body(hflat, src4, ci3, zrows, sums,
             src_all, ci_all, rowsA, rowsB, acc, semA, semB):
        c = lax.axis_index("c")
        s = lax.axis_index("s")

        pltpu.sync_copy(ci3.at[s], ci_all)

        for p in range(2):
            cb = 2 * c + p

            pltpu.sync_copy(src4.at[cb, s], src_all)
            pltpu.sync_copy(zrows, acc.at[pl.ds(s * RPT, RPT)])

            @pl.when(s < 8)
            def _():
                pltpu.sync_copy(zrows.at[pl.ds(0, 8)],
                                acc.at[pl.ds(NS * RPT + s * 8, 8)])

            plsc.subcore_barrier()

            def gather(idx, buf, sem):
                return pltpu.make_async_copy(hflat.at[src_all.at[idx]],
                                             buf, sem)

            def scatter(idx, buf):
                pltpu.sync_copy(buf, acc.at[ci_all.at[idx]], add=True)

            gather(0, rowsA, semA).start()

            def loop_body(j, carry):
                a = 2 * j
                b = a + 1
                gather(b, rowsB, semB).start()
                gather(a, rowsA, semA).wait()
                scatter(a, rowsA)
                gather(a + 2, rowsA, semA).start()
                gather(b, rowsB, semB).wait()
                scatter(b, rowsB)
                return carry

            lax.fori_loop(0, (NCH - 1) // 2, loop_body, 0)
            last = NCH - 1
            gather(last, rowsA, semA).wait()
            scatter(last, rowsA)

            plsc.subcore_barrier()
            pltpu.sync_copy(acc.at[pl.ds(s * RPT, RPT)],
                            sums.at[cb, pl.ds(s * RPT, RPT)])

            @pl.when(s < 8)
            def _():
                pltpu.sync_copy(acc.at[pl.ds(NS * RPT + s * 8, 8)],
                                sums.at[cb, pl.ds(NS * RPT + s * 8, 8)])

            plsc.subcore_barrier()

    return pl.kernel(
        body,
        out_type=jax.ShapeDtypeStruct((CB, R * N, CW), jnp.float32),
        mesh=mesh,
        scratch_types=scratch,
        compiler_params=pltpu.CompilerParams(use_tc_tiling_on_sc=False),
    )


def _make_count():
    mesh = plsc.VectorSubcoreMesh(core_axis_name="c", subcore_axis_name="s")

    scratch = [
        pltpu.VMEM((NCH, CHW), jnp.int32),
        pltpu.VMEM((CHW, CNTW), jnp.float32),
        pltpu.VMEM_SHARED((ACC_ROWS, CNTW), jnp.float32),
        pltpu.SemaphoreType.DMA,
    ]

    def body(ci3, zrows_c, ones_hbm, counts, ci_all, ones_v, acc_c, sem):
        c = lax.axis_index("c")
        s = lax.axis_index("s")

        @pl.when(c == 0)
        def _():
            pltpu.sync_copy(ci3.at[s], ci_all)
            pltpu.sync_copy(ones_hbm, ones_v)
            pltpu.sync_copy(zrows_c, acc_c.at[pl.ds(s * RPT, RPT)])

            @pl.when(s < 8)
            def _():
                pltpu.sync_copy(zrows_c.at[pl.ds(0, 8)],
                                acc_c.at[pl.ds(NS * RPT + s * 8, 8)])

            plsc.subcore_barrier()

            def loop_body(j, carry):
                pltpu.sync_copy(ones_v, acc_c.at[ci_all.at[j]], add=True)
                return carry

            lax.fori_loop(0, NCH, loop_body, 0)

            plsc.subcore_barrier()
            pltpu.sync_copy(acc_c.at[pl.ds(s * RPT, RPT)],
                            counts.at[pl.ds(s * RPT, RPT)])

            @pl.when(s < 8)
            def _():
                pltpu.sync_copy(acc_c.at[pl.ds(NS * RPT + s * 8, 8)],
                                counts.at[pl.ds(NS * RPT + s * 8, 8)])

    return pl.kernel(
        body,
        out_type=jax.ShapeDtypeStruct((R * N, CNTW), jnp.float32),
        mesh=mesh,
        scratch_types=scratch,
        compiler_params=pltpu.CompilerParams(use_tc_tiling_on_sc=False),
    )


_agg = _make_agg()
_count = _make_count()



def kernel(x, edge_index, edge_type, proj_W, proj_b,
           bases0, comp0, bases1, comp1, root1, bases2, comp2, root2):
    src = edge_index[0]
    dst = edge_index[1]

    pad = EPT_PAD - EPT
    src_p = jnp.pad(src.reshape(NS, EPT), ((0, 0), (0, pad))) \
        .reshape(NS, NCH, CHW)
    dst_p = jnp.pad(dst.reshape(NS, EPT), ((0, 0), (0, pad))) \
        .reshape(NS, NCH, CHW)
    et_p = jnp.pad(edge_type.reshape(NS, EPT), ((0, 0), (0, pad)),
                   constant_values=R).reshape(NS, NCH, CHW)

    ci3, src4 = _edge_prep(src_p, dst_p, et_p)

    w0 = _make_weights(comp0, bases0)
    w1 = _make_weights(comp1, bases1)
    w2 = _make_weights(comp2, bases2)

    h0, h0blk = _proj(x, proj_W, proj_b.reshape(1, D))

    zrows = jnp.zeros((RPT, CW), jnp.float32)
    zrows_c = jnp.zeros((RPT, CNTW), jnp.float32)
    ones8 = jnp.ones((CHW, CNTW), jnp.float32)

    counts = _count(ci3, zrows_c, ones8)
    counts = counts.reshape(R, N, CNTW)

    sums0 = _agg(h0blk.reshape(CB * N, CW), src4, ci3, zrows)
    sums0 = sums0.reshape(CB, R, N, CW)

    h1, h1blk = _layer_tc(sums0, counts, w0, None, None,
                          relu=True, want_blk=True)

    sums1 = _agg(h1blk.reshape(CB * N, CW), src4, ci3, zrows)
    sums1 = sums1.reshape(CB, R, N, CW)

    h2, h2blk = _layer_tc(sums1, counts, w1, h1, root1,
                          relu=True, want_blk=True)

    sums2 = _agg(h2blk.reshape(CB * N, CW), src4, ci3, zrows)
    sums2 = sums2.reshape(CB, R, N, CW)

    out, _ = _layer_tc(sums2, counts, w2, h2, root2,
                       relu=False, want_blk=False)

    return (out, h0, h1, h2)

# --- scband reference (transcript-rebuilt; emitter-appended) ---
"""Pipeline reference for scband-rgcn-43817256354376 (READ-ONLY COPY).

The authoritative reference and input builder live on the scoring server;
editing this copy changes nothing except your own understanding.
"""

import jax, jax.numpy as jnp
import numpy as np

N = 10000
E = 320000
D = 128
R = 4
NB = 8


def _rgcn_conv(x, src, dst, edge_type, bases, comp, root):
    # basis-decomposition: weight[r] = sum_b comp[r,b] * bases[b]
    weights = jnp.einsum('rb,bio->rio', comp, bases)  # [R, in, out]
    xj = jnp.take(x, src, axis=0)  # gather source node features per edge
    out = jnp.zeros((x.shape[0], weights.shape[2]), dtype=x.dtype)
    for r in range(weights.shape[0]):
        mask = (edge_type == r).astype(x.dtype)[:, None]
        s = jax.ops.segment_sum(xj * mask, dst, num_segments=x.shape[0])
        c = jax.ops.segment_sum(mask, dst, num_segments=x.shape[0])
        mean_r = s / jnp.clip(c, 1.0)  # PyG RGCNConv default aggr='mean' per relation
        out = out + mean_r @ weights[r]
    if root is not None:
        out = out + x @ root
    return out


def setup_inputs(seed: int = 0):
    key = jax.random.key(seed)
    ks = jax.random.split(key, 14)
    s = 0.05
    inp = {}
    inp['x'] = jax.random.normal(ks[0], (N, D), dtype=jnp.float32)
    inp['edge_index'] = jax.random.randint(ks[1], (2, E), 0, N, dtype=jnp.int32)
    inp['edge_type'] = jax.random.randint(ks[2], (E,), 0, R, dtype=jnp.int32)
    # single node type -> one input projection Linear(D, hidden)
    inp['proj_W'] = jax.random.normal(ks[3], (D, D), dtype=jnp.float32) * s
    inp['proj_b'] = jnp.zeros((D,), dtype=jnp.float32)
    # conv0: hidden->hidden, root_weight=False
    inp['bases0'] = jax.random.normal(ks[4], (NB, D, D), dtype=jnp.float32) * s
    inp['comp0'] = jax.random.normal(ks[5], (R, NB), dtype=jnp.float32)
    # conv1: hidden->hidden, root_weight=True
    inp['bases1'] = jax.random.normal(ks[6], (NB, D, D), dtype=jnp.float32) * s
    inp['comp1'] = jax.random.normal(ks[7], (R, NB), dtype=jnp.float32)
    inp['root1'] = jax.random.normal(ks[8], (D, D), dtype=jnp.float32) * s
    # conv2: hidden->out, root_weight=True
    inp['bases2'] = jax.random.normal(ks[9], (NB, D, D), dtype=jnp.float32) * s
    inp['comp2'] = jax.random.normal(ks[10], (R, NB), dtype=jnp.float32)
    inp['root2'] = jax.random.normal(ks[11], (D, D), dtype=jnp.float32) * s
    return inp


def reference(x, edge_index, edge_type, proj_W, proj_b, bases0, comp0, bases1, comp1, root1, bases2, comp2, root2):
    src = edge_index[0]
    dst = edge_index[1]
    # per-node-type linear projection + relu (single node type here)
    h0 = jax.nn.relu(x @ proj_W + proj_b)
    # dropout p used at eval -> identity; num_layers=2 gives 3 convs total
    h1 = jax.nn.relu(_rgcn_conv(h0, src, dst, edge_type, bases0, comp0, None))
    h2 = jax.nn.relu(_rgcn_conv(h1, src, dst, edge_type, bases1, comp1, root1))
    out = _rgcn_conv(h2, src, dst, edge_type, bases2, comp2, root2)
    # returns (x, x_latents); latents = [initial, after conv0, after conv1]
    return (out, h0, h1, h2)

if __name__ == "__main__":
    import jax
    _d = setup_inputs()
    print(jax.jit(kernel)(*tuple(_d.values())))

</pallas_src>

<mosaic_0001>
#map = affine_map<(d0, d1) -> (0, 0)>
#map1 = affine_map<(d0, d1) -> (0, 0, 0, 0)>
#map2 = affine_map<(d0, d1) -> (0, 0, 0)>
module attributes {stable_mosaic.version = 14 : i64} {
  func.func @body(%arg0: i32, %arg1: i32, %arg2: memref<40000x32xf32, #tpu.memory_space<hbm>>, %arg3: memref<4x16x157x128xi32, #tpu.memory_space<hbm>>, %arg4: memref<16x157x128xi32, #tpu.memory_space<hbm>>, %arg5: memref<2496x32xf32, #tpu.memory_space<hbm>>, %arg6: memref<4x40000x32xf32, #tpu.memory_space<hbm>>, %arg7: memref<157x128xi32, #tpu.memory_space<vmem>>, %arg8: memref<157x128xi32, #tpu.memory_space<vmem>>, %arg9: memref<128x32xf32, #tpu.memory_space<vmem>>, %arg10: memref<128x32xf32, #tpu.memory_space<vmem>>, %arg11: memref<40008x32xf32, #tpu.memory_space<vmem_shared>>, %arg12: memref<!tpu.dma_semaphore, #tpu.memory_space<semaphore_mem>>, %arg13: memref<!tpu.dma_semaphore, #tpu.memory_space<semaphore_mem>>) attributes {dimension_semantics = [#tpu.dimension_semantics<core_parallel>, #tpu.dimension_semantics<subcore_parallel>], iteration_bounds = array<i64: 2, 16>, scalar_prefetch = 0 : i64, scratch_operands = 7 : i64, tpu.core_type = #tpu.core_type<sc_vector_subcore>, window_params = [{transform_indices = #map}, {transform_indices = #map1}, {transform_indices = #map2}, {transform_indices = #map}, {transform_indices = #map2}]} {
    "tpu.region"() ({
      %run_scoped3A_78 = tpu.sem_alloc : memref<!tpu.dma_semaphore, #tpu.memory_space<semaphore_mem>>
      %dma_start3A_79 = arith.constant 0 : i32
      %dma_start3A_80 = arith.constant 0 : i32
      %dma_start3A_81 = tpu.memref_slice %arg4[%arg1, %dma_start3A_79, %dma_start3A_80] : memref<16x157x128xi32, #tpu.memory_space<hbm>> -> memref<1x157x128xi32, #tpu.memory_space<hbm>>
      %dma_start3A_82 = tpu.memref_squeeze %dma_start3A_81 : memref<1x157x128xi32, #tpu.memory_space<hbm>> -> memref<157x128xi32, #tpu.memory_space<hbm>>
      %dma_start3A_83 = arith.constant 0 : i32
      %dma_start3A_84 = arith.constant 0 : i32
      %dma_start3A_85 = tpu.memref_slice %arg4[%arg1, %dma_start3A_83, %dma_start3A_84] : memref<16x157x128xi32, #tpu.memory_space<hbm>> -> memref<1x157x128xi32, #tpu.memory_space<hbm>>
      %dma_start3A_86 = tpu.memref_squeeze %dma_start3A_85 : memref<1x157x128xi32, #tpu.memory_space<hbm>> -> memref<157x128xi32, #tpu.memory_space<hbm>>
      tpu.enqueue_dma source(%dma_start3A_86 : memref<157x128xi32, #tpu.memory_space<hbm>>) target(%arg8 : memref<157x128xi32, #tpu.memory_space<vmem>>) target_semaphore(%run_scoped3A_78 : memref<!tpu.dma_semaphore, #tpu.memory_space<semaphore_mem>>)
      %dma_wait3A_87 = arith.constant 0 : i32
      %dma_wait3A_88 = arith.constant 0 : i32
      %dma_wait3A_89 = tpu.memref_slice %arg4[%arg1, %dma_wait3A_87, %dma_wait3A_88] : memref<16x157x128xi32, #tpu.memory_space<hbm>> -> memref<1x157x128xi32, #tpu.memory_space<hbm>>
      %dma_wait3A_90 = tpu.memref_squeeze %dma_wait3A_89 : memref<1x157x128xi32, #tpu.memory_space<hbm>> -> memref<157x128xi32, #tpu.memory_space<hbm>>
      %dma_wait3A_91 = arith.constant 0 : i32
      %dma_wait3A_92 = arith.constant 0 : i32
      %dma_wait3A_93 = tpu.memref_slice %arg4[%arg1, %dma_wait3A_91, %dma_wait3A_92] : memref<16x157x128xi32, #tpu.memory_space<hbm>> -> memref<1x157x128xi32, #tpu.memory_space<hbm>>
      %dma_wait3A_94 = tpu.memref_squeeze %dma_wait3A_93 : memref<1x157x128xi32, #tpu.memory_space<hbm>> -> memref<157x128xi32, #tpu.memory_space<hbm>>
      tpu.wait_dma2 semaphore(%run_scoped3A_78 : memref<!tpu.dma_semaphore, #tpu.memory_space<semaphore_mem>>) src(%dma_wait3A_94 : memref<157x128xi32, #tpu.memory_space<hbm>>) dst(%arg8 : memref<157x128xi32, #tpu.memory_space<vmem>>)
      tpu.yield
    }) : () -> ()
    %mul3A = arith.constant 2 : i32
    %mul3A_0 = arith.muli %mul3A, %arg0 : i32
    %add3A = arith.constant 0 : i32
    %add3A_1 = arith.addi %mul3A_0, %add3A : i32
    "tpu.region"() ({
      %run_scoped3A_78 = tpu.sem_alloc : memref<!tpu.dma_semaphore, #tpu.memory_space<semaphore_mem>>
      %dma_start3A_79 = arith.constant 0 : i32
      %dma_start3A_80 = arith.constant 0 : i32
      %dma_start3A_81 = tpu.memref_slice %arg3[%add3A_1, %arg1, %dma_start3A_79, %dma_start3A_80] : memref<4x16x157x128xi32, #tpu.memory_space<hbm>> -> memref<1x1x157x128xi32, #tpu.memory_space<hbm>>
      %dma_start3A_82 = tpu.memref_squeeze %dma_start3A_81 : memref<1x1x157x128xi32, #tpu.memory_space<hbm>> -> memref<157x128xi32, #tpu.memory_space<hbm>>
      %dma_start3A_83 = arith.constant 0 : i32
      %dma_start3A_84 = arith.constant 0 : i32
      %dma_start3A_85 = tpu.memref_slice %arg3[%add3A_1, %arg1, %dma_start3A_83, %dma_start3A_84] : memref<4x16x157x128xi32, #tpu.memory_space<hbm>> -> memref<1x1x157x128xi32, #tpu.memory_space<hbm>>
      %dma_start3A_86 = tpu.memref_squeeze %dma_start3A_85 : memref<1x1x157x128xi32, #tpu.memory_space<hbm>> -> memref<157x128xi32, #tpu.memory_space<hbm>>
      tpu.enqueue_dma source(%dma_start3A_86 : memref<157x128xi32, #tpu.memory_space<hbm>>) target(%arg7 : memref<157x128xi32, #tpu.memory_space<vmem>>) target_semaphore(%run_scoped3A_78 : memref<!tpu.dma_semaphore, #tpu.memory_space<semaphore_mem>>)
      %dma_wait3A_87 = arith.constant 0 : i32
      %dma_wait3A_88 = arith.constant 0 : i32
      %dma_wait3A_89 = tpu.memref_slice %arg3[%add3A_1, %arg1, %dma_wait3A_87, %dma_wait3A_88] : memref<4x16x157x128xi32, #tpu.memory_space<hbm>> -> memref<1x1x157x128xi32, #tpu.memory_space<hbm>>
      %dma_wait3A_90 = tpu.memref_squeeze %dma_wait3A_89 : memref<1x1x157x128xi32, #tpu.memory_space<hbm>> -> memref<157x128xi32, #tpu.memory_space<hbm>>
      %dma_wait3A_91 = arith.constant 0 : i32
      %dma_wait3A_92 = arith.constant 0 : i32
      %dma_wait3A_93 = tpu.memref_slice %arg3[%add3A_1, %arg1, %dma_wait3A_91, %dma_wait3A_92] : memref<4x16x157x128xi32, #tpu.memory_space<hbm>> -> memref<1x1x157x128xi32, #tpu.memory_space<hbm>>
      %dma_wait3A_94 = tpu.memref_squeeze %dma_wait3A_93 : memref<1x1x157x128xi32, #tpu.memory_space<hbm>> -> memref<157x128xi32, #tpu.memory_space<hbm>>
      tpu.wait_dma2 semaphore(%run_scoped3A_78 : memref<!tpu.dma_semaphore, #tpu.memory_space<semaphore_mem>>) src(%dma_wait3A_94 : memref<157x128xi32, #tpu.memory_space<hbm>>) dst(%arg7 : memref<157x128xi32, #tpu.memory_space<vmem>>)
      tpu.yield
    }) : () -> ()
    %mul3A_2 = arith.constant 2496 : i32
    %mul3A_3 = arith.muli %arg1, %mul3A_2 : i32
    "tpu.region"() ({
      %run_scoped3A_78 = tpu.sem_alloc : memref<!tpu.dma_semaphore, #tpu.memory_space<semaphore_mem>>
      %dma_start3A_79 = arith.constant 0 : i32
      %dma_start3A_80 = tpu.memref_slice %arg11[%mul3A_3, %dma_start3A_79] : memref<40008x32xf32, #tpu.memory_space<vmem_shared>> -> memref<2496x32xf32, #tpu.memory_space<vmem_shared>>
      tpu.enqueue_dma source(%arg5 : memref<2496x32xf32, #tpu.memory_space<hbm>>) target(%dma_start3A_80 : memref<2496x32xf32, #tpu.memory_space<vmem_shared>>) target_semaphore(%run_scoped3A_78 : memref<!tpu.dma_semaphore, #tpu.memory_space<semaphore_mem>>)
      %dma_wait3A_81 = arith.constant 0 : i32
      %dma_wait3A_82 = tpu.memref_slice %arg11[%mul3A_3, %dma_wait3A_81] : memref<40008x32xf32, #tpu.memory_space<vmem_shared>> -> memref<2496x32xf32, #tpu.memory_space<vmem_shared>>
      tpu.wait_dma2 semaphore(%run_scoped3A_78 : memref<!tpu.dma_semaphore, #tpu.memory_space<semaphore_mem>>) src(%arg5 : memref<2496x32xf32, #tpu.memory_space<hbm>>) dst(%dma_wait3A_82 : memref<2496x32xf32, #tpu.memory_space<vmem_shared>>)
      tpu.yield
    }) : () -> ()
    %lt3A = arith.constant 8 : i32
    %lt3A_4 = arith.cmpi slt, %arg1, %lt3A : i32
    %convert_element_type3A = arith.extui %lt3A_4 : i1 to i32
    %cond3A = arith.constant 0 : i32
    %cond3A_5 = arith.cmpi ne, %convert_element_type3A, %cond3A : i32
    scf.if %cond3A_5 {
      %mul3A_78 = arith.constant 8 : i32
      %mul3A_79 = arith.muli %arg1, %mul3A_78 : i32
      %add3A_80 = arith.constant 39936 : i32
      %add3A_81 = arith.addi %add3A_80, %mul3A_79 : i32
      "tpu.region"() ({
        %run_scoped3A_82 = tpu.sem_alloc : memref<!tpu.dma_semaphore, #tpu.memory_space<semaphore_mem>>
        %dma_start3A_83 = arith.constant 0 : i32
        %dma_start3A_84 = tpu.memref_slice %arg11[%add3A_81, %dma_start3A_83] : memref<40008x32xf32, #tpu.memory_space<vmem_shared>> -> memref<8x32xf32, #tpu.memory_space<vmem_shared>>
        %dma_start3A_85 = arith.constant 0 : i32
        %dma_start3A_86 = arith.constant 0 : i32
        %dma_start3A_87 = tpu.memref_slice %arg5[%dma_start3A_85, %dma_start3A_86] : memref<2496x32xf32, #tpu.memory_space<hbm>> -> memref<8x32xf32, #tpu.memory_space<hbm>>
        tpu.enqueue_dma source(%dma_start3A_87 : memref<8x32xf32, #tpu.memory_space<hbm>>) target(%dma_start3A_84 : memref<8x32xf32, #tpu.memory_space<vmem_shared>>) target_semaphore(%run_scoped3A_82 : memref<!tpu.dma_semaphore, #tpu.memory_space<semaphore_mem>>)
        %dma_wait3A_88 = arith.constant 0 : i32
        %dma_wait3A_89 = tpu.memref_slice %arg11[%add3A_81, %dma_wait3A_88] : memref<40008x32xf32, #tpu.memory_space<vmem_shared>> -> memref<8x32xf32, #tpu.memory_space<vmem_shared>>
        %dma_wait3A_90 = arith.constant 0 : i32
        %dma_wait3A_91 = arith.constant 0 : i32
        %dma_wait3A_92 = tpu.memref_slice %arg5[%dma_wait3A_90, %dma_wait3A_91] : memref<2496x32xf32, #tpu.memory_space<hbm>> -> memref<8x32xf32, #tpu.memory_space<hbm>>
        tpu.wait_dma2 semaphore(%run_scoped3A_82 : memref<!tpu.dma_semaphore, #tpu.memory_space<semaphore_mem>>) src(%dma_wait3A_92 : memref<8x32xf32, #tpu.memory_space<hbm>>) dst(%dma_wait3A_89 : memref<8x32xf32, #tpu.memory_space<vmem_shared>>)
        tpu.yield
      }) : () -> ()
    } else {
    }
    %barrier3A = arith.constant 0 : index
    tpu.barrier barrier_id(%barrier3A)
    %dma_start3A = arith.constant 0 : i32
    %dma_start3A_6 = arith.constant 0 : i32
    %dma_start3A_7 = tpu.memref_slice %arg7[%dma_start3A, %dma_start3A_6] : memref<157x128xi32, #tpu.memory_space<vmem>> -> memref<1x128xi32, #tpu.memory_space<vmem>>
    %dma_start3A_8 = tpu.memref_squeeze %dma_start3A_7 : memref<1x128xi32, #tpu.memory_space<vmem>> -> memref<128xi32, #tpu.memory_space<vmem>>
    %dma_start3A_9 = arith.constant 0 : i32
    %dma_start3A_10 = arith.constant 0 : i32
    %dma_start3A_11 = tpu.memref_slice %arg2[%dma_start3A_9, %dma_start3A_10] : memref<40000x32xf32, #tpu.memory_space<hbm>> -> memref<40000x32xf32, #tpu.memory_space<hbm>>
    tpu.enqueue_indirect_dma source(%dma_start3A_11 : memref<40000x32xf32, #tpu.memory_space<hbm>>) target(%arg9 : memref<128x32xf32, #tpu.memory_space<vmem>>) offsets(%dma_start3A_8 : memref<128xi32, #tpu.memory_space<vmem>>) semaphore(%arg12 : memref<!tpu.dma_semaphore, #tpu.memory_space<semaphore_mem>>)
    %scan3A = arith.constant 0 : i32
    %scan3A_12 = arith.constant 0 : i32
    %scan3A_13 = arith.constant 78 : i32
    %scan3A_14 = arith.addi %scan3A_12, %scan3A_13 : i32
    %scan3A_15 = arith.constant 1 : i32
    scf.for %scan3A_78 = %scan3A_12 to %scan3A_14 step %scan3A_15  : i32 {
      %mul3A_79 = arith.constant 2 : i32
      %mul3A_80 = arith.muli %mul3A_79, %scan3A_78 : i32
      %add3A_81 = arith.constant 1 : i32
      %add3A_82 = arith.addi %mul3A_80, %add3A_81 : i32
      %dma_start3A_83 = arith.constant 0 : i32
      %dma_start3A_84 = tpu.memref_slice %arg7[%add3A_82, %dma_start3A_83] : memref<157x128xi32, #tpu.memory_space<vmem>> -> memref<1x128xi32, #tpu.memory_space<vmem>>
      %dma_start3A_85 = tpu.memref_squeeze %dma_start3A_84 : memref<1x128xi32, #tpu.memory_space<vmem>> -> memref<128xi32, #tpu.memory_space<vmem>>
      %dma_start3A_86 = arith.constant 0 : i32
      %dma_start3A_87 = arith.constant 0 : i32
      %dma_start3A_88 = tpu.memref_slice %arg2[%dma_start3A_86, %dma_start3A_87] : memref<40000x32xf32, #tpu.memory_space<hbm>> -> memref<40000x32xf32, #tpu.memory_space<hbm>>
      tpu.enqueue_indirect_dma source(%dma_start3A_88 : memref<40000x32xf32, #tpu.memory_space<hbm>>) target(%arg10 : memref<128x32xf32, #tpu.memory_space<vmem>>) offsets(%dma_start3A_85 : memref<128xi32, #tpu.memory_space<vmem>>) semaphore(%arg13 : memref<!tpu.dma_semaphore, #tpu.memory_space<semaphore_mem>>)
      %dma_wait3A_89 = arith.constant 0 : i32
      %dma_wait3A_90 = tpu.memref_slice %arg7[%mul3A_80, %dma_wait3A_89] : memref<157x128xi32, #tpu.memory_space<vmem>> -> memref<1x128xi32, #tpu.memory_space<vmem>>
      %dma_wait3A_91 = tpu.memref_squeeze %dma_wait3A_90 : memref<1x128xi32, #tpu.memory_space<vmem>> -> memref<128xi32, #tpu.memory_space<vmem>>
      %dma_wait3A_92 = arith.constant 0 : i32
      %dma_wait3A_93 = arith.constant 0 : i32
      %dma_wait3A_94 = tpu.memref_slice %arg2[%dma_wait3A_92, %dma_wait3A_93] : memref<40000x32xf32, #tpu.memory_space<hbm>> -> memref<40000x32xf32, #tpu.memory_space<hbm>>
      tpu.wait_indirect_dma semaphore(%arg12 : memref<!tpu.dma_semaphore, #tpu.memory_space<semaphore_mem>>) src(%dma_wait3A_94 : memref<40000x32xf32, #tpu.memory_space<hbm>>) dst(%arg9 : memref<128x32xf32, #tpu.memory_space<vmem>>)
      "tpu.region"() ({
        %run_scoped3A_109 = tpu.sem_alloc : memref<!tpu.dma_semaphore, #tpu.memory_space<semaphore_mem>>
        %dma_start3A_110 = arith.constant 0 : i32
        %dma_start3A_111 = tpu.memref_slice %arg8[%mul3A_80, %dma_start3A_110] : memref<157x128xi32, #tpu.memory_space<vmem>> -> memref<1x128xi32, #tpu.memory_space<vmem>>
        %dma_start3A_112 = tpu.memref_squeeze %dma_start3A_111 : memref<1x128xi32, #tpu.memory_space<vmem>> -> memref<128xi32, #tpu.memory_space<vmem>>
        %dma_start3A_113 = arith.constant 0 : i32
        %dma_start3A_114 = arith.constant 0 : i32
        %dma_start3A_115 = tpu.memref_slice %arg11[%dma_start3A_113, %dma_start3A_114] : memref<40008x32xf32, #tpu.memory_space<vmem_shared>> -> memref<40008x32xf32, #tpu.memory_space<vmem_shared>>
        tpu.enqueue_indirect_dma source(%arg9 : memref<128x32xf32, #tpu.memory_space<vmem>>) target(%dma_start3A_115 : memref<40008x32xf32, #tpu.memory_space<vmem_shared>>) offsets(%dma_start3A_112 : memref<128xi32, #tpu.memory_space<vmem>>) semaphore(%run_scoped3A_109 : memref<!tpu.dma_semaphore, #tpu.memory_space<semaphore_mem>>) {add = true}
        %dma_wait3A_116 = arith.constant 0 : i32
        %dma_wait3A_117 = tpu.memref_slice %arg8[%mul3A_80, %dma_wait3A_116] : memref<157x128xi32, #tpu.memory_space<vmem>> -> memref<1x128xi32, #tpu.memory_space<vmem>>
        %dma_wait3A_118 = tpu.memref_squeeze %dma_wait3A_117 : memref<1x128xi32, #tpu.memory_space<vmem>> -> memref<128xi32, #tpu.memory_space<vmem>>
        %dma_wait3A_119 = arith.constant 0 : i32
        %dma_wait3A_120 = arith.constant 0 : i32
        %dma_wait3A_121 = tpu.memref_slice %arg11[%dma_wait3A_119, %dma_wait3A_120] : memref<40008x32xf32, #tpu.memory_space<vmem_shared>> -> memref<40008x32xf32, #tpu.memory_space<vmem_shared>>
        tpu.wait_indirect_dma semaphore(%run_scoped3A_109 : memref<!tpu.dma_semaphore, #tpu.memory_space<semaphore_mem>>) src(%arg9 : memref<128x32xf32, #tpu.memory_space<vmem>>) dst(%dma_wait3A_121 : memref<40008x32xf32, #tpu.memory_space<vmem_shared>>)
        tpu.yield
      }) : () -> ()
      %add3A_95 = arith.constant 2 : i32
      %add3A_96 = arith.addi %mul3A_80, %add3A_95 : i32
      %dma_start3A_97 = arith.constant 0 : i32
      %dma_start3A_98 = tpu.memref_slice %arg7[%add3A_96, %dma_start3A_97] : memref<157x128xi32, #tpu.memory_space<vmem>> -> memref<1x128xi32, #tpu.memory_space<vmem>>
      %dma_start3A_99 = tpu.memref_squeeze %dma_start3A_98 : memref<1x128xi32, #tpu.memory_space<vmem>> -> memref<128xi32, #tpu.memory_space<vmem>>
      %dma_start3A_100 = arith.constant 0 : i32
      %dma_start3A_101 = arith.constant 0 : i32
      %dma_start3A_102 = tpu.memref_slice %arg2[%dma_start3A_100, %dma_start3A_101] : memref<40000x32xf32, #tpu.memory_space<hbm>> -> memref<40000x32xf32, #tpu.memory_space<hbm>>
      tpu.enqueue_indirect_dma source(%dma_start3A_102 : memref<40000x32xf32, #tpu.memory_space<hbm>>) target(%arg9 : memref<128x32xf32, #tpu.memory_space<vmem>>) offsets(%dma_start3A_99 : memref<128xi32, #tpu.memory_space<vmem>>) semaphore(%arg12 : memref<!tpu.dma_semaphore, #tpu.memory_space<semaphore_mem>>)
      %dma_wait3A_103 = arith.constant 0 : i32
      %dma_wait3A_104 = tpu.memref_slice %arg7[%add3A_82, %dma_wait3A_103] : memref<157x128xi32, #tpu.memory_space<vmem>> -> memref<1x128xi32, #tpu.memory_space<vmem>>
      %dma_wait3A_105 = tpu.memref_squeeze %dma_wait3A_104 : memref<1x128xi32, #tpu.memory_space<vmem>> -> memref<128xi32, #tpu.memory_space<vmem>>
      %dma_wait3A_106 = arith.constant 0 : i32
      %dma_wait3A_107 = arith.constant 0 : i32
      %dma_wait3A_108 = tpu.memref_slice %arg2[%dma_wait3A_106, %dma_wait3A_107] : memref<40000x32xf32, #tpu.memory_space<hbm>> -> memref<40000x32xf32, #tpu.memory_space<hbm>>
      tpu.wait_indirect_dma semaphore(%arg13 : memref<!tpu.dma_semaphore, #tpu.memory_space<semaphore_mem>>) src(%dma_wait3A_108 : memref<40000x32xf32, #tpu.memory_space<hbm>>) dst(%arg10 : memref<128x32xf32, #tpu.memory_space<vmem>>)
      "tpu.region"() ({
        %run_scoped3A_109 = tpu.sem_alloc : memref<!tpu.dma_semaphore, #tpu.memory_space<semaphore_mem>>
        %dma_start3A_110 = arith.constant 0 : i32
        %dma_start3A_111 = tpu.memref_slice %arg8[%add3A_82, %dma_start3A_110] : memref<157x128xi32, #tpu.memory_space<vmem>> -> memref<1x128xi32, #tpu.memory_space<vmem>>
        %dma_start3A_112 = tpu.memref_squeeze %dma_start3A_111 : memref<1x128xi32, #tpu.memory_space<vmem>> -> memref<128xi32, #tpu.memory_space<vmem>>
        %dma_start3A_113 = arith.constant 0 : i32
        %dma_start3A_114 = arith.constant 0 : i32
        %dma_start3A_115 = tpu.memref_slice %arg11[%dma_start3A_113, %dma_start3A_114] : memref<40008x32xf32, #tpu.memory_space<vmem_shared>> -> memref<40008x32xf32, #tpu.memory_space<vmem_shared>>
        tpu.enqueue_indirect_dma source(%arg10 : memref<128x32xf32, #tpu.memory_space<vmem>>) target(%dma_start3A_115 : memref<40008x32xf32, #tpu.memory_space<vmem_shared>>) offsets(%dma_start3A_112 : memref<128xi32, #tpu.memory_space<vmem>>) semaphore(%run_scoped3A_109 : memref<!tpu.dma_semaphore, #tpu.memory_space<semaphore_mem>>) {add = true}
        %dma_wait3A_116 = arith.constant 0 : i32
        %dma_wait3A_117 = tpu.memref_slice %arg8[%add3A_82, %dma_wait3A_116] : memref<157x128xi32, #tpu.memory_space<vmem>> -> memref<1x128xi32, #tpu.memory_space<vmem>>
        %dma_wait3A_118 = tpu.memref_squeeze %dma_wait3A_117 : memref<1x128xi32, #tpu.memory_space<vmem>> -> memref<128xi32, #tpu.memory_space<vmem>>
        %dma_wait3A_119 = arith.constant 0 : i32
        %dma_wait3A_120 = arith.constant 0 : i32
        %dma_wait3A_121 = tpu.memref_slice %arg11[%dma_wait3A_119, %dma_wait3A_120] : memref<40008x32xf32, #tpu.memory_space<vmem_shared>> -> memref<40008x32xf32, #tpu.memory_space<vmem_shared>>
        tpu.wait_indirect_dma semaphore(%run_scoped3A_109 : memref<!tpu.dma_semaphore, #tpu.memory_space<semaphore_mem>>) src(%arg10 : memref<128x32xf32, #tpu.memory_space<vmem>>) dst(%dma_wait3A_121 : memref<40008x32xf32, #tpu.memory_space<vmem_shared>>)
        tpu.yield
      }) : () -> ()
    }
    %scan3A_16 = arith.constant 78 : i32
    %dma_wait3A = arith.constant 156 : i32
    %dma_wait3A_17 = arith.constant 0 : i32
    %dma_wait3A_18 = tpu.memref_slice %arg7[%dma_wait3A, %dma_wait3A_17] : memref<157x128xi32, #tpu.memory_space<vmem>> -> memref<1x128xi32, #tpu.memory_space<vmem>>
    %dma_wait3A_19 = tpu.memref_squeeze %dma_wait3A_18 : memref<1x128xi32, #tpu.memory_space<vmem>> -> memref<128xi32, #tpu.memory_space<vmem>>
    %dma_wait3A_20 = arith.constant 0 : i32
    %dma_wait3A_21 = arith.constant 0 : i32
    %dma_wait3A_22 = tpu.memref_slice %arg2[%dma_wait3A_20, %dma_wait3A_21] : memref<40000x32xf32, #tpu.memory_space<hbm>> -> memref<40000x32xf32, #tpu.memory_space<hbm>>
    tpu.wait_indirect_dma semaphore(%arg12 : memref<!tpu.dma_semaphore, #tpu.memory_space<semaphore_mem>>) src(%dma_wait3A_22 : memref<40000x32xf32, #tpu.memory_space<hbm>>) dst(%arg9 : memref<128x32xf32, #tpu.memory_space<vmem>>)
    %run_scoped3A = arith.constant 156 : i32
    "tpu.region"() ({
      %run_scoped3A_78 = tpu.sem_alloc : memref<!tpu.dma_semaphore, #tpu.memory_space<semaphore_mem>>
      %dma_start3A_79 = arith.constant 0 : i32
      %dma_start3A_80 = tpu.memref_slice %arg8[%run_scoped3A, %dma_start3A_79] : memref<157x128xi32, #tpu.memory_space<vmem>> -> memref<1x128xi32, #tpu.memory_space<vmem>>
      %dma_start3A_81 = tpu.memref_squeeze %dma_start3A_80 : memref<1x128xi32, #tpu.memory_space<vmem>> -> memref<128xi32, #tpu.memory_space<vmem>>
      %dma_start3A_82 = arith.constant 0 : i32
      %dma_start3A_83 = arith.constant 0 : i32
      %dma_start3A_84 = tpu.memref_slice %arg11[%dma_start3A_82, %dma_start3A_83] : memref<40008x32xf32, #tpu.memory_space<vmem_shared>> -> memref<40008x32xf32, #tpu.memory_space<vmem_shared>>
      tpu.enqueue_indirect_dma source(%arg9 : memref<128x32xf32, #tpu.memory_space<vmem>>) target(%dma_start3A_84 : memref<40008x32xf32, #tpu.memory_space<vmem_shared>>) offsets(%dma_start3A_81 : memref<128xi32, #tpu.memory_space<vmem>>) semaphore(%run_scoped3A_78 : memref<!tpu.dma_semaphore, #tpu.memory_space<semaphore_mem>>) {add = true}
      %dma_wait3A_85 = arith.constant 0 : i32
      %dma_wait3A_86 = tpu.memref_slice %arg8[%run_scoped3A, %dma_wait3A_85] : memref<157x128xi32, #tpu.memory_space<vmem>> -> memref<1x128xi32, #tpu.memory_space<vmem>>
      %dma_wait3A_87 = tpu.memref_squeeze %dma_wait3A_86 : memref<1x128xi32, #tpu.memory_space<vmem>> -> memref<128xi32, #tpu.memory_space<vmem>>
      %dma_wait3A_88 = arith.constant 0 : i32
      %dma_wait3A_89 = arith.constant 0 : i32
      %dma_wait3A_90 = tpu.memref_slice %arg11[%dma_wait3A_88, %dma_wait3A_89] : memref<40008x32xf32, #tpu.memory_space<vmem_shared>> -> memref<40008x32xf32, #tpu.memory_space<vmem_shared>>
      tpu.wait_indirect_dma semaphore(%run_scoped3A_78 : memref<!tpu.dma_semaphore, #tpu.memory_space<semaphore_mem>>) src(%arg9 : memref<128x32xf32, #tpu.memory_space<vmem>>) dst(%dma_wait3A_90 : memref<40008x32xf32, #tpu.memory_space<vmem_shared>>)
      tpu.yield
    }) : () -> ()
    %barrier3A_23 = arith.constant 0 : index
    tpu.barrier barrier_id(%barrier3A_23)
    %mul3A_24 = arith.constant 2496 : i32
    %mul3A_25 = arith.muli %arg1, %mul3A_24 : i32
    %mul3A_26 = arith.constant 2496 : i32
    %mul3A_27 = arith.muli %arg1, %mul3A_26 : i32
    "tpu.region"() ({
      %run_scoped3A_78 = tpu.sem_alloc : memref<!tpu.dma_semaphore, #tpu.memory_space<semaphore_mem>>
      %dma_start3A_79 = arith.constant 0 : i32
      %dma_start3A_80 = tpu.memref_slice %arg6[%add3A_1, %mul3A_27, %dma_start3A_79] : memref<4x40000x32xf32, #tpu.memory_space<hbm>> -> memref<1x2496x32xf32, #tpu.memory_space<hbm>>
      %dma_start3A_81 = tpu.memref_squeeze %dma_start3A_80 : memref<1x2496x32xf32, #tpu.memory_space<hbm>> -> memref<2496x32xf32, #tpu.memory_space<hbm>>
      %dma_start3A_82 = arith.constant 0 : i32
      %dma_start3A_83 = tpu.memref_slice %arg11[%mul3A_25, %dma_start3A_82] : memref<40008x32xf32, #tpu.memory_space<vmem_shared>> -> memref<2496x32xf32, #tpu.memory_space<vmem_shared>>
      tpu.enqueue_dma source(%dma_start3A_83 : memref<2496x32xf32, #tpu.memory_space<vmem_shared>>) target(%dma_start3A_81 : memref<2496x32xf32, #tpu.memory_space<hbm>>) target_semaphore(%run_scoped3A_78 : memref<!tpu.dma_semaphore, #tpu.memory_space<semaphore_mem>>)
      %dma_wait3A_84 = arith.constant 0 : i32
      %dma_wait3A_85 = tpu.memref_slice %arg6[%add3A_1, %mul3A_27, %dma_wait3A_84] : memref<4x40000x32xf32, #tpu.memory_space<hbm>> -> memref<1x2496x32xf32, #tpu.memory_space<hbm>>
      %dma_wait3A_86 = tpu.memref_squeeze %dma_wait3A_85 : memref<1x2496x32xf32, #tpu.memory_space<hbm>> -> memref<2496x32xf32, #tpu.memory_space<hbm>>
      %dma_wait3A_87 = arith.constant 0 : i32
      %dma_wait3A_88 = tpu.memref_slice %arg11[%mul3A_25, %dma_wait3A_87] : memref<40008x32xf32, #tpu.memory_space<vmem_shared>> -> memref<2496x32xf32, #tpu.memory_space<vmem_shared>>
      tpu.wait_dma2 semaphore(%run_scoped3A_78 : memref<!tpu.dma_semaphore, #tpu.memory_space<semaphore_mem>>) src(%dma_wait3A_88 : memref<2496x32xf32, #tpu.memory_space<vmem_shared>>) dst(%dma_wait3A_86 : memref<2496x32xf32, #tpu.memory_space<hbm>>)
      tpu.yield
    }) : () -> ()
    %lt3A_28 = arith.constant 8 : i32
    %lt3A_29 = arith.cmpi slt, %arg1, %lt3A_28 : i32
    %convert_element_type3A_30 = arith.extui %lt3A_29 : i1 to i32
    %cond3A_31 = arith.constant 0 : i32
    %cond3A_32 = arith.cmpi ne, %convert_element_type3A_30, %cond3A_31 : i32
    scf.if %cond3A_32 {
      %mul3A_78 = arith.constant 8 : i32
      %mul3A_79 = arith.muli %arg1, %mul3A_78 : i32
      %add3A_80 = arith.constant 39936 : i32
      %add3A_81 = arith.addi %add3A_80, %mul3A_79 : i32
      %mul3A_82 = arith.constant 8 : i32
      %mul3A_83 = arith.muli %arg1, %mul3A_82 : i32
      %add3A_84 = arith.constant 39936 : i32
      %add3A_85 = arith.addi %add3A_84, %mul3A_83 : i32
      "tpu.region"() ({
        %run_scoped3A_86 = tpu.sem_alloc : memref<!tpu.dma_semaphore, #tpu.memory_space<semaphore_mem>>
        %dma_start3A_87 = arith.constant 0 : i32
        %dma_start3A_88 = tpu.memref_slice %arg6[%add3A_1, %add3A_85, %dma_start3A_87] : memref<4x40000x32xf32, #tpu.memory_space<hbm>> -> memref<1x8x32xf32, #tpu.memory_space<hbm>>
        %dma_start3A_89 = tpu.memref_squeeze %dma_start3A_88 : memref<1x8x32xf32, #tpu.memory_space<hbm>> -> memref<8x32xf32, #tpu.memory_space<hbm>>
        %dma_start3A_90 = arith.constant 0 : i32
        %dma_start3A_91 = tpu.memref_slice %arg11[%add3A_81, %dma_start3A_90] : memref<40008x32xf32, #tpu.memory_space<vmem_shared>> -> memref<8x32xf32, #tpu.memory_space<vmem_shared>>
        tpu.enqueue_dma source(%dma_start3A_91 : memref<8x32xf32, #tpu.memory_space<vmem_shared>>) target(%dma_start3A_89 : memref<8x32xf32, #tpu.memory_space<hbm>>) target_semaphore(%run_scoped3A_86 : memref<!tpu.dma_semaphore, #tpu.memory_space<semaphore_mem>>)
        %dma_wait3A_92 = arith.constant 0 : i32
        %dma_wait3A_93 = tpu.memref_slice %arg6[%add3A_1, %add3A_85, %dma_wait3A_92] : memref<4x40000x32xf32, #tpu.memory_space<hbm>> -> memref<1x8x32xf32, #tpu.memory_space<hbm>>
        %dma_wait3A_94 = tpu.memref_squeeze %dma_wait3A_93 : memref<1x8x32xf32, #tpu.memory_space<hbm>> -> memref<8x32xf32, #tpu.memory_space<hbm>>
        %dma_wait3A_95 = arith.constant 0 : i32
        %dma_wait3A_96 = tpu.memref_slice %arg11[%add3A_81, %dma_wait3A_95] : memref<40008x32xf32, #tpu.memory_space<vmem_shared>> -> memref<8x32xf32, #tpu.memory_space<vmem_shared>>
        tpu.wait_dma2 semaphore(%run_scoped3A_86 : memref<!tpu.dma_semaphore, #tpu.memory_space<semaphore_mem>>) src(%dma_wait3A_96 : memref<8x32xf32, #tpu.memory_space<vmem_shared>>) dst(%dma_wait3A_94 : memref<8x32xf32, #tpu.memory_space<hbm>>)
        tpu.yield
      }) : () -> ()
    } else {
    }
    %barrier3A_33 = arith.constant 0 : index
    tpu.barrier barrier_id(%barrier3A_33)
    %mul3A_34 = arith.constant 2 : i32
    %mul3A_35 = arith.muli %mul3A_34, %arg0 : i32
    %add3A_36 = arith.constant 1 : i32
    %add3A_37 = arith.addi %mul3A_35, %add3A_36 : i32
    "tpu.region"() ({
      %run_scoped3A_78 = tpu.sem_alloc : memref<!tpu.dma_semaphore, #tpu.memory_space<semaphore_mem>>
      %dma_start3A_79 = arith.constant 0 : i32
      %dma_start3A_80 = arith.constant 0 : i32
      %dma_start3A_81 = tpu.memref_slice %arg3[%add3A_37, %arg1, %dma_start3A_79, %dma_start3A_80] : memref<4x16x157x128xi32, #tpu.memory_space<hbm>> -> memref<1x1x157x128xi32, #tpu.memory_space<hbm>>
      %dma_start3A_82 = tpu.memref_squeeze %dma_start3A_81 : memref<1x1x157x128xi32, #tpu.memory_space<hbm>> -> memref<157x128xi32, #tpu.memory_space<hbm>>
      %dma_start3A_83 = arith.constant 0 : i32
      %dma_start3A_84 = arith.constant 0 : i32
      %dma_start3A_85 = tpu.memref_slice %arg3[%add3A_37, %arg1, %dma_start3A_83, %dma_start3A_84] : memref<4x16x157x128xi32, #tpu.memory_space<hbm>> -> memref<1x1x157x128xi32, #tpu.memory_space<hbm>>
      %dma_start3A_86 = tpu.memref_squeeze %dma_start3A_85 : memref<1x1x157x128xi32, #tpu.memory_space<hbm>> -> memref<157x128xi32, #tpu.memory_space<hbm>>
      tpu.enqueue_dma source(%dma_start3A_86 : memref<157x128xi32, #tpu.memory_space<hbm>>) target(%arg7 : memref<157x128xi32, #tpu.memory_space<vmem>>) target_semaphore(%run_scoped3A_78 : memref<!tpu.dma_semaphore, #tpu.memory_space<semaphore_mem>>)
      %dma_wait3A_87 = arith.constant 0 : i32
      %dma_wait3A_88 = arith.constant 0 : i32
      %dma_wait3A_89 = tpu.memref_slice %arg3[%add3A_37, %arg1, %dma_wait3A_87, %dma_wait3A_88] : memref<4x16x157x128xi32, #tpu.memory_space<hbm>> -> memref<1x1x157x128xi32, #tpu.memory_space<hbm>>
      %dma_wait3A_90 = tpu.memref_squeeze %dma_wait3A_89 : memref<1x1x157x128xi32, #tpu.memory_space<hbm>> -> memref<157x128xi32, #tpu.memory_space<hbm>>
      %dma_wait3A_91 = arith.constant 0 : i32
      %dma_wait3A_92 = arith.constant 0 : i32
      %dma_wait3A_93 = tpu.memref_slice %arg3[%add3A_37, %arg1, %dma_wait3A_91, %dma_wait3A_92] : memref<4x16x157x128xi32, #tpu.memory_space<hbm>> -> memref<1x1x157x128xi32, #tpu.memory_space<hbm>>
      %dma_wait3A_94 = tpu.memref_squeeze %dma_wait3A_93 : memref<1x1x157x128xi32, #tpu.memory_space<hbm>> -> memref<157x128xi32, #tpu.memory_space<hbm>>
      tpu.wait_dma2 semaphore(%run_scoped3A_78 : memref<!tpu.dma_semaphore, #tpu.memory_space<semaphore_mem>>) src(%dma_wait3A_94 : memref<157x128xi32, #tpu.memory_space<hbm>>) dst(%arg7 : memref<157x128xi32, #tpu.memory_space<vmem>>)
      tpu.yield
    }) : () -> ()
    %mul3A_38 = arith.constant 2496 : i32
    %mul3A_39 = arith.muli %arg1, %mul3A_38 : i32
    "tpu.region"() ({
      %run_scoped3A_78 = tpu.sem_alloc : memref<!tpu.dma_semaphore, #tpu.memory_space<semaphore_mem>>
      %dma_start3A_79 = arith.constant 0 : i32
      %dma_start3A_80 = tpu.memref_slice %arg11[%mul3A_39, %dma_start3A_79] : memref<40008x32xf32, #tpu.memory_space<vmem_shared>> -> memref<2496x32xf32, #tpu.memory_space<vmem_shared>>
      tpu.enqueue_dma source(%arg5 : memref<2496x32xf32, #tpu.memory_space<hbm>>) target(%dma_start3A_80 : memref<2496x32xf32, #tpu.memory_space<vmem_shared>>) target_semaphore(%run_scoped3A_78 : memref<!tpu.dma_semaphore, #tpu.memory_space<semaphore_mem>>)
      %dma_wait3A_81 = arith.constant 0 : i32
      %dma_wait3A_82 = tpu.memref_slice %arg11[%mul3A_39, %dma_wait3A_81] : memref<40008x32xf32, #tpu.memory_space<vmem_shared>> -> memref<2496x32xf32, #tpu.memory_space<vmem_shared>>
      tpu.wait_dma2 semaphore(%run_scoped3A_78 : memref<!tpu.dma_semaphore, #tpu.memory_space<semaphore_mem>>) src(%arg5 : memref<2496x32xf32, #tpu.memory_space<hbm>>) dst(%dma_wait3A_82 : memref<2496x32xf32, #tpu.memory_space<vmem_shared>>)
      tpu.yield
    }) : () -> ()
    %lt3A_40 = arith.constant 8 : i32
    %lt3A_41 = arith.cmpi slt, %arg1, %lt3A_40 : i32
    %convert_element_type3A_42 = arith.extui %lt3A_41 : i1 to i32
    %cond3A_43 = arith.constant 0 : i32
    %cond3A_44 = arith.cmpi ne, %convert_element_type3A_42, %cond3A_43 : i32
    scf.if %cond3A_44 {
      %mul3A_78 = arith.constant 8 : i32
      %mul3A_79 = arith.muli %arg1, %mul3A_78 : i32
      %add3A_80 = arith.constant 39936 : i32
      %add3A_81 = arith.addi %add3A_80, %mul3A_79 : i32
      "tpu.region"() ({
        %run_scoped3A_82 = tpu.sem_alloc : memref<!tpu.dma_semaphore, #tpu.memory_space<semaphore_mem>>
        %dma_start3A_83 = arith.constant 0 : i32
        %dma_start3A_84 = tpu.memref_slice %arg11[%add3A_81, %dma_start3A_83] : memref<40008x32xf32, #tpu.memory_space<vmem_shared>> -> memref<8x32xf32, #tpu.memory_space<vmem_shared>>
        %dma_start3A_85 = arith.constant 0 : i32
        %dma_start3A_86 = arith.constant 0 : i32
        %dma_start3A_87 = tpu.memref_slice %arg5[%dma_start3A_85, %dma_start3A_86] : memref<2496x32xf32, #tpu.memory_space<hbm>> -> memref<8x32xf32, #tpu.memory_space<hbm>>
        tpu.enqueue_dma source(%dma_start3A_87 : memref<8x32xf32, #tpu.memory_space<hbm>>) target(%dma_start3A_84 : memref<8x32xf32, #tpu.memory_space<vmem_shared>>) target_semaphore(%run_scoped3A_82 : memref<!tpu.dma_semaphore, #tpu.memory_space<semaphore_mem>>)
        %dma_wait3A_88 = arith.constant 0 : i32
        %dma_wait3A_89 = tpu.memref_slice %arg11[%add3A_81, %dma_wait3A_88] : memref<40008x32xf32, #tpu.memory_space<vmem_shared>> -> memref<8x32xf32, #tpu.memory_space<vmem_shared>>
        %dma_wait3A_90 = arith.constant 0 : i32
        %dma_wait3A_91 = arith.constant 0 : i32
        %dma_wait3A_92 = tpu.memref_slice %arg5[%dma_wait3A_90, %dma_wait3A_91] : memref<2496x32xf32, #tpu.memory_space<hbm>> -> memref<8x32xf32, #tpu.memory_space<hbm>>
        tpu.wait_dma2 semaphore(%run_scoped3A_82 : memref<!tpu.dma_semaphore, #tpu.memory_space<semaphore_mem>>) src(%dma_wait3A_92 : memref<8x32xf32, #tpu.memory_space<hbm>>) dst(%dma_wait3A_89 : memref<8x32xf32, #tpu.memory_space<vmem_shared>>)
        tpu.yield
      }) : () -> ()
    } else {
    }
    %barrier3A_45 = arith.constant 0 : index
    tpu.barrier barrier_id(%barrier3A_45)
    %dma_start3A_46 = arith.constant 0 : i32
    %dma_start3A_47 = arith.constant 0 : i32
    %dma_start3A_48 = tpu.memref_slice %arg7[%dma_start3A_46, %dma_start3A_47] : memref<157x128xi32, #tpu.memory_space<vmem>> -> memref<1x128xi32, #tpu.memory_space<vmem>>
    %dma_start3A_49 = tpu.memref_squeeze %dma_start3A_48 : memref<1x128xi32, #tpu.memory_space<vmem>> -> memref<128xi32, #tpu.memory_space<vmem>>
    %dma_start3A_50 = arith.constant 0 : i32
    %dma_start3A_51 = arith.constant 0 : i32
    %dma_start3A_52 = tpu.memref_slice %arg2[%dma_start3A_50, %dma_start3A_51] : memref<40000x32xf32, #tpu.memory_space<hbm>> -> memref<40000x32xf32, #tpu.memory_space<hbm>>
    tpu.enqueue_indirect_dma source(%dma_start3A_52 : memref<40000x32xf32, #tpu.memory_space<hbm>>) target(%arg9 : memref<128x32xf32, #tpu.memory_space<vmem>>) offsets(%dma_start3A_49 : memref<128xi32, #tpu.memory_space<vmem>>) semaphore(%arg12 : memref<!tpu.dma_semaphore, #tpu.memory_space<semaphore_mem>>)
    %scan3A_53 = arith.constant 0 : i32
    %scan3A_54 = arith.constant 0 : i32
    %scan3A_55 = arith.constant 78 : i32
    %scan3A_56 = arith.addi %scan3A_54, %scan3A_55 : i32
    %scan3A_57 = arith.constant 1 : i32
    scf.for %scan3A_78 = %scan3A_54 to %scan3A_56 step %scan3A_57  : i32 {
      %mul3A_79 = arith.constant 2 : i32
      %mul3A_80 = arith.muli %mul3A_79, %scan3A_78 : i32
      %add3A_81 = arith.constant 1 : i32
      %add3A_82 = arith.addi %mul3A_80, %add3A_81 : i32
      %dma_start3A_83 = arith.constant 0 : i32
      %dma_start3A_84 = tpu.memref_slice %arg7[%add3A_82, %dma_start3A_83] : memref<157x128xi32, #tpu.memory_space<vmem>> -> memref<1x128xi32, #tpu.memory_space<vmem>>
      %dma_start3A_85 = tpu.memref_squeeze %dma_start3A_84 : memref<1x128xi32, #tpu.memory_space<vmem>> -> memref<128xi32, #tpu.memory_space<vmem>>
      %dma_start3A_86 = arith.constant 0 : i32
      %dma_start3A_87 = arith.constant 0 : i32
      %dma_start3A_88 = tpu.memref_slice %arg2[%dma_start3A_86, %dma_start3A_87] : memref<40000x32xf32, #tpu.memory_space<hbm>> -> memref<40000x32xf32, #tpu.memory_space<hbm>>
      tpu.enqueue_indirect_dma source(%dma_start3A_88 : memref<40000x32xf32, #tpu.memory_space<hbm>>) target(%arg10 : memref<128x32xf32, #tpu.memory_space<vmem>>) offsets(%dma_start3A_85 : memref<128xi32, #tpu.memory_space<vmem>>) semaphore(%arg13 : memref<!tpu.dma_semaphore, #tpu.memory_space<semaphore_mem>>)
      %dma_wait3A_89 = arith.constant 0 : i32
      %dma_wait3A_90 = tpu.memref_slice %arg7[%mul3A_80, %dma_wait3A_89] : memref<157x128xi32, #tpu.memory_space<vmem>> -> memref<1x128xi32, #tpu.memory_space<vmem>>
      %dma_wait3A_91 = tpu.memref_squeeze %dma_wait3A_90 : memref<1x128xi32, #tpu.memory_space<vmem>> -> memref<128xi32, #tpu.memory_space<vmem>>
      %dma_wait3A_92 = arith.constant 0 : i32
      %dma_wait3A_93 = arith.constant 0 : i32
      %dma_wait3A_94 = tpu.memref_slice %arg2[%dma_wait3A_92, %dma_wait3A_93] : memref<40000x32xf32, #tpu.memory_space<hbm>> -> memref<40000x32xf32, #tpu.memory_space<hbm>>
      tpu.wait_indirect_dma semaphore(%arg12 : memref<!tpu.dma_semaphore, #tpu.memory_space<semaphore_mem>>) src(%dma_wait3A_94 : memref<40000x32xf32, #tpu.memory_space<hbm>>) dst(%arg9 : memref<128x32xf32, #tpu.memory_space<vmem>>)
      "tpu.region"() ({
        %run_scoped3A_109 = tpu.sem_alloc : memref<!tpu.dma_semaphore, #tpu.memory_space<semaphore_mem>>
        %dma_start3A_110 = arith.constant 0 : i32
        %dma_start3A_111 = tpu.memref_slice %arg8[%mul3A_80, %dma_start3A_110] : memref<157x128xi32, #tpu.memory_space<vmem>> -> memref<1x128xi32, #tpu.memory_space<vmem>>
        %dma_start3A_112 = tpu.memref_squeeze %dma_start3A_111 : memref<1x128xi32, #tpu.memory_space<vmem>> -> memref<128xi32, #tpu.memory_space<vmem>>
        %dma_start3A_113 = arith.constant 0 : i32
        %dma_start3A_114 = arith.constant 0 : i32
        %dma_start3A_115 = tpu.memref_slice %arg11[%dma_start3A_113, %dma_start3A_114] : memref<40008x32xf32, #tpu.memory_space<vmem_shared>> -> memref<40008x32xf32, #tpu.memory_space<vmem_shared>>
        tpu.enqueue_indirect_dma source(%arg9 : memref<128x32xf32, #tpu.memory_space<vmem>>) target(%dma_start3A_115 : memref<40008x32xf32, #tpu.memory_space<vmem_shared>>) offsets(%dma_start3A_112 : memref<128xi32, #tpu.memory_space<vmem>>) semaphore(%run_scoped3A_109 : memref<!tpu.dma_semaphore, #tpu.memory_space<semaphore_mem>>) {add = true}
        %dma_wait3A_116 = arith.constant 0 : i32
        %dma_wait3A_117 = tpu.memref_slice %arg8[%mul3A_80, %dma_wait3A_116] : memref<157x128xi32, #tpu.memory_space<vmem>> -> memref<1x128xi32, #tpu.memory_space<vmem>>
        %dma_wait3A_118 = tpu.memref_squeeze %dma_wait3A_117 : memref<1x128xi32, #tpu.memory_space<vmem>> -> memref<128xi32, #tpu.memory_space<vmem>>
        %dma_wait3A_119 = arith.constant 0 : i32
        %dma_wait3A_120 = arith.constant 0 : i32
        %dma_wait3A_121 = tpu.memref_slice %arg11[%dma_wait3A_119, %dma_wait3A_120] : memref<40008x32xf32, #tpu.memory_space<vmem_shared>> -> memref<40008x32xf32, #tpu.memory_space<vmem_shared>>
        tpu.wait_indirect_dma semaphore(%run_scoped3A_109 : memref<!tpu.dma_semaphore, #tpu.memory_space<semaphore_mem>>) src(%arg9 : memref<128x32xf32, #tpu.memory_space<vmem>>) dst(%dma_wait3A_121 : memref<40008x32xf32, #tpu.memory_space<vmem_shared>>)
        tpu.yield
      }) : () -> ()
      %add3A_95 = arith.constant 2 : i32
      %add3A_96 = arith.addi %mul3A_80, %add3A_95 : i32
      %dma_start3A_97 = arith.constant 0 : i32
      %dma_start3A_98 = tpu.memref_slice %arg7[%add3A_96, %dma_start3A_97] : memref<157x128xi32, #tpu.memory_space<vmem>> -> memref<1x128xi32, #tpu.memory_space<vmem>>
      %dma_start3A_99 = tpu.memref_squeeze %dma_start3A_98 : memref<1x128xi32, #tpu.memory_space<vmem>> -> memref<128xi32, #tpu.memory_space<vmem>>
      %dma_start3A_100 = arith.constant 0 : i32
      %dma_start3A_101 = arith.constant 0 : i32
      %dma_start3A_102 = tpu.memref_slice %arg2[%dma_start3A_100, %dma_start3A_101] : memref<40000x32xf32, #tpu.memory_space<hbm>> -> memref<40000x32xf32, #tpu.memory_space<hbm>>
      tpu.enqueue_indirect_dma source(%dma_start3A_102 : memref<40000x32xf32, #tpu.memory_space<hbm>>) target(%arg9 : memref<128x32xf32, #tpu.memory_space<vmem>>) offsets(%dma_start3A_99 : memref<128xi32, #tpu.memory_space<vmem>>) semaphore(%arg12 : memref<!tpu.dma_semaphore, #tpu.memory_space<semaphore_mem>>)
      %dma_wait3A_103 = arith.constant 0 : i32
      %dma_wait3A_104 = tpu.memref_slice %arg7[%add3A_82, %dma_wait3A_103] : memref<157x128xi32, #tpu.memory_space<vmem>> -> memref<1x128xi32, #tpu.memory_space<vmem>>
      %dma_wait3A_105 = tpu.memref_squeeze %dma_wait3A_104 : memref<1x128xi32, #tpu.memory_space<vmem>> -> memref<128xi32, #tpu.memory_space<vmem>>
      %dma_wait3A_106 = arith.constant 0 : i32
      %dma_wait3A_107 = arith.constant 0 : i32
      %dma_wait3A_108 = tpu.memref_slice %arg2[%dma_wait3A_106, %dma_wait3A_107] : memref<40000x32xf32, #tpu.memory_space<hbm>> -> memref<40000x32xf32, #tpu.memory_space<hbm>>
      tpu.wait_indirect_dma semaphore(%arg13 : memref<!tpu.dma_semaphore, #tpu.memory_space<semaphore_mem>>) src(%dma_wait3A_108 : memref<40000x32xf32, #tpu.memory_space<hbm>>) dst(%arg10 : memref<128x32xf32, #tpu.memory_space<vmem>>)
      "tpu.region"() ({
        %run_scoped3A_109 = tpu.sem_alloc : memref<!tpu.dma_semaphore, #tpu.memory_space<semaphore_mem>>
        %dma_start3A_110 = arith.constant 0 : i32
        %dma_start3A_111 = tpu.memref_slice %arg8[%add3A_82, %dma_start3A_110] : memref<157x128xi32, #tpu.memory_space<vmem>> -> memref<1x128xi32, #tpu.memory_space<vmem>>
        %dma_start3A_112 = tpu.memref_squeeze %dma_start3A_111 : memref<1x128xi32, #tpu.memory_space<vmem>> -> memref<128xi32, #tpu.memory_space<vmem>>
        %dma_start3A_113 = arith.constant 0 : i32
        %dma_start3A_114 = arith.constant 0 : i32
        %dma_start3A_115 = tpu.memref_slice %arg11[%dma_start3A_113, %dma_start3A_114] : memref<40008x32xf32, #tpu.memory_space<vmem_shared>> -> memref<40008x32xf32, #tpu.memory_space<vmem_shared>>
        tpu.enqueue_indirect_dma source(%arg10 : memref<128x32xf32, #tpu.memory_space<vmem>>) target(%dma_start3A_115 : memref<40008x32xf32, #tpu.memory_space<vmem_shared>>) offsets(%dma_start3A_112 : memref<128xi32, #tpu.memory_space<vmem>>) semaphore(%run_scoped3A_109 : memref<!tpu.dma_semaphore, #tpu.memory_space<semaphore_mem>>) {add = true}
        %dma_wait3A_116 = arith.constant 0 : i32
        %dma_wait3A_117 = tpu.memref_slice %arg8[%add3A_82, %dma_wait3A_116] : memref<157x128xi32, #tpu.memory_space<vmem>> -> memref<1x128xi32, #tpu.memory_space<vmem>>
        %dma_wait3A_118 = tpu.memref_squeeze %dma_wait3A_117 : memref<1x128xi32, #tpu.memory_space<vmem>> -> memref<128xi32, #tpu.memory_space<vmem>>
        %dma_wait3A_119 = arith.constant 0 : i32
        %dma_wait3A_120 = arith.constant 0 : i32
        %dma_wait3A_121 = tpu.memref_slice %arg11[%dma_wait3A_119, %dma_wait3A_120] : memref<40008x32xf32, #tpu.memory_space<vmem_shared>> -> memref<40008x32xf32, #tpu.memory_space<vmem_shared>>
        tpu.wait_indirect_dma semaphore(%run_scoped3A_109 : memref<!tpu.dma_semaphore, #tpu.memory_space<semaphore_mem>>) src(%arg10 : memref<128x32xf32, #tpu.memory_space<vmem>>) dst(%dma_wait3A_121 : memref<40008x32xf32, #tpu.memory_space<vmem_shared>>)
        tpu.yield
      }) : () -> ()
    }
    %scan3A_58 = arith.constant 78 : i32
    %dma_wait3A_59 = arith.constant 156 : i32
    %dma_wait3A_60 = arith.constant 0 : i32
    %dma_wait3A_61 = tpu.memref_slice %arg7[%dma_wait3A_59, %dma_wait3A_60] : memref<157x128xi32, #tpu.memory_space<vmem>> -> memref<1x128xi32, #tpu.memory_space<vmem>>
    %dma_wait3A_62 = tpu.memref_squeeze %dma_wait3A_61 : memref<1x128xi32, #tpu.memory_space<vmem>> -> memref<128xi32, #tpu.memory_space<vmem>>
    %dma_wait3A_63 = arith.constant 0 : i32
    %dma_wait3A_64 = arith.constant 0 : i32
    %dma_wait3A_65 = tpu.memref_slice %arg2[%dma_wait3A_63, %dma_wait3A_64] : memref<40000x32xf32, #tpu.memory_space<hbm>> -> memref<40000x32xf32, #tpu.memory_space<hbm>>
    tpu.wait_indirect_dma semaphore(%arg12 : memref<!tpu.dma_semaphore, #tpu.memory_space<semaphore_mem>>) src(%dma_wait3A_65 : memref<40000x32xf32, #tpu.memory_space<hbm>>) dst(%arg9 : memref<128x32xf32, #tpu.memory_space<vmem>>)
    %run_scoped3A_66 = arith.constant 156 : i32
    "tpu.region"() ({
      %run_scoped3A_78 = tpu.sem_alloc : memref<!tpu.dma_semaphore, #tpu.memory_space<semaphore_mem>>
      %dma_start3A_79 = arith.constant 0 : i32
      %dma_start3A_80 = tpu.memref_slice %arg8[%run_scoped3A_66, %dma_start3A_79] : memref<157x128xi32, #tpu.memory_space<vmem>> -> memref<1x128xi32, #tpu.memory_space<vmem>>
      %dma_start3A_81 = tpu.memref_squeeze %dma_start3A_80 : memref<1x128xi32, #tpu.memory_space<vmem>> -> memref<128xi32, #tpu.memory_space<vmem>>
      %dma_start3A_82 = arith.constant 0 : i32
      %dma_start3A_83 = arith.constant 0 : i32
      %dma_start3A_84 = tpu.memref_slice %arg11[%dma_start3A_82, %dma_start3A_83] : memref<40008x32xf32, #tpu.memory_space<vmem_shared>> -> memref<40008x32xf32, #tpu.memory_space<vmem_shared>>
      tpu.enqueue_indirect_dma source(%arg9 : memref<128x32xf32, #tpu.memory_space<vmem>>) target(%dma_start3A_84 : memref<40008x32xf32, #tpu.memory_space<vmem_shared>>) offsets(%dma_start3A_81 : memref<128xi32, #tpu.memory_space<vmem>>) semaphore(%run_scoped3A_78 : memref<!tpu.dma_semaphore, #tpu.memory_space<semaphore_mem>>) {add = true}
      %dma_wait3A_85 = arith.constant 0 : i32
      %dma_wait3A_86 = tpu.memref_slice %arg8[%run_scoped3A_66, %dma_wait3A_85] : memref<157x128xi32, #tpu.memory_space<vmem>> -> memref<1x128xi32, #tpu.memory_space<vmem>>
      %dma_wait3A_87 = tpu.memref_squeeze %dma_wait3A_86 : memref<1x128xi32, #tpu.memory_space<vmem>> -> memref<128xi32, #tpu.memory_space<vmem>>
      %dma_wait3A_88 = arith.constant 0 : i32
      %dma_wait3A_89 = arith.constant 0 : i32
      %dma_wait3A_90 = tpu.memref_slice %arg11[%dma_wait3A_88, %dma_wait3A_89] : memref<40008x32xf32, #tpu.memory_space<vmem_shared>> -> memref<40008x32xf32, #tpu.memory_space<vmem_shared>>
      tpu.wait_indirect_dma semaphore(%run_scoped3A_78 : memref<!tpu.dma_semaphore, #tpu.memory_space<semaphore_mem>>) src(%arg9 : memref<128x32xf32, #tpu.memory_space<vmem>>) dst(%dma_wait3A_90 : memref<40008x32xf32, #tpu.memory_space<vmem_shared>>)
      tpu.yield
    }) : () -> ()
    %barrier3A_67 = arith.constant 0 : index
    tpu.barrier barrier_id(%barrier3A_67)
    %mul3A_68 = arith.constant 2496 : i32
    %mul3A_69 = arith.muli %arg1, %mul3A_68 : i32
    %mul3A_70 = arith.constant 2496 : i32
    %mul3A_71 = arith.muli %arg1, %mul3A_70 : i32
    "tpu.region"() ({
      %run_scoped3A_78 = tpu.sem_alloc : memref<!tpu.dma_semaphore, #tpu.memory_space<semaphore_mem>>
      %dma_start3A_79 = arith.constant 0 : i32
      %dma_start3A_80 = tpu.memref_slice %arg6[%add3A_37, %mul3A_71, %dma_start3A_79] : memref<4x40000x32xf32, #tpu.memory_space<hbm>> -> memref<1x2496x32xf32, #tpu.memory_space<hbm>>
      %dma_start3A_81 = tpu.memref_squeeze %dma_start3A_80 : memref<1x2496x32xf32, #tpu.memory_space<hbm>> -> memref<2496x32xf32, #tpu.memory_space<hbm>>
      %dma_start3A_82 = arith.constant 0 : i32
      %dma_start3A_83 = tpu.memref_slice %arg11[%mul3A_69, %dma_start3A_82] : memref<40008x32xf32, #tpu.memory_space<vmem_shared>> -> memref<2496x32xf32, #tpu.memory_space<vmem_shared>>
      tpu.enqueue_dma source(%dma_start3A_83 : memref<2496x32xf32, #tpu.memory_space<vmem_shared>>) target(%dma_start3A_81 : memref<2496x32xf32, #tpu.memory_space<hbm>>) target_semaphore(%run_scoped3A_78 : memref<!tpu.dma_semaphore, #tpu.memory_space<semaphore_mem>>)
      %dma_wait3A_84 = arith.constant 0 : i32
      %dma_wait3A_85 = tpu.memref_slice %arg6[%add3A_37, %mul3A_71, %dma_wait3A_84] : memref<4x40000x32xf32, #tpu.memory_space<hbm>> -> memref<1x2496x32xf32, #tpu.memory_space<hbm>>
      %dma_wait3A_86 = tpu.memref_squeeze %dma_wait3A_85 : memref<1x2496x32xf32, #tpu.memory_space<hbm>> -> memref<2496x32xf32, #tpu.memory_space<hbm>>
      %dma_wait3A_87 = arith.constant 0 : i32
      %dma_wait3A_88 = tpu.memref_slice %arg11[%mul3A_69, %dma_wait3A_87] : memref<40008x32xf32, #tpu.memory_space<vmem_shared>> -> memref<2496x32xf32, #tpu.memory_space<vmem_shared>>
      tpu.wait_dma2 semaphore(%run_scoped3A_78 : memref<!tpu.dma_semaphore, #tpu.memory_space<semaphore_mem>>) src(%dma_wait3A_88 : memref<2496x32xf32, #tpu.memory_space<vmem_shared>>) dst(%dma_wait3A_86 : memref<2496x32xf32, #tpu.memory_space<hbm>>)
      tpu.yield
    }) : () -> ()
    %lt3A_72 = arith.constant 8 : i32
    %lt3A_73 = arith.cmpi slt, %arg1, %lt3A_72 : i32
    %convert_element_type3A_74 = arith.extui %lt3A_73 : i1 to i32
    %cond3A_75 = arith.constant 0 : i32
    %cond3A_76 = arith.cmpi ne, %convert_element_type3A_74, %cond3A_75 : i32
    scf.if %cond3A_76 {
      %mul3A_78 = arith.constant 8 : i32
      %mul3A_79 = arith.muli %arg1, %mul3A_78 : i32
      %add3A_80 = arith.constant 39936 : i32
      %add3A_81 = arith.addi %add3A_80, %mul3A_79 : i32
      %mul3A_82 = arith.constant 8 : i32
      %mul3A_83 = arith.muli %arg1, %mul3A_82 : i32
      %add3A_84 = arith.constant 39936 : i32
      %add3A_85 = arith.addi %add3A_84, %mul3A_83 : i32
      "tpu.region"() ({
        %run_scoped3A_86 = tpu.sem_alloc : memref<!tpu.dma_semaphore, #tpu.memory_space<semaphore_mem>>
        %dma_start3A_87 = arith.constant 0 : i32
        %dma_start3A_88 = tpu.memref_slice %arg6[%add3A_37, %add3A_85, %dma_start3A_87] : memref<4x40000x32xf32, #tpu.memory_space<hbm>> -> memref<1x8x32xf32, #tpu.memory_space<hbm>>
        %dma_start3A_89 = tpu.memref_squeeze %dma_start3A_88 : memref<1x8x32xf32, #tpu.memory_space<hbm>> -> memref<8x32xf32, #tpu.memory_space<hbm>>
        %dma_start3A_90 = arith.constant 0 : i32
        %dma_start3A_91 = tpu.memref_slice %arg11[%add3A_81, %dma_start3A_90] : memref<40008x32xf32, #tpu.memory_space<vmem_shared>> -> memref<8x32xf32, #tpu.memory_space<vmem_shared>>
        tpu.enqueue_dma source(%dma_start3A_91 : memref<8x32xf32, #tpu.memory_space<vmem_shared>>) target(%dma_start3A_89 : memref<8x32xf32, #tpu.memory_space<hbm>>) target_semaphore(%run_scoped3A_86 : memref<!tpu.dma_semaphore, #tpu.memory_space<semaphore_mem>>)
        %dma_wait3A_92 = arith.constant 0 : i32
        %dma_wait3A_93 = tpu.memref_slice %arg6[%add3A_37, %add3A_85, %dma_wait3A_92] : memref<4x40000x32xf32, #tpu.memory_space<hbm>> -> memref<1x8x32xf32, #tpu.memory_space<hbm>>
        %dma_wait3A_94 = tpu.memref_squeeze %dma_wait3A_93 : memref<1x8x32xf32, #tpu.memory_space<hbm>> -> memref<8x32xf32, #tpu.memory_space<hbm>>
        %dma_wait3A_95 = arith.constant 0 : i32
        %dma_wait3A_96 = tpu.memref_slice %arg11[%add3A_81, %dma_wait3A_95] : memref<40008x32xf32, #tpu.memory_space<vmem_shared>> -> memref<8x32xf32, #tpu.memory_space<vmem_shared>>
        tpu.wait_dma2 semaphore(%run_scoped3A_86 : memref<!tpu.dma_semaphore, #tpu.memory_space<semaphore_mem>>) src(%dma_wait3A_96 : memref<8x32xf32, #tpu.memory_space<vmem_shared>>) dst(%dma_wait3A_94 : memref<8x32xf32, #tpu.memory_space<hbm>>)
        tpu.yield
      }) : () -> ()
    } else {
    }
    %barrier3A_77 = arith.constant 0 : index
    tpu.barrier barrier_id(%barrier3A_77)
    return
  }
}

#map = affine_map<(d0, d1) -> (0, 0)>
#map1 = affine_map<(d0, d1) -> (0, 0, 0, 0)>
#map2 = affine_map<(d0, d1) -> (0, 0, 0)>
module attributes {stable_mosaic.version = 14 : i64} {
  func.func @body(%arg0: i32, %arg1: i32, %arg2: memref<40000x32xf32, #tpu.memory_space<hbm>>, %arg3: memref<4x16x157x128xi32, #tpu.memory_space<hbm>>, %arg4: memref<16x157x128xi32, #tpu.memory_space<hbm>>, %arg5: memref<2496x32xf32, #tpu.memory_space<hbm>>, %arg6: memref<4x40000x32xf32, #tpu.memory_space<hbm>>, %arg7: memref<157x128xi32, #tpu.memory_space<vmem>>, %arg8: memref<157x128xi32, #tpu.memory_space<vmem>>, %arg9: memref<128x32xf32, #tpu.memory_space<vmem>>, %arg10: memref<128x32xf32, #tpu.memory_space<vmem>>, %arg11: memref<40008x32xf32, #tpu.memory_space<vmem_shared>>, %arg12: memref<!tpu.dma_semaphore, #tpu.memory_space<semaphore_mem>>, %arg13: memref<!tpu.dma_semaphore, #tpu.memory_space<semaphore_mem>>) attributes {dimension_semantics = [#tpu.dimension_semantics<core_parallel>, #tpu.dimension_semantics<subcore_parallel>], iteration_bounds = array<i64: 2, 16>, scalar_prefetch = 0 : i64, scratch_operands = 7 : i64, tpu.core_type = #tpu.core_type<sc_vector_subcore>, window_params = [{transform_indices = #map}, {transform_indices = #map1}, {transform_indices = #map2}, {transform_indices = #map}, {transform_indices = #map2}]} {
    "tpu.region"() ({
      %run_scoped3A_78 = tpu.sem_alloc : memref<!tpu.dma_semaphore, #tpu.memory_space<semaphore_mem>>
      %dma_start3A_79 = arith.constant 0 : i32
      %dma_start3A_80 = arith.constant 0 : i32
      %dma_start3A_81 = tpu.memref_slice %arg4[%arg1, %dma_start3A_79, %dma_start3A_80] : memref<16x157x128xi32, #tpu.memory_space<hbm>> -> memref<1x157x128xi32, #tpu.memory_space<hbm>>
      %dma_start3A_82 = tpu.memref_squeeze %dma_start3A_81 : memref<1x157x128xi32, #tpu.memory_space<hbm>> -> memref<157x128xi32, #tpu.memory_space<hbm>>
      %dma_start3A_83 = arith.constant 0 : i32
      %dma_start3A_84 = arith.constant 0 : i32
      %dma_start3A_85 = tpu.memref_slice %arg4[%arg1, %dma_start3A_83, %dma_start3A_84] : memref<16x157x128xi32, #tpu.memory_space<hbm>> -> memref<1x157x128xi32, #tpu.memory_space<hbm>>
      %dma_start3A_86 = tpu.memref_squeeze %dma_start3A_85 : memref<1x157x128xi32, #tpu.memory_space<hbm>> -> memref<157x128xi32, #tpu.memory_space<hbm>>
      tpu.enqueue_dma source(%dma_start3A_86 : memref<157x128xi32, #tpu.memory_space<hbm>>) target(%arg8 : memref<157x128xi32, #tpu.memory_space<vmem>>) target_semaphore(%run_scoped3A_78 : memref<!tpu.dma_semaphore, #tpu.memory_space<semaphore_mem>>)
      %dma_wait3A_87 = arith.constant 0 : i32
      %dma_wait3A_88 = arith.constant 0 : i32
      %dma_wait3A_89 = tpu.memref_slice %arg4[%arg1, %dma_wait3A_87, %dma_wait3A_88] : memref<16x157x128xi32, #tpu.memory_space<hbm>> -> memref<1x157x128xi32, #tpu.memory_space<hbm>>
      %dma_wait3A_90 = tpu.memref_squeeze %dma_wait3A_89 : memref<1x157x128xi32, #tpu.memory_space<hbm>> -> memref<157x128xi32, #tpu.memory_space<hbm>>
      %dma_wait3A_91 = arith.constant 0 : i32
      %dma_wait3A_92 = arith.constant 0 : i32
      %dma_wait3A_93 = tpu.memref_slice %arg4[%arg1, %dma_wait3A_91, %dma_wait3A_92] : memref<16x157x128xi32, #tpu.memory_space<hbm>> -> memref<1x157x128xi32, #tpu.memory_space<hbm>>
      %dma_wait3A_94 = tpu.memref_squeeze %dma_wait3A_93 : memref<1x157x128xi32, #tpu.memory_space<hbm>> -> memref<157x128xi32, #tpu.memory_space<hbm>>
      tpu.wait_dma2 semaphore(%run_scoped3A_78 : memref<!tpu.dma_semaphore, #tpu.memory_space<semaphore_mem>>) src(%dma_wait3A_94 : memref<157x128xi32, #tpu.memory_space<hbm>>) dst(%arg8 : memref<157x128xi32, #tpu.memory_space<vmem>>)
      tpu.yield
    }) : () -> ()
    %mul3A = arith.constant 2 : i32
    %mul3A_0 = arith.muli %mul3A, %arg0 : i32
    %add3A = arith.constant 0 : i32
    %add3A_1 = arith.addi %mul3A_0, %add3A : i32
    "tpu.region"() ({
      %run_scoped3A_78 = tpu.sem_alloc : memref<!tpu.dma_semaphore, #tpu.memory_space<semaphore_mem>>
      %dma_start3A_79 = arith.constant 0 : i32
      %dma_start3A_80 = arith.constant 0 : i32
      %dma_start3A_81 = tpu.memref_slice %arg3[%add3A_1, %arg1, %dma_start3A_79, %dma_start3A_80] : memref<4x16x157x128xi32, #tpu.memory_space<hbm>> -> memref<1x1x157x128xi32, #tpu.memory_space<hbm>>
      %dma_start3A_82 = tpu.memref_squeeze %dma_start3A_81 : memref<1x1x157x128xi32, #tpu.memory_space<hbm>> -> memref<157x128xi32, #tpu.memory_space<hbm>>
      %dma_start3A_83 = arith.constant 0 : i32
      %dma_start3A_84 = arith.constant 0 : i32
      %dma_start3A_85 = tpu.memref_slice %arg3[%add3A_1, %arg1, %dma_start3A_83, %dma_start3A_84] : memref<4x16x157x128xi32, #tpu.memory_space<hbm>> -> memref<1x1x157x128xi32, #tpu.memory_space<hbm>>
      %dma_start3A_86 = tpu.memref_squeeze %dma_start3A_85 : memref<1x1x157x128xi32, #tpu.memory_space<hbm>> -> memref<157x128xi32, #tpu.memory_space<hbm>>
      tpu.enqueue_dma source(%dma_start3A_86 : memref<157x128xi32, #tpu.memory_space<hbm>>) target(%arg7 : memref<157x128xi32, #tpu.memory_space<vmem>>) target_semaphore(%run_scoped3A_78 : memref<!tpu.dma_semaphore, #tpu.memory_space<semaphore_mem>>)
      %dma_wait3A_87 = arith.constant 0 : i32
      %dma_wait3A_88 = arith.constant 0 : i32
      %dma_wait3A_89 = tpu.memref_slice %arg3[%add3A_1, %arg1, %dma_wait3A_87, %dma_wait3A_88] : memref<4x16x157x128xi32, #tpu.memory_space<hbm>> -> memref<1x1x157x128xi32, #tpu.memory_space<hbm>>
      %dma_wait3A_90 = tpu.memref_squeeze %dma_wait3A_89 : memref<1x1x157x128xi32, #tpu.memory_space<hbm>> -> memref<157x128xi32, #tpu.memory_space<hbm>>
      %dma_wait3A_91 = arith.constant 0 : i32
      %dma_wait3A_92 = arith.constant 0 : i32
      %dma_wait3A_93 = tpu.memref_slice %arg3[%add3A_1, %arg1, %dma_wait3A_91, %dma_wait3A_92] : memref<4x16x157x128xi32, #tpu.memory_space<hbm>> -> memref<1x1x157x128xi32, #tpu.memory_space<hbm>>
      %dma_wait3A_94 = tpu.memref_squeeze %dma_wait3A_93 : memref<1x1x157x128xi32, #tpu.memory_space<hbm>> -> memref<157x128xi32, #tpu.memory_space<hbm>>
      tpu.wait_dma2 semaphore(%run_scoped3A_78 : memref<!tpu.dma_semaphore, #tpu.memory_space<semaphore_mem>>) src(%dma_wait3A_94 : memref<157x128xi32, #tpu.memory_space<hbm>>) dst(%arg7 : memref<157x128xi32, #tpu.memory_space<vmem>>)
      tpu.yield
    }) : () -> ()
    %mul3A_2 = arith.constant 2496 : i32
    %mul3A_3 = arith.muli %arg1, %mul3A_2 : i32
    "tpu.region"() ({
      %run_scoped3A_78 = tpu.sem_alloc : memref<!tpu.dma_semaphore, #tpu.memory_space<semaphore_mem>>
      %dma_start3A_79 = arith.constant 0 : i32
      %dma_start3A_80 = tpu.memref_slice %arg11[%mul3A_3, %dma_start3A_79] : memref<40008x32xf32, #tpu.memory_space<vmem_shared>> -> memref<2496x32xf32, #tpu.memory_space<vmem_shared>>
      tpu.enqueue_dma source(%arg5 : memref<2496x32xf32, #tpu.memory_space<hbm>>) target(%dma_start3A_80 : memref<2496x32xf32, #tpu.memory_space<vmem_shared>>) target_semaphore(%run_scoped3A_78 : memref<!tpu.dma_semaphore, #tpu.memory_space<semaphore_mem>>)
      %dma_wait3A_81 = arith.constant 0 : i32
      %dma_wait3A_82 = tpu.memref_slice %arg11[%mul3A_3, %dma_wait3A_81] : memref<40008x32xf32, #tpu.memory_space<vmem_shared>> -> memref<2496x32xf32, #tpu.memory_space<vmem_shared>>
      tpu.wait_dma2 semaphore(%run_scoped3A_78 : memref<!tpu.dma_semaphore, #tpu.memory_space<semaphore_mem>>) src(%arg5 : memref<2496x32xf32, #tpu.memory_space<hbm>>) dst(%dma_wait3A_82 : memref<2496x32xf32, #tpu.memory_space<vmem_shared>>)
      tpu.yield
    }) : () -> ()
    %lt3A = arith.constant 8 : i32
    %lt3A_4 = arith.cmpi slt, %arg1, %lt3A : i32
    %convert_element_type3A = arith.extui %lt3A_4 : i1 to i32
    %cond3A = arith.constant 0 : i32
    %cond3A_5 = arith.cmpi ne, %convert_element_type3A, %cond3A : i32
    scf.if %cond3A_5 {
      %mul3A_78 = arith.constant 8 : i32
      %mul3A_79 = arith.muli %arg1, %mul3A_78 : i32
      %add3A_80 = arith.constant 39936 : i32
      %add3A_81 = arith.addi %add3A_80, %mul3A_79 : i32
      "tpu.region"() ({
        %run_scoped3A_82 = tpu.sem_alloc : memref<!tpu.dma_semaphore, #tpu.memory_space<semaphore_mem>>
        %dma_start3A_83 = arith.constant 0 : i32
        %dma_start3A_84 = tpu.memref_slice %arg11[%add3A_81, %dma_start3A_83] : memref<40008x32xf32, #tpu.memory_space<vmem_shared>> -> memref<8x32xf32, #tpu.memory_space<vmem_shared>>
        %dma_start3A_85 = arith.constant 0 : i32
        %dma_start3A_86 = arith.constant 0 : i32
        %dma_start3A_87 = tpu.memref_slice %arg5[%dma_start3A_85, %dma_start3A_86] : memref<2496x32xf32, #tpu.memory_space<hbm>> -> memref<8x32xf32, #tpu.memory_space<hbm>>
        tpu.enqueue_dma source(%dma_start3A_87 : memref<8x32xf32, #tpu.memory_space<hbm>>) target(%dma_start3A_84 : memref<8x32xf32, #tpu.memory_space<vmem_shared>>) target_semaphore(%run_scoped3A_82 : memref<!tpu.dma_semaphore, #tpu.memory_space<semaphore_mem>>)
        %dma_wait3A_88 = arith.constant 0 : i32
        %dma_wait3A_89 = tpu.memref_slice %arg11[%add3A_81, %dma_wait3A_88] : memref<40008x32xf32, #tpu.memory_space<vmem_shared>> -> memref<8x32xf32, #tpu.memory_space<vmem_shared>>
        %dma_wait3A_90 = arith.constant 0 : i32
        %dma_wait3A_91 = arith.constant 0 : i32
        %dma_wait3A_92 = tpu.memref_slice %arg5[%dma_wait3A_90, %dma_wait3A_91] : memref<2496x32xf32, #tpu.memory_space<hbm>> -> memref<8x32xf32, #tpu.memory_space<hbm>>
        tpu.wait_dma2 semaphore(%run_scoped3A_82 : memref<!tpu.dma_semaphore, #tpu.memory_space<semaphore_mem>>) src(%dma_wait3A_92 : memref<8x32xf32, #tpu.memory_space<hbm>>) dst(%dma_wait3A_89 : memref<8x32xf32, #tpu.memory_space<vmem_shared>>)
        tpu.yield
      }) : () -> ()
    } else {
    }
    %barrier3A = arith.constant 0 : index
    tpu.barrier barrier_id(%barrier3A)
    %dma_start3A = arith.constant 0 : i32
    %dma_start3A_6 = arith.constant 0 : i32
    %dma_start3A_7 = tpu.memref_slice %arg7[%dma_start3A, %dma_start3A_6] : memref<157x128xi32, #tpu.memory_space<vmem>> -> memref<1x128xi32, #tpu.memory_space<vmem>>
    %dma_start3A_8 = tpu.memref_squeeze %dma_start3A_7 : memref<1x128xi32, #tpu.memory_space<vmem>> -> memref<128xi32, #tpu.memory_space<vmem>>
    %dma_start3A_9 = arith.constant 0 : i32
    %dma_start3A_10 = arith.constant 0 : i32
    %dma_start3A_11 = tpu.memref_slice %arg2[%dma_start3A_9, %dma_start3A_10] : memref<40000x32xf32, #tpu.memory_space<hbm>> -> memref<40000x32xf32, #tpu.memory_space<hbm>>
    tpu.enqueue_indirect_dma source(%dma_start3A_11 : memref<40000x32xf32, #tpu.memory_space<hbm>>) target(%arg9 : memref<128x32xf32, #tpu.memory_space<vmem>>) offsets(%dma_start3A_8 : memref<128xi32, #tpu.memory_space<vmem>>) semaphore(%arg12 : memref<!tpu.dma_semaphore, #tpu.memory_space<semaphore_mem>>)
    %scan3A = arith.constant 0 : i32
    %scan3A_12 = arith.constant 0 : i32
    %scan3A_13 = arith.constant 78 : i32
    %scan3A_14 = arith.addi %scan3A_12, %scan3A_13 : i32
    %scan3A_15 = arith.constant 1 : i32
    scf.for %scan3A_78 = %scan3A_12 to %scan3A_14 step %scan3A_15  : i32 {
      %mul3A_79 = arith.constant 2 : i32
      %mul3A_80 = arith.muli %mul3A_79, %scan3A_78 : i32
      %add3A_81 = arith.constant 1 : i32
      %add3A_82 = arith.addi %mul3A_80, %add3A_81 : i32
      %dma_start3A_83 = arith.constant 0 : i32
      %dma_start3A_84 = tpu.memref_slice %arg7[%add3A_82, %dma_start3A_83] : memref<157x128xi32, #tpu.memory_space<vmem>> -> memref<1x128xi32, #tpu.memory_space<vmem>>
      %dma_start3A_85 = tpu.memref_squeeze %dma_start3A_84 : memref<1x128xi32, #tpu.memory_space<vmem>> -> memref<128xi32, #tpu.memory_space<vmem>>
      %dma_start3A_86 = arith.constant 0 : i32
      %dma_start3A_87 = arith.constant 0 : i32
      %dma_start3A_88 = tpu.memref_slice %arg2[%dma_start3A_86, %dma_start3A_87] : memref<40000x32xf32, #tpu.memory_space<hbm>> -> memref<40000x32xf32, #tpu.memory_space<hbm>>
      tpu.enqueue_indirect_dma source(%dma_start3A_88 : memref<40000x32xf32, #tpu.memory_space<hbm>>) target(%arg10 : memref<128x32xf32, #tpu.memory_space<vmem>>) offsets(%dma_start3A_85 : memref<128xi32, #tpu.memory_space<vmem>>) semaphore(%arg13 : memref<!tpu.dma_semaphore, #tpu.memory_space<semaphore_mem>>)
      %dma_wait3A_89 = arith.constant 0 : i32
      %dma_wait3A_90 = tpu.memref_slice %arg7[%mul3A_80, %dma_wait3A_89] : memref<157x128xi32, #tpu.memory_space<vmem>> -> memref<1x128xi32, #tpu.memory_space<vmem>>
      %dma_wait3A_91 = tpu.memref_squeeze %dma_wait3A_90 : memref<1x128xi32, #tpu.memory_space<vmem>> -> memref<128xi32, #tpu.memory_space<vmem>>
      %dma_wait3A_92 = arith.constant 0 : i32
      %dma_wait3A_93 = arith.constant 0 : i32
      %dma_wait3A_94 = tpu.memref_slice %arg2[%dma_wait3A_92, %dma_wait3A_93] : memref<40000x32xf32, #tpu.memory_space<hbm>> -> memref<40000x32xf32, #tpu.memory_space<hbm>>
      tpu.wait_indirect_dma semaphore(%arg12 : memref<!tpu.dma_semaphore, #tpu.memory_space<semaphore_mem>>) src(%dma_wait3A_94 : memref<40000x32xf32, #tpu.memory_space<hbm>>) dst(%arg9 : memref<128x32xf32, #tpu.memory_space<vmem>>)
      "tpu.region"() ({
        %run_scoped3A_109 = tpu.sem_alloc : memref<!tpu.dma_semaphore, #tpu.memory_space<semaphore_mem>>
        %dma_start3A_110 = arith.constant 0 : i32
        %dma_start3A_111 = tpu.memref_slice %arg8[%mul3A_80, %dma_start3A_110] : memref<157x128xi32, #tpu.memory_space<vmem>> -> memref<1x128xi32, #tpu.memory_space<vmem>>
        %dma_start3A_112 = tpu.memref_squeeze %dma_start3A_111 : memref<1x128xi32, #tpu.memory_space<vmem>> -> memref<128xi32, #tpu.memory_space<vmem>>
        %dma_start3A_113 = arith.constant 0 : i32
        %dma_start3A_114 = arith.constant 0 : i32
        %dma_start3A_115 = tpu.memref_slice %arg11[%dma_start3A_113, %dma_start3A_114] : memref<40008x32xf32, #tpu.memory_space<vmem_shared>> -> memref<40008x32xf32, #tpu.memory_space<vmem_shared>>
        tpu.enqueue_indirect_dma source(%arg9 : memref<128x32xf32, #tpu.memory_space<vmem>>) target(%dma_start3A_115 : memref<40008x32xf32, #tpu.memory_space<vmem_shared>>) offsets(%dma_start3A_112 : memref<128xi32, #tpu.memory_space<vmem>>) semaphore(%run_scoped3A_109 : memref<!tpu.dma_semaphore, #tpu.memory_space<semaphore_mem>>) {add = true}
        %dma_wait3A_116 = arith.constant 0 : i32
        %dma_wait3A_117 = tpu.memref_slice %arg8[%mul3A_80, %dma_wait3A_116] : memref<157x128xi32, #tpu.memory_space<vmem>> -> memref<1x128xi32, #tpu.memory_space<vmem>>
        %dma_wait3A_118 = tpu.memref_squeeze %dma_wait3A_117 : memref<1x128xi32, #tpu.memory_space<vmem>> -> memref<128xi32, #tpu.memory_space<vmem>>
        %dma_wait3A_119 = arith.constant 0 : i32
        %dma_wait3A_120 = arith.constant 0 : i32
        %dma_wait3A_121 = tpu.memref_slice %arg11[%dma_wait3A_119, %dma_wait3A_120] : memref<40008x32xf32, #tpu.memory_space<vmem_shared>> -> memref<40008x32xf32, #tpu.memory_space<vmem_shared>>
        tpu.wait_indirect_dma semaphore(%run_scoped3A_109 : memref<!tpu.dma_semaphore, #tpu.memory_space<semaphore_mem>>) src(%arg9 : memref<128x32xf32, #tpu.memory_space<vmem>>) dst(%dma_wait3A_121 : memref<40008x32xf32, #tpu.memory_space<vmem_shared>>)
        tpu.yield
      }) : () -> ()
      %add3A_95 = arith.constant 2 : i32
      %add3A_96 = arith.addi %mul3A_80, %add3A_95 : i32
      %dma_start3A_97 = arith.constant 0 : i32
      %dma_start3A_98 = tpu.memref_slice %arg7[%add3A_96, %dma_start3A_97] : memref<157x128xi32, #tpu.memory_space<vmem>> -> memref<1x128xi32, #tpu.memory_space<vmem>>
      %dma_start3A_99 = tpu.memref_squeeze %dma_start3A_98 : memref<1x128xi32, #tpu.memory_space<vmem>> -> memref<128xi32, #tpu.memory_space<vmem>>
      %dma_start3A_100 = arith.constant 0 : i32
      %dma_start3A_101 = arith.constant 0 : i32
      %dma_start3A_102 = tpu.memref_slice %arg2[%dma_start3A_100, %dma_start3A_101] : memref<40000x32xf32, #tpu.memory_space<hbm>> -> memref<40000x32xf32, #tpu.memory_space<hbm>>
      tpu.enqueue_indirect_dma source(%dma_start3A_102 : memref<40000x32xf32, #tpu.memory_space<hbm>>) target(%arg9 : memref<128x32xf32, #tpu.memory_space<vmem>>) offsets(%dma_start3A_99 : memref<128xi32, #tpu.memory_space<vmem>>) semaphore(%arg12 : memref<!tpu.dma_semaphore, #tpu.memory_space<semaphore_mem>>)
      %dma_wait3A_103 = arith.constant 0 : i32
      %dma_wait3A_104 = tpu.memref_slice %arg7[%add3A_82, %dma_wait3A_103] : memref<157x128xi32, #tpu.memory_space<vmem>> -> memref<1x128xi32, #tpu.memory_space<vmem>>
      %dma_wait3A_105 = tpu.memref_squeeze %dma_wait3A_104 : memref<1x128xi32, #tpu.memory_space<vmem>> -> memref<128xi32, #tpu.memory_space<vmem>>
      %dma_wait3A_106 = arith.constant 0 : i32
      %dma_wait3A_107 = arith.constant 0 : i32
      %dma_wait3A_108 = tpu.memref_slice %arg2[%dma_wait3A_106, %dma_wait3A_107] : memref<40000x32xf32, #tpu.memory_space<hbm>> -> memref<40000x32xf32, #tpu.memory_space<hbm>>
      tpu.wait_indirect_dma semaphore(%arg13 : memref<!tpu.dma_semaphore, #tpu.memory_space<semaphore_mem>>) src(%dma_wait3A_108 : memref<40000x32xf32, #tpu.memory_space<hbm>>) dst(%arg10 : memref<128x32xf32, #tpu.memory_space<vmem>>)
      "tpu.region"() ({
        %run_scoped3A_109 = tpu.sem_alloc : memref<!tpu.dma_semaphore, #tpu.memory_space<semaphore_mem>>
        %dma_start3A_110 = arith.constant 0 : i32
        %dma_start3A_111 = tpu.memref_slice %arg8[%add3A_82, %dma_start3A_110] : memref<157x128xi32, #tpu.memory_space<vmem>> -> memref<1x128xi32, #tpu.memory_space<vmem>>
        %dma_start3A_112 = tpu.memref_squeeze %dma_start3A_111 : memref<1x128xi32, #tpu.memory_space<vmem>> -> memref<128xi32, #tpu.memory_space<vmem>>
        %dma_start3A_113 = arith.constant 0 : i32
        %dma_start3A_114 = arith.constant 0 : i32
        %dma_start3A_115 = tpu.memref_slice %arg11[%dma_start3A_113, %dma_start3A_114] : memref<40008x32xf32, #tpu.memory_space<vmem_shared>> -> memref<40008x32xf32, #tpu.memory_space<vmem_shared>>
        tpu.enqueue_indirect_dma source(%arg10 : memref<128x32xf32, #tpu.memory_space<vmem>>) target(%dma_start3A_115 : memref<40008x32xf32, #tpu.memory_space<vmem_shared>>) offsets(%dma_start3A_112 : memref<128xi32, #tpu.memory_space<vmem>>) semaphore(%run_scoped3A_109 : memref<!tpu.dma_semaphore, #tpu.memory_space<semaphore_mem>>) {add = true}
        %dma_wait3A_116 = arith.constant 0 : i32
        %dma_wait3A_117 = tpu.memref_slice %arg8[%add3A_82, %dma_wait3A_116] : memref<157x128xi32, #tpu.memory_space<vmem>> -> memref<1x128xi32, #tpu.memory_space<vmem>>
        %dma_wait3A_118 = tpu.memref_squeeze %dma_wait3A_117 : memref<1x128xi32, #tpu.memory_space<vmem>> -> memref<128xi32, #tpu.memory_space<vmem>>
        %dma_wait3A_119 = arith.constant 0 : i32
        %dma_wait3A_120 = arith.constant 0 : i32
        %dma_wait3A_121 = tpu.memref_slice %arg11[%dma_wait3A_119, %dma_wait3A_120] : memref<40008x32xf32, #tpu.memory_space<vmem_shared>> -> memref<40008x32xf32, #tpu.memory_space<vmem_shared>>
        tpu.wait_indirect_dma semaphore(%run_scoped3A_109 : memref<!tpu.dma_semaphore, #tpu.memory_space<semaphore_mem>>) src(%arg10 : memref<128x32xf32, #tpu.memory_space<vmem>>) dst(%dma_wait3A_121 : memref<40008x32xf32, #tpu.memory_space<vmem_shared>>)
        tpu.yield
      }) : () -> ()
    }
    %scan3A_16 = arith.constant 78 : i32
    %dma_wait3A = arith.constant 156 : i32
    %dma_wait3A_17 = arith.constant 0 : i32
    %dma_wait3A_18 = tpu.memref_slice %arg7[%dma_wait3A, %dma_wait3A_17] : memref<157x128xi32, #tpu.memory_space<vmem>> -> memref<1x128xi32, #tpu.memory_space<vmem>>
    %dma_wait3A_19 = tpu.memref_squeeze %dma_wait3A_18 : memref<1x128xi32, #tpu.memory_space<vmem>> -> memref<128xi32, #tpu.memory_space<vmem>>
    %dma_wait3A_20 = arith.constant 0 : i32
    %dma_wait3A_21 = arith.constant 0 : i32
    %dma_wait3A_22 = tpu.memref_slice %arg2[%dma_wait3A_20, %dma_wait3A_21] : memref<40000x32xf32, #tpu.memory_space<hbm>> -> memref<40000x32xf32, #tpu.memory_space<hbm>>
    tpu.wait_indirect_dma semaphore(%arg12 : memref<!tpu.dma_semaphore, #tpu.memory_space<semaphore_mem>>) src(%dma_wait3A_22 : memref<40000x32xf32, #tpu.memory_space<hbm>>) dst(%arg9 : memref<128x32xf32, #tpu.memory_space<vmem>>)
    %run_scoped3A = arith.constant 156 : i32
    "tpu.region"() ({
      %run_scoped3A_78 = tpu.sem_alloc : memref<!tpu.dma_semaphore, #tpu.memory_space<semaphore_mem>>
      %dma_start3A_79 = arith.constant 0 : i32
      %dma_start3A_80 = tpu.memref_slice %arg8[%run_scoped3A, %dma_start3A_79] : memref<157x128xi32, #tpu.memory_space<vmem>> -> memref<1x128xi32, #tpu.memory_space<vmem>>
      %dma_start3A_81 = tpu.memref_squeeze %dma_start3A_80 : memref<1x128xi32, #tpu.memory_space<vmem>> -> memref<128xi32, #tpu.memory_space<vmem>>
      %dma_start3A_82 = arith.constant 0 : i32
      %dma_start3A_83 = arith.constant 0 : i32
      %dma_start3A_84 = tpu.memref_slice %arg11[%dma_start3A_82, %dma_start3A_83] : memref<40008x32xf32, #tpu.memory_space<vmem_shared>> -> memref<40008x32xf32, #tpu.memory_space<vmem_shared>>
      tpu.enqueue_indirect_dma source(%arg9 : memref<128x32xf32, #tpu.memory_space<vmem>>) target(%dma_start3A_84 : memref<40008x32xf32, #tpu.memory_space<vmem_shared>>) offsets(%dma_start3A_81 : memref<128xi32, #tpu.memory_space<vmem>>) semaphore(%run_scoped3A_78 : memref<!tpu.dma_semaphore, #tpu.memory_space<semaphore_mem>>) {add = true}
      %dma_wait3A_85 = arith.constant 0 : i32
      %dma_wait3A_86 = tpu.memref_slice %arg8[%run_scoped3A, %dma_wait3A_85] : memref<157x128xi32, #tpu.memory_space<vmem>> -> memref<1x128xi32, #tpu.memory_space<vmem>>
      %dma_wait3A_87 = tpu.memref_squeeze %dma_wait3A_86 : memref<1x128xi32, #tpu.memory_space<vmem>> -> memref<128xi32, #tpu.memory_space<vmem>>
      %dma_wait3A_88 = arith.constant 0 : i32
      %dma_wait3A_89 = arith.constant 0 : i32
      %dma_wait3A_90 = tpu.memref_slice %arg11[%dma_wait3A_88, %dma_wait3A_89] : memref<40008x32xf32, #tpu.memory_space<vmem_shared>> -> memref<40008x32xf32, #tpu.memory_space<vmem_shared>>
      tpu.wait_indirect_dma semaphore(%run_scoped3A_78 : memref<!tpu.dma_semaphore, #tpu.memory_space<semaphore_mem>>) src(%arg9 : memref<128x32xf32, #tpu.memory_space<vmem>>) dst(%dma_wait3A_90 : memref<40008x32xf32, #tpu.memory_space<vmem_shared>>)
      tpu.yield
    }) : () -> ()
    %barrier3A_23 = arith.constant 0 : index
    tpu.barrier barrier_id(%barrier3A_23)
    %mul3A_24 = arith.constant 2496 : i32
    %mul3A_25 = arith.muli %arg1, %mul3A_24 : i32
    %mul3A_26 = arith.constant 2496 : i32
    %mul3A_27 = arith.muli %arg1, %mul3A_26 : i32
    "tpu.region"() ({
      %run_scoped3A_78 = tpu.sem_alloc : memref<!tpu.dma_semaphore, #tpu.memory_space<semaphore_mem>>
      %dma_start3A_79 = arith.constant 0 : i32
      %dma_start3A_80 = tpu.memref_slice %arg6[%add3A_1, %mul3A_27, %dma_start3A_79] : memref<4x40000x32xf32, #tpu.memory_space<hbm>> -> memref<1x2496x32xf32, #tpu.memory_space<hbm>>
      %dma_start3A_81 = tpu.memref_squeeze %dma_start3A_80 : memref<1x2496x32xf32, #tpu.memory_space<hbm>> -> memref<2496x32xf32, #tpu.memory_space<hbm>>
      %dma_start3A_82 = arith.constant 0 : i32
      %dma_start3A_83 = tpu.memref_slice %arg11[%mul3A_25, %dma_start3A_82] : memref<40008x32xf32, #tpu.memory_space<vmem_shared>> -> memref<2496x32xf32, #tpu.memory_space<vmem_shared>>
      tpu.enqueue_dma source(%dma_start3A_83 : memref<2496x32xf32, #tpu.memory_space<vmem_shared>>) target(%dma_start3A_81 : memref<2496x32xf32, #tpu.memory_space<hbm>>) target_semaphore(%run_scoped3A_78 : memref<!tpu.dma_semaphore, #tpu.memory_space<semaphore_mem>>)
      %dma_wait3A_84 = arith.constant 0 : i32
      %dma_wait3A_85 = tpu.memref_slice %arg6[%add3A_1, %mul3A_27, %dma_wait3A_84] : memref<4x40000x32xf32, #tpu.memory_space<hbm>> -> memref<1x2496x32xf32, #tpu.memory_space<hbm>>
      %dma_wait3A_86 = tpu.memref_squeeze %dma_wait3A_85 : memref<1x2496x32xf32, #tpu.memory_space<hbm>> -> memref<2496x32xf32, #tpu.memory_space<hbm>>
      %dma_wait3A_87 = arith.constant 0 : i32
      %dma_wait3A_88 = tpu.memref_slice %arg11[%mul3A_25, %dma_wait3A_87] : memref<40008x32xf32, #tpu.memory_space<vmem_shared>> -> memref<2496x32xf32, #tpu.memory_space<vmem_shared>>
      tpu.wait_dma2 semaphore(%run_scoped3A_78 : memref<!tpu.dma_semaphore, #tpu.memory_space<semaphore_mem>>) src(%dma_wait3A_88 : memref<2496x32xf32, #tpu.memory_space<vmem_shared>>) dst(%dma_wait3A_86 : memref<2496x32xf32, #tpu.memory_space<hbm>>)
      tpu.yield
    }) : () -> ()
    %lt3A_28 = arith.constant 8 : i32
    %lt3A_29 = arith.cmpi slt, %arg1, %lt3A_28 : i32
    %convert_element_type3A_30 = arith.extui %lt3A_29 : i1 to i32
    %cond3A_31 = arith.constant 0 : i32
    %cond3A_32 = arith.cmpi ne, %convert_element_type3A_30, %cond3A_31 : i32
    scf.if %cond3A_32 {
      %mul3A_78 = arith.constant 8 : i32
      %mul3A_79 = arith.muli %arg1, %mul3A_78 : i32
      %add3A_80 = arith.constant 39936 : i32
      %add3A_81 = arith.addi %add3A_80, %mul3A_79 : i32
      %mul3A_82 = arith.constant 8 : i32
      %mul3A_83 = arith.muli %arg1, %mul3A_82 : i32
      %add3A_84 = arith.constant 39936 : i32
      %add3A_85 = arith.addi %add3A_84, %mul3A_83 : i32
      "tpu.region"() ({
        %run_scoped3A_86 = tpu.sem_alloc : memref<!tpu.dma_semaphore, #tpu.memory_space<semaphore_mem>>
        %dma_start3A_87 = arith.constant 0 : i32
        %dma_start3A_88 = tpu.memref_slice %arg6[%add3A_1, %add3A_85, %dma_start3A_87] : memref<4x40000x32xf32, #tpu.memory_space<hbm>> -> memref<1x8x32xf32, #tpu.memory_space<hbm>>
        %dma_start3A_89 = tpu.memref_squeeze %dma_start3A_88 : memref<1x8x32xf32, #tpu.memory_space<hbm>> -> memref<8x32xf32, #tpu.memory_space<hbm>>
        %dma_start3A_90 = arith.constant 0 : i32
        %dma_start3A_91 = tpu.memref_slice %arg11[%add3A_81, %dma_start3A_90] : memref<40008x32xf32, #tpu.memory_space<vmem_shared>> -> memref<8x32xf32, #tpu.memory_space<vmem_shared>>
        tpu.enqueue_dma source(%dma_start3A_91 : memref<8x32xf32, #tpu.memory_space<vmem_shared>>) target(%dma_start3A_89 : memref<8x32xf32, #tpu.memory_space<hbm>>) target_semaphore(%run_scoped3A_86 : memref<!tpu.dma_semaphore, #tpu.memory_space<semaphore_mem>>)
        %dma_wait3A_92 = arith.constant 0 : i32
        %dma_wait3A_93 = tpu.memref_slice %arg6[%add3A_1, %add3A_85, %dma_wait3A_92] : memref<4x40000x32xf32, #tpu.memory_space<hbm>> -> memref<1x8x32xf32, #tpu.memory_space<hbm>>
        %dma_wait3A_94 = tpu.memref_squeeze %dma_wait3A_93 : memref<1x8x32xf32, #tpu.memory_space<hbm>> -> memref<8x32xf32, #tpu.memory_space<hbm>>
        %dma_wait3A_95 = arith.constant 0 : i32
        %dma_wait3A_96 = tpu.memref_slice %arg11[%add3A_81, %dma_wait3A_95] : memref<40008x32xf32, #tpu.memory_space<vmem_shared>> -> memref<8x32xf32, #tpu.memory_space<vmem_shared>>
        tpu.wait_dma2 semaphore(%run_scoped3A_86 : memref<!tpu.dma_semaphore, #tpu.memory_space<semaphore_mem>>) src(%dma_wait3A_96 : memref<8x32xf32, #tpu.memory_space<vmem_shared>>) dst(%dma_wait3A_94 : memref<8x32xf32, #tpu.memory_space<hbm>>)
        tpu.yield
      }) : () -> ()
    } else {
    }
    %barrier3A_33 = arith.constant 0 : index
    tpu.barrier barrier_id(%barrier3A_33)
    %mul3A_34 = arith.constant 2 : i32
    %mul3A_35 = arith.muli %mul3A_34, %arg0 : i32
    %add3A_36 = arith.constant 1 : i32
    %add3A_37 = arith.addi %mul3A_35, %add3A_36 : i32
    "tpu.region"() ({
      %run_scoped3A_78 = tpu.sem_alloc : memref<!tpu.dma_semaphore, #tpu.memory_space<semaphore_mem>>
      %dma_start3A_79 = arith.constant 0 : i32
      %dma_start3A_80 = arith.constant 0 : i32
      %dma_start3A_81 = tpu.memref_slice %arg3[%add3A_37, %arg1, %dma_start3A_79, %dma_start3A_80] : memref<4x16x157x128xi32, #tpu.memory_space<hbm>> -> memref<1x1x157x128xi32, #tpu.memory_space<hbm>>
      %dma_start3A_82 = tpu.memref_squeeze %dma_start3A_81 : memref<1x1x157x128xi32, #tpu.memory_space<hbm>> -> memref<157x128xi32, #tpu.memory_space<hbm>>
      %dma_start3A_83 = arith.constant 0 : i32
      %dma_start3A_84 = arith.constant 0 : i32
      %dma_start3A_85 = tpu.memref_slice %arg3[%add3A_37, %arg1, %dma_start3A_83, %dma_start3A_84] : memref<4x16x157x128xi32, #tpu.memory_space<hbm>> -> memref<1x1x157x128xi32, #tpu.memory_space<hbm>>
      %dma_start3A_86 = tpu.memref_squeeze %dma_start3A_85 : memref<1x1x157x128xi32, #tpu.memory_space<hbm>> -> memref<157x128xi32, #tpu.memory_space<hbm>>
      tpu.enqueue_dma source(%dma_start3A_86 : memref<157x128xi32, #tpu.memory_space<hbm>>) target(%arg7 : memref<157x128xi32, #tpu.memory_space<vmem>>) target_semaphore(%run_scoped3A_78 : memref<!tpu.dma_semaphore, #tpu.memory_space<semaphore_mem>>)
      %dma_wait3A_87 = arith.constant 0 : i32
      %dma_wait3A_88 = arith.constant 0 : i32
      %dma_wait3A_89 = tpu.memref_slice %arg3[%add3A_37, %arg1, %dma_wait3A_87, %dma_wait3A_88] : memref<4x16x157x128xi32, #tpu.memory_space<hbm>> -> memref<1x1x157x128xi32, #tpu.memory_space<hbm>>
      %dma_wait3A_90 = tpu.memref_squeeze %dma_wait3A_89 : memref<1x1x157x128xi32, #tpu.memory_space<hbm>> -> memref<157x128xi32, #tpu.memory_space<hbm>>
      %dma_wait3A_91 = arith.constant 0 : i32
      %dma_wait3A_92 = arith.constant 0 : i32
      %dma_wait3A_93 = tpu.memref_slice %arg3[%add3A_37, %arg1, %dma_wait3A_91, %dma_wait3A_92] : memref<4x16x157x128xi32, #tpu.memory_space<hbm>> -> memref<1x1x157x128xi32, #tpu.memory_space<hbm>>
      %dma_wait3A_94 = tpu.memref_squeeze %dma_wait3A_93 : memref<1x1x157x128xi32, #tpu.memory_space<hbm>> -> memref<157x128xi32, #tpu.memory_space<hbm>>
      tpu.wait_dma2 semaphore(%run_scoped3A_78 : memref<!tpu.dma_semaphore, #tpu.memory_space<semaphore_mem>>) src(%dma_wait3A_94 : memref<157x128xi32, #tpu.memory_space<hbm>>) dst(%arg7 : memref<157x128xi32, #tpu.memory_space<vmem>>)
      tpu.yield
    }) : () -> ()
    %mul3A_38 = arith.constant 2496 : i32
    %mul3A_39 = arith.muli %arg1, %mul3A_38 : i32
    "tpu.region"() ({
      %run_scoped3A_78 = tpu.sem_alloc : memref<!tpu.dma_semaphore, #tpu.memory_space<semaphore_mem>>
      %dma_start3A_79 = arith.constant 0 : i32
      %dma_start3A_80 = tpu.memref_slice %arg11[%mul3A_39, %dma_start3A_79] : memref<40008x32xf32, #tpu.memory_space<vmem_shared>> -> memref<2496x32xf32, #tpu.memory_space<vmem_shared>>
      tpu.enqueue_dma source(%arg5 : memref<2496x32xf32, #tpu.memory_space<hbm>>) target(%dma_start3A_80 : memref<2496x32xf32, #tpu.memory_space<vmem_shared>>) target_semaphore(%run_scoped3A_78 : memref<!tpu.dma_semaphore, #tpu.memory_space<semaphore_mem>>)
      %dma_wait3A_81 = arith.constant 0 : i32
      %dma_wait3A_82 = tpu.memref_slice %arg11[%mul3A_39, %dma_wait3A_81] : memref<40008x32xf32, #tpu.memory_space<vmem_shared>> -> memref<2496x32xf32, #tpu.memory_space<vmem_shared>>
      tpu.wait_dma2 semaphore(%run_scoped3A_78 : memref<!tpu.dma_semaphore, #tpu.memory_space<semaphore_mem>>) src(%arg5 : memref<2496x32xf32, #tpu.memory_space<hbm>>) dst(%dma_wait3A_82 : memref<2496x32xf32, #tpu.memory_space<vmem_shared>>)
      tpu.yield
    }) : () -> ()
    %lt3A_40 = arith.constant 8 : i32
    %lt3A_41 = arith.cmpi slt, %arg1, %lt3A_40 : i32
    %convert_element_type3A_42 = arith.extui %lt3A_41 : i1 to i32
    %cond3A_43 = arith.constant 0 : i32
    %cond3A_44 = arith.cmpi ne, %convert_element_type3A_42, %cond3A_43 : i32
    scf.if %cond3A_44 {
      %mul3A_78 = arith.constant 8 : i32
      %mul3A_79 = arith.muli %arg1, %mul3A_78 : i32
      %add3A_80 = arith.constant 39936 : i32
      %add3A_81 = arith.addi %add3A_80, %mul3A_79 : i32
      "tpu.region"() ({
        %run_scoped3A_82 = tpu.sem_alloc : memref<!tpu.dma_semaphore, #tpu.memory_space<semaphore_mem>>
        %dma_start3A_83 = arith.constant 0 : i32
        %dma_start3A_84 = tpu.memref_slice %arg11[%add3A_81, %dma_start3A_83] : memref<40008x32xf32, #tpu.memory_space<vmem_shared>> -> memref<8x32xf32, #tpu.memory_space<vmem_shared>>
        %dma_start3A_85 = arith.constant 0 : i32
        %dma_start3A_86 = arith.constant 0 : i32
        %dma_start3A_87 = tpu.memref_slice %arg5[%dma_start3A_85, %dma_start3A_86] : memref<2496x32xf32, #tpu.memory_space<hbm>> -> memref<8x32xf32, #tpu.memory_space<hbm>>
        tpu.enqueue_dma source(%dma_start3A_87 : memref<8x32xf32, #tpu.memory_space<hbm>>) target(%dma_start3A_84 : memref<8x32xf32, #tpu.memory_space<vmem_shared>>) target_semaphore(%run_scoped3A_82 : memref<!tpu.dma_semaphore, #tpu.memory_space<semaphore_mem>>)
        %dma_wait3A_88 = arith.constant 0 : i32
        %dma_wait3A_89 = tpu.memref_slice %arg11[%add3A_81, %dma_wait3A_88] : memref<40008x32xf32, #tpu.memory_space<vmem_shared>> -> memref<8x32xf32, #tpu.memory_space<vmem_shared>>
        %dma_wait3A_90 = arith.constant 0 : i32
        %dma_wait3A_91 = arith.constant 0 : i32
        %dma_wait3A_92 = tpu.memref_slice %arg5[%dma_wait3A_90, %dma_wait3A_91] : memref<2496x32xf32, #tpu.memory_space<hbm>> -> memref<8x32xf32, #tpu.memory_space<hbm>>
        tpu.wait_dma2 semaphore(%run_scoped3A_82 : memref<!tpu.dma_semaphore, #tpu.memory_space<semaphore_mem>>) src(%dma_wait3A_92 : memref<8x32xf32, #tpu.memory_space<hbm>>) dst(%dma_wait3A_89 : memref<8x32xf32, #tpu.memory_space<vmem_shared>>)
        tpu.yield
      }) : () -> ()
    } else {
    }
    %barrier3A_45 = arith.constant 0 : index
    tpu.barrier barrier_id(%barrier3A_45)
    %dma_start3A_46 = arith.constant 0 : i32
    %dma_start3A_47 = arith.constant 0 : i32
    %dma_start3A_48 = tpu.memref_slice %arg7[%dma_start3A_46, %dma_start3A_47] : memref<157x128xi32, #tpu.memory_space<vmem>> -> memref<1x128xi32, #tpu.memory_space<vmem>>
    %dma_start3A_49 = tpu.memref_squeeze %dma_start3A_48 : memref<1x128xi32, #tpu.memory_space<vmem>> -> memref<128xi32, #tpu.memory_space<vmem>>
    %dma_start3A_50 = arith.constant 0 : i32
    %dma_start3A_51 = arith.constant 0 : i32
    %dma_start3A_52 = tpu.memref_slice %arg2[%dma_start3A_50, %dma_start3A_51] : memref<40000x32xf32, #tpu.memory_space<hbm>> -> memref<40000x32xf32, #tpu.memory_space<hbm>>
    tpu.enqueue_indirect_dma source(%dma_start3A_52 : memref<40000x32xf32, #tpu.memory_space<hbm>>) target(%arg9 : memref<128x32xf32, #tpu.memory_space<vmem>>) offsets(%dma_start3A_49 : memref<128xi32, #tpu.memory_space<vmem>>) semaphore(%arg12 : memref<!tpu.dma_semaphore, #tpu.memory_space<semaphore_mem>>)
    %scan3A_53 = arith.constant 0 : i32
    %scan3A_54 = arith.constant 0 : i32
    %scan3A_55 = arith.constant 78 : i32
    %scan3A_56 = arith.addi %scan3A_54, %scan3A_55 : i32
    %scan3A_57 = arith.constant 1 : i32
    scf.for %scan3A_78 = %scan3A_54 to %scan3A_56 step %scan3A_57  : i32 {
      %mul3A_79 = arith.constant 2 : i32
      %mul3A_80 = arith.muli %mul3A_79, %scan3A_78 : i32
      %add3A_81 = arith.constant 1 : i32
      %add3A_82 = arith.addi %mul3A_80, %add3A_81 : i32
      %dma_start3A_83 = arith.constant 0 : i32
      %dma_start3A_84 = tpu.memref_slice %arg7[%add3A_82, %dma_start3A_83] : memref<157x128xi32, #tpu.memory_space<vmem>> -> memref<1x128xi32, #tpu.memory_space<vmem>>
      %dma_start3A_85 = tpu.memref_squeeze %dma_start3A_84 : memref<1x128xi32, #tpu.memory_space<vmem>> -> memref<128xi32, #tpu.memory_space<vmem>>
      %dma_start3A_86 = arith.constant 0 : i32
      %dma_start3A_87 = arith.constant 0 : i32
      %dma_start3A_88 = tpu.memref_slice %arg2[%dma_start3A_86, %dma_start3A_87] : memref<40000x32xf32, #tpu.memory_space<hbm>> -> memref<40000x32xf32, #tpu.memory_space<hbm>>
      tpu.enqueue_indirect_dma source(%dma_start3A_88 : memref<40000x32xf32, #tpu.memory_space<hbm>>) target(%arg10 : memref<128x32xf32, #tpu.memory_space<vmem>>) offsets(%dma_start3A_85 : memref<128xi32, #tpu.memory_space<vmem>>) semaphore(%arg13 : memref<!tpu.dma_semaphore, #tpu.memory_space<semaphore_mem>>)
      %dma_wait3A_89 = arith.constant 0 : i32
      %dma_wait3A_90 = tpu.memref_slice %arg7[%mul3A_80, %dma_wait3A_89] : memref<157x128xi32, #tpu.memory_space<vmem>> -> memref<1x128xi32, #tpu.memory_space<vmem>>
      %dma_wait3A_91 = tpu.memref_squeeze %dma_wait3A_90 : memref<1x128xi32, #tpu.memory_space<vmem>> -> memref<128xi32, #tpu.memory_space<vmem>>
      %dma_wait3A_92 = arith.constant 0 : i32
      %dma_wait3A_93 = arith.constant 0 : i32
      %dma_wait3A_94 = tpu.memref_slice %arg2[%dma_wait3A_92, %dma_wait3A_93] : memref<40000x32xf32, #tpu.memory_space<hbm>> -> memref<40000x32xf32, #tpu.memory_space<hbm>>
      tpu.wait_indirect_dma semaphore(%arg12 : memref<!tpu.dma_semaphore, #tpu.memory_space<semaphore_mem>>) src(%dma_wait3A_94 : memref<40000x32xf32, #tpu.memory_space<hbm>>) dst(%arg9 : memref<128x32xf32, #tpu.memory_space<vmem>>)
      "tpu.region"() ({
        %run_scoped3A_109 = tpu.sem_alloc : memref<!tpu.dma_semaphore, #tpu.memory_space<semaphore_mem>>
        %dma_start3A_110 = arith.constant 0 : i32
        %dma_start3A_111 = tpu.memref_slice %arg8[%mul3A_80, %dma_start3A_110] : memref<157x128xi32, #tpu.memory_space<vmem>> -> memref<1x128xi32, #tpu.memory_space<vmem>>
        %dma_start3A_112 = tpu.memref_squeeze %dma_start3A_111 : memref<1x128xi32, #tpu.memory_space<vmem>> -> memref<128xi32, #tpu.memory_space<vmem>>
        %dma_start3A_113 = arith.constant 0 : i32
        %dma_start3A_114 = arith.constant 0 : i32
        %dma_start3A_115 = tpu.memref_slice %arg11[%dma_start3A_113, %dma_start3A_114] : memref<40008x32xf32, #tpu.memory_space<vmem_shared>> -> memref<40008x32xf32, #tpu.memory_space<vmem_shared>>
        tpu.enqueue_indirect_dma source(%arg9 : memref<128x32xf32, #tpu.memory_space<vmem>>) target(%dma_start3A_115 : memref<40008x32xf32, #tpu.memory_space<vmem_shared>>) offsets(%dma_start3A_112 : memref<128xi32, #tpu.memory_space<vmem>>) semaphore(%run_scoped3A_109 : memref<!tpu.dma_semaphore, #tpu.memory_space<semaphore_mem>>) {add = true}
        %dma_wait3A_116 = arith.constant 0 : i32
        %dma_wait3A_117 = tpu.memref_slice %arg8[%mul3A_80, %dma_wait3A_116] : memref<157x128xi32, #tpu.memory_space<vmem>> -> memref<1x128xi32, #tpu.memory_space<vmem>>
        %dma_wait3A_118 = tpu.memref_squeeze %dma_wait3A_117 : memref<1x128xi32, #tpu.memory_space<vmem>> -> memref<128xi32, #tpu.memory_space<vmem>>
        %dma_wait3A_119 = arith.constant 0 : i32
        %dma_wait3A_120 = arith.constant 0 : i32
        %dma_wait3A_121 = tpu.memref_slice %arg11[%dma_wait3A_119, %dma_wait3A_120] : memref<40008x32xf32, #tpu.memory_space<vmem_shared>> -> memref<40008x32xf32, #tpu.memory_space<vmem_shared>>
        tpu.wait_indirect_dma semaphore(%run_scoped3A_109 : memref<!tpu.dma_semaphore, #tpu.memory_space<semaphore_mem>>) src(%arg9 : memref<128x32xf32, #tpu.memory_space<vmem>>) dst(%dma_wait3A_121 : memref<40008x32xf32, #tpu.memory_space<vmem_shared>>)
        tpu.yield
      }) : () -> ()
      %add3A_95 = arith.constant 2 : i32
      %add3A_96 = arith.addi %mul3A_80, %add3A_95 : i32
      %dma_start3A_97 = arith.constant 0 : i32
      %dma_start3A_98 = tpu.memref_slice %arg7[%add3A_96, %dma_start3A_97] : memref<157x128xi32, #tpu.memory_space<vmem>> -> memref<1x128xi32, #tpu.memory_space<vmem>>
      %dma_start3A_99 = tpu.memref_squeeze %dma_start3A_98 : memref<1x128xi32, #tpu.memory_space<vmem>> -> memref<128xi32, #tpu.memory_space<vmem>>
      %dma_start3A_100 = arith.constant 0 : i32
      %dma_start3A_101 = arith.constant 0 : i32
      %dma_start3A_102 = tpu.memref_slice %arg2[%dma_start3A_100, %dma_start3A_101] : memref<40000x32xf32, #tpu.memory_space<hbm>> -> memref<40000x32xf32, #tpu.memory_space<hbm>>
      tpu.enqueue_indirect_dma source(%dma_start3A_102 : memref<40000x32xf32, #tpu.memory_space<hbm>>) target(%arg9 : memref<128x32xf32, #tpu.memory_space<vmem>>) offsets(%dma_start3A_99 : memref<128xi32, #tpu.memory_space<vmem>>) semaphore(%arg12 : memref<!tpu.dma_semaphore, #tpu.memory_space<semaphore_mem>>)
      %dma_wait3A_103 = arith.constant 0 : i32
      %dma_wait3A_104 = tpu.memref_slice %arg7[%add3A_82, %dma_wait3A_103] : memref<157x128xi32, #tpu.memory_space<vmem>> -> memref<1x128xi32, #tpu.memory_space<vmem>>
      %dma_wait3A_105 = tpu.memref_squeeze %dma_wait3A_104 : memref<1x128xi32, #tpu.memory_space<vmem>> -> memref<128xi32, #tpu.memory_space<vmem>>
      %dma_wait3A_106 = arith.constant 0 : i32
      %dma_wait3A_107 = arith.constant 0 : i32
      %dma_wait3A_108 = tpu.memref_slice %arg2[%dma_wait3A_106, %dma_wait3A_107] : memref<40000x32xf32, #tpu.memory_space<hbm>> -> memref<40000x32xf32, #tpu.memory_space<hbm>>
      tpu.wait_indirect_dma semaphore(%arg13 : memref<!tpu.dma_semaphore, #tpu.memory_space<semaphore_mem>>) src(%dma_wait3A_108 : memref<40000x32xf32, #tpu.memory_space<hbm>>) dst(%arg10 : memref<128x32xf32, #tpu.memory_space<vmem>>)
      "tpu.region"() ({
        %run_scoped3A_109 = tpu.sem_alloc : memref<!tpu.dma_semaphore, #tpu.memory_space<semaphore_mem>>
        %dma_start3A_110 = arith.constant 0 : i32
        %dma_start3A_111 = tpu.memref_slice %arg8[%add3A_82, %dma_start3A_110] : memref<157x128xi32, #tpu.memory_space<vmem>> -> memref<1x128xi32, #tpu.memory_space<vmem>>
        %dma_start3A_112 = tpu.memref_squeeze %dma_start3A_111 : memref<1x128xi32, #tpu.memory_space<vmem>> -> memref<128xi32, #tpu.memory_space<vmem>>
        %dma_start3A_113 = arith.constant 0 : i32
        %dma_start3A_114 = arith.constant 0 : i32
        %dma_start3A_115 = tpu.memref_slice %arg11[%dma_start3A_113, %dma_start3A_114] : memref<40008x32xf32, #tpu.memory_space<vmem_shared>> -> memref<40008x32xf32, #tpu.memory_space<vmem_shared>>
        tpu.enqueue_indirect_dma source(%arg10 : memref<128x32xf32, #tpu.memory_space<vmem>>) target(%dma_start3A_115 : memref<40008x32xf32, #tpu.memory_space<vmem_shared>>) offsets(%dma_start3A_112 : memref<128xi32, #tpu.memory_space<vmem>>) semaphore(%run_scoped3A_109 : memref<!tpu.dma_semaphore, #tpu.memory_space<semaphore_mem>>) {add = true}
        %dma_wait3A_116 = arith.constant 0 : i32
        %dma_wait3A_117 = tpu.memref_slice %arg8[%add3A_82, %dma_wait3A_116] : memref<157x128xi32, #tpu.memory_space<vmem>> -> memref<1x128xi32, #tpu.memory_space<vmem>>
        %dma_wait3A_118 = tpu.memref_squeeze %dma_wait3A_117 : memref<1x128xi32, #tpu.memory_space<vmem>> -> memref<128xi32, #tpu.memory_space<vmem>>
        %dma_wait3A_119 = arith.constant 0 : i32
        %dma_wait3A_120 = arith.constant 0 : i32
        %dma_wait3A_121 = tpu.memref_slice %arg11[%dma_wait3A_119, %dma_wait3A_120] : memref<40008x32xf32, #tpu.memory_space<vmem_shared>> -> memref<40008x32xf32, #tpu.memory_space<vmem_shared>>
        tpu.wait_indirect_dma semaphore(%run_scoped3A_109 : memref<!tpu.dma_semaphore, #tpu.memory_space<semaphore_mem>>) src(%arg10 : memref<128x32xf32, #tpu.memory_space<vmem>>) dst(%dma_wait3A_121 : memref<40008x32xf32, #tpu.memory_space<vmem_shared>>)
        tpu.yield
      }) : () -> ()
    }
    %scan3A_58 = arith.constant 78 : i32
    %dma_wait3A_59 = arith.constant 156 : i32
    %dma_wait3A_60 = arith.constant 0 : i32
    %dma_wait3A_61 = tpu.memref_slice %arg7[%dma_wait3A_59, %dma_wait3A_60] : memref<157x128xi32, #tpu.memory_space<vmem>> -> memref<1x128xi32, #tpu.memory_space<vmem>>
    %dma_wait3A_62 = tpu.memref_squeeze %dma_wait3A_61 : memref<1x128xi32, #tpu.memory_space<vmem>> -> memref<128xi32, #tpu.memory_space<vmem>>
    %dma_wait3A_63 = arith.constant 0 : i32
    %dma_wait3A_64 = arith.constant 0 : i32
    %dma_wait3A_65 = tpu.memref_slice %arg2[%dma_wait3A_63, %dma_wait3A_64] : memref<40000x32xf32, #tpu.memory_space<hbm>> -> memref<40000x32xf32, #tpu.memory_space<hbm>>
    tpu.wait_indirect_dma semaphore(%arg12 : memref<!tpu.dma_semaphore, #tpu.memory_space<semaphore_mem>>) src(%dma_wait3A_65 : memref<40000x32xf32, #tpu.memory_space<hbm>>) dst(%arg9 : memref<128x32xf32, #tpu.memory_space<vmem>>)
    %run_scoped3A_66 = arith.constant 156 : i32
    "tpu.region"() ({
      %run_scoped3A_78 = tpu.sem_alloc : memref<!tpu.dma_semaphore, #tpu.memory_space<semaphore_mem>>
      %dma_start3A_79 = arith.constant 0 : i32
      %dma_start3A_80 = tpu.memref_slice %arg8[%run_scoped3A_66, %dma_start3A_79] : memref<157x128xi32, #tpu.memory_space<vmem>> -> memref<1x128xi32, #tpu.memory_space<vmem>>
      %dma_start3A_81 = tpu.memref_squeeze %dma_start3A_80 : memref<1x128xi32, #tpu.memory_space<vmem>> -> memref<128xi32, #tpu.memory_space<vmem>>
      %dma_start3A_82 = arith.constant 0 : i32
      %dma_start3A_83 = arith.constant 0 : i32
      %dma_start3A_84 = tpu.memref_slice %arg11[%dma_start3A_82, %dma_start3A_83] : memref<40008x32xf32, #tpu.memory_space<vmem_shared>> -> memref<40008x32xf32, #tpu.memory_space<vmem_shared>>
      tpu.enqueue_indirect_dma source(%arg9 : memref<128x32xf32, #tpu.memory_space<vmem>>) target(%dma_start3A_84 : memref<40008x32xf32, #tpu.memory_space<vmem_shared>>) offsets(%dma_start3A_81 : memref<128xi32, #tpu.memory_space<vmem>>) semaphore(%run_scoped3A_78 : memref<!tpu.dma_semaphore, #tpu.memory_space<semaphore_mem>>) {add = true}
      %dma_wait3A_85 = arith.constant 0 : i32
      %dma_wait3A_86 = tpu.memref_slice %arg8[%run_scoped3A_66, %dma_wait3A_85] : memref<157x128xi32, #tpu.memory_space<vmem>> -> memref<1x128xi32, #tpu.memory_space<vmem>>
      %dma_wait3A_87 = tpu.memref_squeeze %dma_wait3A_86 : memref<1x128xi32, #tpu.memory_space<vmem>> -> memref<128xi32, #tpu.memory_space<vmem>>
      %dma_wait3A_88 = arith.constant 0 : i32
      %dma_wait3A_89 = arith.constant 0 : i32
      %dma_wait3A_90 = tpu.memref_slice %arg11[%dma_wait3A_88, %dma_wait3A_89] : memref<40008x32xf32, #tpu.memory_space<vmem_shared>> -> memref<40008x32xf32, #tpu.memory_space<vmem_shared>>
      tpu.wait_indirect_dma semaphore(%run_scoped3A_78 : memref<!tpu.dma_semaphore, #tpu.memory_space<semaphore_mem>>) src(%arg9 : memref<128x32xf32, #tpu.memory_space<vmem>>) dst(%dma_wait3A_90 : memref<40008x32xf32, #tpu.memory_space<vmem_shared>>)
      tpu.yield
    }) : () -> ()
    %barrier3A_67 = arith.constant 0 : index
    tpu.barrier barrier_id(%barrier3A_67)
    %mul3A_68 = arith.constant 2496 : i32
    %mul3A_69 = arith.muli %arg1, %mul3A_68 : i32
    %mul3A_70 = arith.constant 2496 : i32
    %mul3A_71 = arith.muli %arg1, %mul3A_70 : i32
    "tpu.region"() ({
      %run_scoped3A_78 = tpu.sem_alloc : memref<!tpu.dma_semaphore, #tpu.memory_space<semaphore_mem>>
      %dma_start3A_79 = arith.constant 0 : i32
      %dma_start3A_80 = tpu.memref_slice %arg6[%add3A_37, %mul3A_71, %dma_start3A_79] : memref<4x40000x32xf32, #tpu.memory_space<hbm>> -> memref<1x2496x32xf32, #tpu.memory_space<hbm>>
      %dma_start3A_81 = tpu.memref_squeeze %dma_start3A_80 : memref<1x2496x32xf32, #tpu.memory_space<hbm>> -> memref<2496x32xf32, #tpu.memory_space<hbm>>
      %dma_start3A_82 = arith.constant 0 : i32
      %dma_start3A_83 = tpu.memref_slice %arg11[%mul3A_69, %dma_start3A_82] : memref<40008x32xf32, #tpu.memory_space<vmem_shared>> -> memref<2496x32xf32, #tpu.memory_space<vmem_shared>>
      tpu.enqueue_dma source(%dma_start3A_83 : memref<2496x32xf32, #tpu.memory_space<vmem_shared>>) target(%dma_start3A_81 : memref<2496x32xf32, #tpu.memory_space<hbm>>) target_semaphore(%run_scoped3A_78 : memref<!tpu.dma_semaphore, #tpu.memory_space<semaphore_mem>>)
      %dma_wait3A_84 = arith.constant 0 : i32
      %dma_wait3A_85 = tpu.memref_slice %arg6[%add3A_37, %mul3A_71, %dma_wait3A_84] : memref<4x40000x32xf32, #tpu.memory_space<hbm>> -> memref<1x2496x32xf32, #tpu.memory_space<hbm>>
      %dma_wait3A_86 = tpu.memref_squeeze %dma_wait3A_85 : memref<1x2496x32xf32, #tpu.memory_space<hbm>> -> memref<2496x32xf32, #tpu.memory_space<hbm>>
      %dma_wait3A_87 = arith.constant 0 : i32
      %dma_wait3A_88 = tpu.memref_slice %arg11[%mul3A_69, %dma_wait3A_87] : memref<40008x32xf32, #tpu.memory_space<vmem_shared>> -> memref<2496x32xf32, #tpu.memory_space<vmem_shared>>
      tpu.wait_dma2 semaphore(%run_scoped3A_78 : memref<!tpu.dma_semaphore, #tpu.memory_space<semaphore_mem>>) src(%dma_wait3A_88 : memref<2496x32xf32, #tpu.memory_space<vmem_shared>>) dst(%dma_wait3A_86 : memref<2496x32xf32, #tpu.memory_space<hbm>>)
      tpu.yield
    }) : () -> ()
    %lt3A_72 = arith.constant 8 : i32
    %lt3A_73 = arith.cmpi slt, %arg1, %lt3A_72 : i32
    %convert_element_type3A_74 = arith.extui %lt3A_73 : i1 to i32
    %cond3A_75 = arith.constant 0 : i32
    %cond3A_76 = arith.cmpi ne, %convert_element_type3A_74, %cond3A_75 : i32
    scf.if %cond3A_76 {
      %mul3A_78 = arith.constant 8 : i32
      %mul3A_79 = arith.muli %arg1, %mul3A_78 : i32
      %add3A_80 = arith.constant 39936 : i32
      %add3A_81 = arith.addi %add3A_80, %mul3A_79 : i32
      %mul3A_82 = arith.constant 8 : i32
      %mul3A_83 = arith.muli %arg1, %mul3A_82 : i32
      %add3A_84 = arith.constant 39936 : i32
      %add3A_85 = arith.addi %add3A_84, %mul3A_83 : i32
      "tpu.region"() ({
        %run_scoped3A_86 = tpu.sem_alloc : memref<!tpu.dma_semaphore, #tpu.memory_space<semaphore_mem>>
        %dma_start3A_87 = arith.constant 0 : i32
        %dma_start3A_88 = tpu.memref_slice %arg6[%add3A_37, %add3A_85, %dma_start3A_87] : memref<4x40000x32xf32, #tpu.memory_space<hbm>> -> memref<1x8x32xf32, #tpu.memory_space<hbm>>
        %dma_start3A_89 = tpu.memref_squeeze %dma_start3A_88 : memref<1x8x32xf32, #tpu.memory_space<hbm>> -> memref<8x32xf32, #tpu.memory_space<hbm>>
        %dma_start3A_90 = arith.constant 0 : i32
        %dma_start3A_91 = tpu.memref_slice %arg11[%add3A_81, %dma_start3A_90] : memref<40008x32xf32, #tpu.memory_space<vmem_shared>> -> memref<8x32xf32, #tpu.memory_space<vmem_shared>>
        tpu.enqueue_dma source(%dma_start3A_91 : memref<8x32xf32, #tpu.memory_space<vmem_shared>>) target(%dma_start3A_89 : memref<8x32xf32, #tpu.memory_space<hbm>>) target_semaphore(%run_scoped3A_86 : memref<!tpu.dma_semaphore, #tpu.memory_space<semaphore_mem>>)
        %dma_wait3A_92 = arith.constant 0 : i32
        %dma_wait3A_93 = tpu.memref_slice %arg6[%add3A_37, %add3A_85, %dma_wait3A_92] : memref<4x40000x32xf32, #tpu.memory_space<hbm>> -> memref<1x8x32xf32, #tpu.memory_space<hbm>>
        %dma_wait3A_94 = tpu.memref_squeeze %dma_wait3A_93 : memref<1x8x32xf32, #tpu.memory_space<hbm>> -> memref<8x32xf32, #tpu.memory_space<hbm>>
        %dma_wait3A_95 = arith.constant 0 : i32
        %dma_wait3A_96 = tpu.memref_slice %arg11[%add3A_81, %dma_wait3A_95] : memref<40008x32xf32, #tpu.memory_space<vmem_shared>> -> memref<8x32xf32, #tpu.memory_space<vmem_shared>>
        tpu.wait_dma2 semaphore(%run_scoped3A_86 : memref<!tpu.dma_semaphore, #tpu.memory_space<semaphore_mem>>) src(%dma_wait3A_96 : memref<8x32xf32, #tpu.memory_space<vmem_shared>>) dst(%dma_wait3A_94 : memref<8x32xf32, #tpu.memory_space<hbm>>)
        tpu.yield
      }) : () -> ()
    } else {
    }
    %barrier3A_77 = arith.constant 0 : index
    tpu.barrier barrier_id(%barrier3A_77)
    return
  }
}

#map = affine_map<(d0, d1) -> (0, 0)>
#map1 = affine_map<(d0, d1) -> (0, 0, 0, 0)>
#map2 = affine_map<(d0, d1) -> (0, 0, 0)>
module attributes {stable_mosaic.version = 14 : i64} {
  func.func @body(%arg0: i32, %arg1: i32, %arg2: memref<40000x32xf32, #tpu.memory_space<hbm>>, %arg3: memref<4x16x157x128xi32, #tpu.memory_space<hbm>>, %arg4: memref<16x157x128xi32, #tpu.memory_space<hbm>>, %arg5: memref<2496x32xf32, #tpu.memory_space<hbm>>, %arg6: memref<4x40000x32xf32, #tpu.memory_space<hbm>>, %arg7: memref<157x128xi32, #tpu.memory_space<vmem>>, %arg8: memref<157x128xi32, #tpu.memory_space<vmem>>, %arg9: memref<128x32xf32, #tpu.memory_space<vmem>>, %arg10: memref<128x32xf32, #tpu.memory_space<vmem>>, %arg11: memref<40008x32xf32, #tpu.memory_space<vmem_shared>>, %arg12: memref<!tpu.dma_semaphore, #tpu.memory_space<semaphore_mem>>, %arg13: memref<!tpu.dma_semaphore, #tpu.memory_space<semaphore_mem>>) attributes {dimension_semantics = [#tpu.dimension_semantics<core_parallel>, #tpu.dimension_semantics<subcore_parallel>], iteration_bounds = array<i64: 2, 16>, scalar_prefetch = 0 : i64, scratch_operands = 7 : i64, tpu.core_type = #tpu.core_type<sc_vector_subcore>, window_params = [{transform_indices = #map}, {transform_indices = #map1}, {transform_indices = #map2}, {transform_indices = #map}, {transform_indices = #map2}]} {
    "tpu.region"() ({
      %run_scoped3A_78 = tpu.sem_alloc : memref<!tpu.dma_semaphore, #tpu.memory_space<semaphore_mem>>
      %dma_start3A_79 = arith.constant 0 : i32
      %dma_start3A_80 = arith.constant 0 : i32
      %dma_start3A_81 = tpu.memref_slice %arg4[%arg1, %dma_start3A_79, %dma_start3A_80] : memref<16x157x128xi32, #tpu.memory_space<hbm>> -> memref<1x157x128xi32, #tpu.memory_space<hbm>>
      %dma_start3A_82 = tpu.memref_squeeze %dma_start3A_81 : memref<1x157x128xi32, #tpu.memory_space<hbm>> -> memref<157x128xi32, #tpu.memory_space<hbm>>
      %dma_start3A_83 = arith.constant 0 : i32
      %dma_start3A_84 = arith.constant 0 : i32
      %dma_start3A_85 = tpu.memref_slice %arg4[%arg1, %dma_start3A_83, %dma_start3A_84] : memref<16x157x128xi32, #tpu.memory_space<hbm>> -> memref<1x157x128xi32, #tpu.memory_space<hbm>>
      %dma_start3A_86 = tpu.memref_squeeze %dma_start3A_85 : memref<1x157x128xi32, #tpu.memory_space<hbm>> -> memref<157x128xi32, #tpu.memory_space<hbm>>
      tpu.enqueue_dma source(%dma_start3A_86 : memref<157x128xi32, #tpu.memory_space<hbm>>) target(%arg8 : memref<157x128xi32, #tpu.memory_space<vmem>>) target_semaphore(%run_scoped3A_78 : memref<!tpu.dma_semaphore, #tpu.memory_space<semaphore_mem>>)
      %dma_wait3A_87 = arith.constant 0 : i32
      %dma_wait3A_88 = arith.constant 0 : i32
      %dma_wait3A_89 = tpu.memref_slice %arg4[%arg1, %dma_wait3A_87, %dma_wait3A_88] : memref<16x157x128xi32, #tpu.memory_space<hbm>> -> memref<1x157x128xi32, #tpu.memory_space<hbm>>
      %dma_wait3A_90 = tpu.memref_squeeze %dma_wait3A_89 : memref<1x157x128xi32, #tpu.memory_space<hbm>> -> memref<157x128xi32, #tpu.memory_space<hbm>>
      %dma_wait3A_91 = arith.constant 0 : i32
      %dma_wait3A_92 = arith.constant 0 : i32
      %dma_wait3A_93 = tpu.memref_slice %arg4[%arg1, %dma_wait3A_91, %dma_wait3A_92] : memref<16x157x128xi32, #tpu.memory_space<hbm>> -> memref<1x157x128xi32, #tpu.memory_space<hbm>>
      %dma_wait3A_94 = tpu.memref_squeeze %dma_wait3A_93 : memref<1x157x128xi32, #tpu.memory_space<hbm>> -> memref<157x128xi32, #tpu.memory_space<hbm>>
      tpu.wait_dma2 semaphore(%run_scoped3A_78 : memref<!tpu.dma_semaphore, #tpu.memory_space<semaphore_mem>>) src(%dma_wait3A_94 : memref<157x128xi32, #tpu.memory_space<hbm>>) dst(%arg8 : memref<157x128xi32, #tpu.memory_space<vmem>>)
      tpu.yield
    }) : () -> ()
    %mul3A = arith.constant 2 : i32
    %mul3A_0 = arith.muli %mul3A, %arg0 : i32
    %add3A = arith.constant 0 : i32
    %add3A_1 = arith.addi %mul3A_0, %add3A : i32
    "tpu.region"() ({
      %run_scoped3A_78 = tpu.sem_alloc : memref<!tpu.dma_semaphore, #tpu.memory_space<semaphore_mem>>
      %dma_start3A_79 = arith.constant 0 : i32
      %dma_start3A_80 = arith.constant 0 : i32
      %dma_start3A_81 = tpu.memref_slice %arg3[%add3A_1, %arg1, %dma_start3A_79, %dma_start3A_80] : memref<4x16x157x128xi32, #tpu.memory_space<hbm>> -> memref<1x1x157x128xi32, #tpu.memory_space<hbm>>
      %dma_start3A_82 = tpu.memref_squeeze %dma_start3A_81 : memref<1x1x157x128xi32, #tpu.memory_space<hbm>> -> memref<157x128xi32, #tpu.memory_space<hbm>>
      %dma_start3A_83 = arith.constant 0 : i32
      %dma_start3A_84 = arith.constant 0 : i32
      %dma_start3A_85 = tpu.memref_slice %arg3[%add3A_1, %arg1, %dma_start3A_83, %dma_start3A_84] : memref<4x16x157x128xi32, #tpu.memory_space<hbm>> -> memref<1x1x157x128xi32, #tpu.memory_space<hbm>>
      %dma_start3A_86 = tpu.memref_squeeze %dma_start3A_85 : memref<1x1x157x128xi32, #tpu.memory_space<hbm>> -> memref<157x128xi32, #tpu.memory_space<hbm>>
      tpu.enqueue_dma source(%dma_start3A_86 : memref<157x128xi32, #tpu.memory_space<hbm>>) target(%arg7 : memref<157x128xi32, #tpu.memory_space<vmem>>) target_semaphore(%run_scoped3A_78 : memref<!tpu.dma_semaphore, #tpu.memory_space<semaphore_mem>>)
      %dma_wait3A_87 = arith.constant 0 : i32
      %dma_wait3A_88 = arith.constant 0 : i32
      %dma_wait3A_89 = tpu.memref_slice %arg3[%add3A_1, %arg1, %dma_wait3A_87, %dma_wait3A_88] : memref<4x16x157x128xi32, #tpu.memory_space<hbm>> -> memref<1x1x157x128xi32, #tpu.memory_space<hbm>>
      %dma_wait3A_90 = tpu.memref_squeeze %dma_wait3A_89 : memref<1x1x157x128xi32, #tpu.memory_space<hbm>> -> memref<157x128xi32, #tpu.memory_space<hbm>>
      %dma_wait3A_91 = arith.constant 0 : i32
      %dma_wait3A_92 = arith.constant 0 : i32
      %dma_wait3A_93 = tpu.memref_slice %arg3[%add3A_1, %arg1, %dma_wait3A_91, %dma_wait3A_92] : memref<4x16x157x128xi32, #tpu.memory_space<hbm>> -> memref<1x1x157x128xi32, #tpu.memory_space<hbm>>
      %dma_wait3A_94 = tpu.memref_squeeze %dma_wait3A_93 : memref<1x1x157x128xi32, #tpu.memory_space<hbm>> -> memref<157x128xi32, #tpu.memory_space<hbm>>
      tpu.wait_dma2 semaphore(%run_scoped3A_78 : memref<!tpu.dma_semaphore, #tpu.memory_space<semaphore_mem>>) src(%dma_wait3A_94 : memref<157x128xi32, #tpu.memory_space<hbm>>) dst(%arg7 : memref<157x128xi32, #tpu.memory_space<vmem>>)
      tpu.yield
    }) : () -> ()
    %mul3A_2 = arith.constant 2496 : i32
    %mul3A_3 = arith.muli %arg1, %mul3A_2 : i32
    "tpu.region"() ({
      %run_scoped3A_78 = tpu.sem_alloc : memref<!tpu.dma_semaphore, #tpu.memory_space<semaphore_mem>>
      %dma_start3A_79 = arith.constant 0 : i32
      %dma_start3A_80 = tpu.memref_slice %arg11[%mul3A_3, %dma_start3A_79] : memref<40008x32xf32, #tpu.memory_space<vmem_shared>> -> memref<2496x32xf32, #tpu.memory_space<vmem_shared>>
      tpu.enqueue_dma source(%arg5 : memref<2496x32xf32, #tpu.memory_space<hbm>>) target(%dma_start3A_80 : memref<2496x32xf32, #tpu.memory_space<vmem_shared>>) target_semaphore(%run_scoped3A_78 : memref<!tpu.dma_semaphore, #tpu.memory_space<semaphore_mem>>)
      %dma_wait3A_81 = arith.constant 0 : i32
      %dma_wait3A_82 = tpu.memref_slice %arg11[%mul3A_3, %dma_wait3A_81] : memref<40008x32xf32, #tpu.memory_space<vmem_shared>> -> memref<2496x32xf32, #tpu.memory_space<vmem_shared>>
      tpu.wait_dma2 semaphore(%run_scoped3A_78 : memref<!tpu.dma_semaphore, #tpu.memory_space<semaphore_mem>>) src(%arg5 : memref<2496x32xf32, #tpu.memory_space<hbm>>) dst(%dma_wait3A_82 : memref<2496x32xf32, #tpu.memory_space<vmem_shared>>)
      tpu.yield
    }) : () -> ()
    %lt3A = arith.constant 8 : i32
    %lt3A_4 = arith.cmpi slt, %arg1, %lt3A : i32
    %convert_element_type3A = arith.extui %lt3A_4 : i1 to i32
    %cond3A = arith.constant 0 : i32
    %cond3A_5 = arith.cmpi ne, %convert_element_type3A, %cond3A : i32
    scf.if %cond3A_5 {
      %mul3A_78 = arith.constant 8 : i32
      %mul3A_79 = arith.muli %arg1, %mul3A_78 : i32
      %add3A_80 = arith.constant 39936 : i32
      %add3A_81 = arith.addi %add3A_80, %mul3A_79 : i32
      "tpu.region"() ({
        %run_scoped3A_82 = tpu.sem_alloc : memref<!tpu.dma_semaphore, #tpu.memory_space<semaphore_mem>>
        %dma_start3A_83 = arith.constant 0 : i32
        %dma_start3A_84 = tpu.memref_slice %arg11[%add3A_81, %dma_start3A_83] : memref<40008x32xf32, #tpu.memory_space<vmem_shared>> -> memref<8x32xf32, #tpu.memory_space<vmem_shared>>
        %dma_start3A_85 = arith.constant 0 : i32
        %dma_start3A_86 = arith.constant 0 : i32
        %dma_start3A_87 = tpu.memref_slice %arg5[%dma_start3A_85, %dma_start3A_86] : memref<2496x32xf32, #tpu.memory_space<hbm>> -> memref<8x32xf32, #tpu.memory_space<hbm>>
        tpu.enqueue_dma source(%dma_start3A_87 : memref<8x32xf32, #tpu.memory_space<hbm>>) target(%dma_start3A_84 : memref<8x32xf32, #tpu.memory_space<vmem_shared>>) target_semaphore(%run_scoped3A_82 : memref<!tpu.dma_semaphore, #tpu.memory_space<semaphore_mem>>)
        %dma_wait3A_88 = arith.constant 0 : i32
        %dma_wait3A_89 = tpu.memref_slice %arg11[%add3A_81, %dma_wait3A_88] : memref<40008x32xf32, #tpu.memory_space<vmem_shared>> -> memref<8x32xf32, #tpu.memory_space<vmem_shared>>
        %dma_wait3A_90 = arith.constant 0 : i32
        %dma_wait3A_91 = arith.constant 0 : i32
        %dma_wait3A_92 = tpu.memref_slice %arg5[%dma_wait3A_90, %dma_wait3A_91] : memref<2496x32xf32, #tpu.memory_space<hbm>> -> memref<8x32xf32, #tpu.memory_space<hbm>>
        tpu.wait_dma2 semaphore(%run_scoped3A_82 : memref<!tpu.dma_semaphore, #tpu.memory_space<semaphore_mem>>) src(%dma_wait3A_92 : memref<8x32xf32, #tpu.memory_space<hbm>>) dst(%dma_wait3A_89 : memref<8x32xf32, #tpu.memory_space<vmem_shared>>)
        tpu.yield
      }) : () -> ()
    } else {
    }
    %barrier3A = arith.constant 0 : index
    tpu.barrier barrier_id(%barrier3A)
    %dma_start3A = arith.constant 0 : i32
    %dma_start3A_6 = arith.constant 0 : i32
    %dma_start3A_7 = tpu.memref_slice %arg7[%dma_start3A, %dma_start3A_6] : memref<157x128xi32, #tpu.memory_space<vmem>> -> memref<1x128xi32, #tpu.memory_space<vmem>>
    %dma_start3A_8 = tpu.memref_squeeze %dma_start3A_7 : memref<1x128xi32, #tpu.memory_space<vmem>> -> memref<128xi32, #tpu.memory_space<vmem>>
    %dma_start3A_9 = arith.constant 0 : i32
    %dma_start3A_10 = arith.constant 0 : i32
    %dma_start3A_11 = tpu.memref_slice %arg2[%dma_start3A_9, %dma_start3A_10] : memref<40000x32xf32, #tpu.memory_space<hbm>> -> memref<40000x32xf32, #tpu.memory_space<hbm>>
    tpu.enqueue_indirect_dma source(%dma_start3A_11 : memref<40000x32xf32, #tpu.memory_space<hbm>>) target(%arg9 : memref<128x32xf32, #tpu.memory_space<vmem>>) offsets(%dma_start3A_8 : memref<128xi32, #tpu.memory_space<vmem>>) semaphore(%arg12 : memref<!tpu.dma_semaphore, #tpu.memory_space<semaphore_mem>>)
    %scan3A = arith.constant 0 : i32
    %scan3A_12 = arith.constant 0 : i32
    %scan3A_13 = arith.constant 78 : i32
    %scan3A_14 = arith.addi %scan3A_12, %scan3A_13 : i32
    %scan3A_15 = arith.constant 1 : i32
    scf.for %scan3A_78 = %scan3A_12 to %scan3A_14 step %scan3A_15  : i32 {
      %mul3A_79 = arith.constant 2 : i32
      %mul3A_80 = arith.muli %mul3A_79, %scan3A_78 : i32
      %add3A_81 = arith.constant 1 : i32
      %add3A_82 = arith.addi %mul3A_80, %add3A_81 : i32
      %dma_start3A_83 = arith.constant 0 : i32
      %dma_start3A_84 = tpu.memref_slice %arg7[%add3A_82, %dma_start3A_83] : memref<157x128xi32, #tpu.memory_space<vmem>> -> memref<1x128xi32, #tpu.memory_space<vmem>>
      %dma_start3A_85 = tpu.memref_squeeze %dma_start3A_84 : memref<1x128xi32, #tpu.memory_space<vmem>> -> memref<128xi32, #tpu.memory_space<vmem>>
      %dma_start3A_86 = arith.constant 0 : i32
      %dma_start3A_87 = arith.constant 0 : i32
      %dma_start3A_88 = tpu.memref_slice %arg2[%dma_start3A_86, %dma_start3A_87] : memref<40000x32xf32, #tpu.memory_space<hbm>> -> memref<40000x32xf32, #tpu.memory_space<hbm>>
      tpu.enqueue_indirect_dma source(%dma_start3A_88 : memref<40000x32xf32, #tpu.memory_space<hbm>>) target(%arg10 : memref<128x32xf32, #tpu.memory_space<vmem>>) offsets(%dma_start3A_85 : memref<128xi32, #tpu.memory_space<vmem>>) semaphore(%arg13 : memref<!tpu.dma_semaphore, #tpu.memory_space<semaphore_mem>>)
      %dma_wait3A_89 = arith.constant 0 : i32
      %dma_wait3A_90 = tpu.memref_slice %arg7[%mul3A_80, %dma_wait3A_89] : memref<157x128xi32, #tpu.memory_space<vmem>> -> memref<1x128xi32, #tpu.memory_space<vmem>>
      %dma_wait3A_91 = tpu.memref_squeeze %dma_wait3A_90 : memref<1x128xi32, #tpu.memory_space<vmem>> -> memref<128xi32, #tpu.memory_space<vmem>>
      %dma_wait3A_92 = arith.constant 0 : i32
      %dma_wait3A_93 = arith.constant 0 : i32
      %dma_wait3A_94 = tpu.memref_slice %arg2[%dma_wait3A_92, %dma_wait3A_93] : memref<40000x32xf32, #tpu.memory_space<hbm>> -> memref<40000x32xf32, #tpu.memory_space<hbm>>
      tpu.wait_indirect_dma semaphore(%arg12 : memref<!tpu.dma_semaphore, #tpu.memory_space<semaphore_mem>>) src(%dma_wait3A_94 : memref<40000x32xf32, #tpu.memory_space<hbm>>) dst(%arg9 : memref<128x32xf32, #tpu.memory_space<vmem>>)
      "tpu.region"() ({
        %run_scoped3A_109 = tpu.sem_alloc : memref<!tpu.dma_semaphore, #tpu.memory_space<semaphore_mem>>
        %dma_start3A_110 = arith.constant 0 : i32
        %dma_start3A_111 = tpu.memref_slice %arg8[%mul3A_80, %dma_start3A_110] : memref<157x128xi32, #tpu.memory_space<vmem>> -> memref<1x128xi32, #tpu.memory_space<vmem>>
        %dma_start3A_112 = tpu.memref_squeeze %dma_start3A_111 : memref<1x128xi32, #tpu.memory_space<vmem>> -> memref<128xi32, #tpu.memory_space<vmem>>
        %dma_start3A_113 = arith.constant 0 : i32
        %dma_start3A_114 = arith.constant 0 : i32
        %dma_start3A_115 = tpu.memref_slice %arg11[%dma_start3A_113, %dma_start3A_114] : memref<40008x32xf32, #tpu.memory_space<vmem_shared>> -> memref<40008x32xf32, #tpu.memory_space<vmem_shared>>
        tpu.enqueue_indirect_dma source(%arg9 : memref<128x32xf32, #tpu.memory_space<vmem>>) target(%dma_start3A_115 : memref<40008x32xf32, #tpu.memory_space<vmem_shared>>) offsets(%dma_start3A_112 : memref<128xi32, #tpu.memory_space<vmem>>) semaphore(%run_scoped3A_109 : memref<!tpu.dma_semaphore, #tpu.memory_space<semaphore_mem>>) {add = true}
        %dma_wait3A_116 = arith.constant 0 : i32
        %dma_wait3A_117 = tpu.memref_slice %arg8[%mul3A_80, %dma_wait3A_116] : memref<157x128xi32, #tpu.memory_space<vmem>> -> memref<1x128xi32, #tpu.memory_space<vmem>>
        %dma_wait3A_118 = tpu.memref_squeeze %dma_wait3A_117 : memref<1x128xi32, #tpu.memory_space<vmem>> -> memref<128xi32, #tpu.memory_space<vmem>>
        %dma_wait3A_119 = arith.constant 0 : i32
        %dma_wait3A_120 = arith.constant 0 : i32
        %dma_wait3A_121 = tpu.memref_slice %arg11[%dma_wait3A_119, %dma_wait3A_120] : memref<40008x32xf32, #tpu.memory_space<vmem_shared>> -> memref<40008x32xf32, #tpu.memory_space<vmem_shared>>
        tpu.wait_indirect_dma semaphore(%run_scoped3A_109 : memref<!tpu.dma_semaphore, #tpu.memory_space<semaphore_mem>>) src(%arg9 : memref<128x32xf32, #tpu.memory_space<vmem>>) dst(%dma_wait3A_121 : memref<40008x32xf32, #tpu.memory_space<vmem_shared>>)
        tpu.yield
      }) : () -> ()
      %add3A_95 = arith.constant 2 : i32
      %add3A_96 = arith.addi %mul3A_80, %add3A_95 : i32
      %dma_start3A_97 = arith.constant 0 : i32
      %dma_start3A_98 = tpu.memref_slice %arg7[%add3A_96, %dma_start3A_97] : memref<157x128xi32, #tpu.memory_space<vmem>> -> memref<1x128xi32, #tpu.memory_space<vmem>>
      %dma_start3A_99 = tpu.memref_squeeze %dma_start3A_98 : memref<1x128xi32, #tpu.memory_space<vmem>> -> memref<128xi32, #tpu.memory_space<vmem>>
      %dma_start3A_100 = arith.constant 0 : i32
      %dma_start3A_101 = arith.constant 0 : i32
      %dma_start3A_102 = tpu.memref_slice %arg2[%dma_start3A_100, %dma_start3A_101] : memref<40000x32xf32, #tpu.memory_space<hbm>> -> memref<40000x32xf32, #tpu.memory_space<hbm>>
      tpu.enqueue_indirect_dma source(%dma_start3A_102 : memref<40000x32xf32, #tpu.memory_space<hbm>>) target(%arg9 : memref<128x32xf32, #tpu.memory_space<vmem>>) offsets(%dma_start3A_99 : memref<128xi32, #tpu.memory_space<vmem>>) semaphore(%arg12 : memref<!tpu.dma_semaphore, #tpu.memory_space<semaphore_mem>>)
      %dma_wait3A_103 = arith.constant 0 : i32
      %dma_wait3A_104 = tpu.memref_slice %arg7[%add3A_82, %dma_wait3A_103] : memref<157x128xi32, #tpu.memory_space<vmem>> -> memref<1x128xi32, #tpu.memory_space<vmem>>
      %dma_wait3A_105 = tpu.memref_squeeze %dma_wait3A_104 : memref<1x128xi32, #tpu.memory_space<vmem>> -> memref<128xi32, #tpu.memory_space<vmem>>
      %dma_wait3A_106 = arith.constant 0 : i32
      %dma_wait3A_107 = arith.constant 0 : i32
      %dma_wait3A_108 = tpu.memref_slice %arg2[%dma_wait3A_106, %dma_wait3A_107] : memref<40000x32xf32, #tpu.memory_space<hbm>> -> memref<40000x32xf32, #tpu.memory_space<hbm>>
      tpu.wait_indirect_dma semaphore(%arg13 : memref<!tpu.dma_semaphore, #tpu.memory_space<semaphore_mem>>) src(%dma_wait3A_108 : memref<40000x32xf32, #tpu.memory_space<hbm>>) dst(%arg10 : memref<128x32xf32, #tpu.memory_space<vmem>>)
      "tpu.region"() ({
        %run_scoped3A_109 = tpu.sem_alloc : memref<!tpu.dma_semaphore, #tpu.memory_space<semaphore_mem>>
        %dma_start3A_110 = arith.constant 0 : i32
        %dma_start3A_111 = tpu.memref_slice %arg8[%add3A_82, %dma_start3A_110] : memref<157x128xi32, #tpu.memory_space<vmem>> -> memref<1x128xi32, #tpu.memory_space<vmem>>
        %dma_start3A_112 = tpu.memref_squeeze %dma_start3A_111 : memref<1x128xi32, #tpu.memory_space<vmem>> -> memref<128xi32, #tpu.memory_space<vmem>>
        %dma_start3A_113 = arith.constant 0 : i32
        %dma_start3A_114 = arith.constant 0 : i32
        %dma_start3A_115 = tpu.memref_slice %arg11[%dma_start3A_113, %dma_start3A_114] : memref<40008x32xf32, #tpu.memory_space<vmem_shared>> -> memref<40008x32xf32, #tpu.memory_space<vmem_shared>>
        tpu.enqueue_indirect_dma source(%arg10 : memref<128x32xf32, #tpu.memory_space<vmem>>) target(%dma_start3A_115 : memref<40008x32xf32, #tpu.memory_space<vmem_shared>>) offsets(%dma_start3A_112 : memref<128xi32, #tpu.memory_space<vmem>>) semaphore(%run_scoped3A_109 : memref<!tpu.dma_semaphore, #tpu.memory_space<semaphore_mem>>) {add = true}
        %dma_wait3A_116 = arith.constant 0 : i32
        %dma_wait3A_117 = tpu.memref_slice %arg8[%add3A_82, %dma_wait3A_116] : memref<157x128xi32, #tpu.memory_space<vmem>> -> memref<1x128xi32, #tpu.memory_space<vmem>>
        %dma_wait3A_118 = tpu.memref_squeeze %dma_wait3A_117 : memref<1x128xi32, #tpu.memory_space<vmem>> -> memref<128xi32, #tpu.memory_space<vmem>>
        %dma_wait3A_119 = arith.constant 0 : i32
        %dma_wait3A_120 = arith.constant 0 : i32
        %dma_wait3A_121 = tpu.memref_slice %arg11[%dma_wait3A_119, %dma_wait3A_120] : memref<40008x32xf32, #tpu.memory_space<vmem_shared>> -> memref<40008x32xf32, #tpu.memory_space<vmem_shared>>
        tpu.wait_indirect_dma semaphore(%run_scoped3A_109 : memref<!tpu.dma_semaphore, #tpu.memory_space<semaphore_mem>>) src(%arg10 : memref<128x32xf32, #tpu.memory_space<vmem>>) dst(%dma_wait3A_121 : memref<40008x32xf32, #tpu.memory_space<vmem_shared>>)
        tpu.yield
      }) : () -> ()
    }
    %scan3A_16 = arith.constant 78 : i32
    %dma_wait3A = arith.constant 156 : i32
    %dma_wait3A_17 = arith.constant 0 : i32
    %dma_wait3A_18 = tpu.memref_slice %arg7[%dma_wait3A, %dma_wait3A_17] : memref<157x128xi32, #tpu.memory_space<vmem>> -> memref<1x128xi32, #tpu.memory_space<vmem>>
    %dma_wait3A_19 = tpu.memref_squeeze %dma_wait3A_18 : memref<1x128xi32, #tpu.memory_space<vmem>> -> memref<128xi32, #tpu.memory_space<vmem>>
    %dma_wait3A_20 = arith.constant 0 : i32
    %dma_wait3A_21 = arith.constant 0 : i32
    %dma_wait3A_22 = tpu.memref_slice %arg2[%dma_wait3A_20, %dma_wait3A_21] : memref<40000x32xf32, #tpu.memory_space<hbm>> -> memref<40000x32xf32, #tpu.memory_space<hbm>>
    tpu.wait_indirect_dma semaphore(%arg12 : memref<!tpu.dma_semaphore, #tpu.memory_space<semaphore_mem>>) src(%dma_wait3A_22 : memref<40000x32xf32, #tpu.memory_space<hbm>>) dst(%arg9 : memref<128x32xf32, #tpu.memory_space<vmem>>)
    %run_scoped3A = arith.constant 156 : i32
    "tpu.region"() ({
      %run_scoped3A_78 = tpu.sem_alloc : memref<!tpu.dma_semaphore, #tpu.memory_space<semaphore_mem>>
      %dma_start3A_79 = arith.constant 0 : i32
      %dma_start3A_80 = tpu.memref_slice %arg8[%run_scoped3A, %dma_start3A_79] : memref<157x128xi32, #tpu.memory_space<vmem>> -> memref<1x128xi32, #tpu.memory_space<vmem>>
      %dma_start3A_81 = tpu.memref_squeeze %dma_start3A_80 : memref<1x128xi32, #tpu.memory_space<vmem>> -> memref<128xi32, #tpu.memory_space<vmem>>
      %dma_start3A_82 = arith.constant 0 : i32
      %dma_start3A_83 = arith.constant 0 : i32
      %dma_start3A_84 = tpu.memref_slice %arg11[%dma_start3A_82, %dma_start3A_83] : memref<40008x32xf32, #tpu.memory_space<vmem_shared>> -> memref<40008x32xf32, #tpu.memory_space<vmem_shared>>
      tpu.enqueue_indirect_dma source(%arg9 : memref<128x32xf32, #tpu.memory_space<vmem>>) target(%dma_start3A_84 : memref<40008x32xf32, #tpu.memory_space<vmem_shared>>) offsets(%dma_start3A_81 : memref<128xi32, #tpu.memory_space<vmem>>) semaphore(%run_scoped3A_78 : memref<!tpu.dma_semaphore, #tpu.memory_space<semaphore_mem>>) {add = true}
      %dma_wait3A_85 = arith.constant 0 : i32
      %dma_wait3A_86 = tpu.memref_slice %arg8[%run_scoped3A, %dma_wait3A_85] : memref<157x128xi32, #tpu.memory_space<vmem>> -> memref<1x128xi32, #tpu.memory_space<vmem>>
      %dma_wait3A_87 = tpu.memref_squeeze %dma_wait3A_86 : memref<1x128xi32, #tpu.memory_space<vmem>> -> memref<128xi32, #tpu.memory_space<vmem>>
      %dma_wait3A_88 = arith.constant 0 : i32
      %dma_wait3A_89 = arith.constant 0 : i32
      %dma_wait3A_90 = tpu.memref_slice %arg11[%dma_wait3A_88, %dma_wait3A_89] : memref<40008x32xf32, #tpu.memory_space<vmem_shared>> -> memref<40008x32xf32, #tpu.memory_space<vmem_shared>>
      tpu.wait_indirect_dma semaphore(%run_scoped3A_78 : memref<!tpu.dma_semaphore, #tpu.memory_space<semaphore_mem>>) src(%arg9 : memref<128x32xf32, #tpu.memory_space<vmem>>) dst(%dma_wait3A_90 : memref<40008x32xf32, #tpu.memory_space<vmem_shared>>)
      tpu.yield
    }) : () -> ()
    %barrier3A_23 = arith.constant 0 : index
    tpu.barrier barrier_id(%barrier3A_23)
    %mul3A_24 = arith.constant 2496 : i32
    %mul3A_25 = arith.muli %arg1, %mul3A_24 : i32
    %mul3A_26 = arith.constant 2496 : i32
    %mul3A_27 = arith.muli %arg1, %mul3A_26 : i32
    "tpu.region"() ({
      %run_scoped3A_78 = tpu.sem_alloc : memref<!tpu.dma_semaphore, #tpu.memory_space<semaphore_mem>>
      %dma_start3A_79 = arith.constant 0 : i32
      %dma_start3A_80 = tpu.memref_slice %arg6[%add3A_1, %mul3A_27, %dma_start3A_79] : memref<4x40000x32xf32, #tpu.memory_space<hbm>> -> memref<1x2496x32xf32, #tpu.memory_space<hbm>>
      %dma_start3A_81 = tpu.memref_squeeze %dma_start3A_80 : memref<1x2496x32xf32, #tpu.memory_space<hbm>> -> memref<2496x32xf32, #tpu.memory_space<hbm>>
      %dma_start3A_82 = arith.constant 0 : i32
      %dma_start3A_83 = tpu.memref_slice %arg11[%mul3A_25, %dma_start3A_82] : memref<40008x32xf32, #tpu.memory_space<vmem_shared>> -> memref<2496x32xf32, #tpu.memory_space<vmem_shared>>
      tpu.enqueue_dma source(%dma_start3A_83 : memref<2496x32xf32, #tpu.memory_space<vmem_shared>>) target(%dma_start3A_81 : memref<2496x32xf32, #tpu.memory_space<hbm>>) target_semaphore(%run_scoped3A_78 : memref<!tpu.dma_semaphore, #tpu.memory_space<semaphore_mem>>)
      %dma_wait3A_84 = arith.constant 0 : i32
      %dma_wait3A_85 = tpu.memref_slice %arg6[%add3A_1, %mul3A_27, %dma_wait3A_84] : memref<4x40000x32xf32, #tpu.memory_space<hbm>> -> memref<1x2496x32xf32, #tpu.memory_space<hbm>>
      %dma_wait3A_86 = tpu.memref_squeeze %dma_wait3A_85 : memref<1x2496x32xf32, #tpu.memory_space<hbm>> -> memref<2496x32xf32, #tpu.memory_space<hbm>>
      %dma_wait3A_87 = arith.constant 0 : i32
      %dma_wait3A_88 = tpu.memref_slice %arg11[%mul3A_25, %dma_wait3A_87] : memref<40008x32xf32, #tpu.memory_space<vmem_shared>> -> memref<2496x32xf32, #tpu.memory_space<vmem_shared>>
      tpu.wait_dma2 semaphore(%run_scoped3A_78 : memref<!tpu.dma_semaphore, #tpu.memory_space<semaphore_mem>>) src(%dma_wait3A_88 : memref<2496x32xf32, #tpu.memory_space<vmem_shared>>) dst(%dma_wait3A_86 : memref<2496x32xf32, #tpu.memory_space<hbm>>)
      tpu.yield
    }) : () -> ()
    %lt3A_28 = arith.constant 8 : i32
    %lt3A_29 = arith.cmpi slt, %arg1, %lt3A_28 : i32
    %convert_element_type3A_30 = arith.extui %lt3A_29 : i1 to i32
    %cond3A_31 = arith.constant 0 : i32
    %cond3A_32 = arith.cmpi ne, %convert_element_type3A_30, %cond3A_31 : i32
    scf.if %cond3A_32 {
      %mul3A_78 = arith.constant 8 : i32
      %mul3A_79 = arith.muli %arg1, %mul3A_78 : i32
      %add3A_80 = arith.constant 39936 : i32
      %add3A_81 = arith.addi %add3A_80, %mul3A_79 : i32
      %mul3A_82 = arith.constant 8 : i32
      %mul3A_83 = arith.muli %arg1, %mul3A_82 : i32
      %add3A_84 = arith.constant 39936 : i32
      %add3A_85 = arith.addi %add3A_84, %mul3A_83 : i32
      "tpu.region"() ({
        %run_scoped3A_86 = tpu.sem_alloc : memref<!tpu.dma_semaphore, #tpu.memory_space<semaphore_mem>>
        %dma_start3A_87 = arith.constant 0 : i32
        %dma_start3A_88 = tpu.memref_slice %arg6[%add3A_1, %add3A_85, %dma_start3A_87] : memref<4x40000x32xf32, #tpu.memory_space<hbm>> -> memref<1x8x32xf32, #tpu.memory_space<hbm>>
        %dma_start3A_89 = tpu.memref_squeeze %dma_start3A_88 : memref<1x8x32xf32, #tpu.memory_space<hbm>> -> memref<8x32xf32, #tpu.memory_space<hbm>>
        %dma_start3A_90 = arith.constant 0 : i32
        %dma_start3A_91 = tpu.memref_slice %arg11[%add3A_81, %dma_start3A_90] : memref<40008x32xf32, #tpu.memory_space<vmem_shared>> -> memref<8x32xf32, #tpu.memory_space<vmem_shared>>
        tpu.enqueue_dma source(%dma_start3A_91 : memref<8x32xf32, #tpu.memory_space<vmem_shared>>) target(%dma_start3A_89 : memref<8x32xf32, #tpu.memory_space<hbm>>) target_semaphore(%run_scoped3A_86 : memref<!tpu.dma_semaphore, #tpu.memory_space<semaphore_mem>>)
        %dma_wait3A_92 = arith.constant 0 : i32
        %dma_wait3A_93 = tpu.memref_slice %arg6[%add3A_1, %add3A_85, %dma_wait3A_92] : memref<4x40000x32xf32, #tpu.memory_space<hbm>> -> memref<1x8x32xf32, #tpu.memory_space<hbm>>
        %dma_wait3A_94 = tpu.memref_squeeze %dma_wait3A_93 : memref<1x8x32xf32, #tpu.memory_space<hbm>> -> memref<8x32xf32, #tpu.memory_space<hbm>>
        %dma_wait3A_95 = arith.constant 0 : i32
        %dma_wait3A_96 = tpu.memref_slice %arg11[%add3A_81, %dma_wait3A_95] : memref<40008x32xf32, #tpu.memory_space<vmem_shared>> -> memref<8x32xf32, #tpu.memory_space<vmem_shared>>
        tpu.wait_dma2 semaphore(%run_scoped3A_86 : memref<!tpu.dma_semaphore, #tpu.memory_space<semaphore_mem>>) src(%dma_wait3A_96 : memref<8x32xf32, #tpu.memory_space<vmem_shared>>) dst(%dma_wait3A_94 : memref<8x32xf32, #tpu.memory_space<hbm>>)
        tpu.yield
      }) : () -> ()
    } else {
    }
    %barrier3A_33 = arith.constant 0 : index
    tpu.barrier barrier_id(%barrier3A_33)
    %mul3A_34 = arith.constant 2 : i32
    %mul3A_35 = arith.muli %mul3A_34, %arg0 : i32
    %add3A_36 = arith.constant 1 : i32
    %add3A_37 = arith.addi %mul3A_35, %add3A_36 : i32
    "tpu.region"() ({
      %run_scoped3A_78 = tpu.sem_alloc : memref<!tpu.dma_semaphore, #tpu.memory_space<semaphore_mem>>
      %dma_start3A_79 = arith.constant 0 : i32
      %dma_start3A_80 = arith.constant 0 : i32
      %dma_start3A_81 = tpu.memref_slice %arg3[%add3A_37, %arg1, %dma_start3A_79, %dma_start3A_80] : memref<4x16x157x128xi32, #tpu.memory_space<hbm>> -> memref<1x1x157x128xi32, #tpu.memory_space<hbm>>
      %dma_start3A_82 = tpu.memref_squeeze %dma_start3A_81 : memref<1x1x157x128xi32, #tpu.memory_space<hbm>> -> memref<157x128xi32, #tpu.memory_space<hbm>>
      %dma_start3A_83 = arith.constant 0 : i32
      %dma_start3A_84 = arith.constant 0 : i32
      %dma_start3A_85 = tpu.memref_slice %arg3[%add3A_37, %arg1, %dma_start3A_83, %dma_start3A_84] : memref<4x16x157x128xi32, #tpu.memory_space<hbm>> -> memref<1x1x157x128xi32, #tpu.memory_space<hbm>>
      %dma_start3A_86 = tpu.memref_squeeze %dma_start3A_85 : memref<1x1x157x128xi32, #tpu.memory_space<hbm>> -> memref<157x128xi32, #tpu.memory_space<hbm>>
      tpu.enqueue_dma source(%dma_start3A_86 : memref<157x128xi32, #tpu.memory_space<hbm>>) target(%arg7 : memref<157x128xi32, #tpu.memory_space<vmem>>) target_semaphore(%run_scoped3A_78 : memref<!tpu.dma_semaphore, #tpu.memory_space<semaphore_mem>>)
      %dma_wait3A_87 = arith.constant 0 : i32
      %dma_wait3A_88 = arith.constant 0 : i32
      %dma_wait3A_89 = tpu.memref_slice %arg3[%add3A_37, %arg1, %dma_wait3A_87, %dma_wait3A_88] : memref<4x16x157x128xi32, #tpu.memory_space<hbm>> -> memref<1x1x157x128xi32, #tpu.memory_space<hbm>>
      %dma_wait3A_90 = tpu.memref_squeeze %dma_wait3A_89 : memref<1x1x157x128xi32, #tpu.memory_space<hbm>> -> memref<157x128xi32, #tpu.memory_space<hbm>>
      %dma_wait3A_91 = arith.constant 0 : i32
      %dma_wait3A_92 = arith.constant 0 : i32
      %dma_wait3A_93 = tpu.memref_slice %arg3[%add3A_37, %arg1, %dma_wait3A_91, %dma_wait3A_92] : memref<4x16x157x128xi32, #tpu.memory_space<hbm>> -> memref<1x1x157x128xi32, #tpu.memory_space<hbm>>
      %dma_wait3A_94 = tpu.memref_squeeze %dma_wait3A_93 : memref<1x1x157x128xi32, #tpu.memory_space<hbm>> -> memref<157x128xi32, #tpu.memory_space<hbm>>
      tpu.wait_dma2 semaphore(%run_scoped3A_78 : memref<!tpu.dma_semaphore, #tpu.memory_space<semaphore_mem>>) src(%dma_wait3A_94 : memref<157x128xi32, #tpu.memory_space<hbm>>) dst(%arg7 : memref<157x128xi32, #tpu.memory_space<vmem>>)
      tpu.yield
    }) : () -> ()
    %mul3A_38 = arith.constant 2496 : i32
    %mul3A_39 = arith.muli %arg1, %mul3A_38 : i32
    "tpu.region"() ({
      %run_scoped3A_78 = tpu.sem_alloc : memref<!tpu.dma_semaphore, #tpu.memory_space<semaphore_mem>>
      %dma_start3A_79 = arith.constant 0 : i32
      %dma_start3A_80 = tpu.memref_slice %arg11[%mul3A_39, %dma_start3A_79] : memref<40008x32xf32, #tpu.memory_space<vmem_shared>> -> memref<2496x32xf32, #tpu.memory_space<vmem_shared>>
      tpu.enqueue_dma source(%arg5 : memref<2496x32xf32, #tpu.memory_space<hbm>>) target(%dma_start3A_80 : memref<2496x32xf32, #tpu.memory_space<vmem_shared>>) target_semaphore(%run_scoped3A_78 : memref<!tpu.dma_semaphore, #tpu.memory_space<semaphore_mem>>)
      %dma_wait3A_81 = arith.constant 0 : i32
      %dma_wait3A_82 = tpu.memref_slice %arg11[%mul3A_39, %dma_wait3A_81] : memref<40008x32xf32, #tpu.memory_space<vmem_shared>> -> memref<2496x32xf32, #tpu.memory_space<vmem_shared>>
      tpu.wait_dma2 semaphore(%run_scoped3A_78 : memref<!tpu.dma_semaphore, #tpu.memory_space<semaphore_mem>>) src(%arg5 : memref<2496x32xf32, #tpu.memory_space<hbm>>) dst(%dma_wait3A_82 : memref<2496x32xf32, #tpu.memory_space<vmem_shared>>)
      tpu.yield
    }) : () -> ()
    %lt3A_40 = arith.constant 8 : i32
    %lt3A_41 = arith.cmpi slt, %arg1, %lt3A_40 : i32
    %convert_element_type3A_42 = arith.extui %lt3A_41 : i1 to i32
    %cond3A_43 = arith.constant 0 : i32
    %cond3A_44 = arith.cmpi ne, %convert_element_type3A_42, %cond3A_43 : i32
    scf.if %cond3A_44 {
      %mul3A_78 = arith.constant 8 : i32
      %mul3A_79 = arith.muli %arg1, %mul3A_78 : i32
      %add3A_80 = arith.constant 39936 : i32
      %add3A_81 = arith.addi %add3A_80, %mul3A_79 : i32
      "tpu.region"() ({
        %run_scoped3A_82 = tpu.sem_alloc : memref<!tpu.dma_semaphore, #tpu.memory_space<semaphore_mem>>
        %dma_start3A_83 = arith.constant 0 : i32
        %dma_start3A_84 = tpu.memref_slice %arg11[%add3A_81, %dma_start3A_83] : memref<40008x32xf32, #tpu.memory_space<vmem_shared>> -> memref<8x32xf32, #tpu.memory_space<vmem_shared>>
        %dma_start3A_85 = arith.constant 0 : i32
        %dma_start3A_86 = arith.constant 0 : i32
        %dma_start3A_87 = tpu.memref_slice %arg5[%dma_start3A_85, %dma_start3A_86] : memref<2496x32xf32, #tpu.memory_space<hbm>> -> memref<8x32xf32, #tpu.memory_space<hbm>>
        tpu.enqueue_dma source(%dma_start3A_87 : memref<8x32xf32, #tpu.memory_space<hbm>>) target(%dma_start3A_84 : memref<8x32xf32, #tpu.memory_space<vmem_shared>>) target_semaphore(%run_scoped3A_82 : memref<!tpu.dma_semaphore, #tpu.memory_space<semaphore_mem>>)
        %dma_wait3A_88 = arith.constant 0 : i32
        %dma_wait3A_89 = tpu.memref_slice %arg11[%add3A_81, %dma_wait3A_88] : memref<40008x32xf32, #tpu.memory_space<vmem_shared>> -> memref<8x32xf32, #tpu.memory_space<vmem_shared>>
        %dma_wait3A_90 = arith.constant 0 : i32
        %dma_wait3A_91 = arith.constant 0 : i32
        %dma_wait3A_92 = tpu.memref_slice %arg5[%dma_wait3A_90, %dma_wait3A_91] : memref<2496x32xf32, #tpu.memory_space<hbm>> -> memref<8x32xf32, #tpu.memory_space<hbm>>
        tpu.wait_dma2 semaphore(%run_scoped3A_82 : memref<!tpu.dma_semaphore, #tpu.memory_space<semaphore_mem>>) src(%dma_wait3A_92 : memref<8x32xf32, #tpu.memory_space<hbm>>) dst(%dma_wait3A_89 : memref<8x32xf32, #tpu.memory_space<vmem_shared>>)
        tpu.yield
      }) : () -> ()
    } else {
    }
    %barrier3A_45 = arith.constant 0 : index
    tpu.barrier barrier_id(%barrier3A_45)
    %dma_start3A_46 = arith.constant 0 : i32
    %dma_start3A_47 = arith.constant 0 : i32
    %dma_start3A_48 = tpu.memref_slice %arg7[%dma_start3A_46, %dma_start3A_47] : memref<157x128xi32, #tpu.memory_space<vmem>> -> memref<1x128xi32, #tpu.memory_space<vmem>>
    %dma_start3A_49 = tpu.memref_squeeze %dma_start3A_48 : memref<1x128xi32, #tpu.memory_space<vmem>> -> memref<128xi32, #tpu.memory_space<vmem>>
    %dma_start3A_50 = arith.constant 0 : i32
    %dma_start3A_51 = arith.constant 0 : i32
    %dma_start3A_52 = tpu.memref_slice %arg2[%dma_start3A_50, %dma_start3A_51] : memref<40000x32xf32, #tpu.memory_space<hbm>> -> memref<40000x32xf32, #tpu.memory_space<hbm>>
    tpu.enqueue_indirect_dma source(%dma_start3A_52 : memref<40000x32xf32, #tpu.memory_space<hbm>>) target(%arg9 : memref<128x32xf32, #tpu.memory_space<vmem>>) offsets(%dma_start3A_49 : memref<128xi32, #tpu.memory_space<vmem>>) semaphore(%arg12 : memref<!tpu.dma_semaphore, #tpu.memory_space<semaphore_mem>>)
    %scan3A_53 = arith.constant 0 : i32
    %scan3A_54 = arith.constant 0 : i32
    %scan3A_55 = arith.constant 78 : i32
    %scan3A_56 = arith.addi %scan3A_54, %scan3A_55 : i32
    %scan3A_57 = arith.constant 1 : i32
    scf.for %scan3A_78 = %scan3A_54 to %scan3A_56 step %scan3A_57  : i32 {
      %mul3A_79 = arith.constant 2 : i32
      %mul3A_80 = arith.muli %mul3A_79, %scan3A_78 : i32
      %add3A_81 = arith.constant 1 : i32
      %add3A_82 = arith.addi %mul3A_80, %add3A_81 : i32
      %dma_start3A_83 = arith.constant 0 : i32
      %dma_start3A_84 = tpu.memref_slice %arg7[%add3A_82, %dma_start3A_83] : memref<157x128xi32, #tpu.memory_space<vmem>> -> memref<1x128xi32, #tpu.memory_space<vmem>>
      %dma_start3A_85 = tpu.memref_squeeze %dma_start3A_84 : memref<1x128xi32, #tpu.memory_space<vmem>> -> memref<128xi32, #tpu.memory_space<vmem>>
      %dma_start3A_86 = arith.constant 0 : i32
      %dma_start3A_87 = arith.constant 0 : i32
      %dma_start3A_88 = tpu.memref_slice %arg2[%dma_start3A_86, %dma_start3A_87] : memref<40000x32xf32, #tpu.memory_space<hbm>> -> memref<40000x32xf32, #tpu.memory_space<hbm>>
      tpu.enqueue_indirect_dma source(%dma_start3A_88 : memref<40000x32xf32, #tpu.memory_space<hbm>>) target(%arg10 : memref<128x32xf32, #tpu.memory_space<vmem>>) offsets(%dma_start3A_85 : memref<128xi32, #tpu.memory_space<vmem>>) semaphore(%arg13 : memref<!tpu.dma_semaphore, #tpu.memory_space<semaphore_mem>>)
      %dma_wait3A_89 = arith.constant 0 : i32
      %dma_wait3A_90 = tpu.memref_slice %arg7[%mul3A_80, %dma_wait3A_89] : memref<157x128xi32, #tpu.memory_space<vmem>> -> memref<1x128xi32, #tpu.memory_space<vmem>>
      %dma_wait3A_91 = tpu.memref_squeeze %dma_wait3A_90 : memref<1x128xi32, #tpu.memory_space<vmem>> -> memref<128xi32, #tpu.memory_space<vmem>>
      %dma_wait3A_92 = arith.constant 0 : i32
      %dma_wait3A_93 = arith.constant 0 : i32
      %dma_wait3A_94 = tpu.memref_slice %arg2[%dma_wait3A_92, %dma_wait3A_93] : memref<40000x32xf32, #tpu.memory_space<hbm>> -> memref<40000x32xf32, #tpu.memory_space<hbm>>
      tpu.wait_indirect_dma semaphore(%arg12 : memref<!tpu.dma_semaphore, #tpu.memory_space<semaphore_mem>>) src(%dma_wait3A_94 : memref<40000x32xf32, #tpu.memory_space<hbm>>) dst(%arg9 : memref<128x32xf32, #tpu.memory_space<vmem>>)
      "tpu.region"() ({
        %run_scoped3A_109 = tpu.sem_alloc : memref<!tpu.dma_semaphore, #tpu.memory_space<semaphore_mem>>
        %dma_start3A_110 = arith.constant 0 : i32
        %dma_start3A_111 = tpu.memref_slice %arg8[%mul3A_80, %dma_start3A_110] : memref<157x128xi32, #tpu.memory_space<vmem>> -> memref<1x128xi32, #tpu.memory_space<vmem>>
        %dma_start3A_112 = tpu.memref_squeeze %dma_start3A_111 : memref<1x128xi32, #tpu.memory_space<vmem>> -> memref<128xi32, #tpu.memory_space<vmem>>
        %dma_start3A_113 = arith.constant 0 : i32
        %dma_start3A_114 = arith.constant 0 : i32
        %dma_start3A_115 = tpu.memref_slice %arg11[%dma_start3A_113, %dma_start3A_114] : memref<40008x32xf32, #tpu.memory_space<vmem_shared>> -> memref<40008x32xf32, #tpu.memory_space<vmem_shared>>
        tpu.enqueue_indirect_dma source(%arg9 : memref<128x32xf32, #tpu.memory_space<vmem>>) target(%dma_start3A_115 : memref<40008x32xf32, #tpu.memory_space<vmem_shared>>) offsets(%dma_start3A_112 : memref<128xi32, #tpu.memory_space<vmem>>) semaphore(%run_scoped3A_109 : memref<!tpu.dma_semaphore, #tpu.memory_space<semaphore_mem>>) {add = true}
        %dma_wait3A_116 = arith.constant 0 : i32
        %dma_wait3A_117 = tpu.memref_slice %arg8[%mul3A_80, %dma_wait3A_116] : memref<157x128xi32, #tpu.memory_space<vmem>> -> memref<1x128xi32, #tpu.memory_space<vmem>>
        %dma_wait3A_118 = tpu.memref_squeeze %dma_wait3A_117 : memref<1x128xi32, #tpu.memory_space<vmem>> -> memref<128xi32, #tpu.memory_space<vmem>>
        %dma_wait3A_119 = arith.constant 0 : i32
        %dma_wait3A_120 = arith.constant 0 : i32
        %dma_wait3A_121 = tpu.memref_slice %arg11[%dma_wait3A_119, %dma_wait3A_120] : memref<40008x32xf32, #tpu.memory_space<vmem_shared>> -> memref<40008x32xf32, #tpu.memory_space<vmem_shared>>
        tpu.wait_indirect_dma semaphore(%run_scoped3A_109 : memref<!tpu.dma_semaphore, #tpu.memory_space<semaphore_mem>>) src(%arg9 : memref<128x32xf32, #tpu.memory_space<vmem>>) dst(%dma_wait3A_121 : memref<40008x32xf32, #tpu.memory_space<vmem_shared>>)
        tpu.yield
      }) : () -> ()
      %add3A_95 = arith.constant 2 : i32
      %add3A_96 = arith.addi %mul3A_80, %add3A_95 : i32
      %dma_start3A_97 = arith.constant 0 : i32
      %dma_start3A_98 = tpu.memref_slice %arg7[%add3A_96, %dma_start3A_97] : memref<157x128xi32, #tpu.memory_space<vmem>> -> memref<1x128xi32, #tpu.memory_space<vmem>>
      %dma_start3A_99 = tpu.memref_squeeze %dma_start3A_98 : memref<1x128xi32, #tpu.memory_space<vmem>> -> memref<128xi32, #tpu.memory_space<vmem>>
      %dma_start3A_100 = arith.constant 0 : i32
      %dma_start3A_101 = arith.constant 0 : i32
      %dma_start3A_102 = tpu.memref_slice %arg2[%dma_start3A_100, %dma_start3A_101] : memref<40000x32xf32, #tpu.memory_space<hbm>> -> memref<40000x32xf32, #tpu.memory_space<hbm>>
      tpu.enqueue_indirect_dma source(%dma_start3A_102 : memref<40000x32xf32, #tpu.memory_space<hbm>>) target(%arg9 : memref<128x32xf32, #tpu.memory_space<vmem>>) offsets(%dma_start3A_99 : memref<128xi32, #tpu.memory_space<vmem>>) semaphore(%arg12 : memref<!tpu.dma_semaphore, #tpu.memory_space<semaphore_mem>>)
      %dma_wait3A_103 = arith.constant 0 : i32
      %dma_wait3A_104 = tpu.memref_slice %arg7[%add3A_82, %dma_wait3A_103] : memref<157x128xi32, #tpu.memory_space<vmem>> -> memref<1x128xi32, #tpu.memory_space<vmem>>
      %dma_wait3A_105 = tpu.memref_squeeze %dma_wait3A_104 : memref<1x128xi32, #tpu.memory_space<vmem>> -> memref<128xi32, #tpu.memory_space<vmem>>
      %dma_wait3A_106 = arith.constant 0 : i32
      %dma_wait3A_107 = arith.constant 0 : i32
      %dma_wait3A_108 = tpu.memref_slice %arg2[%dma_wait3A_106, %dma_wait3A_107] : memref<40000x32xf32, #tpu.memory_space<hbm>> -> memref<40000x32xf32, #tpu.memory_space<hbm>>
      tpu.wait_indirect_dma semaphore(%arg13 : memref<!tpu.dma_semaphore, #tpu.memory_space<semaphore_mem>>) src(%dma_wait3A_108 : memref<40000x32xf32, #tpu.memory_space<hbm>>) dst(%arg10 : memref<128x32xf32, #tpu.memory_space<vmem>>)
      "tpu.region"() ({
        %run_scoped3A_109 = tpu.sem_alloc : memref<!tpu.dma_semaphore, #tpu.memory_space<semaphore_mem>>
        %dma_start3A_110 = arith.constant 0 : i32
        %dma_start3A_111 = tpu.memref_slice %arg8[%add3A_82, %dma_start3A_110] : memref<157x128xi32, #tpu.memory_space<vmem>> -> memref<1x128xi32, #tpu.memory_space<vmem>>
        %dma_start3A_112 = tpu.memref_squeeze %dma_start3A_111 : memref<1x128xi32, #tpu.memory_space<vmem>> -> memref<128xi32, #tpu.memory_space<vmem>>
        %dma_start3A_113 = arith.constant 0 : i32
        %dma_start3A_114 = arith.constant 0 : i32
        %dma_start3A_115 = tpu.memref_slice %arg11[%dma_start3A_113, %dma_start3A_114] : memref<40008x32xf32, #tpu.memory_space<vmem_shared>> -> memref<40008x32xf32, #tpu.memory_space<vmem_shared>>
        tpu.enqueue_indirect_dma source(%arg10 : memref<128x32xf32, #tpu.memory_space<vmem>>) target(%dma_start3A_115 : memref<40008x32xf32, #tpu.memory_space<vmem_shared>>) offsets(%dma_start3A_112 : memref<128xi32, #tpu.memory_space<vmem>>) semaphore(%run_scoped3A_109 : memref<!tpu.dma_semaphore, #tpu.memory_space<semaphore_mem>>) {add = true}
        %dma_wait3A_116 = arith.constant 0 : i32
        %dma_wait3A_117 = tpu.memref_slice %arg8[%add3A_82, %dma_wait3A_116] : memref<157x128xi32, #tpu.memory_space<vmem>> -> memref<1x128xi32, #tpu.memory_space<vmem>>
        %dma_wait3A_118 = tpu.memref_squeeze %dma_wait3A_117 : memref<1x128xi32, #tpu.memory_space<vmem>> -> memref<128xi32, #tpu.memory_space<vmem>>
        %dma_wait3A_119 = arith.constant 0 : i32
        %dma_wait3A_120 = arith.constant 0 : i32
        %dma_wait3A_121 = tpu.memref_slice %arg11[%dma_wait3A_119, %dma_wait3A_120] : memref<40008x32xf32, #tpu.memory_space<vmem_shared>> -> memref<40008x32xf32, #tpu.memory_space<vmem_shared>>
        tpu.wait_indirect_dma semaphore(%run_scoped3A_109 : memref<!tpu.dma_semaphore, #tpu.memory_space<semaphore_mem>>) src(%arg10 : memref<128x32xf32, #tpu.memory_space<vmem>>) dst(%dma_wait3A_121 : memref<40008x32xf32, #tpu.memory_space<vmem_shared>>)
        tpu.yield
      }) : () -> ()
    }
    %scan3A_58 = arith.constant 78 : i32
    %dma_wait3A_59 = arith.constant 156 : i32
    %dma_wait3A_60 = arith.constant 0 : i32
    %dma_wait3A_61 = tpu.memref_slice %arg7[%dma_wait3A_59, %dma_wait3A_60] : memref<157x128xi32, #tpu.memory_space<vmem>> -> memref<1x128xi32, #tpu.memory_space<vmem>>
    %dma_wait3A_62 = tpu.memref_squeeze %dma_wait3A_61 : memref<1x128xi32, #tpu.memory_space<vmem>> -> memref<128xi32, #tpu.memory_space<vmem>>
    %dma_wait3A_63 = arith.constant 0 : i32
    %dma_wait3A_64 = arith.constant 0 : i32
    %dma_wait3A_65 = tpu.memref_slice %arg2[%dma_wait3A_63, %dma_wait3A_64] : memref<40000x32xf32, #tpu.memory_space<hbm>> -> memref<40000x32xf32, #tpu.memory_space<hbm>>
    tpu.wait_indirect_dma semaphore(%arg12 : memref<!tpu.dma_semaphore, #tpu.memory_space<semaphore_mem>>) src(%dma_wait3A_65 : memref<40000x32xf32, #tpu.memory_space<hbm>>) dst(%arg9 : memref<128x32xf32, #tpu.memory_space<vmem>>)
    %run_scoped3A_66 = arith.constant 156 : i32
    "tpu.region"() ({
      %run_scoped3A_78 = tpu.sem_alloc : memref<!tpu.dma_semaphore, #tpu.memory_space<semaphore_mem>>
      %dma_start3A_79 = arith.constant 0 : i32
      %dma_start3A_80 = tpu.memref_slice %arg8[%run_scoped3A_66, %dma_start3A_79] : memref<157x128xi32, #tpu.memory_space<vmem>> -> memref<1x128xi32, #tpu.memory_space<vmem>>
      %dma_start3A_81 = tpu.memref_squeeze %dma_start3A_80 : memref<1x128xi32, #tpu.memory_space<vmem>> -> memref<128xi32, #tpu.memory_space<vmem>>
      %dma_start3A_82 = arith.constant 0 : i32
      %dma_start3A_83 = arith.constant 0 : i32
      %dma_start3A_84 = tpu.memref_slice %arg11[%dma_start3A_82, %dma_start3A_83] : memref<40008x32xf32, #tpu.memory_space<vmem_shared>> -> memref<40008x32xf32, #tpu.memory_space<vmem_shared>>
      tpu.enqueue_indirect_dma source(%arg9 : memref<128x32xf32, #tpu.memory_space<vmem>>) target(%dma_start3A_84 : memref<40008x32xf32, #tpu.memory_space<vmem_shared>>) offsets(%dma_start3A_81 : memref<128xi32, #tpu.memory_space<vmem>>) semaphore(%run_scoped3A_78 : memref<!tpu.dma_semaphore, #tpu.memory_space<semaphore_mem>>) {add = true}
      %dma_wait3A_85 = arith.constant 0 : i32
      %dma_wait3A_86 = tpu.memref_slice %arg8[%run_scoped3A_66, %dma_wait3A_85] : memref<157x128xi32, #tpu.memory_space<vmem>> -> memref<1x128xi32, #tpu.memory_space<vmem>>
      %dma_wait3A_87 = tpu.memref_squeeze %dma_wait3A_86 : memref<1x128xi32, #tpu.memory_space<vmem>> -> memref<128xi32, #tpu.memory_space<vmem>>
      %dma_wait3A_88 = arith.constant 0 : i32
      %dma_wait3A_89 = arith.constant 0 : i32
      %dma_wait3A_90 = tpu.memref_slice %arg11[%dma_wait3A_88, %dma_wait3A_89] : memref<40008x32xf32, #tpu.memory_space<vmem_shared>> -> memref<40008x32xf32, #tpu.memory_space<vmem_shared>>
      tpu.wait_indirect_dma semaphore(%run_scoped3A_78 : memref<!tpu.dma_semaphore, #tpu.memory_space<semaphore_mem>>) src(%arg9 : memref<128x32xf32, #tpu.memory_space<vmem>>) dst(%dma_wait3A_90 : memref<40008x32xf32, #tpu.memory_space<vmem_shared>>)
      tpu.yield
    }) : () -> ()
    %barrier3A_67 = arith.constant 0 : index
    tpu.barrier barrier_id(%barrier3A_67)
    %mul3A_68 = arith.constant 2496 : i32
    %mul3A_69 = arith.muli %arg1, %mul3A_68 : i32
    %mul3A_70 = arith.constant 2496 : i32
    %mul3A_71 = arith.muli %arg1, %mul3A_70 : i32
    "tpu.region"() ({
      %run_scoped3A_78 = tpu.sem_alloc : memref<!tpu.dma_semaphore, #tpu.memory_space<semaphore_mem>>
      %dma_start3A_79 = arith.constant 0 : i32
      %dma_start3A_80 = tpu.memref_slice %arg6[%add3A_37, %mul3A_71, %dma_start3A_79] : memref<4x40000x32xf32, #tpu.memory_space<hbm>> -> memref<1x2496x32xf32, #tpu.memory_space<hbm>>
      %dma_start3A_81 = tpu.memref_squeeze %dma_start3A_80 : memref<1x2496x32xf32, #tpu.memory_space<hbm>> -> memref<2496x32xf32, #tpu.memory_space<hbm>>
      %dma_start3A_82 = arith.constant 0 : i32
      %dma_start3A_83 = tpu.memref_slice %arg11[%mul3A_69, %dma_start3A_82] : memref<40008x32xf32, #tpu.memory_space<vmem_shared>> -> memref<2496x32xf32, #tpu.memory_space<vmem_shared>>
      tpu.enqueue_dma source(%dma_start3A_83 : memref<2496x32xf32, #tpu.memory_space<vmem_shared>>) target(%dma_start3A_81 : memref<2496x32xf32, #tpu.memory_space<hbm>>) target_semaphore(%run_scoped3A_78 : memref<!tpu.dma_semaphore, #tpu.memory_space<semaphore_mem>>)
      %dma_wait3A_84 = arith.constant 0 : i32
      %dma_wait3A_85 = tpu.memref_slice %arg6[%add3A_37, %mul3A_71, %dma_wait3A_84] : memref<4x40000x32xf32, #tpu.memory_space<hbm>> -> memref<1x2496x32xf32, #tpu.memory_space<hbm>>
      %dma_wait3A_86 = tpu.memref_squeeze %dma_wait3A_85 : memref<1x2496x32xf32, #tpu.memory_space<hbm>> -> memref<2496x32xf32, #tpu.memory_space<hbm>>
      %dma_wait3A_87 = arith.constant 0 : i32
      %dma_wait3A_88 = tpu.memref_slice %arg11[%mul3A_69, %dma_wait3A_87] : memref<40008x32xf32, #tpu.memory_space<vmem_shared>> -> memref<2496x32xf32, #tpu.memory_space<vmem_shared>>
      tpu.wait_dma2 semaphore(%run_scoped3A_78 : memref<!tpu.dma_semaphore, #tpu.memory_space<semaphore_mem>>) src(%dma_wait3A_88 : memref<2496x32xf32, #tpu.memory_space<vmem_shared>>) dst(%dma_wait3A_86 : memref<2496x32xf32, #tpu.memory_space<hbm>>)
      tpu.yield
    }) : () -> ()
    %lt3A_72 = arith.constant 8 : i32
    %lt3A_73 = arith.cmpi slt, %arg1, %lt3A_72 : i32
    %convert_element_type3A_74 = arith.extui %lt3A_73 : i1 to i32
    %cond3A_75 = arith.constant 0 : i32
    %cond3A_76 = arith.cmpi ne, %convert_element_type3A_74, %cond3A_75 : i32
    scf.if %cond3A_76 {
      %mul3A_78 = arith.constant 8 : i32
      %mul3A_79 = arith.muli %arg1, %mul3A_78 : i32
      %add3A_80 = arith.constant 39936 : i32
      %add3A_81 = arith.addi %add3A_80, %mul3A_79 : i32
      %mul3A_82 = arith.constant 8 : i32
      %mul3A_83 = arith.muli %arg1, %mul3A_82 : i32
      %add3A_84 = arith.constant 39936 : i32
      %add3A_85 = arith.addi %add3A_84, %mul3A_83 : i32
      "tpu.region"() ({
        %run_scoped3A_86 = tpu.sem_alloc : memref<!tpu.dma_semaphore, #tpu.memory_space<semaphore_mem>>
        %dma_start3A_87 = arith.constant 0 : i32
        %dma_start3A_88 = tpu.memref_slice %arg6[%add3A_37, %add3A_85, %dma_start3A_87] : memref<4x40000x32xf32, #tpu.memory_space<hbm>> -> memref<1x8x32xf32, #tpu.memory_space<hbm>>
        %dma_start3A_89 = tpu.memref_squeeze %dma_start3A_88 : memref<1x8x32xf32, #tpu.memory_space<hbm>> -> memref<8x32xf32, #tpu.memory_space<hbm>>
        %dma_start3A_90 = arith.constant 0 : i32
        %dma_start3A_91 = tpu.memref_slice %arg11[%add3A_81, %dma_start3A_90] : memref<40008x32xf32, #tpu.memory_space<vmem_shared>> -> memref<8x32xf32, #tpu.memory_space<vmem_shared>>
        tpu.enqueue_dma source(%dma_start3A_91 : memref<8x32xf32, #tpu.memory_space<vmem_shared>>) target(%dma_start3A_89 : memref<8x32xf32, #tpu.memory_space<hbm>>) target_semaphore(%run_scoped3A_86 : memref<!tpu.dma_semaphore, #tpu.memory_space<semaphore_mem>>)
        %dma_wait3A_92 = arith.constant 0 : i32
        %dma_wait3A_93 = tpu.memref_slice %arg6[%add3A_37, %add3A_85, %dma_wait3A_92] : memref<4x40000x32xf32, #tpu.memory_space<hbm>> -> memref<1x8x32xf32, #tpu.memory_space<hbm>>
        %dma_wait3A_94 = tpu.memref_squeeze %dma_wait3A_93 : memref<1x8x32xf32, #tpu.memory_space<hbm>> -> memref<8x32xf32, #tpu.memory_space<hbm>>
        %dma_wait3A_95 = arith.constant 0 : i32
        %dma_wait3A_96 = tpu.memref_slice %arg11[%add3A_81, %dma_wait3A_95] : memref<40008x32xf32, #tpu.memory_space<vmem_shared>> -> memref<8x32xf32, #tpu.memory_space<vmem_shared>>
        tpu.wait_dma2 semaphore(%run_scoped3A_86 : memref<!tpu.dma_semaphore, #tpu.memory_space<semaphore_mem>>) src(%dma_wait3A_96 : memref<8x32xf32, #tpu.memory_space<vmem_shared>>) dst(%dma_wait3A_94 : memref<8x32xf32, #tpu.memory_space<hbm>>)
        tpu.yield
      }) : () -> ()
    } else {
    }
    %barrier3A_77 = arith.constant 0 : index
    tpu.barrier barrier_id(%barrier3A_77)
    return
  }
}

#map = affine_map<(d0, d1) -> (0, 0, 0)>
#map1 = affine_map<(d0, d1) -> (0, 0)>
module attributes {stable_mosaic.version = 14 : i64} {
  func.func @body(%arg0: i32, %arg1: i32, %arg2: memref<16x157x128xi32, #tpu.memory_space<hbm>>, %arg3: memref<2496x8xf32, #tpu.memory_space<hbm>>, %arg4: memref<128x8xf32, #tpu.memory_space<hbm>>, %arg5: memref<40000x8xf32, #tpu.memory_space<hbm>>, %arg6: memref<157x128xi32, #tpu.memory_space<vmem>>, %arg7: memref<128x8xf32, #tpu.memory_space<vmem>>, %arg8: memref<40008x8xf32, #tpu.memory_space<vmem_shared>>, %arg9: memref<!tpu.dma_semaphore, #tpu.memory_space<semaphore_mem>>) attributes {dimension_semantics = [#tpu.dimension_semantics<core_parallel>, #tpu.dimension_semantics<subcore_parallel>], iteration_bounds = array<i64: 2, 16>, scalar_prefetch = 0 : i64, scratch_operands = 4 : i64, tpu.core_type = #tpu.core_type<sc_vector_subcore>, window_params = [{transform_indices = #map}, {transform_indices = #map1}, {transform_indices = #map1}, {transform_indices = #map1}]} {
    %eq3A = arith.constant 0 : i32
    %eq3A_0 = arith.cmpi eq, %arg0, %eq3A : i32
    %convert_element_type3A = arith.extui %eq3A_0 : i1 to i32
    %cond3A = arith.constant 0 : i32
    %cond3A_1 = arith.cmpi ne, %convert_element_type3A, %cond3A : i32
    scf.if %cond3A_1 {
      "tpu.region"() ({
        %run_scoped3A = tpu.sem_alloc : memref<!tpu.dma_semaphore, #tpu.memory_space<semaphore_mem>>
        %dma_start3A = arith.constant 0 : i32
        %dma_start3A_22 = arith.constant 0 : i32
        %dma_start3A_23 = tpu.memref_slice %arg2[%arg1, %dma_start3A, %dma_start3A_22] : memref<16x157x128xi32, #tpu.memory_space<hbm>> -> memref<1x157x128xi32, #tpu.memory_space<hbm>>
        %dma_start3A_24 = tpu.memref_squeeze %dma_start3A_23 : memref<1x157x128xi32, #tpu.memory_space<hbm>> -> memref<157x128xi32, #tpu.memory_space<hbm>>
        %dma_start3A_25 = arith.constant 0 : i32
        %dma_start3A_26 = arith.constant 0 : i32
        %dma_start3A_27 = tpu.memref_slice %arg2[%arg1, %dma_start3A_25, %dma_start3A_26] : memref<16x157x128xi32, #tpu.memory_space<hbm>> -> memref<1x157x128xi32, #tpu.memory_space<hbm>>
        %dma_start3A_28 = tpu.memref_squeeze %dma_start3A_27 : memref<1x157x128xi32, #tpu.memory_space<hbm>> -> memref<157x128xi32, #tpu.memory_space<hbm>>
        tpu.enqueue_dma source(%dma_start3A_28 : memref<157x128xi32, #tpu.memory_space<hbm>>) target(%arg6 : memref<157x128xi32, #tpu.memory_space<vmem>>) target_semaphore(%run_scoped3A : memref<!tpu.dma_semaphore, #tpu.memory_space<semaphore_mem>>)
        %dma_wait3A = arith.constant 0 : i32
        %dma_wait3A_29 = arith.constant 0 : i32
        %dma_wait3A_30 = tpu.memref_slice %arg2[%arg1, %dma_wait3A, %dma_wait3A_29] : memref<16x157x128xi32, #tpu.memory_space<hbm>> -> memref<1x157x128xi32, #tpu.memory_space<hbm>>
        %dma_wait3A_31 = tpu.memref_squeeze %dma_wait3A_30 : memref<1x157x128xi32, #tpu.memory_space<hbm>> -> memref<157x128xi32, #tpu.memory_space<hbm>>
        %dma_wait3A_32 = arith.constant 0 : i32
        %dma_wait3A_33 = arith.constant 0 : i32
        %dma_wait3A_34 = tpu.memref_slice %arg2[%arg1, %dma_wait3A_32, %dma_wait3A_33] : memref<16x157x128xi32, #tpu.memory_space<hbm>> -> memref<1x157x128xi32, #tpu.memory_space<hbm>>
        %dma_wait3A_35 = tpu.memref_squeeze %dma_wait3A_34 : memref<1x157x128xi32, #tpu.memory_space<hbm>> -> memref<157x128xi32, #tpu.memory_space<hbm>>
        tpu.wait_dma2 semaphore(%run_scoped3A : memref<!tpu.dma_semaphore, #tpu.memory_space<semaphore_mem>>) src(%dma_wait3A_35 : memref<157x128xi32, #tpu.memory_space<hbm>>) dst(%arg6 : memref<157x128xi32, #tpu.memory_space<vmem>>)
        tpu.yield
      }) : () -> ()
      "tpu.region"() ({
        %run_scoped3A = tpu.sem_alloc : memref<!tpu.dma_semaphore, #tpu.memory_space<semaphore_mem>>
        tpu.enqueue_dma source(%arg4 : memref<128x8xf32, #tpu.memory_space<hbm>>) target(%arg7 : memref<128x8xf32, #tpu.memory_space<vmem>>) target_semaphore(%run_scoped3A : memref<!tpu.dma_semaphore, #tpu.memory_space<semaphore_mem>>)
        tpu.wait_dma2 semaphore(%run_scoped3A : memref<!tpu.dma_semaphore, #tpu.memory_space<semaphore_mem>>) src(%arg4 : memref<128x8xf32, #tpu.memory_space<hbm>>) dst(%arg7 : memref<128x8xf32, #tpu.memory_space<vmem>>)
        tpu.yield
      }) : () -> ()
      %mul3A = arith.constant 2496 : i32
      %mul3A_2 = arith.muli %arg1, %mul3A : i32
      "tpu.region"() ({
        %run_scoped3A = tpu.sem_alloc : memref<!tpu.dma_semaphore, #tpu.memory_space<semaphore_mem>>
        %dma_start3A = arith.constant 0 : i32
        %dma_start3A_22 = tpu.memref_slice %arg8[%mul3A_2, %dma_start3A] : memref<40008x8xf32, #tpu.memory_space<vmem_shared>> -> memref<2496x8xf32, #tpu.memory_space<vmem_shared>>
        tpu.enqueue_dma source(%arg3 : memref<2496x8xf32, #tpu.memory_space<hbm>>) target(%dma_start3A_22 : memref<2496x8xf32, #tpu.memory_space<vmem_shared>>) target_semaphore(%run_scoped3A : memref<!tpu.dma_semaphore, #tpu.memory_space<semaphore_mem>>)
        %dma_wait3A = arith.constant 0 : i32
        %dma_wait3A_23 = tpu.memref_slice %arg8[%mul3A_2, %dma_wait3A] : memref<40008x8xf32, #tpu.memory_space<vmem_shared>> -> memref<2496x8xf32, #tpu.memory_space<vmem_shared>>
        tpu.wait_dma2 semaphore(%run_scoped3A : memref<!tpu.dma_semaphore, #tpu.memory_space<semaphore_mem>>) src(%arg3 : memref<2496x8xf32, #tpu.memory_space<hbm>>) dst(%dma_wait3A_23 : memref<2496x8xf32, #tpu.memory_space<vmem_shared>>)
        tpu.yield
      }) : () -> ()
      %lt3A = arith.constant 8 : i32
      %lt3A_3 = arith.cmpi slt, %arg1, %lt3A : i32
      %convert_element_type3A_4 = arith.extui %lt3A_3 : i1 to i32
      %cond3A_5 = arith.constant 0 : i32
      %cond3A_6 = arith.cmpi ne, %convert_element_type3A_4, %cond3A_5 : i32
      scf.if %cond3A_6 {
        %mul3A_22 = arith.constant 8 : i32
        %mul3A_23 = arith.muli %arg1, %mul3A_22 : i32
        %add3A = arith.constant 39936 : i32
        %add3A_24 = arith.addi %add3A, %mul3A_23 : i32
        "tpu.region"() ({
          %run_scoped3A = tpu.sem_alloc : memref<!tpu.dma_semaphore, #tpu.memory_space<semaphore_mem>>
          %dma_start3A = arith.constant 0 : i32
          %dma_start3A_25 = tpu.memref_slice %arg8[%add3A_24, %dma_start3A] : memref<40008x8xf32, #tpu.memory_space<vmem_shared>> -> memref<8x8xf32, #tpu.memory_space<vmem_shared>>
          %dma_start3A_26 = arith.constant 0 : i32
          %dma_start3A_27 = arith.constant 0 : i32
          %dma_start3A_28 = tpu.memref_slice %arg3[%dma_start3A_26, %dma_start3A_27] : memref<2496x8xf32, #tpu.memory_space<hbm>> -> memref<8x8xf32, #tpu.memory_space<hbm>>
          tpu.enqueue_dma source(%dma_start3A_28 : memref<8x8xf32, #tpu.memory_space<hbm>>) target(%dma_start3A_25 : memref<8x8xf32, #tpu.memory_space<vmem_shared>>) target_semaphore(%run_scoped3A : memref<!tpu.dma_semaphore, #tpu.memory_space<semaphore_mem>>)
          %dma_wait3A = arith.constant 0 : i32
          %dma_wait3A_29 = tpu.memref_slice %arg8[%add3A_24, %dma_wait3A] : memref<40008x8xf32, #tpu.memory_space<vmem_shared>> -> memref<8x8xf32, #tpu.memory_space<vmem_shared>>
          %dma_wait3A_30 = arith.constant 0 : i32
          %dma_wait3A_31 = arith.constant 0 : i32
          %dma_wait3A_32 = tpu.memref_slice %arg3[%dma_wait3A_30, %dma_wait3A_31] : memref<2496x8xf32, #tpu.memory_space<hbm>> -> memref<8x8xf32, #tpu.memory_space<hbm>>
          tpu.wait_dma2 semaphore(%run_scoped3A : memref<!tpu.dma_semaphore, #tpu.memory_space<semaphore_mem>>) src(%dma_wait3A_32 : memref<8x8xf32, #tpu.memory_space<hbm>>) dst(%dma_wait3A_29 : memref<8x8xf32, #tpu.memory_space<vmem_shared>>)
          tpu.yield
        }) : () -> ()
      } else {
      }
      %barrier3A = arith.constant 0 : index
      tpu.barrier barrier_id(%barrier3A)
      %scan3A = arith.constant 0 : i32
      %scan3A_7 = arith.constant 0 : i32
      %scan3A_8 = arith.constant 157 : i32
      %scan3A_9 = arith.addi %scan3A_7, %scan3A_8 : i32
      %scan3A_10 = arith.constant 1 : i32
      scf.for %scan3A_22 = %scan3A_7 to %scan3A_9 step %scan3A_10  : i32 {
        "tpu.region"() ({
          %run_scoped3A = tpu.sem_alloc : memref<!tpu.dma_semaphore, #tpu.memory_space<semaphore_mem>>
          %dma_start3A = arith.constant 0 : i32
          %dma_start3A_23 = tpu.memref_slice %arg6[%scan3A_22, %dma_start3A] : memref<157x128xi32, #tpu.memory_space<vmem>> -> memref<1x128xi32, #tpu.memory_space<vmem>>
          %dma_start3A_24 = tpu.memref_squeeze %dma_start3A_23 : memref<1x128xi32, #tpu.memory_space<vmem>> -> memref<128xi32, #tpu.memory_space<vmem>>
          %dma_start3A_25 = arith.constant 0 : i32
          %dma_start3A_26 = arith.constant 0 : i32
          %dma_start3A_27 = tpu.memref_slice %arg8[%dma_start3A_25, %dma_start3A_26] : memref<40008x8xf32, #tpu.memory_space<vmem_shared>> -> memref<40008x8xf32, #tpu.memory_space<vmem_shared>>
          tpu.enqueue_indirect_dma source(%arg7 : memref<128x8xf32, #tpu.memory_space<vmem>>) target(%dma_start3A_27 : memref<40008x8xf32, #tpu.memory_space<vmem_shared>>) offsets(%dma_start3A_24 : memref<128xi32, #tpu.memory_space<vmem>>) semaphore(%run_scoped3A : memref<!tpu.dma_semaphore, #tpu.memory_space<semaphore_mem>>) {add = true}
          %dma_wait3A = arith.constant 0 : i32
          %dma_wait3A_28 = tpu.memref_slice %arg6[%scan3A_22, %dma_wait3A] : memref<157x128xi32, #tpu.memory_space<vmem>> -> memref<1x128xi32, #tpu.memory_space<vmem>>
          %dma_wait3A_29 = tpu.memref_squeeze %dma_wait3A_28 : memref<1x128xi32, #tpu.memory_space<vmem>> -> memref<128xi32, #tpu.memory_space<vmem>>
          %dma_wait3A_30 = arith.constant 0 : i32
          %dma_wait3A_31 = arith.constant 0 : i32
          %dma_wait3A_32 = tpu.memref_slice %arg8[%dma_wait3A_30, %dma_wait3A_31] : memref<40008x8xf32, #tpu.memory_space<vmem_shared>> -> memref<40008x8xf32, #tpu.memory_space<vmem_shared>>
          tpu.wait_indirect_dma semaphore(%run_scoped3A : memref<!tpu.dma_semaphore, #tpu.memory_space<semaphore_mem>>) src(%arg7 : memref<128x8xf32, #tpu.memory_space<vmem>>) dst(%dma_wait3A_32 : memref<40008x8xf32, #tpu.memory_space<vmem_shared>>)
          tpu.yield
        }) : () -> ()
      }
      %scan3A_11 = arith.constant 157 : i32
      %barrier3A_12 = arith.constant 0 : index
      tpu.barrier barrier_id(%barrier3A_12)
      %mul3A_13 = arith.constant 2496 : i32
      %mul3A_14 = arith.muli %arg1, %mul3A_13 : i32
      %mul3A_15 = arith.constant 2496 : i32
      %mul3A_16 = arith.muli %arg1, %mul3A_15 : i32
      "tpu.region"() ({
        %run_scoped3A = tpu.sem_alloc : memref<!tpu.dma_semaphore, #tpu.memory_space<semaphore_mem>>
        %dma_start3A = arith.constant 0 : i32
        %dma_start3A_22 = tpu.memref_slice %arg5[%mul3A_16, %dma_start3A] : memref<40000x8xf32, #tpu.memory_space<hbm>> -> memref<2496x8xf32, #tpu.memory_space<hbm>>
        %dma_start3A_23 = arith.constant 0 : i32
        %dma_start3A_24 = tpu.memref_slice %arg8[%mul3A_14, %dma_start3A_23] : memref<40008x8xf32, #tpu.memory_space<vmem_shared>> -> memref<2496x8xf32, #tpu.memory_space<vmem_shared>>
        tpu.enqueue_dma source(%dma_start3A_24 : memref<2496x8xf32, #tpu.memory_space<vmem_shared>>) target(%dma_start3A_22 : memref<2496x8xf32, #tpu.memory_space<hbm>>) target_semaphore(%run_scoped3A : memref<!tpu.dma_semaphore, #tpu.memory_space<semaphore_mem>>)
        %dma_wait3A = arith.constant 0 : i32
        %dma_wait3A_25 = tpu.memref_slice %arg5[%mul3A_16, %dma_wait3A] : memref<40000x8xf32, #tpu.memory_space<hbm>> -> memref<2496x8xf32, #tpu.memory_space<hbm>>
        %dma_wait3A_26 = arith.constant 0 : i32
        %dma_wait3A_27 = tpu.memref_slice %arg8[%mul3A_14, %dma_wait3A_26] : memref<40008x8xf32, #tpu.memory_space<vmem_shared>> -> memref<2496x8xf32, #tpu.memory_space<vmem_shared>>
        tpu.wait_dma2 semaphore(%run_scoped3A : memref<!tpu.dma_semaphore, #tpu.memory_space<semaphore_mem>>) src(%dma_wait3A_27 : memref<2496x8xf32, #tpu.memory_space<vmem_shared>>) dst(%dma_wait3A_25 : memref<2496x8xf32, #tpu.memory_space<hbm>>)
        tpu.yield
      }) : () -> ()
      %lt3A_17 = arith.constant 8 : i32
      %lt3A_18 = arith.cmpi slt, %arg1, %lt3A_17 : i32
      %convert_element_type3A_19 = arith.extui %lt3A_18 : i1 to i32
      %cond3A_20 = arith.constant 0 : i32
      %cond3A_21 = arith.cmpi ne, %convert_element_type3A_19, %cond3A_20 : i32
      scf.if %cond3A_21 {
        %mul3A_22 = arith.constant 8 : i32
        %mul3A_23 = arith.muli %arg1, %mul3A_22 : i32
        %add3A = arith.constant 39936 : i32
        %add3A_24 = arith.addi %add3A, %mul3A_23 : i32
        %mul3A_25 = arith.constant 8 : i32
        %mul3A_26 = arith.muli %arg1, %mul3A_25 : i32
        %add3A_27 = arith.constant 39936 : i32
        %add3A_28 = arith.addi %add3A_27, %mul3A_26 : i32
        "tpu.region"() ({
          %run_scoped3A = tpu.sem_alloc : memref<!tpu.dma_semaphore, #tpu.memory_space<semaphore_mem>>
          %dma_start3A = arith.constant 0 : i32
          %dma_start3A_29 = tpu.memref_slice %arg5[%add3A_28, %dma_start3A] : memref<40000x8xf32, #tpu.memory_space<hbm>> -> memref<8x8xf32, #tpu.memory_space<hbm>>
          %dma_start3A_30 = arith.constant 0 : i32
          %dma_start3A_31 = tpu.memref_slice %arg8[%add3A_24, %dma_start3A_30] : memref<40008x8xf32, #tpu.memory_space<vmem_shared>> -> memref<8x8xf32, #tpu.memory_space<vmem_shared>>
          tpu.enqueue_dma source(%dma_start3A_31 : memref<8x8xf32, #tpu.memory_space<vmem_shared>>) target(%dma_start3A_29 : memref<8x8xf32, #tpu.memory_space<hbm>>) target_semaphore(%run_scoped3A : memref<!tpu.dma_semaphore, #tpu.memory_space<semaphore_mem>>)
          %dma_wait3A = arith.constant 0 : i32
          %dma_wait3A_32 = tpu.memref_slice %arg5[%add3A_28, %dma_wait3A] : memref<40000x8xf32, #tpu.memory_space<hbm>> -> memref<8x8xf32, #tpu.memory_space<hbm>>
          %dma_wait3A_33 = arith.constant 0 : i32
          %dma_wait3A_34 = tpu.memref_slice %arg8[%add3A_24, %dma_wait3A_33] : memref<40008x8xf32, #tpu.memory_space<vmem_shared>> -> memref<8x8xf32, #tpu.memory_space<vmem_shared>>
          tpu.wait_dma2 semaphore(%run_scoped3A : memref<!tpu.dma_semaphore, #tpu.memory_space<semaphore_mem>>) src(%dma_wait3A_34 : memref<8x8xf32, #tpu.memory_space<vmem_shared>>) dst(%dma_wait3A_32 : memref<8x8xf32, #tpu.memory_space<hbm>>)
          tpu.yield
        }) : () -> ()
      } else {
      }
    } else {
    }
    return
  }
}

module attributes {stable_mosaic.version = 14 : i64} {
  func.func @_edge_prep_body(%arg0: memref<16x157x128xi32, #tpu.memory_space<vmem>>, %arg1: memref<16x157x128xi32, #tpu.memory_space<vmem>>, %arg2: memref<16x157x128xi32, #tpu.memory_space<vmem>>, %arg3: memref<16x157x128xi32, #tpu.memory_space<vmem>>, %arg4: memref<4x16x157x128xi32, #tpu.memory_space<vmem>>) attributes {dimension_semantics = [], scalar_prefetch = 0 : i64, scratch_operands = 0 : i64, tpu.core_type = #tpu.core_type<tc>} {
    %get3A = arith.constant 0 : index
    %get3A_0 = arith.constant 0 : index
    %get3A_1 = arith.constant 0 : index
    %get3A_2 = vector.load %arg2[%get3A, %get3A_0, %get3A_1] : memref<16x157x128xi32, #tpu.memory_space<vmem>>, vector<16x157x128xi32>
    %mul3A = arith.constant 10000 : i32
    %mul3A_3 = vector.broadcast %mul3A : i32 to vector<16x157x128xi32>
    %mul3A_4 = arith.muli %get3A_2, %mul3A_3 : vector<16x157x128xi32>
    %get3A_5 = arith.constant 0 : index
    %get3A_6 = arith.constant 0 : index
    %get3A_7 = arith.constant 0 : index
    %get3A_8 = vector.load %arg1[%get3A_5, %get3A_6, %get3A_7] : memref<16x157x128xi32, #tpu.memory_space<vmem>>, vector<16x157x128xi32>
    %add3A = arith.addi %mul3A_4, %get3A_8 : vector<16x157x128xi32>
    %swap3A = arith.constant 0 : index
    %swap3A_9 = arith.constant 0 : index
    %swap3A_10 = arith.constant 0 : index
    %swap3A_11 = vector.load %arg3[%swap3A, %swap3A_9, %swap3A_10] : memref<16x157x128xi32, #tpu.memory_space<vmem>>, vector<16x157x128xi32>
    tpu.vector_store %arg3[%swap3A, %swap3A_9, %swap3A_10], %add3A {strides = array<i32>} : memref<16x157x128xi32, #tpu.memory_space<vmem>>, vector<16x157x128xi32>,
    %get3A_12 = arith.constant 0 : index
    %get3A_13 = arith.constant 0 : index
    %get3A_14 = arith.constant 0 : index
    %get3A_15 = vector.load %arg0[%get3A_12, %get3A_13, %get3A_14] : memref<16x157x128xi32, #tpu.memory_space<vmem>>, vector<16x157x128xi32>
    %add3A_16 = arith.constant 0 : i32
    %add3A_17 = vector.broadcast %add3A_16 : i32 to vector<16x157x128xi32>
    %add3A_18 = arith.addi %get3A_15, %add3A_17 : vector<16x157x128xi32>
    %swap3A_19 = arith.constant 0 : index
    %swap3A_20 = arith.constant 0 : index
    %swap3A_21 = arith.constant 0 : index
    %swap3A_22 = arith.constant 0 : index
    %swap3A_23 = vector.load %arg4[%swap3A_19, %swap3A_20, %swap3A_21, %swap3A_22] : memref<4x16x157x128xi32, #tpu.memory_space<vmem>>, vector<1x16x157x128xi32>
    %swap3A_24 = vector.shape_cast %swap3A_23 : vector<1x16x157x128xi32> to vector<16x157x128xi32>
    %swap3A_25 = vector.shape_cast %add3A_18 : vector<16x157x128xi32> to vector<1x16x157x128xi32>
    tpu.vector_store %arg4[%swap3A_19, %swap3A_20, %swap3A_21, %swap3A_22], %swap3A_25 {strides = array<i32>} : memref<4x16x157x128xi32, #tpu.memory_space<vmem>>, vector<1x16x157x128xi32>,
    %get3A_26 = arith.constant 0 : index
    %get3A_27 = arith.constant 0 : index
    %get3A_28 = arith.constant 0 : index
    %get3A_29 = vector.load %arg0[%get3A_26, %get3A_27, %get3A_28] : memref<16x157x128xi32, #tpu.memory_space<vmem>>, vector<16x157x128xi32>
    %add3A_30 = arith.constant 10000 : i32
    %add3A_31 = vector.broadcast %add3A_30 : i32 to vector<16x157x128xi32>
    %add3A_32 = arith.addi %get3A_29, %add3A_31 : vector<16x157x128xi32>
    %swap3A_33 = arith.constant 1 : index
    %swap3A_34 = arith.constant 0 : index
    %swap3A_35 = arith.constant 0 : index
    %swap3A_36 = arith.constant 0 : index
    %swap3A_37 = vector.load %arg4[%swap3A_33, %swap3A_34, %swap3A_35, %swap3A_36] : memref<4x16x157x128xi32, #tpu.memory_space<vmem>>, vector<1x16x157x128xi32>
    %swap3A_38 = vector.shape_cast %swap3A_37 : vector<1x16x157x128xi32> to vector<16x157x128xi32>
    %swap3A_39 = vector.shape_cast %add3A_32 : vector<16x157x128xi32> to vector<1x16x157x128xi32>
    tpu.vector_store %arg4[%swap3A_33, %swap3A_34, %swap3A_35, %swap3A_36], %swap3A_39 {strides = array<i32>} : memref<4x16x157x128xi32, #tpu.memory_space<vmem>>, vector<1x16x157x128xi32>,
    %get3A_40 = arith.constant 0 : index
    %get3A_41 = arith.constant 0 : index
    %get3A_42 = arith.constant 0 : index
    %get3A_43 = vector.load %arg0[%get3A_40, %get3A_41, %get3A_42] : memref<16x157x128xi32, #tpu.memory_space<vmem>>, vector<16x157x128xi32>
    %add3A_44 = arith.constant 20000 : i32
    %add3A_45 = vector.broadcast %add3A_44 : i32 to vector<16x157x128xi32>
    %add3A_46 = arith.addi %get3A_43, %add3A_45 : vector<16x157x128xi32>
    %swap3A_47 = arith.constant 2 : index
    %swap3A_48 = arith.constant 0 : index
    %swap3A_49 = arith.constant 0 : index
    %swap3A_50 = arith.constant 0 : index
    %swap3A_51 = vector.load %arg4[%swap3A_47, %swap3A_48, %swap3A_49, %swap3A_50] : memref<4x16x157x128xi32, #tpu.memory_space<vmem>>, vector<1x16x157x128xi32>
    %swap3A_52 = vector.shape_cast %swap3A_51 : vector<1x16x157x128xi32> to vector<16x157x128xi32>
    %swap3A_53 = vector.shape_cast %add3A_46 : vector<16x157x128xi32> to vector<1x16x157x128xi32>
    tpu.vector_store %arg4[%swap3A_47, %swap3A_48, %swap3A_49, %swap3A_50], %swap3A_53 {strides = array<i32>} : memref<4x16x157x128xi32, #tpu.memory_space<vmem>>, vector<1x16x157x128xi32>,
    %get3A_54 = arith.constant 0 : index
    %get3A_55 = arith.constant 0 : index
    %get3A_56 = arith.constant 0 : index
    %get3A_57 = vector.load %arg0[%get3A_54, %get3A_55, %get3A_56] : memref<16x157x128xi32, #tpu.memory_space<vmem>>, vector<16x157x128xi32>
    %add3A_58 = arith.constant 30000 : i32
    %add3A_59 = vector.broadcast %add3A_58 : i32 to vector<16x157x128xi32>
    %add3A_60 = arith.addi %get3A_57, %add3A_59 : vector<16x157x128xi32>
    %swap3A_61 = arith.constant 3 : index
    %swap3A_62 = arith.constant 0 : index
    %swap3A_63 = arith.constant 0 : index
    %swap3A_64 = arith.constant 0 : index
    %swap3A_65 = vector.load %arg4[%swap3A_61, %swap3A_62, %swap3A_63, %swap3A_64] : memref<4x16x157x128xi32, #tpu.memory_space<vmem>>, vector<1x16x157x128xi32>
    %swap3A_66 = vector.shape_cast %swap3A_65 : vector<1x16x157x128xi32> to vector<16x157x128xi32>
    %swap3A_67 = vector.shape_cast %add3A_60 : vector<16x157x128xi32> to vector<1x16x157x128xi32>
    tpu.vector_store %arg4[%swap3A_61, %swap3A_62, %swap3A_63, %swap3A_64], %swap3A_67 {strides = array<i32>} : memref<4x16x157x128xi32, #tpu.memory_space<vmem>>, vector<1x16x157x128xi32>,
    return
  }
}

module attributes {stable_mosaic.version = 14 : i64} {
  func.func @_proj_body(%arg0: i32, %arg1: memref<1000x128xf32, #tpu.memory_space<vmem>>, %arg2: memref<128x128xf32, #tpu.memory_space<vmem>>, %arg3: memref<1x128xf32, #tpu.memory_space<vmem>>, %arg4: memref<1000x128xf32, #tpu.memory_space<vmem>>, %arg5: memref<4x1000x32xf32, #tpu.memory_space<vmem>>) attributes {dimension_semantics = [#tpu.dimension_semantics<arbitrary>], iteration_bounds = array<i64: 10>, scalar_prefetch = 0 : i64, scratch_operands = 0 : i64, tpu.core_type = #tpu.core_type<tc>, window_params = [{transform_indices = @transform_0, window_bounds = array<i64: 1000, 128>}, {pipeline_mode = #tpu.pipeline_mode<synchronous>, transform_indices = @transform_1, window_bounds = array<i64: 128, 128>}, {pipeline_mode = #tpu.pipeline_mode<synchronous>, transform_indices = @transform_2, window_bounds = array<i64: 1, 128>}, {transform_indices = @transform_3, window_bounds = array<i64: 1000, 128>}, {transform_indices = @transform_4, window_bounds = array<i64: 4, 1000, 32>}]} {
    %get3A = arith.constant 0 : index
    %get3A_0 = arith.constant 0 : index
    %get3A_1 = vector.load %arg1[%get3A, %get3A_0] : memref<1000x128xf32, #tpu.memory_space<vmem>>, vector<1000x128xf32>
    %get3A_2 = arith.constant 0 : index
    %get3A_3 = arith.constant 0 : index
    %get3A_4 = vector.load %arg2[%get3A_2, %get3A_3] : memref<128x128xf32, #tpu.memory_space<vmem>>, vector<128x128xf32>
    %dot_general3A = arith.constant dense<0.000000e+00> : vector<1000x128xf32>
    %dot_general3A_5 = tpu.matmul %get3A_1, %get3A_4, %dot_general3A {dimension_numbers = #tpu.dot_dimension_numbers<[1], [0], [0], [1], [0, 0, 1, 1], [], []>, transpose_lhs_hint = false} : vector<1000x128xf32>, vector<128x128xf32>, vector<1000x128xf32> -> vector<1000x128xf32>
    %get3A_6 = arith.constant 0 : index
    %get3A_7 = arith.constant 0 : index
    %get3A_8 = vector.load %arg3[%get3A_6, %get3A_7] : memref<1x128xf32, #tpu.memory_space<vmem>>, vector<1x128xf32>
    %add3A = vector.broadcast %get3A_8 : vector<1x128xf32> to vector<1000x128xf32>
    %add3A_9 = arith.addf %dot_general3A_5, %add3A : vector<1000x128xf32>
    %max3A = arith.constant 0.000000e+00 : f32
    %max3A_10 = vector.broadcast %max3A : f32 to vector<1000x128xf32>
    %max3A_11 = arith.maximumf %add3A_9, %max3A_10 : vector<1000x128xf32>
    %swap3A = arith.constant 0 : index
    %swap3A_12 = arith.constant 0 : index
    %swap3A_13 = vector.load %arg4[%swap3A, %swap3A_12] : memref<1000x128xf32, #tpu.memory_space<vmem>>, vector<1000x128xf32>
    tpu.vector_store %arg4[%swap3A, %swap3A_12], %max3A_11 {strides = array<i32>} : memref<1000x128xf32, #tpu.memory_space<vmem>>, vector<1000x128xf32>,
    %slice3A = vector.extract_strided_slice %max3A_11 {offsets = [0, 0], sizes = [1000, 32], strides = [1, 1]} : vector<1000x128xf32> to vector<1000x32xf32>
    %swap3A_14 = arith.constant 0 : index
    %swap3A_15 = arith.constant 0 : index
    %swap3A_16 = arith.constant 0 : index
    %swap3A_17 = vector.load %arg5[%swap3A_14, %swap3A_15, %swap3A_16] : memref<4x1000x32xf32, #tpu.memory_space<vmem>>, vector<1x1000x32xf32>
    %swap3A_18 = vector.shape_cast %swap3A_17 : vector<1x1000x32xf32> to vector<1000x32xf32>
    %swap3A_19 = vector.shape_cast %slice3A : vector<1000x32xf32> to vector<1x1000x32xf32>
    tpu.vector_store %arg5[%swap3A_14, %swap3A_15, %swap3A_16], %swap3A_19 {strides = array<i32>} : memref<4x1000x32xf32, #tpu.memory_space<vmem>>, vector<1x1000x32xf32>,
    %slice3A_20 = vector.extract_strided_slice %max3A_11 {offsets = [0, 32], sizes = [1000, 32], strides = [1, 1]} : vector<1000x128xf32> to vector<1000x32xf32>
    %swap3A_21 = arith.constant 1 : index
    %swap3A_22 = arith.constant 0 : index
    %swap3A_23 = arith.constant 0 : index
    %swap3A_24 = vector.load %arg5[%swap3A_21, %swap3A_22, %swap3A_23] : memref<4x1000x32xf32, #tpu.memory_space<vmem>>, vector<1x1000x32xf32>
    %swap3A_25 = vector.shape_cast %swap3A_24 : vector<1x1000x32xf32> to vector<1000x32xf32>
    %swap3A_26 = vector.shape_cast %slice3A_20 : vector<1000x32xf32> to vector<1x1000x32xf32>
    tpu.vector_store %arg5[%swap3A_21, %swap3A_22, %swap3A_23], %swap3A_26 {strides = array<i32>} : memref<4x1000x32xf32, #tpu.memory_space<vmem>>, vector<1x1000x32xf32>,
    %slice3A_27 = vector.extract_strided_slice %max3A_11 {offsets = [0, 64], sizes = [1000, 32], strides = [1, 1]} : vector<1000x128xf32> to vector<1000x32xf32>
    %swap3A_28 = arith.constant 2 : index
    %swap3A_29 = arith.constant 0 : index
    %swap3A_30 = arith.constant 0 : index
    %swap3A_31 = vector.load %arg5[%swap3A_28, %swap3A_29, %swap3A_30] : memref<4x1000x32xf32, #tpu.memory_space<vmem>>, vector<1x1000x32xf32>
    %swap3A_32 = vector.shape_cast %swap3A_31 : vector<1x1000x32xf32> to vector<1000x32xf32>
    %swap3A_33 = vector.shape_cast %slice3A_27 : vector<1000x32xf32> to vector<1x1000x32xf32>
    tpu.vector_store %arg5[%swap3A_28, %swap3A_29, %swap3A_30], %swap3A_33 {strides = array<i32>} : memref<4x1000x32xf32, #tpu.memory_space<vmem>>, vector<1x1000x32xf32>,
    %slice3A_34 = vector.extract_strided_slice %max3A_11 {offsets = [0, 96], sizes = [1000, 32], strides = [1, 1]} : vector<1000x128xf32> to vector<1000x32xf32>
    %swap3A_35 = arith.constant 3 : index
    %swap3A_36 = arith.constant 0 : index
    %swap3A_37 = arith.constant 0 : index
    %swap3A_38 = vector.load %arg5[%swap3A_35, %swap3A_36, %swap3A_37] : memref<4x1000x32xf32, #tpu.memory_space<vmem>>, vector<1x1000x32xf32>
    %swap3A_39 = vector.shape_cast %swap3A_38 : vector<1x1000x32xf32> to vector<1000x32xf32>
    %swap3A_40 = vector.shape_cast %slice3A_34 : vector<1000x32xf32> to vector<1x1000x32xf32>
    tpu.vector_store %arg5[%swap3A_35, %swap3A_36, %swap3A_37], %swap3A_40 {strides = array<i32>} : memref<4x1000x32xf32, #tpu.memory_space<vmem>>, vector<1x1000x32xf32>,
    return
  }
  func.func @transform_0(%arg0: i32) -> (i32, i32) {
    %c0_i32 = arith.constant 0 : i32
    %c0_i32_0 = arith.constant 0 : i32
    return %arg0, %c0_i32 : i32, i32
  }
  func.func @transform_1(%arg0: i32) -> (i32, i32) {
    %c0_i32 = arith.constant 0 : i32
    %c0_i32_0 = arith.constant 0 : i32
    %c0_i32_1 = arith.constant 0 : i32
    return %c0_i32, %c0_i32_0 : i32, i32
  }
  func.func @transform_2(%arg0: i32) -> (i32, i32) {
    %c0_i32 = arith.constant 0 : i32
    %c0_i32_0 = arith.constant 0 : i32
    %c0_i32_1 = arith.constant 0 : i32
    return %c0_i32, %c0_i32_0 : i32, i32
  }
  func.func @transform_3(%arg0: i32) -> (i32, i32) {
    %c0_i32 = arith.constant 0 : i32
    %c0_i32_0 = arith.constant 0 : i32
    return %arg0, %c0_i32 : i32, i32
  }
  func.func @transform_4(%arg0: i32) -> (i32, i32, i32) {
    %c0_i32 = arith.constant 0 : i32
    %c0_i32_0 = arith.constant 0 : i32
    %c0_i32_1 = arith.constant 0 : i32
    return %c0_i32, %arg0, %c0_i32_0 : i32, i32, i32
  }
}

module attributes {stable_mosaic.version = 14 : i64} {
  func.func @_weights_body(%arg0: memref<4x8xf32, #tpu.memory_space<vmem>>, %arg1: memref<8x16384xf32, #tpu.memory_space<vmem>>, %arg2: memref<4x16384xf32, #tpu.memory_space<vmem>>) attributes {dimension_semantics = [], scalar_prefetch = 0 : i64, scratch_operands = 0 : i64, tpu.core_type = #tpu.core_type<tc>} {
    %get3A = arith.constant 0 : index
    %get3A_0 = arith.constant 0 : index
    %get3A_1 = vector.load %arg0[%get3A, %get3A_0] : memref<4x8xf32, #tpu.memory_space<vmem>>, vector<4x8xf32>
    %get3A_2 = arith.constant 0 : index
    %get3A_3 = arith.constant 0 : index
    %get3A_4 = vector.load %arg1[%get3A_2, %get3A_3] : memref<8x16384xf32, #tpu.memory_space<vmem>>, vector<8x16384xf32>
    %dot_general3A = arith.constant dense<0.000000e+00> : vector<4x16384xf32>
    %dot_general3A_5 = tpu.matmul %get3A_1, %get3A_4, %dot_general3A {dimension_numbers = #tpu.dot_dimension_numbers<[1], [0], [0], [1], [0, 0, 1, 1], [], []>, transpose_lhs_hint = false} : vector<4x8xf32>, vector<8x16384xf32>, vector<4x16384xf32> -> vector<4x16384xf32>
    %swap3A = arith.constant 0 : index
    %swap3A_6 = arith.constant 0 : index
    %swap3A_7 = vector.load %arg2[%swap3A, %swap3A_6] : memref<4x16384xf32, #tpu.memory_space<vmem>>, vector<4x16384xf32>
    tpu.vector_store %arg2[%swap3A, %swap3A_6], %dot_general3A_5 {strides = array<i32>} : memref<4x16384xf32, #tpu.memory_space<vmem>>, vector<4x16384xf32>,
    return
  }
}

module attributes {stable_mosaic.version = 14 : i64} {
  func.func @body(%arg0: i32, %arg1: memref<4x4x1000x32xf32, #tpu.memory_space<vmem>>, %arg2: memref<4x1000x8xf32, #tpu.memory_space<vmem>>, %arg3: memref<4x128x128xf32, #tpu.memory_space<vmem>>, %arg4: memref<1000x128xf32, #tpu.memory_space<vmem>>, %arg5: memref<4x1000x32xf32, #tpu.memory_space<vmem>>) attributes {dimension_semantics = [#tpu.dimension_semantics<arbitrary>], iteration_bounds = array<i64: 10>, scalar_prefetch = 0 : i64, scratch_operands = 0 : i64, tpu.core_type = #tpu.core_type<tc>, window_params = [{transform_indices = @transform_0, window_bounds = array<i64: 4, 4, 1000, 32>}, {transform_indices = @transform_1, window_bounds = array<i64: 4, 1000, 8>}, {pipeline_mode = #tpu.pipeline_mode<synchronous>, transform_indices = @transform_2, window_bounds = array<i64: 4, 128, 128>}, {transform_indices = @transform_3, window_bounds = array<i64: 1000, 128>}, {transform_indices = @transform_4, window_bounds = array<i64: 4, 1000, 32>}]} {
    %get3A = arith.constant 0 : index
    %get3A_0 = arith.constant 0 : index
    %get3A_1 = arith.constant 0 : index
    %get3A_2 = vector.load %arg2[%get3A, %get3A_0, %get3A_1] : memref<4x1000x8xf32, #tpu.memory_space<vmem>>, vector<4x1000x8xf32>
    %max3A = arith.constant 1.000000e+00 : f32
    %max3A_3 = vector.broadcast %max3A : f32 to vector<4x1000x8xf32>
    %max3A_4 = arith.maximumf %get3A_2, %max3A_3 : vector<4x1000x8xf32>
    %div3A = arith.constant 1.000000e+00 : f32
    %div3A_5 = vector.broadcast %div3A : f32 to vector<4x1000x8xf32>
    %div3A_6 = arith.divf %div3A_5, %max3A_4 : vector<4x1000x8xf32>
    %broadcast_in_dim3A = arith.constant 0.000000e+00 : f32
    %broadcast_in_dim3A_7 = vector.broadcast %broadcast_in_dim3A : f32 to vector<1000x128xf32>
    %slice3A = vector.extract_strided_slice %div3A_6 {offsets = [0, 0, 0], sizes = [1, 1000, 1], strides = [1, 1, 1]} : vector<4x1000x8xf32> to vector<1x1000x1xf32>
    %squeeze3A = vector.shape_cast %slice3A : vector<1x1000x1xf32> to vector<1000x1xf32>
    %get3A_8 = arith.constant 0 : index
    %get3A_9 = arith.constant 0 : index
    %get3A_10 = arith.constant 0 : index
    %get3A_11 = arith.constant 0 : index
    %get3A_12 = vector.load %arg1[%get3A_8, %get3A_9, %get3A_10, %get3A_11] : memref<4x4x1000x32xf32, #tpu.memory_space<vmem>>, vector<1x1x1000x32xf32>
    %get3A_13 = vector.shape_cast %get3A_12 : vector<1x1x1000x32xf32> to vector<1000x32xf32>
    %mul3A = vector.broadcast %squeeze3A : vector<1000x1xf32> to vector<1000x32xf32>
    %mul3A_14 = arith.mulf %get3A_13, %mul3A : vector<1000x32xf32>
    %get3A_15 = arith.constant 0 : index
    %get3A_16 = arith.constant 0 : index
    %get3A_17 = arith.constant 0 : index
    %get3A_18 = vector.load %arg3[%get3A_15, %get3A_16, %get3A_17] : memref<4x128x128xf32, #tpu.memory_space<vmem>>, vector<1x32x128xf32>
    %get3A_19 = vector.shape_cast %get3A_18 : vector<1x32x128xf32> to vector<32x128xf32>
    %dot_general3A = arith.constant dense<0.000000e+00> : vector<1000x128xf32>
    %dot_general3A_20 = tpu.matmul %mul3A_14, %get3A_19, %dot_general3A {dimension_numbers = #tpu.dot_dimension_numbers<[1], [0], [0], [1], [0, 0, 1, 1], [], []>, transpose_lhs_hint = false} : vector<1000x32xf32>, vector<32x128xf32>, vector<1000x128xf32> -> vector<1000x128xf32>
    %add3A = arith.addf %broadcast_in_dim3A_7, %dot_general3A_20 : vector<1000x128xf32>
    %get3A_21 = arith.constant 1 : index
    %get3A_22 = arith.constant 0 : index
    %get3A_23 = arith.constant 0 : index
    %get3A_24 = arith.constant 0 : index
    %get3A_25 = vector.load %arg1[%get3A_21, %get3A_22, %get3A_23, %get3A_24] : memref<4x4x1000x32xf32, #tpu.memory_space<vmem>>, vector<1x1x1000x32xf32>
    %get3A_26 = vector.shape_cast %get3A_25 : vector<1x1x1000x32xf32> to vector<1000x32xf32>
    %mul3A_27 = vector.broadcast %squeeze3A : vector<1000x1xf32> to vector<1000x32xf32>
    %mul3A_28 = arith.mulf %get3A_26, %mul3A_27 : vector<1000x32xf32>
    %get3A_29 = arith.constant 0 : index
    %get3A_30 = arith.constant 32 : index
    %get3A_31 = arith.constant 0 : index
    %get3A_32 = vector.load %arg3[%get3A_29, %get3A_30, %get3A_31] : memref<4x128x128xf32, #tpu.memory_space<vmem>>, vector<1x32x128xf32>
    %get3A_33 = vector.shape_cast %get3A_32 : vector<1x32x128xf32> to vector<32x128xf32>
    %dot_general3A_34 = arith.constant dense<0.000000e+00> : vector<1000x128xf32>
    %dot_general3A_35 = tpu.matmul %mul3A_28, %get3A_33, %dot_general3A_34 {dimension_numbers = #tpu.dot_dimension_numbers<[1], [0], [0], [1], [0, 0, 1, 1], [], []>, transpose_lhs_hint = false} : vector<1000x32xf32>, vector<32x128xf32>, vector<1000x128xf32> -> vector<1000x128xf32>
    %add3A_36 = arith.addf %add3A, %dot_general3A_35 : vector<1000x128xf32>
    %get3A_37 = arith.constant 2 : index
    %get3A_38 = arith.constant 0 : index
    %get3A_39 = arith.constant 0 : index
    %get3A_40 = arith.constant 0 : index
    %get3A_41 = vector.load %arg1[%get3A_37, %get3A_38, %get3A_39, %get3A_40] : memref<4x4x1000x32xf32, #tpu.memory_space<vmem>>, vector<1x1x1000x32xf32>
    %get3A_42 = vector.shape_cast %get3A_41 : vector<1x1x1000x32xf32> to vector<1000x32xf32>
    %mul3A_43 = vector.broadcast %squeeze3A : vector<1000x1xf32> to vector<1000x32xf32>
    %mul3A_44 = arith.mulf %get3A_42, %mul3A_43 : vector<1000x32xf32>
    %get3A_45 = arith.constant 0 : index
    %get3A_46 = arith.constant 64 : index
    %get3A_47 = arith.constant 0 : index
    %get3A_48 = vector.load %arg3[%get3A_45, %get3A_46, %get3A_47] : memref<4x128x128xf32, #tpu.memory_space<vmem>>, vector<1x32x128xf32>
    %get3A_49 = vector.shape_cast %get3A_48 : vector<1x32x128xf32> to vector<32x128xf32>
    %dot_general3A_50 = arith.constant dense<0.000000e+00> : vector<1000x128xf32>
    %dot_general3A_51 = tpu.matmul %mul3A_44, %get3A_49, %dot_general3A_50 {dimension_numbers = #tpu.dot_dimension_numbers<[1], [0], [0], [1], [0, 0, 1, 1], [], []>, transpose_lhs_hint = false} : vector<1000x32xf32>, vector<32x128xf32>, vector<1000x128xf32> -> vector<1000x128xf32>
    %add3A_52 = arith.addf %add3A_36, %dot_general3A_51 : vector<1000x128xf32>
    %get3A_53 = arith.constant 3 : index
    %get3A_54 = arith.constant 0 : index
    %get3A_55 = arith.constant 0 : index
    %get3A_56 = arith.constant 0 : index
    %get3A_57 = vector.load %arg1[%get3A_53, %get3A_54, %get3A_55, %get3A_56] : memref<4x4x1000x32xf32, #tpu.memory_space<vmem>>, vector<1x1x1000x32xf32>
    %get3A_58 = vector.shape_cast %get3A_57 : vector<1x1x1000x32xf32> to vector<1000x32xf32>
    %mul3A_59 = vector.broadcast %squeeze3A : vector<1000x1xf32> to vector<1000x32xf32>
    %mul3A_60 = arith.mulf %get3A_58, %mul3A_59 : vector<1000x32xf32>
    %get3A_61 = arith.constant 0 : index
    %get3A_62 = arith.constant 96 : index
    %get3A_63 = arith.constant 0 : index
    %get3A_64 = vector.load %arg3[%get3A_61, %get3A_62, %get3A_63] : memref<4x128x128xf32, #tpu.memory_space<vmem>>, vector<1x32x128xf32>
    %get3A_65 = vector.shape_cast %get3A_64 : vector<1x32x128xf32> to vector<32x128xf32>
    %dot_general3A_66 = arith.constant dense<0.000000e+00> : vector<1000x128xf32>
    %dot_general3A_67 = tpu.matmul %mul3A_60, %get3A_65, %dot_general3A_66 {dimension_numbers = #tpu.dot_dimension_numbers<[1], [0], [0], [1], [0, 0, 1, 1], [], []>, transpose_lhs_hint = false} : vector<1000x32xf32>, vector<32x128xf32>, vector<1000x128xf32> -> vector<1000x128xf32>
    %add3A_68 = arith.addf %add3A_52, %dot_general3A_67 : vector<1000x128xf32>
    %slice3A_69 = vector.extract_strided_slice %div3A_6 {offsets = [1, 0, 0], sizes = [1, 1000, 1], strides = [1, 1, 1]} : vector<4x1000x8xf32> to vector<1x1000x1xf32>
    %squeeze3A_70 = vector.shape_cast %slice3A_69 : vector<1x1000x1xf32> to vector<1000x1xf32>
    %get3A_71 = arith.constant 0 : index
    %get3A_72 = arith.constant 1 : index
    %get3A_73 = arith.constant 0 : index
    %get3A_74 = arith.constant 0 : index
    %get3A_75 = vector.load %arg1[%get3A_71, %get3A_72, %get3A_73, %get3A_74] : memref<4x4x1000x32xf32, #tpu.memory_space<vmem>>, vector<1x1x1000x32xf32>
    %get3A_76 = vector.shape_cast %get3A_75 : vector<1x1x1000x32xf32> to vector<1000x32xf32>
    %mul3A_77 = vector.broadcast %squeeze3A_70 : vector<1000x1xf32> to vector<1000x32xf32>
    %mul3A_78 = arith.mulf %get3A_76, %mul3A_77 : vector<1000x32xf32>
    %get3A_79 = arith.constant 1 : index
    %get3A_80 = arith.constant 0 : index
    %get3A_81 = arith.constant 0 : index
    %get3A_82 = vector.load %arg3[%get3A_79, %get3A_80, %get3A_81] : memref<4x128x128xf32, #tpu.memory_space<vmem>>, vector<1x32x128xf32>
    %get3A_83 = vector.shape_cast %get3A_82 : vector<1x32x128xf32> to vector<32x128xf32>
    %dot_general3A_84 = arith.constant dense<0.000000e+00> : vector<1000x128xf32>
    %dot_general3A_85 = tpu.matmul %mul3A_78, %get3A_83, %dot_general3A_84 {dimension_numbers = #tpu.dot_dimension_numbers<[1], [0], [0], [1], [0, 0, 1, 1], [], []>, transpose_lhs_hint = false} : vector<1000x32xf32>, vector<32x128xf32>, vector<1000x128xf32> -> vector<1000x128xf32>
    %add3A_86 = arith.addf %add3A_68, %dot_general3A_85 : vector<1000x128xf32>
    %get3A_87 = arith.constant 1 : index
    %get3A_88 = arith.constant 1 : index
    %get3A_89 = arith.constant 0 : index
    %get3A_90 = arith.constant 0 : index
    %get3A_91 = vector.load %arg1[%get3A_87, %get3A_88, %get3A_89, %get3A_90] : memref<4x4x1000x32xf32, #tpu.memory_space<vmem>>, vector<1x1x1000x32xf32>
    %get3A_92 = vector.shape_cast %get3A_91 : vector<1x1x1000x32xf32> to vector<1000x32xf32>
    %mul3A_93 = vector.broadcast %squeeze3A_70 : vector<1000x1xf32> to vector<1000x32xf32>
    %mul3A_94 = arith.mulf %get3A_92, %mul3A_93 : vector<1000x32xf32>
    %get3A_95 = arith.constant 1 : index
    %get3A_96 = arith.constant 32 : index
    %get3A_97 = arith.constant 0 : index
    %get3A_98 = vector.load %arg3[%get3A_95, %get3A_96, %get3A_97] : memref<4x128x128xf32, #tpu.memory_space<vmem>>, vector<1x32x128xf32>
    %get3A_99 = vector.shape_cast %get3A_98 : vector<1x32x128xf32> to vector<32x128xf32>
    %dot_general3A_100 = arith.constant dense<0.000000e+00> : vector<1000x128xf32>
    %dot_general3A_101 = tpu.matmul %mul3A_94, %get3A_99, %dot_general3A_100 {dimension_numbers = #tpu.dot_dimension_numbers<[1], [0], [0], [1], [0, 0, 1, 1], [], []>, transpose_lhs_hint = false} : vector<1000x32xf32>, vector<32x128xf32>, vector<1000x128xf32> -> vector<1000x128xf32>
    %add3A_102 = arith.addf %add3A_86, %dot_general3A_101 : vector<1000x128xf32>
    %get3A_103 = arith.constant 2 : index
    %get3A_104 = arith.constant 1 : index
    %get3A_105 = arith.constant 0 : index
    %get3A_106 = arith.constant 0 : index
    %get3A_107 = vector.load %arg1[%get3A_103, %get3A_104, %get3A_105, %get3A_106] : memref<4x4x1000x32xf32, #tpu.memory_space<vmem>>, vector<1x1x1000x32xf32>
    %get3A_108 = vector.shape_cast %get3A_107 : vector<1x1x1000x32xf32> to vector<1000x32xf32>
    %mul3A_109 = vector.broadcast %squeeze3A_70 : vector<1000x1xf32> to vector<1000x32xf32>
    %mul3A_110 = arith.mulf %get3A_108, %mul3A_109 : vector<1000x32xf32>
    %get3A_111 = arith.constant 1 : index
    %get3A_112 = arith.constant 64 : index
    %get3A_113 = arith.constant 0 : index
    %get3A_114 = vector.load %arg3[%get3A_111, %get3A_112, %get3A_113] : memref<4x128x128xf32, #tpu.memory_space<vmem>>, vector<1x32x128xf32>
    %get3A_115 = vector.shape_cast %get3A_114 : vector<1x32x128xf32> to vector<32x128xf32>
    %dot_general3A_116 = arith.constant dense<0.000000e+00> : vector<1000x128xf32>
    %dot_general3A_117 = tpu.matmul %mul3A_110, %get3A_115, %dot_general3A_116 {dimension_numbers = #tpu.dot_dimension_numbers<[1], [0], [0], [1], [0, 0, 1, 1], [], []>, transpose_lhs_hint = false} : vector<1000x32xf32>, vector<32x128xf32>, vector<1000x128xf32> -> vector<1000x128xf32>
    %add3A_118 = arith.addf %add3A_102, %dot_general3A_117 : vector<1000x128xf32>
    %get3A_119 = arith.constant 3 : index
    %get3A_120 = arith.constant 1 : index
    %get3A_121 = arith.constant 0 : index
    %get3A_122 = arith.constant 0 : index
    %get3A_123 = vector.load %arg1[%get3A_119, %get3A_120, %get3A_121, %get3A_122] : memref<4x4x1000x32xf32, #tpu.memory_space<vmem>>, vector<1x1x1000x32xf32>
    %get3A_124 = vector.shape_cast %get3A_123 : vector<1x1x1000x32xf32> to vector<1000x32xf32>
    %mul3A_125 = vector.broadcast %squeeze3A_70 : vector<1000x1xf32> to vector<1000x32xf32>
    %mul3A_126 = arith.mulf %get3A_124, %mul3A_125 : vector<1000x32xf32>
    %get3A_127 = arith.constant 1 : index
    %get3A_128 = arith.constant 96 : index
    %get3A_129 = arith.constant 0 : index
    %get3A_130 = vector.load %arg3[%get3A_127, %get3A_128, %get3A_129] : memref<4x128x128xf32, #tpu.memory_space<vmem>>, vector<1x32x128xf32>
    %get3A_131 = vector.shape_cast %get3A_130 : vector<1x32x128xf32> to vector<32x128xf32>
    %dot_general3A_132 = arith.constant dense<0.000000e+00> : vector<1000x128xf32>
    %dot_general3A_133 = tpu.matmul %mul3A_126, %get3A_131, %dot_general3A_132 {dimension_numbers = #tpu.dot_dimension_numbers<[1], [0], [0], [1], [0, 0, 1, 1], [], []>, transpose_lhs_hint = false} : vector<1000x32xf32>, vector<32x128xf32>, vector<1000x128xf32> -> vector<1000x128xf32>
    %add3A_134 = arith.addf %add3A_118, %dot_general3A_133 : vector<1000x128xf32>
    %slice3A_135 = vector.extract_strided_slice %div3A_6 {offsets = [2, 0, 0], sizes = [1, 1000, 1], strides = [1, 1, 1]} : vector<4x1000x8xf32> to vector<1x1000x1xf32>
    %squeeze3A_136 = vector.shape_cast %slice3A_135 : vector<1x1000x1xf32> to vector<1000x1xf32>
    %get3A_137 = arith.constant 0 : index
    %get3A_138 = arith.constant 2 : index
    %get3A_139 = arith.constant 0 : index
    %get3A_140 = arith.constant 0 : index
    %get3A_141 = vector.load %arg1[%get3A_137, %get3A_138, %get3A_139, %get3A_140] : memref<4x4x1000x32xf32, #tpu.memory_space<vmem>>, vector<1x1x1000x32xf32>
    %get3A_142 = vector.shape_cast %get3A_141 : vector<1x1x1000x32xf32> to vector<1000x32xf32>
    %mul3A_143 = vector.broadcast %squeeze3A_136 : vector<1000x1xf32> to vector<1000x32xf32>
    %mul3A_144 = arith.mulf %get3A_142, %mul3A_143 : vector<1000x32xf32>
    %get3A_145 = arith.constant 2 : index
    %get3A_146 = arith.constant 0 : index
    %get3A_147 = arith.constant 0 : index
    %get3A_148 = vector.load %arg3[%get3A_145, %get3A_146, %get3A_147] : memref<4x128x128xf32, #tpu.memory_space<vmem>>, vector<1x32x128xf32>
    %get3A_149 = vector.shape_cast %get3A_148 : vector<1x32x128xf32> to vector<32x128xf32>
    %dot_general3A_150 = arith.constant dense<0.000000e+00> : vector<1000x128xf32>
    %dot_general3A_151 = tpu.matmul %mul3A_144, %get3A_149, %dot_general3A_150 {dimension_numbers = #tpu.dot_dimension_numbers<[1], [0], [0], [1], [0, 0, 1, 1], [], []>, transpose_lhs_hint = false} : vector<1000x32xf32>, vector<32x128xf32>, vector<1000x128xf32> -> vector<1000x128xf32>
    %add3A_152 = arith.addf %add3A_134, %dot_general3A_151 : vector<1000x128xf32>
    %get3A_153 = arith.constant 1 : index
    %get3A_154 = arith.constant 2 : index
    %get3A_155 = arith.constant 0 : index
    %get3A_156 = arith.constant 0 : index
    %get3A_157 = vector.load %arg1[%get3A_153, %get3A_154, %get3A_155, %get3A_156] : memref<4x4x1000x32xf32, #tpu.memory_space<vmem>>, vector<1x1x1000x32xf32>
    %get3A_158 = vector.shape_cast %get3A_157 : vector<1x1x1000x32xf32> to vector<1000x32xf32>
    %mul3A_159 = vector.broadcast %squeeze3A_136 : vector<1000x1xf32> to vector<1000x32xf32>
    %mul3A_160 = arith.mulf %get3A_158, %mul3A_159 : vector<1000x32xf32>
    %get3A_161 = arith.constant 2 : index
    %get3A_162 = arith.constant 32 : index
    %get3A_163 = arith.constant 0 : index
    %get3A_164 = vector.load %arg3[%get3A_161, %get3A_162, %get3A_163] : memref<4x128x128xf32, #tpu.memory_space<vmem>>, vector<1x32x128xf32>
    %get3A_165 = vector.shape_cast %get3A_164 : vector<1x32x128xf32> to vector<32x128xf32>
    %dot_general3A_166 = arith.constant dense<0.000000e+00> : vector<1000x128xf32>
    %dot_general3A_167 = tpu.matmul %mul3A_160, %get3A_165, %dot_general3A_166 {dimension_numbers = #tpu.dot_dimension_numbers<[1], [0], [0], [1], [0, 0, 1, 1], [], []>, transpose_lhs_hint = false} : vector<1000x32xf32>, vector<32x128xf32>, vector<1000x128xf32> -> vector<1000x128xf32>
    %add3A_168 = arith.addf %add3A_152, %dot_general3A_167 : vector<1000x128xf32>
    %get3A_169 = arith.constant 2 : index
    %get3A_170 = arith.constant 2 : index
    %get3A_171 = arith.constant 0 : index
    %get3A_172 = arith.constant 0 : index
    %get3A_173 = vector.load %arg1[%get3A_169, %get3A_170, %get3A_171, %get3A_172] : memref<4x4x1000x32xf32, #tpu.memory_space<vmem>>, vector<1x1x1000x32xf32>
    %get3A_174 = vector.shape_cast %get3A_173 : vector<1x1x1000x32xf32> to vector<1000x32xf32>
    %mul3A_175 = vector.broadcast %squeeze3A_136 : vector<1000x1xf32> to vector<1000x32xf32>
    %mul3A_176 = arith.mulf %get3A_174, %mul3A_175 : vector<1000x32xf32>
    %get3A_177 = arith.constant 2 : index
    %get3A_178 = arith.constant 64 : index
    %get3A_179 = arith.constant 0 : index
    %get3A_180 = vector.load %arg3[%get3A_177, %get3A_178, %get3A_179] : memref<4x128x128xf32, #tpu.memory_space<vmem>>, vector<1x32x128xf32>
    %get3A_181 = vector.shape_cast %get3A_180 : vector<1x32x128xf32> to vector<32x128xf32>
    %dot_general3A_182 = arith.constant dense<0.000000e+00> : vector<1000x128xf32>
    %dot_general3A_183 = tpu.matmul %mul3A_176, %get3A_181, %dot_general3A_182 {dimension_numbers = #tpu.dot_dimension_numbers<[1], [0], [0], [1], [0, 0, 1, 1], [], []>, transpose_lhs_hint = false} : vector<1000x32xf32>, vector<32x128xf32>, vector<1000x128xf32> -> vector<1000x128xf32>
    %add3A_184 = arith.addf %add3A_168, %dot_general3A_183 : vector<1000x128xf32>
    %get3A_185 = arith.constant 3 : index
    %get3A_186 = arith.constant 2 : index
    %get3A_187 = arith.constant 0 : index
    %get3A_188 = arith.constant 0 : index
    %get3A_189 = vector.load %arg1[%get3A_185, %get3A_186, %get3A_187, %get3A_188] : memref<4x4x1000x32xf32, #tpu.memory_space<vmem>>, vector<1x1x1000x32xf32>
    %get3A_190 = vector.shape_cast %get3A_189 : vector<1x1x1000x32xf32> to vector<1000x32xf32>
    %mul3A_191 = vector.broadcast %squeeze3A_136 : vector<1000x1xf32> to vector<1000x32xf32>
    %mul3A_192 = arith.mulf %get3A_190, %mul3A_191 : vector<1000x32xf32>
    %get3A_193 = arith.constant 2 : index
    %get3A_194 = arith.constant 96 : index
    %get3A_195 = arith.constant 0 : index
    %get3A_196 = vector.load %arg3[%get3A_193, %get3A_194, %get3A_195] : memref<4x128x128xf32, #tpu.memory_space<vmem>>, vector<1x32x128xf32>
    %get3A_197 = vector.shape_cast %get3A_196 : vector<1x32x128xf32> to vector<32x128xf32>
    %dot_general3A_198 = arith.constant dense<0.000000e+00> : vector<1000x128xf32>
    %dot_general3A_199 = tpu.matmul %mul3A_192, %get3A_197, %dot_general3A_198 {dimension_numbers = #tpu.dot_dimension_numbers<[1], [0], [0], [1], [0, 0, 1, 1], [], []>, transpose_lhs_hint = false} : vector<1000x32xf32>, vector<32x128xf32>, vector<1000x128xf32> -> vector<1000x128xf32>
    %add3A_200 = arith.addf %add3A_184, %dot_general3A_199 : vector<1000x128xf32>
    %slice3A_201 = vector.extract_strided_slice %div3A_6 {offsets = [3, 0, 0], sizes = [1, 1000, 1], strides = [1, 1, 1]} : vector<4x1000x8xf32> to vector<1x1000x1xf32>
    %squeeze3A_202 = vector.shape_cast %slice3A_201 : vector<1x1000x1xf32> to vector<1000x1xf32>
    %get3A_203 = arith.constant 0 : index
    %get3A_204 = arith.constant 3 : index
    %get3A_205 = arith.constant 0 : index
    %get3A_206 = arith.constant 0 : index
    %get3A_207 = vector.load %arg1[%get3A_203, %get3A_204, %get3A_205, %get3A_206] : memref<4x4x1000x32xf32, #tpu.memory_space<vmem>>, vector<1x1x1000x32xf32>
    %get3A_208 = vector.shape_cast %get3A_207 : vector<1x1x1000x32xf32> to vector<1000x32xf32>
    %mul3A_209 = vector.broadcast %squeeze3A_202 : vector<1000x1xf32> to vector<1000x32xf32>
    %mul3A_210 = arith.mulf %get3A_208, %mul3A_209 : vector<1000x32xf32>
    %get3A_211 = arith.constant 3 : index
    %get3A_212 = arith.constant 0 : index
    %get3A_213 = arith.constant 0 : index
    %get3A_214 = vector.load %arg3[%get3A_211, %get3A_212, %get3A_213] : memref<4x128x128xf32, #tpu.memory_space<vmem>>, vector<1x32x128xf32>
    %get3A_215 = vector.shape_cast %get3A_214 : vector<1x32x128xf32> to vector<32x128xf32>
    %dot_general3A_216 = arith.constant dense<0.000000e+00> : vector<1000x128xf32>
    %dot_general3A_217 = tpu.matmul %mul3A_210, %get3A_215, %dot_general3A_216 {dimension_numbers = #tpu.dot_dimension_numbers<[1], [0], [0], [1], [0, 0, 1, 1], [], []>, transpose_lhs_hint = false} : vector<1000x32xf32>, vector<32x128xf32>, vector<1000x128xf32> -> vector<1000x128xf32>
    %add3A_218 = arith.addf %add3A_200, %dot_general3A_217 : vector<1000x128xf32>
    %get3A_219 = arith.constant 1 : index
    %get3A_220 = arith.constant 3 : index
    %get3A_221 = arith.constant 0 : index
    %get3A_222 = arith.constant 0 : index
    %get3A_223 = vector.load %arg1[%get3A_219, %get3A_220, %get3A_221, %get3A_222] : memref<4x4x1000x32xf32, #tpu.memory_space<vmem>>, vector<1x1x1000x32xf32>
    %get3A_224 = vector.shape_cast %get3A_223 : vector<1x1x1000x32xf32> to vector<1000x32xf32>
    %mul3A_225 = vector.broadcast %squeeze3A_202 : vector<1000x1xf32> to vector<1000x32xf32>
    %mul3A_226 = arith.mulf %get3A_224, %mul3A_225 : vector<1000x32xf32>
    %get3A_227 = arith.constant 3 : index
    %get3A_228 = arith.constant 32 : index
    %get3A_229 = arith.constant 0 : index
    %get3A_230 = vector.load %arg3[%get3A_227, %get3A_228, %get3A_229] : memref<4x128x128xf32, #tpu.memory_space<vmem>>, vector<1x32x128xf32>
    %get3A_231 = vector.shape_cast %get3A_230 : vector<1x32x128xf32> to vector<32x128xf32>
    %dot_general3A_232 = arith.constant dense<0.000000e+00> : vector<1000x128xf32>
    %dot_general3A_233 = tpu.matmul %mul3A_226, %get3A_231, %dot_general3A_232 {dimension_numbers = #tpu.dot_dimension_numbers<[1], [0], [0], [1], [0, 0, 1, 1], [], []>, transpose_lhs_hint = false} : vector<1000x32xf32>, vector<32x128xf32>, vector<1000x128xf32> -> vector<1000x128xf32>
    %add3A_234 = arith.addf %add3A_218, %dot_general3A_233 : vector<1000x128xf32>
    %get3A_235 = arith.constant 2 : index
    %get3A_236 = arith.constant 3 : index
    %get3A_237 = arith.constant 0 : index
    %get3A_238 = arith.constant 0 : index
    %get3A_239 = vector.load %arg1[%get3A_235, %get3A_236, %get3A_237, %get3A_238] : memref<4x4x1000x32xf32, #tpu.memory_space<vmem>>, vector<1x1x1000x32xf32>
    %get3A_240 = vector.shape_cast %get3A_239 : vector<1x1x1000x32xf32> to vector<1000x32xf32>
    %mul3A_241 = vector.broadcast %squeeze3A_202 : vector<1000x1xf32> to vector<1000x32xf32>
    %mul3A_242 = arith.mulf %get3A_240, %mul3A_241 : vector<1000x32xf32>
    %get3A_243 = arith.constant 3 : index
    %get3A_244 = arith.constant 64 : index
    %get3A_245 = arith.constant 0 : index
    %get3A_246 = vector.load %arg3[%get3A_243, %get3A_244, %get3A_245] : memref<4x128x128xf32, #tpu.memory_space<vmem>>, vector<1x32x128xf32>
    %get3A_247 = vector.shape_cast %get3A_246 : vector<1x32x128xf32> to vector<32x128xf32>
    %dot_general3A_248 = arith.constant dense<0.000000e+00> : vector<1000x128xf32>
    %dot_general3A_249 = tpu.matmul %mul3A_242, %get3A_247, %dot_general3A_248 {dimension_numbers = #tpu.dot_dimension_numbers<[1], [0], [0], [1], [0, 0, 1, 1], [], []>, transpose_lhs_hint = false} : vector<1000x32xf32>, vector<32x128xf32>, vector<1000x128xf32> -> vector<1000x128xf32>
    %add3A_250 = arith.addf %add3A_234, %dot_general3A_249 : vector<1000x128xf32>
    %get3A_251 = arith.constant 3 : index
    %get3A_252 = arith.constant 3 : index
    %get3A_253 = arith.constant 0 : index
    %get3A_254 = arith.constant 0 : index
    %get3A_255 = vector.load %arg1[%get3A_251, %get3A_252, %get3A_253, %get3A_254] : memref<4x4x1000x32xf32, #tpu.memory_space<vmem>>, vector<1x1x1000x32xf32>
    %get3A_256 = vector.shape_cast %get3A_255 : vector<1x1x1000x32xf32> to vector<1000x32xf32>
    %mul3A_257 = vector.broadcast %squeeze3A_202 : vector<1000x1xf32> to vector<1000x32xf32>
    %mul3A_258 = arith.mulf %get3A_256, %mul3A_257 : vector<1000x32xf32>
    %get3A_259 = arith.constant 3 : index
    %get3A_260 = arith.constant 96 : index
    %get3A_261 = arith.constant 0 : index
    %get3A_262 = vector.load %arg3[%get3A_259, %get3A_260, %get3A_261] : memref<4x128x128xf32, #tpu.memory_space<vmem>>, vector<1x32x128xf32>
    %get3A_263 = vector.shape_cast %get3A_262 : vector<1x32x128xf32> to vector<32x128xf32>
    %dot_general3A_264 = arith.constant dense<0.000000e+00> : vector<1000x128xf32>
    %dot_general3A_265 = tpu.matmul %mul3A_258, %get3A_263, %dot_general3A_264 {dimension_numbers = #tpu.dot_dimension_numbers<[1], [0], [0], [1], [0, 0, 1, 1], [], []>, transpose_lhs_hint = false} : vector<1000x32xf32>, vector<32x128xf32>, vector<1000x128xf32> -> vector<1000x128xf32>
    %add3A_266 = arith.addf %add3A_250, %dot_general3A_265 : vector<1000x128xf32>
    %max3A_267 = arith.constant 0.000000e+00 : f32
    %max3A_268 = vector.broadcast %max3A_267 : f32 to vector<1000x128xf32>
    %max3A_269 = arith.maximumf %add3A_266, %max3A_268 : vector<1000x128xf32>
    %swap3A = arith.constant 0 : index
    %swap3A_270 = arith.constant 0 : index
    %swap3A_271 = vector.load %arg4[%swap3A, %swap3A_270] : memref<1000x128xf32, #tpu.memory_space<vmem>>, vector<1000x128xf32>
    tpu.vector_store %arg4[%swap3A, %swap3A_270], %max3A_269 {strides = array<i32>} : memref<1000x128xf32, #tpu.memory_space<vmem>>, vector<1000x128xf32>,
    %slice3A_272 = vector.extract_strided_slice %max3A_269 {offsets = [0, 0], sizes = [1000, 32], strides = [1, 1]} : vector<1000x128xf32> to vector<1000x32xf32>
    %swap3A_273 = arith.constant 0 : index
    %swap3A_274 = arith.constant 0 : index
    %swap3A_275 = arith.constant 0 : index
    %swap3A_276 = vector.load %arg5[%swap3A_273, %swap3A_274, %swap3A_275] : memref<4x1000x32xf32, #tpu.memory_space<vmem>>, vector<1x1000x32xf32>
    %swap3A_277 = vector.shape_cast %swap3A_276 : vector<1x1000x32xf32> to vector<1000x32xf32>
    %swap3A_278 = vector.shape_cast %slice3A_272 : vector<1000x32xf32> to vector<1x1000x32xf32>
    tpu.vector_store %arg5[%swap3A_273, %swap3A_274, %swap3A_275], %swap3A_278 {strides = array<i32>} : memref<4x1000x32xf32, #tpu.memory_space<vmem>>, vector<1x1000x32xf32>,
    %slice3A_279 = vector.extract_strided_slice %max3A_269 {offsets = [0, 32], sizes = [1000, 32], strides = [1, 1]} : vector<1000x128xf32> to vector<1000x32xf32>
    %swap3A_280 = arith.constant 1 : index
    %swap3A_281 = arith.constant 0 : index
    %swap3A_282 = arith.constant 0 : index
    %swap3A_283 = vector.load %arg5[%swap3A_280, %swap3A_281, %swap3A_282] : memref<4x1000x32xf32, #tpu.memory_space<vmem>>, vector<1x1000x32xf32>
    %swap3A_284 = vector.shape_cast %swap3A_283 : vector<1x1000x32xf32> to vector<1000x32xf32>
    %swap3A_285 = vector.shape_cast %slice3A_279 : vector<1000x32xf32> to vector<1x1000x32xf32>
    tpu.vector_store %arg5[%swap3A_280, %swap3A_281, %swap3A_282], %swap3A_285 {strides = array<i32>} : memref<4x1000x32xf32, #tpu.memory_space<vmem>>, vector<1x1000x32xf32>,
    %slice3A_286 = vector.extract_strided_slice %max3A_269 {offsets = [0, 64], sizes = [1000, 32], strides = [1, 1]} : vector<1000x128xf32> to vector<1000x32xf32>
    %swap3A_287 = arith.constant 2 : index
    %swap3A_288 = arith.constant 0 : index
    %swap3A_289 = arith.constant 0 : index
    %swap3A_290 = vector.load %arg5[%swap3A_287, %swap3A_288, %swap3A_289] : memref<4x1000x32xf32, #tpu.memory_space<vmem>>, vector<1x1000x32xf32>
    %swap3A_291 = vector.shape_cast %swap3A_290 : vector<1x1000x32xf32> to vector<1000x32xf32>
    %swap3A_292 = vector.shape_cast %slice3A_286 : vector<1000x32xf32> to vector<1x1000x32xf32>
    tpu.vector_store %arg5[%swap3A_287, %swap3A_288, %swap3A_289], %swap3A_292 {strides = array<i32>} : memref<4x1000x32xf32, #tpu.memory_space<vmem>>, vector<1x1000x32xf32>,
    %slice3A_293 = vector.extract_strided_slice %max3A_269 {offsets = [0, 96], sizes = [1000, 32], strides = [1, 1]} : vector<1000x128xf32> to vector<1000x32xf32>
    %swap3A_294 = arith.constant 3 : index
    %swap3A_295 = arith.constant 0 : index
    %swap3A_296 = arith.constant 0 : index
    %swap3A_297 = vector.load %arg5[%swap3A_294, %swap3A_295, %swap3A_296] : memref<4x1000x32xf32, #tpu.memory_space<vmem>>, vector<1x1000x32xf32>
    %swap3A_298 = vector.shape_cast %swap3A_297 : vector<1x1000x32xf32> to vector<1000x32xf32>
    %swap3A_299 = vector.shape_cast %slice3A_293 : vector<1000x32xf32> to vector<1x1000x32xf32>
    tpu.vector_store %arg5[%swap3A_294, %swap3A_295, %swap3A_296], %swap3A_299 {strides = array<i32>} : memref<4x1000x32xf32, #tpu.memory_space<vmem>>, vector<1x1000x32xf32>,
    return
  }
  func.func @transform_0(%arg0: i32) -> (i32, i32, i32, i32) {
    %c0_i32 = arith.constant 0 : i32
    %c0_i32_0 = arith.constant 0 : i32
    %c0_i32_1 = arith.constant 0 : i32
    %c0_i32_2 = arith.constant 0 : i32
    return %c0_i32, %c0_i32_0, %arg0, %c0_i32_1 : i32, i32, i32, i32
  }
  func.func @transform_1(%arg0: i32) -> (i32, i32, i32) {
    %c0_i32 = arith.constant 0 : i32
    %c0_i32_0 = arith.constant 0 : i32
    %c0_i32_1 = arith.constant 0 : i32
    return %c0_i32, %arg0, %c0_i32_0 : i32, i32, i32
  }
  func.func @transform_2(%arg0: i32) -> (i32, i32, i32) {
    %c0_i32 = arith.constant 0 : i32
    %c0_i32_0 = arith.constant 0 : i32
    %c0_i32_1 = arith.constant 0 : i32
    %c0_i32_2 = arith.constant 0 : i32
    return %c0_i32, %c0_i32_0, %c0_i32_1 : i32, i32, i32
  }
  func.func @transform_3(%arg0: i32) -> (i32, i32) {
    %c0_i32 = arith.constant 0 : i32
    %c0_i32_0 = arith.constant 0 : i32
    return %arg0, %c0_i32 : i32, i32
  }
  func.func @transform_4(%arg0: i32) -> (i32, i32, i32) {
    %c0_i32 = arith.constant 0 : i32
    %c0_i32_0 = arith.constant 0 : i32
    %c0_i32_1 = arith.constant 0 : i32
    return %c0_i32, %arg0, %c0_i32_0 : i32, i32, i32
  }
}

module attributes {stable_mosaic.version = 14 : i64} {
  func.func @body(%arg0: i32, %arg1: memref<4x4x1000x32xf32, #tpu.memory_space<vmem>>, %arg2: memref<4x1000x8xf32, #tpu.memory_space<vmem>>, %arg3: memref<4x128x128xf32, #tpu.memory_space<vmem>>, %arg4: memref<1000x128xf32, #tpu.memory_space<vmem>>, %arg5: memref<128x128xf32, #tpu.memory_space<vmem>>, %arg6: memref<1000x128xf32, #tpu.memory_space<vmem>>, %arg7: memref<4x1000x32xf32, #tpu.memory_space<vmem>>) attributes {dimension_semantics = [#tpu.dimension_semantics<arbitrary>], iteration_bounds = array<i64: 10>, scalar_prefetch = 0 : i64, scratch_operands = 0 : i64, tpu.core_type = #tpu.core_type<tc>, window_params = [{transform_indices = @transform_0, window_bounds = array<i64: 4, 4, 1000, 32>}, {transform_indices = @transform_1, window_bounds = array<i64: 4, 1000, 8>}, {pipeline_mode = #tpu.pipeline_mode<synchronous>, transform_indices = @transform_2, window_bounds = array<i64: 4, 128, 128>}, {transform_indices = @transform_3, window_bounds = array<i64: 1000, 128>}, {pipeline_mode = #tpu.pipeline_mode<synchronous>, transform_indices = @transform_4, window_bounds = array<i64: 128, 128>}, {transform_indices = @transform_5, window_bounds = array<i64: 1000, 128>}, {transform_indices = @transform_6, window_bounds = array<i64: 4, 1000, 32>}]} {
    %get3A = arith.constant 0 : index
    %get3A_0 = arith.constant 0 : index
    %get3A_1 = arith.constant 0 : index
    %get3A_2 = vector.load %arg2[%get3A, %get3A_0, %get3A_1] : memref<4x1000x8xf32, #tpu.memory_space<vmem>>, vector<4x1000x8xf32>
    %max3A = arith.constant 1.000000e+00 : f32
    %max3A_3 = vector.broadcast %max3A : f32 to vector<4x1000x8xf32>
    %max3A_4 = arith.maximumf %get3A_2, %max3A_3 : vector<4x1000x8xf32>
    %div3A = arith.constant 1.000000e+00 : f32
    %div3A_5 = vector.broadcast %div3A : f32 to vector<4x1000x8xf32>
    %div3A_6 = arith.divf %div3A_5, %max3A_4 : vector<4x1000x8xf32>
    %broadcast_in_dim3A = arith.constant 0.000000e+00 : f32
    %broadcast_in_dim3A_7 = vector.broadcast %broadcast_in_dim3A : f32 to vector<1000x128xf32>
    %slice3A = vector.extract_strided_slice %div3A_6 {offsets = [0, 0, 0], sizes = [1, 1000, 1], strides = [1, 1, 1]} : vector<4x1000x8xf32> to vector<1x1000x1xf32>
    %squeeze3A = vector.shape_cast %slice3A : vector<1x1000x1xf32> to vector<1000x1xf32>
    %get3A_8 = arith.constant 0 : index
    %get3A_9 = arith.constant 0 : index
    %get3A_10 = arith.constant 0 : index
    %get3A_11 = arith.constant 0 : index
    %get3A_12 = vector.load %arg1[%get3A_8, %get3A_9, %get3A_10, %get3A_11] : memref<4x4x1000x32xf32, #tpu.memory_space<vmem>>, vector<1x1x1000x32xf32>
    %get3A_13 = vector.shape_cast %get3A_12 : vector<1x1x1000x32xf32> to vector<1000x32xf32>
    %mul3A = vector.broadcast %squeeze3A : vector<1000x1xf32> to vector<1000x32xf32>
    %mul3A_14 = arith.mulf %get3A_13, %mul3A : vector<1000x32xf32>
    %get3A_15 = arith.constant 0 : index
    %get3A_16 = arith.constant 0 : index
    %get3A_17 = arith.constant 0 : index
    %get3A_18 = vector.load %arg3[%get3A_15, %get3A_16, %get3A_17] : memref<4x128x128xf32, #tpu.memory_space<vmem>>, vector<1x32x128xf32>
    %get3A_19 = vector.shape_cast %get3A_18 : vector<1x32x128xf32> to vector<32x128xf32>
    %dot_general3A = arith.constant dense<0.000000e+00> : vector<1000x128xf32>
    %dot_general3A_20 = tpu.matmul %mul3A_14, %get3A_19, %dot_general3A {dimension_numbers = #tpu.dot_dimension_numbers<[1], [0], [0], [1], [0, 0, 1, 1], [], []>, transpose_lhs_hint = false} : vector<1000x32xf32>, vector<32x128xf32>, vector<1000x128xf32> -> vector<1000x128xf32>
    %add3A = arith.addf %broadcast_in_dim3A_7, %dot_general3A_20 : vector<1000x128xf32>
    %get3A_21 = arith.constant 1 : index
    %get3A_22 = arith.constant 0 : index
    %get3A_23 = arith.constant 0 : index
    %get3A_24 = arith.constant 0 : index
    %get3A_25 = vector.load %arg1[%get3A_21, %get3A_22, %get3A_23, %get3A_24] : memref<4x4x1000x32xf32, #tpu.memory_space<vmem>>, vector<1x1x1000x32xf32>
    %get3A_26 = vector.shape_cast %get3A_25 : vector<1x1x1000x32xf32> to vector<1000x32xf32>
    %mul3A_27 = vector.broadcast %squeeze3A : vector<1000x1xf32> to vector<1000x32xf32>
    %mul3A_28 = arith.mulf %get3A_26, %mul3A_27 : vector<1000x32xf32>
    %get3A_29 = arith.constant 0 : index
    %get3A_30 = arith.constant 32 : index
    %get3A_31 = arith.constant 0 : index
    %get3A_32 = vector.load %arg3[%get3A_29, %get3A_30, %get3A_31] : memref<4x128x128xf32, #tpu.memory_space<vmem>>, vector<1x32x128xf32>
    %get3A_33 = vector.shape_cast %get3A_32 : vector<1x32x128xf32> to vector<32x128xf32>
    %dot_general3A_34 = arith.constant dense<0.000000e+00> : vector<1000x128xf32>
    %dot_general3A_35 = tpu.matmul %mul3A_28, %get3A_33, %dot_general3A_34 {dimension_numbers = #tpu.dot_dimension_numbers<[1], [0], [0], [1], [0, 0, 1, 1], [], []>, transpose_lhs_hint = false} : vector<1000x32xf32>, vector<32x128xf32>, vector<1000x128xf32> -> vector<1000x128xf32>
    %add3A_36 = arith.addf %add3A, %dot_general3A_35 : vector<1000x128xf32>
    %get3A_37 = arith.constant 2 : index
    %get3A_38 = arith.constant 0 : index
    %get3A_39 = arith.constant 0 : index
    %get3A_40 = arith.constant 0 : index
    %get3A_41 = vector.load %arg1[%get3A_37, %get3A_38, %get3A_39, %get3A_40] : memref<4x4x1000x32xf32, #tpu.memory_space<vmem>>, vector<1x1x1000x32xf32>
    %get3A_42 = vector.shape_cast %get3A_41 : vector<1x1x1000x32xf32> to vector<1000x32xf32>
    %mul3A_43 = vector.broadcast %squeeze3A : vector<1000x1xf32> to vector<1000x32xf32>
    %mul3A_44 = arith.mulf %get3A_42, %mul3A_43 : vector<1000x32xf32>
    %get3A_45 = arith.constant 0 : index
    %get3A_46 = arith.constant 64 : index
    %get3A_47 = arith.constant 0 : index
    %get3A_48 = vector.load %arg3[%get3A_45, %get3A_46, %get3A_47] : memref<4x128x128xf32, #tpu.memory_space<vmem>>, vector<1x32x128xf32>
    %get3A_49 = vector.shape_cast %get3A_48 : vector<1x32x128xf32> to vector<32x128xf32>
    %dot_general3A_50 = arith.constant dense<0.000000e+00> : vector<1000x128xf32>
    %dot_general3A_51 = tpu.matmul %mul3A_44, %get3A_49, %dot_general3A_50 {dimension_numbers = #tpu.dot_dimension_numbers<[1], [0], [0], [1], [0, 0, 1, 1], [], []>, transpose_lhs_hint = false} : vector<1000x32xf32>, vector<32x128xf32>, vector<1000x128xf32> -> vector<1000x128xf32>
    %add3A_52 = arith.addf %add3A_36, %dot_general3A_51 : vector<1000x128xf32>
    %get3A_53 = arith.constant 3 : index
    %get3A_54 = arith.constant 0 : index
    %get3A_55 = arith.constant 0 : index
    %get3A_56 = arith.constant 0 : index
    %get3A_57 = vector.load %arg1[%get3A_53, %get3A_54, %get3A_55, %get3A_56] : memref<4x4x1000x32xf32, #tpu.memory_space<vmem>>, vector<1x1x1000x32xf32>
    %get3A_58 = vector.shape_cast %get3A_57 : vector<1x1x1000x32xf32> to vector<1000x32xf32>
    %mul3A_59 = vector.broadcast %squeeze3A : vector<1000x1xf32> to vector<1000x32xf32>
    %mul3A_60 = arith.mulf %get3A_58, %mul3A_59 : vector<1000x32xf32>
    %get3A_61 = arith.constant 0 : index
    %get3A_62 = arith.constant 96 : index
    %get3A_63 = arith.constant 0 : index
    %get3A_64 = vector.load %arg3[%get3A_61, %get3A_62, %get3A_63] : memref<4x128x128xf32, #tpu.memory_space<vmem>>, vector<1x32x128xf32>
    %get3A_65 = vector.shape_cast %get3A_64 : vector<1x32x128xf32> to vector<32x128xf32>
    %dot_general3A_66 = arith.constant dense<0.000000e+00> : vector<1000x128xf32>
    %dot_general3A_67 = tpu.matmul %mul3A_60, %get3A_65, %dot_general3A_66 {dimension_numbers = #tpu.dot_dimension_numbers<[1], [0], [0], [1], [0, 0, 1, 1], [], []>, transpose_lhs_hint = false} : vector<1000x32xf32>, vector<32x128xf32>, vector<1000x128xf32> -> vector<1000x128xf32>
    %add3A_68 = arith.addf %add3A_52, %dot_general3A_67 : vector<1000x128xf32>
    %slice3A_69 = vector.extract_strided_slice %div3A_6 {offsets = [1, 0, 0], sizes = [1, 1000, 1], strides = [1, 1, 1]} : vector<4x1000x8xf32> to vector<1x1000x1xf32>
    %squeeze3A_70 = vector.shape_cast %slice3A_69 : vector<1x1000x1xf32> to vector<1000x1xf32>
    %get3A_71 = arith.constant 0 : index
    %get3A_72 = arith.constant 1 : index
    %get3A_73 = arith.constant 0 : index
    %get3A_74 = arith.constant 0 : index
    %get3A_75 = vector.load %arg1[%get3A_71, %get3A_72, %get3A_73, %get3A_74] : memref<4x4x1000x32xf32, #tpu.memory_space<vmem>>, vector<1x1x1000x32xf32>
    %get3A_76 = vector.shape_cast %get3A_75 : vector<1x1x1000x32xf32> to vector<1000x32xf32>
    %mul3A_77 = vector.broadcast %squeeze3A_70 : vector<1000x1xf32> to vector<1000x32xf32>
    %mul3A_78 = arith.mulf %get3A_76, %mul3A_77 : vector<1000x32xf32>
    %get3A_79 = arith.constant 1 : index
    %get3A_80 = arith.constant 0 : index
    %get3A_81 = arith.constant 0 : index
    %get3A_82 = vector.load %arg3[%get3A_79, %get3A_80, %get3A_81] : memref<4x128x128xf32, #tpu.memory_space<vmem>>, vector<1x32x128xf32>
    %get3A_83 = vector.shape_cast %get3A_82 : vector<1x32x128xf32> to vector<32x128xf32>
    %dot_general3A_84 = arith.constant dense<0.000000e+00> : vector<1000x128xf32>
    %dot_general3A_85 = tpu.matmul %mul3A_78, %get3A_83, %dot_general3A_84 {dimension_numbers = #tpu.dot_dimension_numbers<[1], [0], [0], [1], [0, 0, 1, 1], [], []>, transpose_lhs_hint = false} : vector<1000x32xf32>, vector<32x128xf32>, vector<1000x128xf32> -> vector<1000x128xf32>
    %add3A_86 = arith.addf %add3A_68, %dot_general3A_85 : vector<1000x128xf32>
    %get3A_87 = arith.constant 1 : index
    %get3A_88 = arith.constant 1 : index
    %get3A_89 = arith.constant 0 : index
    %get3A_90 = arith.constant 0 : index
    %get3A_91 = vector.load %arg1[%get3A_87, %get3A_88, %get3A_89, %get3A_90] : memref<4x4x1000x32xf32, #tpu.memory_space<vmem>>, vector<1x1x1000x32xf32>
    %get3A_92 = vector.shape_cast %get3A_91 : vector<1x1x1000x32xf32> to vector<1000x32xf32>
    %mul3A_93 = vector.broadcast %squeeze3A_70 : vector<1000x1xf32> to vector<1000x32xf32>
    %mul3A_94 = arith.mulf %get3A_92, %mul3A_93 : vector<1000x32xf32>
    %get3A_95 = arith.constant 1 : index
    %get3A_96 = arith.constant 32 : index
    %get3A_97 = arith.constant 0 : index
    %get3A_98 = vector.load %arg3[%get3A_95, %get3A_96, %get3A_97] : memref<4x128x128xf32, #tpu.memory_space<vmem>>, vector<1x32x128xf32>
    %get3A_99 = vector.shape_cast %get3A_98 : vector<1x32x128xf32> to vector<32x128xf32>
    %dot_general3A_100 = arith.constant dense<0.000000e+00> : vector<1000x128xf32>
    %dot_general3A_101 = tpu.matmul %mul3A_94, %get3A_99, %dot_general3A_100 {dimension_numbers = #tpu.dot_dimension_numbers<[1], [0], [0], [1], [0, 0, 1, 1], [], []>, transpose_lhs_hint = false} : vector<1000x32xf32>, vector<32x128xf32>, vector<1000x128xf32> -> vector<1000x128xf32>
    %add3A_102 = arith.addf %add3A_86, %dot_general3A_101 : vector<1000x128xf32>
    %get3A_103 = arith.constant 2 : index
    %get3A_104 = arith.constant 1 : index
    %get3A_105 = arith.constant 0 : index
    %get3A_106 = arith.constant 0 : index
    %get3A_107 = vector.load %arg1[%get3A_103, %get3A_104, %get3A_105, %get3A_106] : memref<4x4x1000x32xf32, #tpu.memory_space<vmem>>, vector<1x1x1000x32xf32>
    %get3A_108 = vector.shape_cast %get3A_107 : vector<1x1x1000x32xf32> to vector<1000x32xf32>
    %mul3A_109 = vector.broadcast %squeeze3A_70 : vector<1000x1xf32> to vector<1000x32xf32>
    %mul3A_110 = arith.mulf %get3A_108, %mul3A_109 : vector<1000x32xf32>
    %get3A_111 = arith.constant 1 : index
    %get3A_112 = arith.constant 64 : index
    %get3A_113 = arith.constant 0 : index
    %get3A_114 = vector.load %arg3[%get3A_111, %get3A_112, %get3A_113] : memref<4x128x128xf32, #tpu.memory_space<vmem>>, vector<1x32x128xf32>
    %get3A_115 = vector.shape_cast %get3A_114 : vector<1x32x128xf32> to vector<32x128xf32>
    %dot_general3A_116 = arith.constant dense<0.000000e+00> : vector<1000x128xf32>
    %dot_general3A_117 = tpu.matmul %mul3A_110, %get3A_115, %dot_general3A_116 {dimension_numbers = #tpu.dot_dimension_numbers<[1], [0], [0], [1], [0, 0, 1, 1], [], []>, transpose_lhs_hint = false} : vector<1000x32xf32>, vector<32x128xf32>, vector<1000x128xf32> -> vector<1000x128xf32>
    %add3A_118 = arith.addf %add3A_102, %dot_general3A_117 : vector<1000x128xf32>
    %get3A_119 = arith.constant 3 : index
    %get3A_120 = arith.constant 1 : index
    %get3A_121 = arith.constant 0 : index
    %get3A_122 = arith.constant 0 : index
    %get3A_123 = vector.load %arg1[%get3A_119, %get3A_120, %get3A_121, %get3A_122] : memref<4x4x1000x32xf32, #tpu.memory_space<vmem>>, vector<1x1x1000x32xf32>
    %get3A_124 = vector.shape_cast %get3A_123 : vector<1x1x1000x32xf32> to vector<1000x32xf32>
    %mul3A_125 = vector.broadcast %squeeze3A_70 : vector<1000x1xf32> to vector<1000x32xf32>
    %mul3A_126 = arith.mulf %get3A_124, %mul3A_125 : vector<1000x32xf32>
    %get3A_127 = arith.constant 1 : index
    %get3A_128 = arith.constant 96 : index
    %get3A_129 = arith.constant 0 : index
    %get3A_130 = vector.load %arg3[%get3A_127, %get3A_128, %get3A_129] : memref<4x128x128xf32, #tpu.memory_space<vmem>>, vector<1x32x128xf32>
    %get3A_131 = vector.shape_cast %get3A_130 : vector<1x32x128xf32> to vector<32x128xf32>
    %dot_general3A_132 = arith.constant dense<0.000000e+00> : vector<1000x128xf32>
    %dot_general3A_133 = tpu.matmul %mul3A_126, %get3A_131, %dot_general3A_132 {dimension_numbers = #tpu.dot_dimension_numbers<[1], [0], [0], [1], [0, 0, 1, 1], [], []>, transpose_lhs_hint = false} : vector<1000x32xf32>, vector<32x128xf32>, vector<1000x128xf32> -> vector<1000x128xf32>
    %add3A_134 = arith.addf %add3A_118, %dot_general3A_133 : vector<1000x128xf32>
    %slice3A_135 = vector.extract_strided_slice %div3A_6 {offsets = [2, 0, 0], sizes = [1, 1000, 1], strides = [1, 1, 1]} : vector<4x1000x8xf32> to vector<1x1000x1xf32>
    %squeeze3A_136 = vector.shape_cast %slice3A_135 : vector<1x1000x1xf32> to vector<1000x1xf32>
    %get3A_137 = arith.constant 0 : index
    %get3A_138 = arith.constant 2 : index
    %get3A_139 = arith.constant 0 : index
    %get3A_140 = arith.constant 0 : index
    %get3A_141 = vector.load %arg1[%get3A_137, %get3A_138, %get3A_139, %get3A_140] : memref<4x4x1000x32xf32, #tpu.memory_space<vmem>>, vector<1x1x1000x32xf32>
    %get3A_142 = vector.shape_cast %get3A_141 : vector<1x1x1000x32xf32> to vector<1000x32xf32>
    %mul3A_143 = vector.broadcast %squeeze3A_136 : vector<1000x1xf32> to vector<1000x32xf32>
    %mul3A_144 = arith.mulf %get3A_142, %mul3A_143 : vector<1000x32xf32>
    %get3A_145 = arith.constant 2 : index
    %get3A_146 = arith.constant 0 : index
    %get3A_147 = arith.constant 0 : index
    %get3A_148 = vector.load %arg3[%get3A_145, %get3A_146, %get3A_147] : memref<4x128x128xf32, #tpu.memory_space<vmem>>, vector<1x32x128xf32>
    %get3A_149 = vector.shape_cast %get3A_148 : vector<1x32x128xf32> to vector<32x128xf32>
    %dot_general3A_150 = arith.constant dense<0.000000e+00> : vector<1000x128xf32>
    %dot_general3A_151 = tpu.matmul %mul3A_144, %get3A_149, %dot_general3A_150 {dimension_numbers = #tpu.dot_dimension_numbers<[1], [0], [0], [1], [0, 0, 1, 1], [], []>, transpose_lhs_hint = false} : vector<1000x32xf32>, vector<32x128xf32>, vector<1000x128xf32> -> vector<1000x128xf32>
    %add3A_152 = arith.addf %add3A_134, %dot_general3A_151 : vector<1000x128xf32>
    %get3A_153 = arith.constant 1 : index
    %get3A_154 = arith.constant 2 : index
    %get3A_155 = arith.constant 0 : index
    %get3A_156 = arith.constant 0 : index
    %get3A_157 = vector.load %arg1[%get3A_153, %get3A_154, %get3A_155, %get3A_156] : memref<4x4x1000x32xf32, #tpu.memory_space<vmem>>, vector<1x1x1000x32xf32>
    %get3A_158 = vector.shape_cast %get3A_157 : vector<1x1x1000x32xf32> to vector<1000x32xf32>
    %mul3A_159 = vector.broadcast %squeeze3A_136 : vector<1000x1xf32> to vector<1000x32xf32>
    %mul3A_160 = arith.mulf %get3A_158, %mul3A_159 : vector<1000x32xf32>
    %get3A_161 = arith.constant 2 : index
    %get3A_162 = arith.constant 32 : index
    %get3A_163 = arith.constant 0 : index
    %get3A_164 = vector.load %arg3[%get3A_161, %get3A_162, %get3A_163] : memref<4x128x128xf32, #tpu.memory_space<vmem>>, vector<1x32x128xf32>
    %get3A_165 = vector.shape_cast %get3A_164 : vector<1x32x128xf32> to vector<32x128xf32>
    %dot_general3A_166 = arith.constant dense<0.000000e+00> : vector<1000x128xf32>
    %dot_general3A_167 = tpu.matmul %mul3A_160, %get3A_165, %dot_general3A_166 {dimension_numbers = #tpu.dot_dimension_numbers<[1], [0], [0], [1], [0, 0, 1, 1], [], []>, transpose_lhs_hint = false} : vector<1000x32xf32>, vector<32x128xf32>, vector<1000x128xf32> -> vector<1000x128xf32>
    %add3A_168 = arith.addf %add3A_152, %dot_general3A_167 : vector<1000x128xf32>
    %get3A_169 = arith.constant 2 : index
    %get3A_170 = arith.constant 2 : index
    %get3A_171 = arith.constant 0 : index
    %get3A_172 = arith.constant 0 : index
    %get3A_173 = vector.load %arg1[%get3A_169, %get3A_170, %get3A_171, %get3A_172] : memref<4x4x1000x32xf32, #tpu.memory_space<vmem>>, vector<1x1x1000x32xf32>
    %get3A_174 = vector.shape_cast %get3A_173 : vector<1x1x1000x32xf32> to vector<1000x32xf32>
    %mul3A_175 = vector.broadcast %squeeze3A_136 : vector<1000x1xf32> to vector<1000x32xf32>
    %mul3A_176 = arith.mulf %get3A_174, %mul3A_175 : vector<1000x32xf32>
    %get3A_177 = arith.constant 2 : index
    %get3A_178 = arith.constant 64 : index
    %get3A_179 = arith.constant 0 : index
    %get3A_180 = vector.load %arg3[%get3A_177, %get3A_178, %get3A_179] : memref<4x128x128xf32, #tpu.memory_space<vmem>>, vector<1x32x128xf32>
    %get3A_181 = vector.shape_cast %get3A_180 : vector<1x32x128xf32> to vector<32x128xf32>
    %dot_general3A_182 = arith.constant dense<0.000000e+00> : vector<1000x128xf32>
    %dot_general3A_183 = tpu.matmul %mul3A_176, %get3A_181, %dot_general3A_182 {dimension_numbers = #tpu.dot_dimension_numbers<[1], [0], [0], [1], [0, 0, 1, 1], [], []>, transpose_lhs_hint = false} : vector<1000x32xf32>, vector<32x128xf32>, vector<1000x128xf32> -> vector<1000x128xf32>
    %add3A_184 = arith.addf %add3A_168, %dot_general3A_183 : vector<1000x128xf32>
    %get3A_185 = arith.constant 3 : index
    %get3A_186 = arith.constant 2 : index
    %get3A_187 = arith.constant 0 : index
    %get3A_188 = arith.constant 0 : index
    %get3A_189 = vector.load %arg1[%get3A_185, %get3A_186, %get3A_187, %get3A_188] : memref<4x4x1000x32xf32, #tpu.memory_space<vmem>>, vector<1x1x1000x32xf32>
    %get3A_190 = vector.shape_cast %get3A_189 : vector<1x1x1000x32xf32> to vector<1000x32xf32>
    %mul3A_191 = vector.broadcast %squeeze3A_136 : vector<1000x1xf32> to vector<1000x32xf32>
    %mul3A_192 = arith.mulf %get3A_190, %mul3A_191 : vector<1000x32xf32>
    %get3A_193 = arith.constant 2 : index
    %get3A_194 = arith.constant 96 : index
    %get3A_195 = arith.constant 0 : index
    %get3A_196 = vector.load %arg3[%get3A_193, %get3A_194, %get3A_195] : memref<4x128x128xf32, #tpu.memory_space<vmem>>, vector<1x32x128xf32>
    %get3A_197 = vector.shape_cast %get3A_196 : vector<1x32x128xf32> to vector<32x128xf32>
    %dot_general3A_198 = arith.constant dense<0.000000e+00> : vector<1000x128xf32>
    %dot_general3A_199 = tpu.matmul %mul3A_192, %get3A_197, %dot_general3A_198 {dimension_numbers = #tpu.dot_dimension_numbers<[1], [0], [0], [1], [0, 0, 1, 1], [], []>, transpose_lhs_hint = false} : vector<1000x32xf32>, vector<32x128xf32>, vector<1000x128xf32> -> vector<1000x128xf32>
    %add3A_200 = arith.addf %add3A_184, %dot_general3A_199 : vector<1000x128xf32>
    %slice3A_201 = vector.extract_strided_slice %div3A_6 {offsets = [3, 0, 0], sizes = [1, 1000, 1], strides = [1, 1, 1]} : vector<4x1000x8xf32> to vector<1x1000x1xf32>
    %squeeze3A_202 = vector.shape_cast %slice3A_201 : vector<1x1000x1xf32> to vector<1000x1xf32>
    %get3A_203 = arith.constant 0 : index
    %get3A_204 = arith.constant 3 : index
    %get3A_205 = arith.constant 0 : index
    %get3A_206 = arith.constant 0 : index
    %get3A_207 = vector.load %arg1[%get3A_203, %get3A_204, %get3A_205, %get3A_206] : memref<4x4x1000x32xf32, #tpu.memory_space<vmem>>, vector<1x1x1000x32xf32>
    %get3A_208 = vector.shape_cast %get3A_207 : vector<1x1x1000x32xf32> to vector<1000x32xf32>
    %mul3A_209 = vector.broadcast %squeeze3A_202 : vector<1000x1xf32> to vector<1000x32xf32>
    %mul3A_210 = arith.mulf %get3A_208, %mul3A_209 : vector<1000x32xf32>
    %get3A_211 = arith.constant 3 : index
    %get3A_212 = arith.constant 0 : index
    %get3A_213 = arith.constant 0 : index
    %get3A_214 = vector.load %arg3[%get3A_211, %get3A_212, %get3A_213] : memref<4x128x128xf32, #tpu.memory_space<vmem>>, vector<1x32x128xf32>
    %get3A_215 = vector.shape_cast %get3A_214 : vector<1x32x128xf32> to vector<32x128xf32>
    %dot_general3A_216 = arith.constant dense<0.000000e+00> : vector<1000x128xf32>
    %dot_general3A_217 = tpu.matmul %mul3A_210, %get3A_215, %dot_general3A_216 {dimension_numbers = #tpu.dot_dimension_numbers<[1], [0], [0], [1], [0, 0, 1, 1], [], []>, transpose_lhs_hint = false} : vector<1000x32xf32>, vector<32x128xf32>, vector<1000x128xf32> -> vector<1000x128xf32>
    %add3A_218 = arith.addf %add3A_200, %dot_general3A_217 : vector<1000x128xf32>
    %get3A_219 = arith.constant 1 : index
    %get3A_220 = arith.constant 3 : index
    %get3A_221 = arith.constant 0 : index
    %get3A_222 = arith.constant 0 : index
    %get3A_223 = vector.load %arg1[%get3A_219, %get3A_220, %get3A_221, %get3A_222] : memref<4x4x1000x32xf32, #tpu.memory_space<vmem>>, vector<1x1x1000x32xf32>
    %get3A_224 = vector.shape_cast %get3A_223 : vector<1x1x1000x32xf32> to vector<1000x32xf32>
    %mul3A_225 = vector.broadcast %squeeze3A_202 : vector<1000x1xf32> to vector<1000x32xf32>
    %mul3A_226 = arith.mulf %get3A_224, %mul3A_225 : vector<1000x32xf32>
    %get3A_227 = arith.constant 3 : index
    %get3A_228 = arith.constant 32 : index
    %get3A_229 = arith.constant 0 : index
    %get3A_230 = vector.load %arg3[%get3A_227, %get3A_228, %get3A_229] : memref<4x128x128xf32, #tpu.memory_space<vmem>>, vector<1x32x128xf32>
    %get3A_231 = vector.shape_cast %get3A_230 : vector<1x32x128xf32> to vector<32x128xf32>
    %dot_general3A_232 = arith.constant dense<0.000000e+00> : vector<1000x128xf32>
    %dot_general3A_233 = tpu.matmul %mul3A_226, %get3A_231, %dot_general3A_232 {dimension_numbers = #tpu.dot_dimension_numbers<[1], [0], [0], [1], [0, 0, 1, 1], [], []>, transpose_lhs_hint = false} : vector<1000x32xf32>, vector<32x128xf32>, vector<1000x128xf32> -> vector<1000x128xf32>
    %add3A_234 = arith.addf %add3A_218, %dot_general3A_233 : vector<1000x128xf32>
    %get3A_235 = arith.constant 2 : index
    %get3A_236 = arith.constant 3 : index
    %get3A_237 = arith.constant 0 : index
    %get3A_238 = arith.constant 0 : index
    %get3A_239 = vector.load %arg1[%get3A_235, %get3A_236, %get3A_237, %get3A_238] : memref<4x4x1000x32xf32, #tpu.memory_space<vmem>>, vector<1x1x1000x32xf32>
    %get3A_240 = vector.shape_cast %get3A_239 : vector<1x1x1000x32xf32> to vector<1000x32xf32>
    %mul3A_241 = vector.broadcast %squeeze3A_202 : vector<1000x1xf32> to vector<1000x32xf32>
    %mul3A_242 = arith.mulf %get3A_240, %mul3A_241 : vector<1000x32xf32>
    %get3A_243 = arith.constant 3 : index
    %get3A_244 = arith.constant 64 : index
    %get3A_245 = arith.constant 0 : index
    %get3A_246 = vector.load %arg3[%get3A_243, %get3A_244, %get3A_245] : memref<4x128x128xf32, #tpu.memory_space<vmem>>, vector<1x32x128xf32>
    %get3A_247 = vector.shape_cast %get3A_246 : vector<1x32x128xf32> to vector<32x128xf32>
    %dot_general3A_248 = arith.constant dense<0.000000e+00> : vector<1000x128xf32>
    %dot_general3A_249 = tpu.matmul %mul3A_242, %get3A_247, %dot_general3A_248 {dimension_numbers = #tpu.dot_dimension_numbers<[1], [0], [0], [1], [0, 0, 1, 1], [], []>, transpose_lhs_hint = false} : vector<1000x32xf32>, vector<32x128xf32>, vector<1000x128xf32> -> vector<1000x128xf32>
    %add3A_250 = arith.addf %add3A_234, %dot_general3A_249 : vector<1000x128xf32>
    %get3A_251 = arith.constant 3 : index
    %get3A_252 = arith.constant 3 : index
    %get3A_253 = arith.constant 0 : index
    %get3A_254 = arith.constant 0 : index
    %get3A_255 = vector.load %arg1[%get3A_251, %get3A_252, %get3A_253, %get3A_254] : memref<4x4x1000x32xf32, #tpu.memory_space<vmem>>, vector<1x1x1000x32xf32>
    %get3A_256 = vector.shape_cast %get3A_255 : vector<1x1x1000x32xf32> to vector<1000x32xf32>
    %mul3A_257 = vector.broadcast %squeeze3A_202 : vector<1000x1xf32> to vector<1000x32xf32>
    %mul3A_258 = arith.mulf %get3A_256, %mul3A_257 : vector<1000x32xf32>
    %get3A_259 = arith.constant 3 : index
    %get3A_260 = arith.constant 96 : index
    %get3A_261 = arith.constant 0 : index
    %get3A_262 = vector.load %arg3[%get3A_259, %get3A_260, %get3A_261] : memref<4x128x128xf32, #tpu.memory_space<vmem>>, vector<1x32x128xf32>
    %get3A_263 = vector.shape_cast %get3A_262 : vector<1x32x128xf32> to vector<32x128xf32>
    %dot_general3A_264 = arith.constant dense<0.000000e+00> : vector<1000x128xf32>
    %dot_general3A_265 = tpu.matmul %mul3A_258, %get3A_263, %dot_general3A_264 {dimension_numbers = #tpu.dot_dimension_numbers<[1], [0], [0], [1], [0, 0, 1, 1], [], []>, transpose_lhs_hint = false} : vector<1000x32xf32>, vector<32x128xf32>, vector<1000x128xf32> -> vector<1000x128xf32>
    %add3A_266 = arith.addf %add3A_250, %dot_general3A_265 : vector<1000x128xf32>
    %get3A_267 = arith.constant 0 : index
    %get3A_268 = arith.constant 0 : index
    %get3A_269 = vector.load %arg4[%get3A_267, %get3A_268] : memref<1000x128xf32, #tpu.memory_space<vmem>>, vector<1000x128xf32>
    %get3A_270 = arith.constant 0 : index
    %get3A_271 = arith.constant 0 : index
    %get3A_272 = vector.load %arg5[%get3A_270, %get3A_271] : memref<128x128xf32, #tpu.memory_space<vmem>>, vector<128x128xf32>
    %dot_general3A_273 = arith.constant dense<0.000000e+00> : vector<1000x128xf32>
    %dot_general3A_274 = tpu.matmul %get3A_269, %get3A_272, %dot_general3A_273 {dimension_numbers = #tpu.dot_dimension_numbers<[1], [0], [0], [1], [0, 0, 1, 1], [], []>, transpose_lhs_hint = false} : vector<1000x128xf32>, vector<128x128xf32>, vector<1000x128xf32> -> vector<1000x128xf32>
    %add3A_275 = arith.addf %add3A_266, %dot_general3A_274 : vector<1000x128xf32>
    %max3A_276 = arith.constant 0.000000e+00 : f32
    %max3A_277 = vector.broadcast %max3A_276 : f32 to vector<1000x128xf32>
    %max3A_278 = arith.maximumf %add3A_275, %max3A_277 : vector<1000x128xf32>
    %swap3A = arith.constant 0 : index
    %swap3A_279 = arith.constant 0 : index
    %swap3A_280 = vector.load %arg6[%swap3A, %swap3A_279] : memref<1000x128xf32, #tpu.memory_space<vmem>>, vector<1000x128xf32>
    tpu.vector_store %arg6[%swap3A, %swap3A_279], %max3A_278 {strides = array<i32>} : memref<1000x128xf32, #tpu.memory_space<vmem>>, vector<1000x128xf32>,
    %slice3A_281 = vector.extract_strided_slice %max3A_278 {offsets = [0, 0], sizes = [1000, 32], strides = [1, 1]} : vector<1000x128xf32> to vector<1000x32xf32>
    %swap3A_282 = arith.constant 0 : index
    %swap3A_283 = arith.constant 0 : index
    %swap3A_284 = arith.constant 0 : index
    %swap3A_285 = vector.load %arg7[%swap3A_282, %swap3A_283, %swap3A_284] : memref<4x1000x32xf32, #tpu.memory_space<vmem>>, vector<1x1000x32xf32>
    %swap3A_286 = vector.shape_cast %swap3A_285 : vector<1x1000x32xf32> to vector<1000x32xf32>
    %swap3A_287 = vector.shape_cast %slice3A_281 : vector<1000x32xf32> to vector<1x1000x32xf32>
    tpu.vector_store %arg7[%swap3A_282, %swap3A_283, %swap3A_284], %swap3A_287 {strides = array<i32>} : memref<4x1000x32xf32, #tpu.memory_space<vmem>>, vector<1x1000x32xf32>,
    %slice3A_288 = vector.extract_strided_slice %max3A_278 {offsets = [0, 32], sizes = [1000, 32], strides = [1, 1]} : vector<1000x128xf32> to vector<1000x32xf32>
    %swap3A_289 = arith.constant 1 : index
    %swap3A_290 = arith.constant 0 : index
    %swap3A_291 = arith.constant 0 : index
    %swap3A_292 = vector.load %arg7[%swap3A_289, %swap3A_290, %swap3A_291] : memref<4x1000x32xf32, #tpu.memory_space<vmem>>, vector<1x1000x32xf32>
    %swap3A_293 = vector.shape_cast %swap3A_292 : vector<1x1000x32xf32> to vector<1000x32xf32>
    %swap3A_294 = vector.shape_cast %slice3A_288 : vector<1000x32xf32> to vector<1x1000x32xf32>
    tpu.vector_store %arg7[%swap3A_289, %swap3A_290, %swap3A_291], %swap3A_294 {strides = array<i32>} : memref<4x1000x32xf32, #tpu.memory_space<vmem>>, vector<1x1000x32xf32>,
    %slice3A_295 = vector.extract_strided_slice %max3A_278 {offsets = [0, 64], sizes = [1000, 32], strides = [1, 1]} : vector<1000x128xf32> to vector<1000x32xf32>
    %swap3A_296 = arith.constant 2 : index
    %swap3A_297 = arith.constant 0 : index
    %swap3A_298 = arith.constant 0 : index
    %swap3A_299 = vector.load %arg7[%swap3A_296, %swap3A_297, %swap3A_298] : memref<4x1000x32xf32, #tpu.memory_space<vmem>>, vector<1x1000x32xf32>
    %swap3A_300 = vector.shape_cast %swap3A_299 : vector<1x1000x32xf32> to vector<1000x32xf32>
    %swap3A_301 = vector.shape_cast %slice3A_295 : vector<1000x32xf32> to vector<1x1000x32xf32>
    tpu.vector_store %arg7[%swap3A_296, %swap3A_297, %swap3A_298], %swap3A_301 {strides = array<i32>} : memref<4x1000x32xf32, #tpu.memory_space<vmem>>, vector<1x1000x32xf32>,
    %slice3A_302 = vector.extract_strided_slice %max3A_278 {offsets = [0, 96], sizes = [1000, 32], strides = [1, 1]} : vector<1000x128xf32> to vector<1000x32xf32>
    %swap3A_303 = arith.constant 3 : index
    %swap3A_304 = arith.constant 0 : index
    %swap3A_305 = arith.constant 0 : index
    %swap3A_306 = vector.load %arg7[%swap3A_303, %swap3A_304, %swap3A_305] : memref<4x1000x32xf32, #tpu.memory_space<vmem>>, vector<1x1000x32xf32>
    %swap3A_307 = vector.shape_cast %swap3A_306 : vector<1x1000x32xf32> to vector<1000x32xf32>
    %swap3A_308 = vector.shape_cast %slice3A_302 : vector<1000x32xf32> to vector<1x1000x32xf32>
    tpu.vector_store %arg7[%swap3A_303, %swap3A_304, %swap3A_305], %swap3A_308 {strides = array<i32>} : memref<4x1000x32xf32, #tpu.memory_space<vmem>>, vector<1x1000x32xf32>,
    return
  }
  func.func @transform_0(%arg0: i32) -> (i32, i32, i32, i32) {
    %c0_i32 = arith.constant 0 : i32
    %c0_i32_0 = arith.constant 0 : i32
    %c0_i32_1 = arith.constant 0 : i32
    %c0_i32_2 = arith.constant 0 : i32
    return %c0_i32, %c0_i32_0, %arg0, %c0_i32_1 : i32, i32, i32, i32
  }
  func.func @transform_1(%arg0: i32) -> (i32, i32, i32) {
    %c0_i32 = arith.constant 0 : i32
    %c0_i32_0 = arith.constant 0 : i32
    %c0_i32_1 = arith.constant 0 : i32
    return %c0_i32, %arg0, %c0_i32_0 : i32, i32, i32
  }
  func.func @transform_2(%arg0: i32) -> (i32, i32, i32) {
    %c0_i32 = arith.constant 0 : i32
    %c0_i32_0 = arith.constant 0 : i32
    %c0_i32_1 = arith.constant 0 : i32
    %c0_i32_2 = arith.constant 0 : i32
    return %c0_i32, %c0_i32_0, %c0_i32_1 : i32, i32, i32
  }
  func.func @transform_3(%arg0: i32) -> (i32, i32) {
    %c0_i32 = arith.constant 0 : i32
    %c0_i32_0 = arith.constant 0 : i32
    return %arg0, %c0_i32 : i32, i32
  }
  func.func @transform_4(%arg0: i32) -> (i32, i32) {
    %c0_i32 = arith.constant 0 : i32
    %c0_i32_0 = arith.constant 0 : i32
    %c0_i32_1 = arith.constant 0 : i32
    return %c0_i32, %c0_i32_0 : i32, i32
  }
  func.func @transform_5(%arg0: i32) -> (i32, i32) {
    %c0_i32 = arith.constant 0 : i32
    %c0_i32_0 = arith.constant 0 : i32
    return %arg0, %c0_i32 : i32, i32
  }
  func.func @transform_6(%arg0: i32) -> (i32, i32, i32) {
    %c0_i32 = arith.constant 0 : i32
    %c0_i32_0 = arith.constant 0 : i32
    %c0_i32_1 = arith.constant 0 : i32
    return %c0_i32, %arg0, %c0_i32_0 : i32, i32, i32
  }
}

module attributes {stable_mosaic.version = 14 : i64} {
  func.func @body(%arg0: i32, %arg1: memref<4x4x1000x32xf32, #tpu.memory_space<vmem>>, %arg2: memref<4x1000x8xf32, #tpu.memory_space<vmem>>, %arg3: memref<4x128x128xf32, #tpu.memory_space<vmem>>, %arg4: memref<1000x128xf32, #tpu.memory_space<vmem>>, %arg5: memref<128x128xf32, #tpu.memory_space<vmem>>, %arg6: memref<1000x128xf32, #tpu.memory_space<vmem>>) attributes {dimension_semantics = [#tpu.dimension_semantics<arbitrary>], iteration_bounds = array<i64: 10>, scalar_prefetch = 0 : i64, scratch_operands = 0 : i64, tpu.core_type = #tpu.core_type<tc>, window_params = [{transform_indices = @transform_0, window_bounds = array<i64: 4, 4, 1000, 32>}, {transform_indices = @transform_1, window_bounds = array<i64: 4, 1000, 8>}, {pipeline_mode = #tpu.pipeline_mode<synchronous>, transform_indices = @transform_2, window_bounds = array<i64: 4, 128, 128>}, {transform_indices = @transform_3, window_bounds = array<i64: 1000, 128>}, {pipeline_mode = #tpu.pipeline_mode<synchronous>, transform_indices = @transform_4, window_bounds = array<i64: 128, 128>}, {transform_indices = @transform_5, window_bounds = array<i64: 1000, 128>}]} {
    %get3A = arith.constant 0 : index
    %get3A_0 = arith.constant 0 : index
    %get3A_1 = arith.constant 0 : index
    %get3A_2 = vector.load %arg2[%get3A, %get3A_0, %get3A_1] : memref<4x1000x8xf32, #tpu.memory_space<vmem>>, vector<4x1000x8xf32>
    %max3A = arith.constant 1.000000e+00 : f32
    %max3A_3 = vector.broadcast %max3A : f32 to vector<4x1000x8xf32>
    %max3A_4 = arith.maximumf %get3A_2, %max3A_3 : vector<4x1000x8xf32>
    %div3A = arith.constant 1.000000e+00 : f32
    %div3A_5 = vector.broadcast %div3A : f32 to vector<4x1000x8xf32>
    %div3A_6 = arith.divf %div3A_5, %max3A_4 : vector<4x1000x8xf32>
    %broadcast_in_dim3A = arith.constant 0.000000e+00 : f32
    %broadcast_in_dim3A_7 = vector.broadcast %broadcast_in_dim3A : f32 to vector<1000x128xf32>
    %slice3A = vector.extract_strided_slice %div3A_6 {offsets = [0, 0, 0], sizes = [1, 1000, 1], strides = [1, 1, 1]} : vector<4x1000x8xf32> to vector<1x1000x1xf32>
    %squeeze3A = vector.shape_cast %slice3A : vector<1x1000x1xf32> to vector<1000x1xf32>
    %get3A_8 = arith.constant 0 : index
    %get3A_9 = arith.constant 0 : index
    %get3A_10 = arith.constant 0 : index
    %get3A_11 = arith.constant 0 : index
    %get3A_12 = vector.load %arg1[%get3A_8, %get3A_9, %get3A_10, %get3A_11] : memref<4x4x1000x32xf32, #tpu.memory_space<vmem>>, vector<1x1x1000x32xf32>
    %get3A_13 = vector.shape_cast %get3A_12 : vector<1x1x1000x32xf32> to vector<1000x32xf32>
    %mul3A = vector.broadcast %squeeze3A : vector<1000x1xf32> to vector<1000x32xf32>
    %mul3A_14 = arith.mulf %get3A_13, %mul3A : vector<1000x32xf32>
    %get3A_15 = arith.constant 0 : index
    %get3A_16 = arith.constant 0 : index
    %get3A_17 = arith.constant 0 : index
    %get3A_18 = vector.load %arg3[%get3A_15, %get3A_16, %get3A_17] : memref<4x128x128xf32, #tpu.memory_space<vmem>>, vector<1x32x128xf32>
    %get3A_19 = vector.shape_cast %get3A_18 : vector<1x32x128xf32> to vector<32x128xf32>
    %dot_general3A = arith.constant dense<0.000000e+00> : vector<1000x128xf32>
    %dot_general3A_20 = tpu.matmul %mul3A_14, %get3A_19, %dot_general3A {dimension_numbers = #tpu.dot_dimension_numbers<[1], [0], [0], [1], [0, 0, 1, 1], [], []>, transpose_lhs_hint = false} : vector<1000x32xf32>, vector<32x128xf32>, vector<1000x128xf32> -> vector<1000x128xf32>
    %add3A = arith.addf %broadcast_in_dim3A_7, %dot_general3A_20 : vector<1000x128xf32>
    %get3A_21 = arith.constant 1 : index
    %get3A_22 = arith.constant 0 : index
    %get3A_23 = arith.constant 0 : index
    %get3A_24 = arith.constant 0 : index
    %get3A_25 = vector.load %arg1[%get3A_21, %get3A_22, %get3A_23, %get3A_24] : memref<4x4x1000x32xf32, #tpu.memory_space<vmem>>, vector<1x1x1000x32xf32>
    %get3A_26 = vector.shape_cast %get3A_25 : vector<1x1x1000x32xf32> to vector<1000x32xf32>
    %mul3A_27 = vector.broadcast %squeeze3A : vector<1000x1xf32> to vector<1000x32xf32>
    %mul3A_28 = arith.mulf %get3A_26, %mul3A_27 : vector<1000x32xf32>
    %get3A_29 = arith.constant 0 : index
    %get3A_30 = arith.constant 32 : index
    %get3A_31 = arith.constant 0 : index
    %get3A_32 = vector.load %arg3[%get3A_29, %get3A_30, %get3A_31] : memref<4x128x128xf32, #tpu.memory_space<vmem>>, vector<1x32x128xf32>
    %get3A_33 = vector.shape_cast %get3A_32 : vector<1x32x128xf32> to vector<32x128xf32>
    %dot_general3A_34 = arith.constant dense<0.000000e+00> : vector<1000x128xf32>
    %dot_general3A_35 = tpu.matmul %mul3A_28, %get3A_33, %dot_general3A_34 {dimension_numbers = #tpu.dot_dimension_numbers<[1], [0], [0], [1], [0, 0, 1, 1], [], []>, transpose_lhs_hint = false} : vector<1000x32xf32>, vector<32x128xf32>, vector<1000x128xf32> -> vector<1000x128xf32>
    %add3A_36 = arith.addf %add3A, %dot_general3A_35 : vector<1000x128xf32>
    %get3A_37 = arith.constant 2 : index
    %get3A_38 = arith.constant 0 : index
    %get3A_39 = arith.constant 0 : index
    %get3A_40 = arith.constant 0 : index
    %get3A_41 = vector.load %arg1[%get3A_37, %get3A_38, %get3A_39, %get3A_40] : memref<4x4x1000x32xf32, #tpu.memory_space<vmem>>, vector<1x1x1000x32xf32>
    %get3A_42 = vector.shape_cast %get3A_41 : vector<1x1x1000x32xf32> to vector<1000x32xf32>
    %mul3A_43 = vector.broadcast %squeeze3A : vector<1000x1xf32> to vector<1000x32xf32>
    %mul3A_44 = arith.mulf %get3A_42, %mul3A_43 : vector<1000x32xf32>
    %get3A_45 = arith.constant 0 : index
    %get3A_46 = arith.constant 64 : index
    %get3A_47 = arith.constant 0 : index
    %get3A_48 = vector.load %arg3[%get3A_45, %get3A_46, %get3A_47] : memref<4x128x128xf32, #tpu.memory_space<vmem>>, vector<1x32x128xf32>
    %get3A_49 = vector.shape_cast %get3A_48 : vector<1x32x128xf32> to vector<32x128xf32>
    %dot_general3A_50 = arith.constant dense<0.000000e+00> : vector<1000x128xf32>
    %dot_general3A_51 = tpu.matmul %mul3A_44, %get3A_49, %dot_general3A_50 {dimension_numbers = #tpu.dot_dimension_numbers<[1], [0], [0], [1], [0, 0, 1, 1], [], []>, transpose_lhs_hint = false} : vector<1000x32xf32>, vector<32x128xf32>, vector<1000x128xf32> -> vector<1000x128xf32>
    %add3A_52 = arith.addf %add3A_36, %dot_general3A_51 : vector<1000x128xf32>
    %get3A_53 = arith.constant 3 : index
    %get3A_54 = arith.constant 0 : index
    %get3A_55 = arith.constant 0 : index
    %get3A_56 = arith.constant 0 : index
    %get3A_57 = vector.load %arg1[%get3A_53, %get3A_54, %get3A_55, %get3A_56] : memref<4x4x1000x32xf32, #tpu.memory_space<vmem>>, vector<1x1x1000x32xf32>
    %get3A_58 = vector.shape_cast %get3A_57 : vector<1x1x1000x32xf32> to vector<1000x32xf32>
    %mul3A_59 = vector.broadcast %squeeze3A : vector<1000x1xf32> to vector<1000x32xf32>
    %mul3A_60 = arith.mulf %get3A_58, %mul3A_59 : vector<1000x32xf32>
    %get3A_61 = arith.constant 0 : index
    %get3A_62 = arith.constant 96 : index
    %get3A_63 = arith.constant 0 : index
    %get3A_64 = vector.load %arg3[%get3A_61, %get3A_62, %get3A_63] : memref<4x128x128xf32, #tpu.memory_space<vmem>>, vector<1x32x128xf32>
    %get3A_65 = vector.shape_cast %get3A_64 : vector<1x32x128xf32> to vector<32x128xf32>
    %dot_general3A_66 = arith.constant dense<0.000000e+00> : vector<1000x128xf32>
    %dot_general3A_67 = tpu.matmul %mul3A_60, %get3A_65, %dot_general3A_66 {dimension_numbers = #tpu.dot_dimension_numbers<[1], [0], [0], [1], [0, 0, 1, 1], [], []>, transpose_lhs_hint = false} : vector<1000x32xf32>, vector<32x128xf32>, vector<1000x128xf32> -> vector<1000x128xf32>
    %add3A_68 = arith.addf %add3A_52, %dot_general3A_67 : vector<1000x128xf32>
    %slice3A_69 = vector.extract_strided_slice %div3A_6 {offsets = [1, 0, 0], sizes = [1, 1000, 1], strides = [1, 1, 1]} : vector<4x1000x8xf32> to vector<1x1000x1xf32>
    %squeeze3A_70 = vector.shape_cast %slice3A_69 : vector<1x1000x1xf32> to vector<1000x1xf32>
    %get3A_71 = arith.constant 0 : index
    %get3A_72 = arith.constant 1 : index
    %get3A_73 = arith.constant 0 : index
    %get3A_74 = arith.constant 0 : index
    %get3A_75 = vector.load %arg1[%get3A_71, %get3A_72, %get3A_73, %get3A_74] : memref<4x4x1000x32xf32, #tpu.memory_space<vmem>>, vector<1x1x1000x32xf32>
    %get3A_76 = vector.shape_cast %get3A_75 : vector<1x1x1000x32xf32> to vector<1000x32xf32>
    %mul3A_77 = vector.broadcast %squeeze3A_70 : vector<1000x1xf32> to vector<1000x32xf32>
    %mul3A_78 = arith.mulf %get3A_76, %mul3A_77 : vector<1000x32xf32>
    %get3A_79 = arith.constant 1 : index
    %get3A_80 = arith.constant 0 : index
    %get3A_81 = arith.constant 0 : index
    %get3A_82 = vector.load %arg3[%get3A_79, %get3A_80, %get3A_81] : memref<4x128x128xf32, #tpu.memory_space<vmem>>, vector<1x32x128xf32>
    %get3A_83 = vector.shape_cast %get3A_82 : vector<1x32x128xf32> to vector<32x128xf32>
    %dot_general3A_84 = arith.constant dense<0.000000e+00> : vector<1000x128xf32>
    %dot_general3A_85 = tpu.matmul %mul3A_78, %get3A_83, %dot_general3A_84 {dimension_numbers = #tpu.dot_dimension_numbers<[1], [0], [0], [1], [0, 0, 1, 1], [], []>, transpose_lhs_hint = false} : vector<1000x32xf32>, vector<32x128xf32>, vector<1000x128xf32> -> vector<1000x128xf32>
    %add3A_86 = arith.addf %add3A_68, %dot_general3A_85 : vector<1000x128xf32>
    %get3A_87 = arith.constant 1 : index
    %get3A_88 = arith.constant 1 : index
    %get3A_89 = arith.constant 0 : index
    %get3A_90 = arith.constant 0 : index
    %get3A_91 = vector.load %arg1[%get3A_87, %get3A_88, %get3A_89, %get3A_90] : memref<4x4x1000x32xf32, #tpu.memory_space<vmem>>, vector<1x1x1000x32xf32>
    %get3A_92 = vector.shape_cast %get3A_91 : vector<1x1x1000x32xf32> to vector<1000x32xf32>
    %mul3A_93 = vector.broadcast %squeeze3A_70 : vector<1000x1xf32> to vector<1000x32xf32>
    %mul3A_94 = arith.mulf %get3A_92, %mul3A_93 : vector<1000x32xf32>
    %get3A_95 = arith.constant 1 : index
    %get3A_96 = arith.constant 32 : index
    %get3A_97 = arith.constant 0 : index
    %get3A_98 = vector.load %arg3[%get3A_95, %get3A_96, %get3A_97] : memref<4x128x128xf32, #tpu.memory_space<vmem>>, vector<1x32x128xf32>
    %get3A_99 = vector.shape_cast %get3A_98 : vector<1x32x128xf32> to vector<32x128xf32>
    %dot_general3A_100 = arith.constant dense<0.000000e+00> : vector<1000x128xf32>
    %dot_general3A_101 = tpu.matmul %mul3A_94, %get3A_99, %dot_general3A_100 {dimension_numbers = #tpu.dot_dimension_numbers<[1], [0], [0], [1], [0, 0, 1, 1], [], []>, transpose_lhs_hint = false} : vector<1000x32xf32>, vector<32x128xf32>, vector<1000x128xf32> -> vector<1000x128xf32>
    %add3A_102 = arith.addf %add3A_86, %dot_general3A_101 : vector<1000x128xf32>
    %get3A_103 = arith.constant 2 : index
    %get3A_104 = arith.constant 1 : index
    %get3A_105 = arith.constant 0 : index
    %get3A_106 = arith.constant 0 : index
    %get3A_107 = vector.load %arg1[%get3A_103, %get3A_104, %get3A_105, %get3A_106] : memref<4x4x1000x32xf32, #tpu.memory_space<vmem>>, vector<1x1x1000x32xf32>
    %get3A_108 = vector.shape_cast %get3A_107 : vector<1x1x1000x32xf32> to vector<1000x32xf32>
    %mul3A_109 = vector.broadcast %squeeze3A_70 : vector<1000x1xf32> to vector<1000x32xf32>
    %mul3A_110 = arith.mulf %get3A_108, %mul3A_109 : vector<1000x32xf32>
    %get3A_111 = arith.constant 1 : index
    %get3A_112 = arith.constant 64 : index
    %get3A_113 = arith.constant 0 : index
    %get3A_114 = vector.load %arg3[%get3A_111, %get3A_112, %get3A_113] : memref<4x128x128xf32, #tpu.memory_space<vmem>>, vector<1x32x128xf32>
    %get3A_115 = vector.shape_cast %get3A_114 : vector<1x32x128xf32> to vector<32x128xf32>
    %dot_general3A_116 = arith.constant dense<0.000000e+00> : vector<1000x128xf32>
    %dot_general3A_117 = tpu.matmul %mul3A_110, %get3A_115, %dot_general3A_116 {dimension_numbers = #tpu.dot_dimension_numbers<[1], [0], [0], [1], [0, 0, 1, 1], [], []>, transpose_lhs_hint = false} : vector<1000x32xf32>, vector<32x128xf32>, vector<1000x128xf32> -> vector<1000x128xf32>
    %add3A_118 = arith.addf %add3A_102, %dot_general3A_117 : vector<1000x128xf32>
    %get3A_119 = arith.constant 3 : index
    %get3A_120 = arith.constant 1 : index
    %get3A_121 = arith.constant 0 : index
    %get3A_122 = arith.constant 0 : index
    %get3A_123 = vector.load %arg1[%get3A_119, %get3A_120, %get3A_121, %get3A_122] : memref<4x4x1000x32xf32, #tpu.memory_space<vmem>>, vector<1x1x1000x32xf32>
    %get3A_124 = vector.shape_cast %get3A_123 : vector<1x1x1000x32xf32> to vector<1000x32xf32>
    %mul3A_125 = vector.broadcast %squeeze3A_70 : vector<1000x1xf32> to vector<1000x32xf32>
    %mul3A_126 = arith.mulf %get3A_124, %mul3A_125 : vector<1000x32xf32>
    %get3A_127 = arith.constant 1 : index
    %get3A_128 = arith.constant 96 : index
    %get3A_129 = arith.constant 0 : index
    %get3A_130 = vector.load %arg3[%get3A_127, %get3A_128, %get3A_129] : memref<4x128x128xf32, #tpu.memory_space<vmem>>, vector<1x32x128xf32>
    %get3A_131 = vector.shape_cast %get3A_130 : vector<1x32x128xf32> to vector<32x128xf32>
    %dot_general3A_132 = arith.constant dense<0.000000e+00> : vector<1000x128xf32>
    %dot_general3A_133 = tpu.matmul %mul3A_126, %get3A_131, %dot_general3A_132 {dimension_numbers = #tpu.dot_dimension_numbers<[1], [0], [0], [1], [0, 0, 1, 1], [], []>, transpose_lhs_hint = false} : vector<1000x32xf32>, vector<32x128xf32>, vector<1000x128xf32> -> vector<1000x128xf32>
    %add3A_134 = arith.addf %add3A_118, %dot_general3A_133 : vector<1000x128xf32>
    %slice3A_135 = vector.extract_strided_slice %div3A_6 {offsets = [2, 0, 0], sizes = [1, 1000, 1], strides = [1, 1, 1]} : vector<4x1000x8xf32> to vector<1x1000x1xf32>
    %squeeze3A_136 = vector.shape_cast %slice3A_135 : vector<1x1000x1xf32> to vector<1000x1xf32>
    %get3A_137 = arith.constant 0 : index
    %get3A_138 = arith.constant 2 : index
    %get3A_139 = arith.constant 0 : index
    %get3A_140 = arith.constant 0 : index
    %get3A_141 = vector.load %arg1[%get3A_137, %get3A_138, %get3A_139, %get3A_140] : memref<4x4x1000x32xf32, #tpu.memory_space<vmem>>, vector<1x1x1000x32xf32>
    %get3A_142 = vector.shape_cast %get3A_141 : vector<1x1x1000x32xf32> to vector<1000x32xf32>
    %mul3A_143 = vector.broadcast %squeeze3A_136 : vector<1000x1xf32> to vector<1000x32xf32>
    %mul3A_144 = arith.mulf %get3A_142, %mul3A_143 : vector<1000x32xf32>
    %get3A_145 = arith.constant 2 : index
    %get3A_146 = arith.constant 0 : index
    %get3A_147 = arith.constant 0 : index
    %get3A_148 = vector.load %arg3[%get3A_145, %get3A_146, %get3A_147] : memref<4x128x128xf32, #tpu.memory_space<vmem>>, vector<1x32x128xf32>
    %get3A_149 = vector.shape_cast %get3A_148 : vector<1x32x128xf32> to vector<32x128xf32>
    %dot_general3A_150 = arith.constant dense<0.000000e+00> : vector<1000x128xf32>
    %dot_general3A_151 = tpu.matmul %mul3A_144, %get3A_149, %dot_general3A_150 {dimension_numbers = #tpu.dot_dimension_numbers<[1], [0], [0], [1], [0, 0, 1, 1], [], []>, transpose_lhs_hint = false} : vector<1000x32xf32>, vector<32x128xf32>, vector<1000x128xf32> -> vector<1000x128xf32>
    %add3A_152 = arith.addf %add3A_134, %dot_general3A_151 : vector<1000x128xf32>
    %get3A_153 = arith.constant 1 : index
    %get3A_154 = arith.constant 2 : index
    %get3A_155 = arith.constant 0 : index
    %get3A_156 = arith.constant 0 : index
    %get3A_157 = vector.load %arg1[%get3A_153, %get3A_154, %get3A_155, %get3A_156] : memref<4x4x1000x32xf32, #tpu.memory_space<vmem>>, vector<1x1x1000x32xf32>
    %get3A_158 = vector.shape_cast %get3A_157 : vector<1x1x1000x32xf32> to vector<1000x32xf32>
    %mul3A_159 = vector.broadcast %squeeze3A_136 : vector<1000x1xf32> to vector<1000x32xf32>
    %mul3A_160 = arith.mulf %get3A_158, %mul3A_159 : vector<1000x32xf32>
    %get3A_161 = arith.constant 2 : index
    %get3A_162 = arith.constant 32 : index
    %get3A_163 = arith.constant 0 : index
    %get3A_164 = vector.load %arg3[%get3A_161, %get3A_162, %get3A_163] : memref<4x128x128xf32, #tpu.memory_space<vmem>>, vector<1x32x128xf32>
    %get3A_165 = vector.shape_cast %get3A_164 : vector<1x32x128xf32> to vector<32x128xf32>
    %dot_general3A_166 = arith.constant dense<0.000000e+00> : vector<1000x128xf32>
    %dot_general3A_167 = tpu.matmul %mul3A_160, %get3A_165, %dot_general3A_166 {dimension_numbers = #tpu.dot_dimension_numbers<[1], [0], [0], [1], [0, 0, 1, 1], [], []>, transpose_lhs_hint = false} : vector<1000x32xf32>, vector<32x128xf32>, vector<1000x128xf32> -> vector<1000x128xf32>
    %add3A_168 = arith.addf %add3A_152, %dot_general3A_167 : vector<1000x128xf32>
    %get3A_169 = arith.constant 2 : index
    %get3A_170 = arith.constant 2 : index
    %get3A_171 = arith.constant 0 : index
    %get3A_172 = arith.constant 0 : index
    %get3A_173 = vector.load %arg1[%get3A_169, %get3A_170, %get3A_171, %get3A_172] : memref<4x4x1000x32xf32, #tpu.memory_space<vmem>>, vector<1x1x1000x32xf32>
    %get3A_174 = vector.shape_cast %get3A_173 : vector<1x1x1000x32xf32> to vector<1000x32xf32>
    %mul3A_175 = vector.broadcast %squeeze3A_136 : vector<1000x1xf32> to vector<1000x32xf32>
    %mul3A_176 = arith.mulf %get3A_174, %mul3A_175 : vector<1000x32xf32>
    %get3A_177 = arith.constant 2 : index
    %get3A_178 = arith.constant 64 : index
    %get3A_179 = arith.constant 0 : index
    %get3A_180 = vector.load %arg3[%get3A_177, %get3A_178, %get3A_179] : memref<4x128x128xf32, #tpu.memory_space<vmem>>, vector<1x32x128xf32>
    %get3A_181 = vector.shape_cast %get3A_180 : vector<1x32x128xf32> to vector<32x128xf32>
    %dot_general3A_182 = arith.constant dense<0.000000e+00> : vector<1000x128xf32>
    %dot_general3A_183 = tpu.matmul %mul3A_176, %get3A_181, %dot_general3A_182 {dimension_numbers = #tpu.dot_dimension_numbers<[1], [0], [0], [1], [0, 0, 1, 1], [], []>, transpose_lhs_hint = false} : vector<1000x32xf32>, vector<32x128xf32>, vector<1000x128xf32> -> vector<1000x128xf32>
    %add3A_184 = arith.addf %add3A_168, %dot_general3A_183 : vector<1000x128xf32>
    %get3A_185 = arith.constant 3 : index
    %get3A_186 = arith.constant 2 : index
    %get3A_187 = arith.constant 0 : index
    %get3A_188 = arith.constant 0 : index
    %get3A_189 = vector.load %arg1[%get3A_185, %get3A_186, %get3A_187, %get3A_188] : memref<4x4x1000x32xf32, #tpu.memory_space<vmem>>, vector<1x1x1000x32xf32>
    %get3A_190 = vector.shape_cast %get3A_189 : vector<1x1x1000x32xf32> to vector<1000x32xf32>
    %mul3A_191 = vector.broadcast %squeeze3A_136 : vector<1000x1xf32> to vector<1000x32xf32>
    %mul3A_192 = arith.mulf %get3A_190, %mul3A_191 : vector<1000x32xf32>
    %get3A_193 = arith.constant 2 : index
    %get3A_194 = arith.constant 96 : index
    %get3A_195 = arith.constant 0 : index
    %get3A_196 = vector.load %arg3[%get3A_193, %get3A_194, %get3A_195] : memref<4x128x128xf32, #tpu.memory_space<vmem>>, vector<1x32x128xf32>
    %get3A_197 = vector.shape_cast %get3A_196 : vector<1x32x128xf32> to vector<32x128xf32>
    %dot_general3A_198 = arith.constant dense<0.000000e+00> : vector<1000x128xf32>
    %dot_general3A_199 = tpu.matmul %mul3A_192, %get3A_197, %dot_general3A_198 {dimension_numbers = #tpu.dot_dimension_numbers<[1], [0], [0], [1], [0, 0, 1, 1], [], []>, transpose_lhs_hint = false} : vector<1000x32xf32>, vector<32x128xf32>, vector<1000x128xf32> -> vector<1000x128xf32>
    %add3A_200 = arith.addf %add3A_184, %dot_general3A_199 : vector<1000x128xf32>
    %slice3A_201 = vector.extract_strided_slice %div3A_6 {offsets = [3, 0, 0], sizes = [1, 1000, 1], strides = [1, 1, 1]} : vector<4x1000x8xf32> to vector<1x1000x1xf32>
    %squeeze3A_202 = vector.shape_cast %slice3A_201 : vector<1x1000x1xf32> to vector<1000x1xf32>
    %get3A_203 = arith.constant 0 : index
    %get3A_204 = arith.constant 3 : index
    %get3A_205 = arith.constant 0 : index
    %get3A_206 = arith.constant 0 : index
    %get3A_207 = vector.load %arg1[%get3A_203, %get3A_204, %get3A_205, %get3A_206] : memref<4x4x1000x32xf32, #tpu.memory_space<vmem>>, vector<1x1x1000x32xf32>
    %get3A_208 = vector.shape_cast %get3A_207 : vector<1x1x1000x32xf32> to vector<1000x32xf32>
    %mul3A_209 = vector.broadcast %squeeze3A_202 : vector<1000x1xf32> to vector<1000x32xf32>
    %mul3A_210 = arith.mulf %get3A_208, %mul3A_209 : vector<1000x32xf32>
    %get3A_211 = arith.constant 3 : index
    %get3A_212 = arith.constant 0 : index
    %get3A_213 = arith.constant 0 : index
    %get3A_214 = vector.load %arg3[%get3A_211, %get3A_212, %get3A_213] : memref<4x128x128xf32, #tpu.memory_space<vmem>>, vector<1x32x128xf32>
    %get3A_215 = vector.shape_cast %get3A_214 : vector<1x32x128xf32> to vector<32x128xf32>
    %dot_general3A_216 = arith.constant dense<0.000000e+00> : vector<1000x128xf32>
    %dot_general3A_217 = tpu.matmul %mul3A_210, %get3A_215, %dot_general3A_216 {dimension_numbers = #tpu.dot_dimension_numbers<[1], [0], [0], [1], [0, 0, 1, 1], [], []>, transpose_lhs_hint = false} : vector<1000x32xf32>, vector<32x128xf32>, vector<1000x128xf32> -> vector<1000x128xf32>
    %add3A_218 = arith.addf %add3A_200, %dot_general3A_217 : vector<1000x128xf32>
    %get3A_219 = arith.constant 1 : index
    %get3A_220 = arith.constant 3 : index
    %get3A_221 = arith.constant 0 : index
    %get3A_222 = arith.constant 0 : index
    %get3A_223 = vector.load %arg1[%get3A_219, %get3A_220, %get3A_221, %get3A_222] : memref<4x4x1000x32xf32, #tpu.memory_space<vmem>>, vector<1x1x1000x32xf32>
    %get3A_224 = vector.shape_cast %get3A_223 : vector<1x1x1000x32xf32> to vector<1000x32xf32>
    %mul3A_225 = vector.broadcast %squeeze3A_202 : vector<1000x1xf32> to vector<1000x32xf32>
    %mul3A_226 = arith.mulf %get3A_224, %mul3A_225 : vector<1000x32xf32>
    %get3A_227 = arith.constant 3 : index
    %get3A_228 = arith.constant 32 : index
    %get3A_229 = arith.constant 0 : index
    %get3A_230 = vector.load %arg3[%get3A_227, %get3A_228, %get3A_229] : memref<4x128x128xf32, #tpu.memory_space<vmem>>, vector<1x32x128xf32>
    %get3A_231 = vector.shape_cast %get3A_230 : vector<1x32x128xf32> to vector<32x128xf32>
    %dot_general3A_232 = arith.constant dense<0.000000e+00> : vector<1000x128xf32>
    %dot_general3A_233 = tpu.matmul %mul3A_226, %get3A_231, %dot_general3A_232 {dimension_numbers = #tpu.dot_dimension_numbers<[1], [0], [0], [1], [0, 0, 1, 1], [], []>, transpose_lhs_hint = false} : vector<1000x32xf32>, vector<32x128xf32>, vector<1000x128xf32> -> vector<1000x128xf32>
    %add3A_234 = arith.addf %add3A_218, %dot_general3A_233 : vector<1000x128xf32>
    %get3A_235 = arith.constant 2 : index
    %get3A_236 = arith.constant 3 : index
    %get3A_237 = arith.constant 0 : index
    %get3A_238 = arith.constant 0 : index
    %get3A_239 = vector.load %arg1[%get3A_235, %get3A_236, %get3A_237, %get3A_238] : memref<4x4x1000x32xf32, #tpu.memory_space<vmem>>, vector<1x1x1000x32xf32>
    %get3A_240 = vector.shape_cast %get3A_239 : vector<1x1x1000x32xf32> to vector<1000x32xf32>
    %mul3A_241 = vector.broadcast %squeeze3A_202 : vector<1000x1xf32> to vector<1000x32xf32>
    %mul3A_242 = arith.mulf %get3A_240, %mul3A_241 : vector<1000x32xf32>
    %get3A_243 = arith.constant 3 : index
    %get3A_244 = arith.constant 64 : index
    %get3A_245 = arith.constant 0 : index
    %get3A_246 = vector.load %arg3[%get3A_243, %get3A_244, %get3A_245] : memref<4x128x128xf32, #tpu.memory_space<vmem>>, vector<1x32x128xf32>
    %get3A_247 = vector.shape_cast %get3A_246 : vector<1x32x128xf32> to vector<32x128xf32>
    %dot_general3A_248 = arith.constant dense<0.000000e+00> : vector<1000x128xf32>
    %dot_general3A_249 = tpu.matmul %mul3A_242, %get3A_247, %dot_general3A_248 {dimension_numbers = #tpu.dot_dimension_numbers<[1], [0], [0], [1], [0, 0, 1, 1], [], []>, transpose_lhs_hint = false} : vector<1000x32xf32>, vector<32x128xf32>, vector<1000x128xf32> -> vector<1000x128xf32>
    %add3A_250 = arith.addf %add3A_234, %dot_general3A_249 : vector<1000x128xf32>
    %get3A_251 = arith.constant 3 : index
    %get3A_252 = arith.constant 3 : index
    %get3A_253 = arith.constant 0 : index
    %get3A_254 = arith.constant 0 : index
    %get3A_255 = vector.load %arg1[%get3A_251, %get3A_252, %get3A_253, %get3A_254] : memref<4x4x1000x32xf32, #tpu.memory_space<vmem>>, vector<1x1x1000x32xf32>
    %get3A_256 = vector.shape_cast %get3A_255 : vector<1x1x1000x32xf32> to vector<1000x32xf32>
    %mul3A_257 = vector.broadcast %squeeze3A_202 : vector<1000x1xf32> to vector<1000x32xf32>
    %mul3A_258 = arith.mulf %get3A_256, %mul3A_257 : vector<1000x32xf32>
    %get3A_259 = arith.constant 3 : index
    %get3A_260 = arith.constant 96 : index
    %get3A_261 = arith.constant 0 : index
    %get3A_262 = vector.load %arg3[%get3A_259, %get3A_260, %get3A_261] : memref<4x128x128xf32, #tpu.memory_space<vmem>>, vector<1x32x128xf32>
    %get3A_263 = vector.shape_cast %get3A_262 : vector<1x32x128xf32> to vector<32x128xf32>
    %dot_general3A_264 = arith.constant dense<0.000000e+00> : vector<1000x128xf32>
    %dot_general3A_265 = tpu.matmul %mul3A_258, %get3A_263, %dot_general3A_264 {dimension_numbers = #tpu.dot_dimension_numbers<[1], [0], [0], [1], [0, 0, 1, 1], [], []>, transpose_lhs_hint = false} : vector<1000x32xf32>, vector<32x128xf32>, vector<1000x128xf32> -> vector<1000x128xf32>
    %add3A_266 = arith.addf %add3A_250, %dot_general3A_265 : vector<1000x128xf32>
    %get3A_267 = arith.constant 0 : index
    %get3A_268 = arith.constant 0 : index
    %get3A_269 = vector.load %arg4[%get3A_267, %get3A_268] : memref<1000x128xf32, #tpu.memory_space<vmem>>, vector<1000x128xf32>
    %get3A_270 = arith.constant 0 : index
    %get3A_271 = arith.constant 0 : index
    %get3A_272 = vector.load %arg5[%get3A_270, %get3A_271] : memref<128x128xf32, #tpu.memory_space<vmem>>, vector<128x128xf32>
    %dot_general3A_273 = arith.constant dense<0.000000e+00> : vector<1000x128xf32>
    %dot_general3A_274 = tpu.matmul %get3A_269, %get3A_272, %dot_general3A_273 {dimension_numbers = #tpu.dot_dimension_numbers<[1], [0], [0], [1], [0, 0, 1, 1], [], []>, transpose_lhs_hint = false} : vector<1000x128xf32>, vector<128x128xf32>, vector<1000x128xf32> -> vector<1000x128xf32>
    %add3A_275 = arith.addf %add3A_266, %dot_general3A_274 : vector<1000x128xf32>
    %swap3A = arith.constant 0 : index
    %swap3A_276 = arith.constant 0 : index
    %swap3A_277 = vector.load %arg6[%swap3A, %swap3A_276] : memref<1000x128xf32, #tpu.memory_space<vmem>>, vector<1000x128xf32>
    tpu.vector_store %arg6[%swap3A, %swap3A_276], %add3A_275 {strides = array<i32>} : memref<1000x128xf32, #tpu.memory_space<vmem>>, vector<1000x128xf32>,
    return
  }
  func.func @transform_0(%arg0: i32) -> (i32, i32, i32, i32) {
    %c0_i32 = arith.constant 0 : i32
    %c0_i32_0 = arith.constant 0 : i32
    %c0_i32_1 = arith.constant 0 : i32
    %c0_i32_2 = arith.constant 0 : i32
    return %c0_i32, %c0_i32_0, %arg0, %c0_i32_1 : i32, i32, i32, i32
  }
  func.func @transform_1(%arg0: i32) -> (i32, i32, i32) {
    %c0_i32 = arith.constant 0 : i32
    %c0_i32_0 = arith.constant 0 : i32
    %c0_i32_1 = arith.constant 0 : i32
    return %c0_i32, %arg0, %c0_i32_0 : i32, i32, i32
  }
  func.func @transform_2(%arg0: i32) -> (i32, i32, i32) {
    %c0_i32 = arith.constant 0 : i32
    %c0_i32_0 = arith.constant 0 : i32
    %c0_i32_1 = arith.constant 0 : i32
    %c0_i32_2 = arith.constant 0 : i32
    return %c0_i32, %c0_i32_0, %c0_i32_1 : i32, i32, i32
  }
  func.func @transform_3(%arg0: i32) -> (i32, i32) {
    %c0_i32 = arith.constant 0 : i32
    %c0_i32_0 = arith.constant 0 : i32
    return %arg0, %c0_i32 : i32, i32
  }
  func.func @transform_4(%arg0: i32) -> (i32, i32) {
    %c0_i32 = arith.constant 0 : i32
    %c0_i32_0 = arith.constant 0 : i32
    %c0_i32_1 = arith.constant 0 : i32
    return %c0_i32, %c0_i32_0 : i32, i32
  }
  func.func @transform_5(%arg0: i32) -> (i32, i32) {
    %c0_i32 = arith.constant 0 : i32
    %c0_i32_0 = arith.constant 0 : i32
    return %arg0, %c0_i32 : i32, i32
  }
}

</mosaic_0001>

<sc_bundles>
// kernel: kernel.14.cloned.1.call-start
scs
__scs_entry_jumppad:
0x0: {  	(pc) =	sbr.rel $0x88, $3  }
0x1: {  	(tag) =	ssettag $0x0;
	lr =	simm.s32 $0x1  }
0x2: {  	[smem:$0x3F94] =	sst lr;
	_ =	strace $0xD0000000  }
0x3: {  	_ = 	snop  }
0x4: {  	_ = 	snop  }
0x5: {  	_ = 	snop  }
0x6: {  	_ = 	snop  }
0x7: {  	_ = 	snop  }
__scs_overlays_trampoline_lowered:
0x8: {  	[smem:$0x3FA3] =	sst s0  }
0x9: {  	[smem:$0x3FA4] =	sst s1  }
0xa: {  	[smem:$0x3FA5] =	sst s2  }
0xb: {  	[smem:$0x3FA6] =	sst s3  }
0xc: {  	[smem:$0x3FA7] =	sst s4  }
0xd: {  	[smem:$0x3FA8] =	sst s5  }
0xe: {  	[smem:$0x3FA9] =	sst s6  }
0xf: {  	[smem:$0x3FAA] =	sst s7  }
0x10: {  	[smem:$0x3FAB] =	sst s8  }
0x11: {  	[smem:$0x3FAC] =	sst s9;
	s0 =	simm.s32 @!p0 $0x0  }
0x12: {  	s1 =	sld [smem:$0x3F92];
	s0 =	simm.s32 @p0 $0x1  }
0x13: {  	[smem:$0x3FAD] =	sst s0;
	s0 =	simm.s32 @!p1 $0x0  }
0x14: {  	s2 =	sld [smem:$0x3F91];
	s0 =	simm.s32 @p1 $0x1  }
0x15: {  	[smem:$0x3FAE] =	sst s0;
	s0 =	simm.s32 @!p2 $0x0  }
0x16: {  	s3 =	sld [smem:$0x3FDB];
	s0 =	simm.s32 @p2 $0x1  }
0x17: {  	s4 =	simm.s32 $0x1BF5;
	[smem:$0x3FB0] =	sst s0  }
0x18: {  	s0 =	sld [smem:$0x3F93];
	_ =	swait.ge [sflag:s4], $0x0  }
0x19: {  	s7 =	sld [smem:$0x3F94]  }
0x1a: {  	s8 =	sadd.s32 $0xFFFFE003, lr  }
0x1b: {  	s9 =	sadd.s32 $0xFFFFFEF7, lr;
	s5 =	simm.s32 $0xFFFFFFFF;
	p2 =	slt.u32 s8, $0xFFFFF086  }
0x1c: {  	p1 =	slt.u32 s9, $0xF7A;
	s5 =	simm.s32 @!p2 $0x0  }
0x1d: {  	s5 =	simm.s32 @p1 $0x1;
	p0 =	seq.s32 s7, s2  }
0x1e: {  	s7 =	smul.u32 @!p0 $0xF7A, s2;
	p2 =	seq.s32 @!p0 s5, $0x0  }
0x1f: {  	s9 =	smul.u32 $0xF7A, s1;
	s8 =	simm.s32 @!p0 $0x1BF5;
	p2 =	por !p2, p0  }
0x20: {  	[sflag:s8] =	ssyncset.s32 @!p0 $0xFFFFF086;
	s6 =	sadd.s32 @!p0 s3, s7;
	s7 =	simm.s32 @!p0 $0x108  }
0x21: {  	s3 =	sadd.s32 s3, s9;
	s6 =	sadd.s32 @!p0 $0x88, s6;
	s7 =	simm.s32 @p2 $0x1082  }
0x22: {  	[simem:s7], [sflag:s8] =	dma.local @!p0 [hbm:s6], $0xF7A  }
0x23: {  	s9 =	sor.u32 $0xD0000000, s2;
	s6 =	simm.s32 $0x108;
	_ =	swait.ge @!p0 [sflag:s8], $0x0  }
0x24: {  	s3 =	sadd.s32 $0x88, s3;
	s6 =	simm.s32 @!p1 $0x1082;
	[sflag:s4] =	ssyncset.s32 $0xFFFFF086  }
0x25: {  	[simem:s6], [sflag:s4] =	dma.local [hbm:s3], $0xF7A  }
0x26: {  	[smem:$0x3F94] =	sst s1;
	(tag) =	ssettag s2;
	_ =	strace s9  }
0x27: {  	s1 =	sld [smem:$0x3FA4]  }
0x28: {  	s2 =	sld [smem:$0x3FA5]  }
0x29: {  	s4 =	sld [smem:$0x3FA7]  }
0x2a: {  	p0 =	seq.s32 s5, $0x0;
	s5 =	sld [smem:$0x3FA8]  }
0x2b: {  	s6 =	sld [smem:$0x3FA9]  }
0x2c: {  	s7 =	sld [smem:$0x3FAA]  }
0x2d: {  	s3 =	simm.s32 $0x108;
	s8 =	sld [smem:$0x3FAB]  }
0x2e: {  	s3 =	simm.s32 @!p0 $0x1082;
	s9 =	sld [smem:$0x3FAC]  }
0x2f: {  	lr =	sadd.s32 s0, s3;
	s0 =	sld [smem:$0x3FA3]  }
0x30: {  	s3 =	sld [smem:$0x3FA6]  }
0x31: {  	[smem:$0x3FAF] =	sst s10  }
0x32: {  	s10 =	sld [smem:$0x3FAD];
	_ =	sdelay $0x3  }
0x33: {  	p0 =	seq.s32 s10, $0x1;
	s10 =	sld [smem:$0x3FAF];
	_ =	sdelay $0x3  }
0x34: {  	[smem:$0x3FAF] =	sst s10  }
0x35: {  	s10 =	sld [smem:$0x3FAE];
	_ =	sdelay $0x3  }
0x36: {  	p1 =	seq.s32 s10, $0x1;
	s10 =	sld [smem:$0x3FAF];
	_ =	sdelay $0x3  }
0x37: {  	[smem:$0x3FAF] =	sst s10  }
0x38: {  	s10 =	sld [smem:$0x3FB0]  }
0x39: {  	_ = 	snop;
	(pc) =	sbr.ind lr, $3  }
0x3a: {  	_ = 	snop  }
0x3b: {  	_ = 	snop  }
0x3c: {  	p2 =	seq.s32 s10, $0x1;
	s10 =	sld [smem:$0x3FAF]  }
0x3d: {  	_ =	shalt  }
0x3e: {  	_ =	shalt  }
0x3f: {  	_ =	shalt  }
0x40: {  	_ =	shalt  }
0x41: {  	_ =	shalt  }
0x42: {  	_ =	shalt  }
0x43: {  	_ =	shalt  }
0x44: {  	_ =	shalt  }
0x45: {  	_ =	shalt  }
0x46: {  	_ =	shalt  }
0x47: {  	_ =	shalt  }
0x48: {  	_ =	shalt  }
0x49: {  	_ =	shalt  }
0x4a: {  	_ =	shalt  }
0x4b: {  	_ =	shalt  }
0x4c: {  	_ =	shalt  }
0x4d: {  	_ =	shalt  }
0x4e: {  	_ =	shalt  }
0x4f: {  	_ =	shalt  }
0x50: {  	_ =	shalt  }
0x51: {  	_ =	shalt  }
0x52: {  	_ =	shalt  }
0x53: {  	_ =	shalt  }
0x54: {  	_ =	shalt  }
0x55: {  	_ =	shalt  }
0x56: {  	_ =	shalt  }
0x57: {  	_ =	shalt  }
0x58: {  	_ =	shalt  }
0x59: {  	_ =	shalt  }
0x5a: {  	_ =	shalt  }
0x5b: {  	_ =	shalt  }
0x5c: {  	_ =	shalt  }
0x5d: {  	_ =	shalt  }
0x5e: {  	_ =	shalt  }
0x5f: {  	_ =	shalt  }
0x60: {  	_ =	shalt  }
0x61: {  	_ =	shalt  }
0x62: {  	_ =	shalt  }
0x63: {  	_ =	shalt  }
0x64: {  	_ =	shalt  }
0x65: {  	_ =	shalt  }
0x66: {  	_ =	shalt  }
0x67: {  	_ =	shalt  }
0x68: {  	_ =	shalt  }
0x69: {  	_ =	shalt  }
0x6a: {  	_ =	shalt  }
0x6b: {  	_ =	shalt  }
0x6c: {  	_ =	shalt  }
0x6d: {  	_ =	shalt  }
0x6e: {  	_ =	shalt  }
0x6f: {  	_ =	shalt  }
0x70: {  	_ =	shalt  }
0x71: {  	_ =	shalt  }
0x72: {  	_ =	shalt  }
0x73: {  	_ =	shalt  }
0x74: {  	_ =	shalt  }
0x75: {  	_ =	shalt  }
0x76: {  	_ =	shalt  }
0x77: {  	_ =	shalt  }
0x78: {  	_ =	shalt  }
0x79: {  	_ =	shalt  }
0x7a: {  	_ =	shalt  }
0x7b: {  	_ =	shalt  }
0x7c: {  	_ =	shalt  }
0x7d: {  	_ =	shalt  }
0x7e: {  	_ =	shalt  }
0x7f: {  	_ =	shalt  }
0x80: {  	_ =	shalt  }
0x81: {  	_ =	shalt  }
0x82: {  	_ =	shalt  }
0x83: {  	_ =	shalt  }
0x84: {  	_ =	shalt  }
0x85: {  	_ =	shalt  }
0x86: {  	_ =	shalt  }
0x87: {  	_ =	shalt  }
.Lfunc_end0:
.L_simem_size_0:
called_computation_lowered:
.L_overlay_start_0:
0x88: {  	s2 =	sld [smem:$0x3FD9]  }
0x89: {  	s3 =	sld [smem:$0x3FFE];
	_ =	sdelay $0x1  }
0x8a: {  	s1 =	srdreg.scid  }
0x8b: {  	s0 =	sand.u32 $0x1, s1  }
0x8c: {  	s15 =	sshll.u32 s0, $0xA;
	s2 =	sadd.s32 s3, s2  }
0x8d: {  	s2 =	sadd.s32 s2, s15  }
0x8e: {  	[smem:$0x3FBB] =	sst s2  }
0x8f: {  	_ = 	snop  }
0x90: {  	s2 =	sld [smem:$0x3FD0];
	_ =	sdelay $0x2  }
0x91: {  	s4 =	simm.s32 $0xB;
	s16 =	simm.s32 $0x10  }
0x92: {  	[smem:s16], [sflag:s4] =	dma.local [hbm:s2], $0x1  }
0x93: {  	_ =	swait.eq [sflag:s4], $0x1  }
0x94: {  	[sflag:s4] =	ssyncset.done $0x0  }
0x95: {  	s17 =	sld [smem:$0x12];
	[sflag:s4] =	ssyncadd.s32 $0xFFFFFFFF  }
0x96: {  	s18 =	sld [smem:$0x13];
	(tm) =	ssettm $0x1  }
0x97: {  	s19 =	sld [smem:$0x3FFB];
	_ =	sdelay $0x3  }
0x98: {  	_ =	strace s19  }
0x99: {  	s2 =	sld [smem:$0x3FFC];
	_ =	sdelay $0x3  }
0x9a: {  	_ =	strace s2  }
0x9b: {  	s2 =	sld [smem:$0x3FFD];
	_ =	sdelay $0x3  }
0x9c: {  	_ =	strace s2  }
0x9d: {  	_ =	strace $0x8FFFFFFF  }
0x9e: {  	s20 =	sld [smem:$0x3FDB];
	_ =	sdelay $0x1  }
0x9f: {  	s5 =	simm.s32 $_scs_section_size  }
0xa0: {  	s6 =	simm.s32 $_size__tile_overlayer_lowered;
	s7 =	simm.s32 $_tile_overlayer_lowered  }
0xa1: {  	s8 =	simm.s32 $0x1BFF;
	s21 =	sshll.u32 s7, $0x1;
	s5 =	sadd.s32 s5, s20  }
0xa2: {  	s22 =	simm.s32 $0x0;
	s6 =	sshll.u32 s6, $0x1;
	s7 =	sadd.s32 s21, s5  }
0xa3: {  	[timem:s22], [sflag:s8] =	dma.local [hbm:s7], s6  }
0xa4: {  	_ =	swait.ge [sflag:s8], s6  }
0xa5: {  	s6 =	ssub.s32 $0x0, s6;
	[sflag:s8] =	ssyncset.done $0x0  }
0xa6: {  	[sflag:s8] =	ssyncadd.s32 s6;
	_ =	sdelay $0x1  }
0xa7: {  	s23 =	simm.s32 $0x1B8B  }
0xa8: {  	_ =	swait.ge [sflag:s23], $0x1  }
0xa9: {  	[sflag:s23] =	ssyncset.done $0x0  }
0xaa: {  	[sflag:s23] =	ssyncadd.s32 $0xFFFFFFFF  }
0xab: {  	s6 =	sld [smem:$0x0]  }
0xac: {  	s7 =	sand.u32 $0xFFFFFFFE, s1  }
0xad: {  	p0 =	sne.s32 s1, s7  }
0xae: {  	s7 =	sshll.u32 @p0 s7, $0xE  }
0xaf: {  	s7 =	sadd.s32 @p0 $0x11B8D, s7;
	s8 =	sshll.u32 @p0 s6, $0x11  }
0xb0: {  	s7 =	sor.u32 @p0 s8, s7  }
0xb1: {  	[sflag:s7] =	ssyncadd.remote.s32 @p0 $0x1;
	_ =	sdelay $0x1  }
0xb2: {  	s7 =	simm.s32 @p0 $0x1B8D  }
0xb3: {  	_ =	swait.eq @p0 [sflag:s7], $0x1  }
0xb4: {  	[sflag:s7] =	ssyncadd.s32 @p0 $0xFFFFFFFF  }
0xb5: {  	s8 =	sshll.u32 @!p0 s1, $0xE  }
0xb6: {  	s8 =	sor.u32 @!p0 $0x4000, s8;
	s7 =	simm.s32 @!p0 $0x1B8D  }
0xb7: {  	s6 =	sshll.u32 @!p0 s6, $0x11;
	s8 =	sadd.s32 @!p0 $0x11B8D, s8;
	_ =	swait.eq @!p0 [sflag:s7], $0x1  }
0xb8: {  	s6 =	sor.u32 @!p0 s6, s8;
	[sflag:s7] =	ssyncadd.s32 @!p0 $0xFFFFFFFF  }
0xb9: {  	s25 =	simm.s32 $0x1B8E;
	s24 =	sld [smem:$0x3FFE];
	[sflag:s6] =	ssyncadd.remote.s32 @!p0 $0x1  }
0xba: {  	s26 =	simm.s32 $execute0_lowered;
	[smem:$0x3FD2] =	sst s25  }
0xbb: {  	s7 =	sshll.u32 s26, $0x1;
	_ =	strace $0x80000049;
	[dreg:$0x1] =	wrdreg $0xFFFFFFFF  }
0xbc: {  	s28 =	simm.s32 $_size_execute0_lowered;
	s5 =	sadd.s32 s5, s7;
	[dreg:$0x0] =	wrdreg $0x0  }
0xbd: {  	s7 =	sshll.u32 s28, $0x1;
	[dreg:$0x2] =	wrdreg s5  }
0xbe: {  	[dreg:$0x3] =	wrdreg s7  }
0xbf: {  	[dreg:$0x4] =	wrdreg $0xC0  }
0xc0: {  	_ =	task [dreg:s22], $0x5FFFF  }
0xc1: {  	[dreg:$0x1] =	wrdreg $0xFFFFFFFF  }
0xc2: {  	[dreg:$0x0] =	wrdreg $0x60  }
0xc3: {  	[dreg:$0x2] =	wrdreg s24  }
0xc4: {  	[dreg:$0x3] =	wrdreg s17  }
0xc5: {  	[dreg:$0x4] =	wrdreg s18  }
0xc6: {  	[dreg:$0x5] =	wrdreg $0x52800  }
0xc7: {  	[dreg:$0x6] =	wrdreg $0x9  }
0xc8: {  	_ =	task.clear_ibuf [dreg:s22], $0x7FFFF;
	_ =	strace $0x90000049  }
0xc9: {  	s29 =	simm.s32 $0x9;
	_ =	strace $0x8000004B  }
0xca: {  	_ =	swait.ge [sflag:s29], $0x1  }
0xcb: {  	[sflag:s29] =	ssyncadd.s32 $0xFFFFFFFF  }
0xcc: {  	_ =	strace $0x9000004B  }
0xcd: {  	_ =	sfence  }
0xce: {  	s30 =	sld [smem:$0x0];
	_ =	sdelay $0x2  }
0xcf: {  	s31 =	sshll.u32 s1, $0xD;
	s1 =	sshrl.u32 s1, $0x2  }
0xd0: {  	s4 =	sand.u32 $0x4000, s31;
	s1 =	sadd.s32 s1, s30  }
0xd1: {  	s0 =	sor.u32 s4, s0;
	s1 =	sshll.u32 s1, $0x11  }
0xd2: {  	s0 =	sor.u32 s1, s0  }
0xd3: {  	s0 =	sadd.s32 $0x8F2B, s0  }
0xd4: {  	[sflag:s0] =	ssyncadd.remote.s32 $0x1  }
0xd5: {  	_ =	sfence.sel $0xFFFF  }
0xd6: {  	[dreg:$0x0] =	wrdreg $0xFFFFFFFF;
	(pc) =	sbr.abs _section_cstart, $3  }
0xd7: {  	[dreg:$0x1] =	wrdreg $0xFFFFFFFF  }
0xd8: {  	_ =	task.clear_ibuf [dreg:s22], $0x2FFFF;
	_ =	strace $0x9FFFFFFF  }
0xd9: {  	(tm) =	ssettm $0x7FFFFFFF  }
tec
execute0_lowered:
.L_overlay_start_1:
0x0: {  	(tag) =	ssettag $0x1  }
0x1: {  	s1 =	srdreg.scid  }
0x2: {  	s1 =	sand.u32 $0x1, s1  }
0x3: {  	s4 =	rddreg [dreg:$0x0];
	p0 =	seq.s32 s1, $0x1  }
.Ltmp0:
0x4: {  	s8 =	rddreg [dreg:$0x1];
	(pc) =	sbr.rel @p0 .LBB2_4-.Ltmp0, $4  }
0x5: {  	s5 =	rddreg [dreg:$0x2]  }
0x6: {  	s2 =	rddreg [dreg:$0x3];
	s7 =	simm.s32 $0x0  }
0x7: {  	[smem:$0x7FF] =	sst s7  }
0x8: {  	s0 =	rddreg [dreg:$0x4];
	_ =	strace $0x8000004A;
	s1 =	stileid.u32  }
0x9: {  	s3 =	smul.u32 $0x9D0, s1  }
0xa: {  	s6 =	sadd.s32 $0x3E00, s4  }
0xb: {  	s3 =	sadd.s32 s6, s3  }
0xc: {  	[tilespmem:s7], [sflag:$0x1] =	stream.linear.gather [hbm4b:s3+s7], $0x4E80, $0x38;
	[tilespmem:$0xA0A8] =	vst v63  }
0xd: {  	s3 =	simm.s32 $0x1  }
0xe: {  	_ =	swait.ge [sflag:s3], $0x4E80  }
0xf: {  	s28 =	sadd.s32 $0xD3C00, s4;
	[sflag:s3] =	ssyncset.done $0x0  }
0x10: {  	s9 =	smul.u32 $0x4E00, s1;
	s6 =	simm.s32 $0x4E80;
	[sflag:s3] =	ssyncadd.s32 $0xFFFFB180  }
0x11: {  	[tilespmem:s6], [sflag:$0x1] =	stream.linear.gather [hbm4b:s28+s7], $0x400, $0x38;
	[tilespmem:$0xA0A8] =	vst v63  }
0x12: {  	_ =	swait.ge [sflag:s3], $0x400  }
0x13: {  	s10 =	sshll.u32 s1, $0x6;
	s29 =	sadd.s32 s9, s2;
	[sflag:s3] =	ssyncset.done $0x0  }
0x14: {  	s4 =	sor.u32 $0x1C01, s10;
	s7 =	sshrl.u32 s29, $0x3;
	[sflag:s3] =	ssyncadd.s32 $0xFFFFFC00  }
0x15: {  	[spmem:s7], [sflag:s4] =	dma.local [hbm:s8], $0x9C0  }
0x16: {  	s11 =	sadd.s32 s10, s2;
	_ =	swait.ge [sflag:s3], $0x9C0  }
0x17: {  	p0 =	sgt.u32 s1, $0x7;
	s11 =	sadd.s32 $0x4E000, s11;
	[sflag:s3] =	ssyncset.done $0x0  }
0x18: {  	s11 =	sshrl.u32 @!p0 s11, $0x3;
	[sflag:s3] =	ssyncadd.s32 $0xFFFFF640  }
0x19: {  	[spmem:s11], [sflag:s4] =	dma.local @!p0 [hbm:s8], $0x8  }
0x1a: {  	s8 =	simm.s32 @!p0 $0x1  }
0x1b: {  	_ =	swait.ge @!p0 [sflag:s8], $0x8  }
0x1c: {  	s31 =	simm.s32 $0x0;
	[sflag:s8] =	ssyncset.done @!p0 $0x0  }
0x1d: {  	s30 =	sor.u32 $0x4E000, s10;
	s10 =	simm.s32 $0x80;
	[sflag:s8] =	ssyncadd.s32 @!p0 $0xFFFFFFF8  }
0x1e: {  	s9 =	sshrl.u32 s9, $0x3;
	s12 =	sshrl.u32 s30, $0x3;
	[bflag:$0x0] =	sbarrier.arrive $0xFFFF  }
0x1f: {  	[spmem:s2] =	stream.indirect.scatter.add.f32 [tilespmem:s6], [sflag:$0x1], $0x8, s31, s10, $0xb8;
	[tilespmem:$0xA0A8] =	vst v63  }
0x20: {  	s9 =	sadd.s32 s5, s9;
	s5 =	sadd.s32 s5, s12;
	_ =	swait.ge [sflag:s3], $0x400  }
0x21: {  	s11 =	simm.s32 $0x200;
	s8 =	sadd.s32 s30, s2;
	[sflag:s3] =	ssyncset.done $0x0  }
.LBB2_2:
0x22: {  	s12 =	sshra.s32 s11, $0x2;
	[sflag:s3] =	ssyncadd.s32 $0xFFFFFC00;
	p1 =	sne.s32 s11, $0x13800  }
0x23: {  	[spmem:s2] =	stream.indirect.scatter.add.f32 [tilespmem:s6], [sflag:$0x1], $0x8, s12, s10, $0xb8;
	[tilespmem:$0xA0A8] =	vst v63  }
.Ltmp1:
0x24: {  	_ = 	snop;
	(pc) =	sbr.rel @p1 .LBB2_2-.Ltmp1, $4  }
0x25: {  	_ = 	snop  }
0x26: {  	s11 =	sadd.s32 $0x200, s11  }
0x27: {  	_ =	swait.ge [sflag:s3], $0x400  }
0x28: {  	[sflag:s3] =	ssyncset.done $0x0  }
0x29: {  	[sflag:s3] =	ssyncadd.s32 $0xFFFFFC00  }
0x2a: {  	s2 =	simm.s32 $0x1;
	[bflag:$0x0] =	sbarrier.arrive $0xFFFF  }
0x2b: {  	[hbm:s9], [sflag:s4] =	dma.local [spmem:s7], $0x9C0  }
0x2c: {  	_ =	swait.ge [sflag:s2], $0x9C0  }
0x2d: {  	[sflag:s2] =	ssyncset.done $0x0  }
0x2e: {  	[sflag:s2] =	ssyncadd.s32 $0xFFFFF640;
	s2 =	sshrl.u32 @!p0 s8, $0x3  }
0x2f: {  	[hbm:s5], [sflag:s4] =	dma.local @!p0 [spmem:s2], $0x8  }
0x30: {  	s2 =	simm.s32 @!p0 $0x1  }
0x31: {  	_ =	swait.ge @!p0 [sflag:s2], $0x8  }
0x32: {  	[sflag:s2] =	ssyncset.done @!p0 $0x0  }
0x33: {  	[sflag:s2] =	ssyncadd.s32 @!p0 $0xFFFFFFF8  }
.LBB2_4:
0x34: {  	_ =	sfence.sel $0x180000  }
0x35: {  	[bflag:$0x0] =	sbarrier.arrive $0xFFFF  }
0x36: {  	p0 =	sne.s32 s1, $0x0;
	_ =	strace $0x9000004A  }
0x37: {  	s0 =	sadd.s32 @!p0 $0x100000, s0;
	[bflag:$0x2] =	sbarrier.arrive $0xFFFF  }
0x38: {  	[sflag:s0] =	ssyncadd.tile.s32 @!p0 $0x1;
	_ =	shalt  }
.Lfunc_end2:
_tile_overlayer_lowered:
.L_overlay_start_2:
0x39: {  	(tag) =	ssettag $0x2  }
0x3a: {  	s0 =	rddreg [dreg:$0x0];
	s2 =	stileid.u32  }
0x3b: {  	s1 =	rddreg [dreg:$0x1];
	p0 =	sne.s32 s2, $0x0  }
0x3c: {  	s3 =	rddreg [dreg:$0x2];
	[bflag:$0x3] =	sbarrier.arrive $0xFFFF;
	s2 =	simm.s32 @!p0 $0x1C01  }
0x3d: {  	[timem:s3], [sflag:s2] =	dma.local @!p0 [hbm:s0], s1  }
0x3e: {  	s0 =	simm.s32 @!p0 $0x1  }
0x3f: {  	_ =	swait.ge @!p0 [sflag:s0], s1  }
0x40: {  	s1 =	ssub.s32 @!p0 $0x0, s1;
	[sflag:s0] =	ssyncset.done @!p0 $0x0  }
0x41: {  	[sflag:s0] =	ssyncadd.s32 @!p0 s1  }
0x42: {  	[bflag:$0x3] =	sbarrier.arrive $0xFFFF  }
0x43: {  	_ =	shalt  }

// kernel: kernel.17.cloned.1.call-start
scs
__scs_entry_jumppad:
0x0: {  	(pc) =	sbr.rel $0x88, $3  }
0x1: {  	(tag) =	ssettag $0x0;
	lr =	simm.s32 $0x1  }
0x2: {  	[smem:$0x3F94] =	sst lr;
	_ =	strace $0xD0000000  }
0x3: {  	_ = 	snop  }
0x4: {  	_ = 	snop  }
0x5: {  	_ = 	snop  }
0x6: {  	_ = 	snop  }
0x7: {  	_ = 	snop  }
__scs_overlays_trampoline_lowered:
0x8: {  	[smem:$0x3FA3] =	sst s0  }
0x9: {  	[smem:$0x3FA4] =	sst s1  }
0xa: {  	[smem:$0x3FA5] =	sst s2  }
0xb: {  	[smem:$0x3FA6] =	sst s3  }
0xc: {  	[smem:$0x3FA7] =	sst s4  }
0xd: {  	[smem:$0x3FA8] =	sst s5  }
0xe: {  	[smem:$0x3FA9] =	sst s6  }
0xf: {  	[smem:$0x3FAA] =	sst s7  }
0x10: {  	[smem:$0x3FAB] =	sst s8  }
0x11: {  	[smem:$0x3FAC] =	sst s9;
	s0 =	simm.s32 @!p0 $0x0  }
0x12: {  	s1 =	sld [smem:$0x3F92];
	s0 =	simm.s32 @p0 $0x1  }
0x13: {  	[smem:$0x3FAD] =	sst s0;
	s0 =	simm.s32 @!p1 $0x0  }
0x14: {  	s2 =	sld [smem:$0x3F91];
	s0 =	simm.s32 @p1 $0x1  }
0x15: {  	[smem:$0x3FAE] =	sst s0;
	s0 =	simm.s32 @!p2 $0x0  }
0x16: {  	s3 =	sld [smem:$0x3FDB];
	s0 =	simm.s32 @p2 $0x1  }
0x17: {  	s4 =	simm.s32 $0x1BF5;
	[smem:$0x3FB0] =	sst s0  }
0x18: {  	s0 =	sld [smem:$0x3F93];
	_ =	swait.ge [sflag:s4], $0x0  }
0x19: {  	s7 =	sld [smem:$0x3F94]  }
0x1a: {  	s8 =	sadd.s32 $0xFFFFE003, lr  }
0x1b: {  	s9 =	sadd.s32 $0xFFFFFEF7, lr;
	s5 =	simm.s32 $0xFFFFFFFF;
	p2 =	slt.u32 s8, $0xFFFFF086  }
0x1c: {  	p1 =	slt.u32 s9, $0xF7A;
	s5 =	simm.s32 @!p2 $0x0  }
0x1d: {  	s5 =	simm.s32 @p1 $0x1;
	p0 =	seq.s32 s7, s2  }
0x1e: {  	s7 =	smul.u32 @!p0 $0xF7A, s2;
	p2 =	seq.s32 @!p0 s5, $0x0  }
0x1f: {  	s9 =	smul.u32 $0xF7A, s1;
	s8 =	simm.s32 @!p0 $0x1BF5;
	p2 =	por !p2, p0  }
0x20: {  	[sflag:s8] =	ssyncset.s32 @!p0 $0xFFFFF086;
	s6 =	sadd.s32 @!p0 s3, s7;
	s7 =	simm.s32 @!p0 $0x108  }
0x21: {  	s3 =	sadd.s32 s3, s9;
	s6 =	sadd.s32 @!p0 $0x88, s6;
	s7 =	simm.s32 @p2 $0x1082  }
0x22: {  	[simem:s7], [sflag:s8] =	dma.local @!p0 [hbm:s6], $0xF7A  }
0x23: {  	s9 =	sor.u32 $0xD0000000, s2;
	s6 =	simm.s32 $0x108;
	_ =	swait.ge @!p0 [sflag:s8], $0x0  }
0x24: {  	s3 =	sadd.s32 $0x88, s3;
	s6 =	simm.s32 @!p1 $0x1082;
	[sflag:s4] =	ssyncset.s32 $0xFFFFF086  }
0x25: {  	[simem:s6], [sflag:s4] =	dma.local [hbm:s3], $0xF7A  }
0x26: {  	[smem:$0x3F94] =	sst s1;
	(tag) =	ssettag s2;
	_ =	strace s9  }
0x27: {  	s1 =	sld [smem:$0x3FA4]  }
0x28: {  	s2 =	sld [smem:$0x3FA5]  }
0x29: {  	s4 =	sld [smem:$0x3FA7]  }
0x2a: {  	p0 =	seq.s32 s5, $0x0;
	s5 =	sld [smem:$0x3FA8]  }
0x2b: {  	s6 =	sld [smem:$0x3FA9]  }
0x2c: {  	s7 =	sld [smem:$0x3FAA]  }
0x2d: {  	s3 =	simm.s32 $0x108;
	s8 =	sld [smem:$0x3FAB]  }
0x2e: {  	s3 =	simm.s32 @!p0 $0x1082;
	s9 =	sld [smem:$0x3FAC]  }
0x2f: {  	lr =	sadd.s32 s0, s3;
	s0 =	sld [smem:$0x3FA3]  }
0x30: {  	s3 =	sld [smem:$0x3FA6]  }
0x31: {  	[smem:$0x3FAF] =	sst s10  }
0x32: {  	s10 =	sld [smem:$0x3FAD];
	_ =	sdelay $0x3  }
0x33: {  	p0 =	seq.s32 s10, $0x1;
	s10 =	sld [smem:$0x3FAF];
	_ =	sdelay $0x3  }
0x34: {  	[smem:$0x3FAF] =	sst s10  }
0x35: {  	s10 =	sld [smem:$0x3FAE];
	_ =	sdelay $0x3  }
0x36: {  	p1 =	seq.s32 s10, $0x1;
	s10 =	sld [smem:$0x3FAF];
	_ =	sdelay $0x3  }
0x37: {  	[smem:$0x3FAF] =	sst s10  }
0x38: {  	s10 =	sld [smem:$0x3FB0]  }
0x39: {  	_ = 	snop;
	(pc) =	sbr.ind lr, $3  }
0x3a: {  	_ = 	snop  }
0x3b: {  	_ = 	snop  }
0x3c: {  	p2 =	seq.s32 s10, $0x1;
	s10 =	sld [smem:$0x3FAF]  }
0x3d: {  	_ =	shalt  }
0x3e: {  	_ =	shalt  }
0x3f: {  	_ =	shalt  }
0x40: {  	_ =	shalt  }
0x41: {  	_ =	shalt  }
0x42: {  	_ =	shalt  }
0x43: {  	_ =	shalt  }
0x44: {  	_ =	shalt  }
0x45: {  	_ =	shalt  }
0x46: {  	_ =	shalt  }
0x47: {  	_ =	shalt  }
0x48: {  	_ =	shalt  }
0x49: {  	_ =	shalt  }
0x4a: {  	_ =	shalt  }
0x4b: {  	_ =	shalt  }
0x4c: {  	_ =	shalt  }
0x4d: {  	_ =	shalt  }
0x4e: {  	_ =	shalt  }
0x4f: {  	_ =	shalt  }
0x50: {  	_ =	shalt  }
0x51: {  	_ =	shalt  }
0x52: {  	_ =	shalt  }
0x53: {  	_ =	shalt  }
0x54: {  	_ =	shalt  }
0x55: {  	_ =	shalt  }
0x56: {  	_ =	shalt  }
0x57: {  	_ =	shalt  }
0x58: {  	_ =	shalt  }
0x59: {  	_ =	shalt  }
0x5a: {  	_ =	shalt  }
0x5b: {  	_ =	shalt  }
0x5c: {  	_ =	shalt  }
0x5d: {  	_ =	shalt  }
0x5e: {  	_ =	shalt  }
0x5f: {  	_ =	shalt  }
0x60: {  	_ =	shalt  }
0x61: {  	_ =	shalt  }
0x62: {  	_ =	shalt  }
0x63: {  	_ =	shalt  }
0x64: {  	_ =	shalt  }
0x65: {  	_ =	shalt  }
0x66: {  	_ =	shalt  }
0x67: {  	_ =	shalt  }
0x68: {  	_ =	shalt  }
0x69: {  	_ =	shalt  }
0x6a: {  	_ =	shalt  }
0x6b: {  	_ =	shalt  }
0x6c: {  	_ =	shalt  }
0x6d: {  	_ =	shalt  }
0x6e: {  	_ =	shalt  }
0x6f: {  	_ =	shalt  }
0x70: {  	_ =	shalt  }
0x71: {  	_ =	shalt  }
0x72: {  	_ =	shalt  }
0x73: {  	_ =	shalt  }
0x74: {  	_ =	shalt  }
0x75: {  	_ =	shalt  }
0x76: {  	_ =	shalt  }
0x77: {  	_ =	shalt  }
0x78: {  	_ =	shalt  }
0x79: {  	_ =	shalt  }
0x7a: {  	_ =	shalt  }
0x7b: {  	_ =	shalt  }
0x7c: {  	_ =	shalt  }
0x7d: {  	_ =	shalt  }
0x7e: {  	_ =	shalt  }
0x7f: {  	_ =	shalt  }
0x80: {  	_ =	shalt  }
0x81: {  	_ =	shalt  }
0x82: {  	_ =	shalt  }
0x83: {  	_ =	shalt  }
0x84: {  	_ =	shalt  }
0x85: {  	_ =	shalt  }
0x86: {  	_ =	shalt  }
0x87: {  	_ =	shalt  }
.Lfunc_end0:
.L_simem_size_0:
called_computation.1_lowered:
.L_overlay_start_0:
0x88: {  	s2 =	sld [smem:$0x3FD9]  }
0x89: {  	s3 =	sld [smem:$0x3FFE];
	_ =	sdelay $0x1  }
0x8a: {  	s1 =	srdreg.scid  }
0x8b: {  	s0 =	sand.u32 $0x1, s1  }
0x8c: {  	s14 =	sshll.u32 s0, $0xA;
	s2 =	sadd.s32 s3, s2  }
0x8d: {  	s2 =	sadd.s32 s2, s14  }
0x8e: {  	[smem:$0x3FBB] =	sst s2  }
0x8f: {  	_ = 	snop  }
0x90: {  	s2 =	sld [smem:$0x3FD0];
	_ =	sdelay $0x2  }
0x91: {  	s15 =	simm.s32 $0xB;
	s4 =	simm.s32 $0x10  }
0x92: {  	[smem:s4], [sflag:s15] =	dma.local [hbm:s2], $0x1  }
0x93: {  	_ =	swait.eq [sflag:s15], $0x1  }
0x94: {  	[sflag:s15] =	ssyncset.done $0x0  }
0x95: {  	[sflag:s15] =	ssyncadd.s32 $0xFFFFFFFF  }
0x96: {  	s16 =	sld [smem:$0x10];
	(tm) =	ssettm $0x1  }
0x97: {  	s17 =	sld [smem:$0x3FFB];
	_ =	sdelay $0x3  }
0x98: {  	_ =	strace s17  }
0x99: {  	s3 =	sld [smem:$0x3FFC];
	_ =	sdelay $0x3  }
0x9a: {  	_ =	strace s3  }
0x9b: {  	s3 =	sld [smem:$0x3FFD];
	_ =	sdelay $0x3  }
0x9c: {  	_ =	strace s3  }
0x9d: {  	_ =	strace $0x8FFFFFFF  }
0x9e: {  	s18 =	sld [smem:$0x3FDB];
	_ =	sdelay $0x1  }
0x9f: {  	s19 =	simm.s32 $_scs_section_size  }
0xa0: {  	s5 =	simm.s32 $_size__tile_overlayer_lowered;
	s6 =	simm.s32 $_tile_overlayer_lowered  }
0xa1: {  	s22 =	simm.s32 $0x1BFF;
	s21 =	sshll.u32 s6, $0x1;
	s3 =	sadd.s32 s19, s18  }
0xa2: {  	s7 =	simm.s32 $0x0;
	s20 =	sshll.u32 s5, $0x1;
	s5 =	sadd.s32 s21, s3  }
0xa3: {  	[timem:s7], [sflag:s22] =	dma.local [hbm:s5], s20  }
0xa4: {  	_ =	swait.ge [sflag:s22], s20  }
0xa5: {  	s4 =	ssub.s32 $0x0, s20;
	[sflag:s22] =	ssyncset.done $0x0  }
0xa6: {  	[sflag:s22] =	ssyncadd.s32 s4;
	_ =	sdelay $0x1  }
0xa7: {  	s23 =	simm.s32 $0x1B8B  }
0xa8: {  	_ =	swait.ge [sflag:s23], $0x1  }
0xa9: {  	[sflag:s23] =	ssyncset.done $0x0  }
0xaa: {  	s25 =	simm.s32 $0x1B8E;
	s24 =	sld [smem:$0x3FFE];
	[sflag:s23] =	ssyncadd.s32 $0xFFFFFFFF  }
0xab: {  	s26 =	simm.s32 $execute0_lowered;
	[smem:$0x3FD2] =	sst s25  }
0xac: {  	s5 =	sshll.u32 s26, $0x1;
	_ =	strace $0x80000046;
	[dreg:$0x1] =	wrdreg $0xFFFFFFFF  }
0xad: {  	s28 =	simm.s32 $_size_execute0_lowered;
	s3 =	sadd.s32 s3, s5;
	[dreg:$0x0] =	wrdreg $0x0  }
0xae: {  	s5 =	sshll.u32 s28, $0x1;
	[dreg:$0x2] =	wrdreg s3  }
0xaf: {  	[dreg:$0x3] =	wrdreg s5  }
0xb0: {  	[dreg:$0x4] =	wrdreg $0xC0  }
0xb1: {  	_ =	task [dreg:s7], $0x5FFFF  }
0xb2: {  	[dreg:$0x1] =	wrdreg $0xFFFFFFFF  }
0xb3: {  	[dreg:$0x0] =	wrdreg $0x60  }
0xb4: {  	[dreg:$0x2] =	wrdreg s16  }
0xb5: {  	[dreg:$0x3] =	wrdreg s24  }
0xb6: {  	[dreg:$0x4] =	wrdreg $0xBD000  }
0xb7: {  	[dreg:$0x5] =	wrdreg $0xA  }
0xb8: {  	_ =	task.clear_ibuf [dreg:s7], $0x6FFFF;
	_ =	strace $0x90000046  }
0xb9: {  	s29 =	simm.s32 $0xA;
	_ =	strace $0x80000048  }
0xba: {  	_ =	swait.ge [sflag:s29], $0x1  }
0xbb: {  	[sflag:s29] =	ssyncadd.s32 $0xFFFFFFFF  }
0xbc: {  	_ =	strace $0x90000048  }
0xbd: {  	_ =	sfence  }
0xbe: {  	s30 =	sld [smem:$0x0];
	_ =	sdelay $0x2  }
0xbf: {  	s31 =	sshll.u32 s1, $0xD;
	s1 =	sshrl.u32 s1, $0x2  }
0xc0: {  	s3 =	sand.u32 $0x4000, s31;
	s1 =	sadd.s32 s1, s30  }
0xc1: {  	s0 =	sor.u32 s3, s0;
	s1 =	sshll.u32 s1, $0x11  }
0xc2: {  	s0 =	sor.u32 s1, s0  }
0xc3: {  	s0 =	sadd.s32 $0x8F2B, s0  }
0xc4: {  	[sflag:s0] =	ssyncadd.remote.s32 $0x1  }
0xc5: {  	_ =	sfence.sel $0xFFFF  }
0xc6: {  	[dreg:$0x0] =	wrdreg $0xFFFFFFFF;
	(pc) =	sbr.abs _section_cstart, $3  }
0xc7: {  	[dreg:$0x1] =	wrdreg $0xFFFFFFFF  }
0xc8: {  	_ =	task.clear_ibuf [dreg:s7], $0x2FFFF;
	_ =	strace $0x9FFFFFFF  }
0xc9: {  	(tm) =	ssettm $0x7FFFFFFF  }
tec
execute0_lowered:
.L_overlay_start_1:
0x0: {  	(tag) =	ssettag $0x1  }
0x1: {  	s2 =	rddreg [dreg:$0x0]  }
0x2: {  	s6 =	rddreg [dreg:$0x1]  }
0x3: {  	s3 =	rddreg [dreg:$0x2];
	s0 =	stileid.u32;
	s4 =	simm.s32 $0x0  }
0x4: {  	s5 =	srdreg.scid;
	s21 =	simm.s32 $0xAD00;
	s22 =	simm.s32 $0x1  }
0x5: {  	s23 =	simm.s32 $0x2;
	s24 =	simm.s32 $0x9C80;
	s25 =	simm.s32 $0x0  }
0x6: {  	s13 =	smul.u32 $0x4E80, s0;
	[smem:$0x7FF] =	sst s4;
	s9 =	sand.u32 $0x1, s5  }
0x7: {  	s14 =	sadd.s32 $0xDC00, s6;
	s5 =	sadd.s32 $0x35000, s6;
	s15 =	sadd.s32 $0x37800, s6  }
0x8: {  	s16 =	smul.u32 $0x13800, s0;
	s29 =	sshll.u32 s0, $0x8;
	p0 =	sgt.u32 s0, $0x7  }
0x9: {  	_ =	strace $0x80000047;
	s7 =	smul.u32 $0x9D000, s9;
	s28 =	ssub.s32 $0x2, s9  }
0xa: {  	s11 =	smul.u32 $0x271000, s9;
	s12 =	sadd.s32 s29, s3;
	s9 =	sshllo.u32 s9, $0x1  }
0xb: {  	s18 =	sor.u32 $0x138000, s29;
	s26 =	sshrl.u32 s13, $0x3;
	s19 =	smul.u32 $0x4E800, s9  }
0xc: {  	s10 =	sshrl.u32 s28, $0x1;
	s20 =	smul.u32 $0x138800, s9;
	s9 =	sadd.s32 $0x138000, s12  }
0xd: {  	s12 =	sadd.s32 s18, s3;
	s8 =	sadd.s32 s26, s6;
	s7 =	sadd.s32 s13, s7  }
0xe: {  	s17 =	ssub.s32 s28, s10;
	s30 =	sadd.s32 s16, s11;
	s11 =	sadd.s32 s11, s18  }
0xf: {  	s7 =	sshrl.u32 s7, $0x3;
	s6 =	sadd.s32 $0x3E00, s8;
	s8 =	sadd.s32 s16, s3  }
0x10: {  	s10 =	sshrl.u32 s30, $0x3;
	s11 =	sshrl.u32 s11, $0x3;
	s13 =	sadd.s32 s13, s19  }
0x11: {  	s16 =	sadd.s32 s16, s20;
	s18 =	sadd.s32 s18, s20;
	s19 =	simm.s32 $0x80  }
0x12: {  	s20 =	simm.s32 $0x9D00;
	s7 =	sadd.s32 s14, s7;
	s10 =	sadd.s32 s15, s10  }
0x13: {  	s11 =	sadd.s32 s15, s11;
	s13 =	sshrl.u32 s13, $0x3;
	s16 =	sshrl.u32 s16, $0x3  }
0x14: {  	s31 =	sshrl.u32 s18, $0x3;
	s18 =	simm.s32 $0x3;
	s13 =	sadd.s32 s14, s13  }
0x15: {  	s14 =	sadd.s32 s15, s16;
	s15 =	sadd.s32 s15, s31;
	s16 =	smax.u32 s17, $0x1  }
.LBB2_1:
0x16: {  	s0 =	simm.s32 $0x4E80  }
0x17: {  	[tilespmem:s0], [sflag:$0x3] =	stream.linear.gather [hbm4b:s6+s4], $0x4E80, $0x38;
	[tilespmem:$0x1F590] =	vst v63  }
0x18: {  	_ =	swait.ge [sflag:s18], $0x4E80  }
0x19: {  	[sflag:s18] =	ssyncset.done $0x0  }
0x1a: {  	[sflag:s18] =	ssyncadd.s32 $0xFFFFB180  }
0x1b: {  	[tilespmem:s4], [sflag:$0x3] =	stream.linear.gather [hbm4b:s7+s4], $0x4E80, $0x38;
	[tilespmem:$0x1F590] =	vst v63  }
0x1c: {  	s26 =	stileid.u32;
	_ =	swait.ge [sflag:s18], $0x4E80  }
0x1d: {  	s26 =	sshll.u32 s26, $0x6;
	[sflag:s18] =	ssyncset.done $0x0  }
0x1e: {  	s28 =	sshrl.u32 s8, $0x3;
	s26 =	sor.u32 $0x1C03, s26;
	[sflag:s18] =	ssyncadd.s32 $0xFFFFB180  }
0x1f: {  	[spmem:s28], [sflag:s26] =	dma.local [hbm:s5], $0x2700  }
0x20: {  	_ =	swait.ge [sflag:s18], $0x2700  }
0x21: {  	[sflag:s18] =	ssyncset.done $0x0  }
0x22: {  	s29 =	sshrl.u32 @!p0 s9, $0x3;
	s30 =	simm.s32 @!p0 $0x3;
	[sflag:s18] =	ssyncadd.s32 $0xFFFFD900  }
0x23: {  	[spmem:s29], [sflag:s26] =	dma.local @!p0 [hbm:s5], $0x20  }
0x24: {  	_ =	swait.ge @!p0 [sflag:s30], $0x20  }
0x25: {  	[sflag:s30] =	ssyncset.done @!p0 $0x0  }
0x26: {  	[sflag:s30] =	ssyncadd.s32 @!p0 $0xFFFFFFE0  }
0x27: {  	[bflag:$0x0] =	sbarrier.arrive $0xFFFF  }
0x28: {  	[tilespmem:s20], [sflag:$0x1] =	stream.indirect.gather [hbm4b:s2+s19], $0x20, s4, s19, $0xb8;
	[tilespmem:$0x1F590] =	vst v63  }
0x29: {  	s30 =	simm.s32 $0x80  }
0x2a: {  	[tilespmem:s21], [sflag:$0x2] =	stream.indirect.gather [hbm4b:s2+s19], $0x20, s30, s19, $0xb8;
	[tilespmem:$0x1F590] =	vst v63  }
0x2b: {  	_ =	swait.ge [sflag:s22], $0x1000  }
0x2c: {  	[sflag:s22] =	ssyncset.done $0x0  }
0x2d: {  	s30 =	simm.s32 $0x4E80;
	[sflag:s22] =	ssyncadd.s32 $0xFFFFF000  }
0x2e: {  	[spmem:s3] =	stream.indirect.scatter.add.f32 [tilespmem:s20], [sflag:$0x3], $0x20, s30, s19, $0xb8;
	[tilespmem:$0x1F590] =	vst v63  }
0x2f: {  	_ =	swait.ge [sflag:s18], $0x1000  }
0x30: {  	[sflag:s18] =	ssyncset.done $0x0  }
0x31: {  	s30 =	simm.s32 $0x100;
	[sflag:s18] =	ssyncadd.s32 $0xFFFFF000  }
0x32: {  	[tilespmem:s20], [sflag:$0x1] =	stream.indirect.gather [hbm4b:s2+s19], $0x20, s30, s19, $0xb8;
	[tilespmem:$0x1F590] =	vst v63  }
0x33: {  	_ =	swait.ge [sflag:s23], $0x1000  }
0x34: {  	[sflag:s23] =	ssyncset.done $0x0  }
0x35: {  	s30 =	simm.s32 $0x4F00;
	[sflag:s23] =	ssyncadd.s32 $0xFFFFF000  }
0x36: {  	[spmem:s3] =	stream.indirect.scatter.add.f32 [tilespmem:s21], [sflag:$0x3], $0x20, s30, s19, $0xb8;
	[tilespmem:$0x1F590] =	vst v63  }
0x37: {  	_ =	swait.ge [sflag:s18], $0x1000  }
0x38: {  	s31 =	simm.s32 $0x800;
	s30 =	simm.s32 $0x100;
	[sflag:s18] =	ssyncset.done $0x0  }
.LBB2_2:
0x39: {  	s0 =	sadd.s32 $0x80, s30  }
0x3a: {  	[sflag:s18] =	ssyncadd.s32 $0xFFFFF000;
	s1 =	smov.u32 s31;
	s17 =	sadd.s32 $0x400, s31  }
0x3b: {  	[tilespmem:s21], [sflag:$0x2] =	stream.indirect.gather [hbm4b:s2+s19], $0x20, s0, s19, $0xb8;
	[tilespmem:$0x1F590] =	vst v63  }
0x3c: {  	p1 =	sne.s32 s31, $0x13400;
	_ =	swait.ge [sflag:s22], $0x1000  }
0x3d: {  	[sflag:s22] =	ssyncset.done $0x0  }
0x3e: {  	s0 =	sadd.s32 $0x4E80, s30;
	[sflag:s22] =	ssyncadd.s32 $0xFFFFF000  }
0x3f: {  	[spmem:s3] =	stream.indirect.scatter.add.f32 [tilespmem:s20], [sflag:$0x3], $0x20, s0, s19, $0xb8;
	[tilespmem:$0x1F590] =	vst v63  }
0x40: {  	_ =	swait.ge [sflag:s18], $0x1000  }
0x41: {  	[sflag:s18] =	ssyncset.done $0x0  }
0x42: {  	s0 =	sadd.s32 $0x100, s30;
	[sflag:s18] =	ssyncadd.s32 $0xFFFFF000  }
0x43: {  	[tilespmem:s20], [sflag:$0x1] =	stream.indirect.gather [hbm4b:s2+s19], $0x20, s0, s19, $0xb8;
	[tilespmem:$0x1F590] =	vst v63  }
0x44: {  	_ =	swait.ge [sflag:s23], $0x1000  }
.Ltmp0:
0x45: {  	[sflag:s23] =	ssyncset.done $0x0;
	(pc) =	sbr.rel @p1 .LBB2_2-.Ltmp0, $4  }
0x46: {  	s0 =	sadd.s32 $0x4F00, s30;
	[sflag:s23] =	ssyncadd.s32 $0xFFFFF000  }
0x47: {  	[spmem:s3] =	stream.indirect.scatter.add.f32 [tilespmem:s21], [sflag:$0x3], $0x20, s0, s19, $0xb8;
	[tilespmem:$0x1F590] =	vst v63  }
0x48: {  	_ =	swait.ge [sflag:s18], $0x1000  }
0x49: {  	s31 =	smov.u32 s17;
	s30 =	sshra.s32 s1, $0x2;
	[sflag:s18] =	ssyncset.done $0x0  }
0x4a: {  	s0 =	sadd.s32 $0x80, s30;
	[sflag:s18] =	ssyncadd.s32 $0xFFFFF000  }
0x4b: {  	[tilespmem:s21], [sflag:$0x2] =	stream.indirect.gather [hbm4b:s2+s19], $0x20, s0, s19, $0xb8;
	[tilespmem:$0x1F590] =	vst v63  }
0x4c: {  	_ =	swait.ge [sflag:s22], $0x1000  }
0x4d: {  	[sflag:s22] =	ssyncset.done $0x0  }
0x4e: {  	s1 =	sadd.s32 $0x4E80, s30;
	[sflag:s22] =	ssyncadd.s32 $0xFFFFF000  }
0x4f: {  	[spmem:s3] =	stream.indirect.scatter.add.f32 [tilespmem:s20], [sflag:$0x3], $0x20, s1, s19, $0xb8;
	[tilespmem:$0x1F590] =	vst v63  }
0x50: {  	_ =	swait.ge [sflag:s18], $0x1000  }
0x51: {  	[sflag:s18] =	ssyncset.done $0x0  }
0x52: {  	s17 =	sadd.s32 $0x100, s30;
	[sflag:s18] =	ssyncadd.s32 $0xFFFFF000  }
0x53: {  	[tilespmem:s20], [sflag:$0x1] =	stream.indirect.gather [hbm4b:s2+s19], $0x20, s17, s19, $0xb8;
	[tilespmem:$0x1F590] =	vst v63  }
0x54: {  	_ =	swait.ge [sflag:s23], $0x1000  }
0x55: {  	[sflag:s23] =	ssyncset.done $0x0  }
0x56: {  	s1 =	sadd.s32 $0x4F00, s30;
	[sflag:s23] =	ssyncadd.s32 $0xFFFFF000  }
0x57: {  	[spmem:s3] =	stream.indirect.scatter.add.f32 [tilespmem:s21], [sflag:$0x3], $0x20, s1, s19, $0xb8;
	[tilespmem:$0x1F590] =	vst v63  }
0x58: {  	_ =	swait.ge [sflag:s18], $0x1000  }
0x59: {  	[sflag:s18] =	ssyncset.done $0x0  }
0x5a: {  	[sflag:s18] =	ssyncadd.s32 $0xFFFFF000  }
0x5b: {  	_ =	swait.ge [sflag:s22], $0x1000  }
0x5c: {  	[sflag:s22] =	ssyncset.done $0x0  }
0x5d: {  	[sflag:s22] =	ssyncadd.s32 $0xFFFFF000  }
0x5e: {  	[spmem:s3] =	stream.indirect.scatter.add.f32 [tilespmem:s20], [sflag:$0x3], $0x20, s24, s19, $0xb8;
	[tilespmem:$0x1F590] =	vst v63  }
0x5f: {  	_ =	swait.ge [sflag:s18], $0x1000  }
0x60: {  	[sflag:s18] =	ssyncset.done $0x0  }
0x61: {  	[sflag:s18] =	ssyncadd.s32 $0xFFFFF000  }
0x62: {  	[bflag:$0x0] =	sbarrier.arrive $0xFFFF  }
0x63: {  	[hbm:s10], [sflag:s26] =	dma.local [spmem:s28], $0x2700  }
0x64: {  	_ =	swait.ge [sflag:s18], $0x2700  }
0x65: {  	[sflag:s18] =	ssyncset.done $0x0  }
0x66: {  	s0 =	simm.s32 @!p0 $0x3;
	s30 =	sshrl.u32 @!p0 s12, $0x3;
	[sflag:s18] =	ssyncadd.s32 $0xFFFFD900  }
0x67: {  	[hbm:s11], [sflag:s26] =	dma.local @!p0 [spmem:s30], $0x20  }
0x68: {  	_ =	swait.ge @!p0 [sflag:s0], $0x20  }
0x69: {  	[sflag:s0] =	ssyncset.done @!p0 $0x0  }
0x6a: {  	[sflag:s0] =	ssyncadd.s32 @!p0 $0xFFFFFFE0  }
0x6b: {  	[bflag:$0x0] =	sbarrier.arrive $0xFFFF  }
0x6c: {  	[tilespmem:s4], [sflag:$0x3] =	stream.linear.gather [hbm4b:s13+s4], $0x4E80, $0x38;
	[tilespmem:$0x1F590] =	vst v63  }
0x6d: {  	_ =	swait.ge [sflag:s18], $0x4E80  }
0x6e: {  	[sflag:s18] =	ssyncset.done $0x0  }
0x6f: {  	[sflag:s18] =	ssyncadd.s32 $0xFFFFB180  }
0x70: {  	[spmem:s28], [sflag:s26] =	dma.local [hbm:s5], $0x2700  }
0x71: {  	_ =	swait.ge [sflag:s18], $0x2700  }
0x72: {  	[sflag:s18] =	ssyncset.done $0x0  }
0x73: {  	[sflag:s18] =	ssyncadd.s32 $0xFFFFD900  }
0x74: {  	[spmem:s29], [sflag:s26] =	dma.local @!p0 [hbm:s5], $0x20  }
0x75: {  	_ =	swait.ge @!p0 [sflag:s0], $0x20  }
0x76: {  	[sflag:s0] =	ssyncset.done @!p0 $0x0  }
0x77: {  	[sflag:s0] =	ssyncadd.s32 @!p0 $0xFFFFFFE0  }
0x78: {  	s17 =	simm.s32 $0x0;
	[bflag:$0x0] =	sbarrier.arrive $0xFFFF  }
0x79: {  	[tilespmem:s20], [sflag:$0x1] =	stream.indirect.gather [hbm4b:s2+s19], $0x20, s17, s19, $0xb8;
	[tilespmem:$0x1F590] =	vst v63  }
0x7a: {  	s1 =	simm.s32 $0x80  }
0x7b: {  	[tilespmem:s21], [sflag:$0x2] =	stream.indirect.gather [hbm4b:s2+s19], $0x20, s1, s19, $0xb8;
	[tilespmem:$0x1F590] =	vst v63  }
0x7c: {  	_ =	swait.ge [sflag:s22], $0x1000  }
0x7d: {  	[sflag:s22] =	ssyncset.done $0x0  }
0x7e: {  	s17 =	simm.s32 $0x4E80;
	[sflag:s22] =	ssyncadd.s32 $0xFFFFF000  }
0x7f: {  	[spmem:s3] =	stream.indirect.scatter.add.f32 [tilespmem:s20], [sflag:$0x3], $0x20, s17, s19, $0xb8;
	[tilespmem:$0x1F590] =	vst v63  }
0x80: {  	_ =	swait.ge [sflag:s18], $0x1000  }
0x81: {  	[sflag:s18] =	ssyncset.done $0x0  }
0x82: {  	s1 =	simm.s32 $0x100;
	[sflag:s18] =	ssyncadd.s32 $0xFFFFF000  }
0x83: {  	[tilespmem:s20], [sflag:$0x1] =	stream.indirect.gather [hbm4b:s2+s19], $0x20, s1, s19, $0xb8;
	[tilespmem:$0x1F590] =	vst v63  }
0x84: {  	_ =	swait.ge [sflag:s23], $0x1000  }
0x85: {  	[sflag:s23] =	ssyncset.done $0x0  }
0x86: {  	s17 =	simm.s32 $0x4F00;
	[sflag:s23] =	ssyncadd.s32 $0xFFFFF000  }
0x87: {  	[spmem:s3] =	stream.indirect.scatter.add.f32 [tilespmem:s21], [sflag:$0x3], $0x20, s17, s19, $0xb8;
	[tilespmem:$0x1F590] =	vst v63  }
0x88: {  	_ =	swait.ge [sflag:s18], $0x1000  }
0x89: {  	s31 =	simm.s32 $0x800;
	s29 =	simm.s32 $0x100;
	[sflag:s18] =	ssyncset.done $0x0  }
.LBB2_4:
0x8a: {  	s0 =	sadd.s32 $0x80, s29  }
0x8b: {  	[sflag:s18] =	ssyncadd.s32 $0xFFFFF000;
	s1 =	smov.u32 s31;
	s17 =	sadd.s32 $0x400, s31  }
0x8c: {  	[tilespmem:s21], [sflag:$0x2] =	stream.indirect.gather [hbm4b:s2+s19], $0x20, s0, s19, $0xb8;
	[tilespmem:$0x1F590] =	vst v63  }
0x8d: {  	p1 =	sne.s32 s31, $0x13400;
	_ =	swait.ge [sflag:s22], $0x1000  }
0x8e: {  	[sflag:s22] =	ssyncset.done $0x0  }
0x8f: {  	s0 =	sadd.s32 $0x4E80, s29;
	[sflag:s22] =	ssyncadd.s32 $0xFFFFF000  }
0x90: {  	[spmem:s3] =	stream.indirect.scatter.add.f32 [tilespmem:s20], [sflag:$0x3], $0x20, s0, s19, $0xb8;
	[tilespmem:$0x1F590] =	vst v63  }
0x91: {  	_ =	swait.ge [sflag:s18], $0x1000  }
0x92: {  	[sflag:s18] =	ssyncset.done $0x0  }
0x93: {  	s0 =	sadd.s32 $0x100, s29;
	[sflag:s18] =	ssyncadd.s32 $0xFFFFF000  }
0x94: {  	[tilespmem:s20], [sflag:$0x1] =	stream.indirect.gather [hbm4b:s2+s19], $0x20, s0, s19, $0xb8;
	[tilespmem:$0x1F590] =	vst v63  }
0x95: {  	_ =	swait.ge [sflag:s23], $0x1000  }
.Ltmp1:
0x96: {  	[sflag:s23] =	ssyncset.done $0x0;
	(pc) =	sbr.rel @p1 .LBB2_4-.Ltmp1, $4  }
0x97: {  	s0 =	sadd.s32 $0x4F00, s29;
	[sflag:s23] =	ssyncadd.s32 $0xFFFFF000  }
0x98: {  	[spmem:s3] =	stream.indirect.scatter.add.f32 [tilespmem:s21], [sflag:$0x3], $0x20, s0, s19, $0xb8;
	[tilespmem:$0x1F590] =	vst v63  }
0x99: {  	_ =	swait.ge [sflag:s18], $0x1000  }
0x9a: {  	s31 =	smov.u32 s17;
	s29 =	sshra.s32 s1, $0x2;
	[sflag:s18] =	ssyncset.done $0x0  }
0x9b: {  	s0 =	sadd.s32 $0x80, s29;
	[sflag:s18] =	ssyncadd.s32 $0xFFFFF000  }
0x9c: {  	[tilespmem:s21], [sflag:$0x2] =	stream.indirect.gather [hbm4b:s2+s19], $0x20, s0, s19, $0xb8;
	[tilespmem:$0x1F590] =	vst v63  }
0x9d: {  	_ =	swait.ge [sflag:s22], $0x1000  }
0x9e: {  	[sflag:s22] =	ssyncset.done $0x0  }
0x9f: {  	s1 =	sadd.s32 $0x4E80, s29;
	[sflag:s22] =	ssyncadd.s32 $0xFFFFF000  }
0xa0: {  	[spmem:s3] =	stream.indirect.scatter.add.f32 [tilespmem:s20], [sflag:$0x3], $0x20, s1, s19, $0xb8;
	[tilespmem:$0x1F590] =	vst v63  }
0xa1: {  	_ =	swait.ge [sflag:s18], $0x1000  }
0xa2: {  	[sflag:s18] =	ssyncset.done $0x0  }
0xa3: {  	s17 =	sadd.s32 $0x100, s29;
	[sflag:s18] =	ssyncadd.s32 $0xFFFFF000  }
0xa4: {  	[tilespmem:s20], [sflag:$0x1] =	stream.indirect.gather [hbm4b:s2+s19], $0x20, s17, s19, $0xb8;
	[tilespmem:$0x1F590] =	vst v63  }
0xa5: {  	_ =	swait.ge [sflag:s23], $0x1000  }
0xa6: {  	[sflag:s23] =	ssyncset.done $0x0  }
0xa7: {  	s31 =	sadd.s32 $0x4F00, s29;
	[sflag:s23] =	ssyncadd.s32 $0xFFFFF000  }
0xa8: {  	[spmem:s3] =	stream.indirect.scatter.add.f32 [tilespmem:s21], [sflag:$0x3], $0x20, s31, s19, $0xb8;
	[tilespmem:$0x1F590] =	vst v63  }
0xa9: {  	_ =	swait.ge [sflag:s18], $0x1000  }
0xaa: {  	[sflag:s18] =	ssyncset.done $0x0  }
0xab: {  	[sflag:s18] =	ssyncadd.s32 $0xFFFFF000  }
0xac: {  	_ =	swait.ge [sflag:s22], $0x1000  }
0xad: {  	[sflag:s22] =	ssyncset.done $0x0  }
0xae: {  	[sflag:s22] =	ssyncadd.s32 $0xFFFFF000  }
0xaf: {  	[spmem:s3] =	stream.indirect.scatter.add.f32 [tilespmem:s20], [sflag:$0x3], $0x20, s24, s19, $0xb8;
	[tilespmem:$0x1F590] =	vst v63  }
0xb0: {  	_ =	swait.ge [sflag:s18], $0x1000  }
0xb1: {  	[sflag:s18] =	ssyncset.done $0x0  }
0xb2: {  	[sflag:s18] =	ssyncadd.s32 $0xFFFFF000  }
0xb3: {  	[bflag:$0x0] =	sbarrier.arrive $0xFFFF  }
0xb4: {  	[hbm:s14], [sflag:s26] =	dma.local [spmem:s28], $0x2700  }
0xb5: {  	_ =	swait.ge [sflag:s18], $0x2700  }
0xb6: {  	s25 =	sadd.s32 $0x1, s25;
	[sflag:s18] =	ssyncset.done $0x0  }
0xb7: {  	s0 =	simm.s32 @!p0 $0x3;
	p1 =	sne.s32 s25, s16;
	[sflag:s18] =	ssyncadd.s32 $0xFFFFD900  }
0xb8: {  	[hbm:s15], [sflag:s26] =	dma.local @!p0 [spmem:s30], $0x20  }
.Ltmp2:
0xb9: {  	_ =	swait.ge @!p0 [sflag:s0], $0x20;
	(pc) =	sbr.rel @p1 .LBB2_1-.Ltmp2, $3  }
0xba: {  	[sflag:s0] =	ssyncset.done @!p0 $0x0  }
0xbb: {  	[sflag:s0] =	ssyncadd.s32 @!p0 $0xFFFFFFE0  }
0xbc: {  	[bflag:$0x0] =	sbarrier.arrive $0xFFFF;
	_ =	sdelay $0x1  }
0xbd: {  	_ =	sfence.sel $0x180000  }
0xbe: {  	[bflag:$0x0] =	sbarrier.arrive $0xFFFF  }
0xbf: {  	_ =	strace $0x90000047  }
0xc0: {  	s0 =	stileid.u32;
	[bflag:$0x2] =	sbarrier.arrive $0xFFFF  }
0xc1: {  	p0 =	sne.s32 s0, $0x0;
	s0 =	rddreg [dreg:$0x3]  }
0xc2: {  	s0 =	sadd.s32 @!p0 $0x100000, s0  }
0xc3: {  	[sflag:s0] =	ssyncadd.tile.s32 @!p0 $0x1;
	_ =	shalt  }
.Lfunc_end2:
_tile_overlayer_lowered:
.L_overlay_start_2:
0xc4: {  	(tag) =	ssettag $0x2  }
0xc5: {  	s0 =	rddreg [dreg:$0x0];
	s2 =	stileid.u32  }
0xc6: {  	s1 =	rddreg [dreg:$0x1];
	p0 =	sne.s32 s2, $0x0  }
0xc7: {  	s3 =	rddreg [dreg:$0x2];
	[bflag:$0x3] =	sbarrier.arrive $0xFFFF;
	s2 =	simm.s32 @!p0 $0x1C03  }
0xc8: {  	[timem:s3], [sflag:s2] =	dma.local @!p0 [hbm:s0], s1  }
0xc9: {  	s0 =	simm.s32 @!p0 $0x3  }
0xca: {  	_ =	swait.ge @!p0 [sflag:s0], s1  }
0xcb: {  	s1 =	ssub.s32 @!p0 $0x0, s1;
	[sflag:s0] =	ssyncset.done @!p0 $0x0  }
0xcc: {  	[sflag:s0] =	ssyncadd.s32 @!p0 s1  }
0xcd: {  	[bflag:$0x3] =	sbarrier.arrive $0xFFFF  }
0xce: {  	_ =	shalt  }

// kernel: kernel.20.cloned.1.call-start
scs
__scs_entry_jumppad:
0x0: {  	(pc) =	sbr.rel $0x88, $3  }
0x1: {  	(tag) =	ssettag $0x0;
	lr =	simm.s32 $0x1  }
0x2: {  	[smem:$0x3F94] =	sst lr;
	_ =	strace $0xD0000000  }
0x3: {  	_ = 	snop  }
0x4: {  	_ = 	snop  }
0x5: {  	_ = 	snop  }
0x6: {  	_ = 	snop  }
0x7: {  	_ = 	snop  }
__scs_overlays_trampoline_lowered:
0x8: {  	[smem:$0x3FA3] =	sst s0  }
0x9: {  	[smem:$0x3FA4] =	sst s1  }
0xa: {  	[smem:$0x3FA5] =	sst s2  }
0xb: {  	[smem:$0x3FA6] =	sst s3  }
0xc: {  	[smem:$0x3FA7] =	sst s4  }
0xd: {  	[smem:$0x3FA8] =	sst s5  }
0xe: {  	[smem:$0x3FA9] =	sst s6  }
0xf: {  	[smem:$0x3FAA] =	sst s7  }
0x10: {  	[smem:$0x3FAB] =	sst s8  }
0x11: {  	[smem:$0x3FAC] =	sst s9;
	s0 =	simm.s32 @!p0 $0x0  }
0x12: {  	s1 =	sld [smem:$0x3F92];
	s0 =	simm.s32 @p0 $0x1  }
0x13: {  	[smem:$0x3FAD] =	sst s0;
	s0 =	simm.s32 @!p1 $0x0  }
0x14: {  	s2 =	sld [smem:$0x3F91];
	s0 =	simm.s32 @p1 $0x1  }
0x15: {  	[smem:$0x3FAE] =	sst s0;
	s0 =	simm.s32 @!p2 $0x0  }
0x16: {  	s3 =	sld [smem:$0x3FDB];
	s0 =	simm.s32 @p2 $0x1  }
0x17: {  	s4 =	simm.s32 $0x1BF5;
	[smem:$0x3FB0] =	sst s0  }
0x18: {  	s0 =	sld [smem:$0x3F93];
	_ =	swait.ge [sflag:s4], $0x0  }
0x19: {  	s7 =	sld [smem:$0x3F94]  }
0x1a: {  	s8 =	sadd.s32 $0xFFFFE003, lr  }
0x1b: {  	s9 =	sadd.s32 $0xFFFFFEF7, lr;
	s5 =	simm.s32 $0xFFFFFFFF;
	p2 =	slt.u32 s8, $0xFFFFF086  }
0x1c: {  	p1 =	slt.u32 s9, $0xF7A;
	s5 =	simm.s32 @!p2 $0x0  }
0x1d: {  	s5 =	simm.s32 @p1 $0x1;
	p0 =	seq.s32 s7, s2  }
0x1e: {  	s7 =	smul.u32 @!p0 $0xF7A, s2;
	p2 =	seq.s32 @!p0 s5, $0x0  }
0x1f: {  	s9 =	smul.u32 $0xF7A, s1;
	s8 =	simm.s32 @!p0 $0x1BF5;
	p2 =	por !p2, p0  }
0x20: {  	[sflag:s8] =	ssyncset.s32 @!p0 $0xFFFFF086;
	s6 =	sadd.s32 @!p0 s3, s7;
	s7 =	simm.s32 @!p0 $0x108  }
0x21: {  	s3 =	sadd.s32 s3, s9;
	s6 =	sadd.s32 @!p0 $0x88, s6;
	s7 =	simm.s32 @p2 $0x1082  }
0x22: {  	[simem:s7], [sflag:s8] =	dma.local @!p0 [hbm:s6], $0xF7A  }
0x23: {  	s9 =	sor.u32 $0xD0000000, s2;
	s6 =	simm.s32 $0x108;
	_ =	swait.ge @!p0 [sflag:s8], $0x0  }
0x24: {  	s3 =	sadd.s32 $0x88, s3;
	s6 =	simm.s32 @!p1 $0x1082;
	[sflag:s4] =	ssyncset.s32 $0xFFFFF086  }
0x25: {  	[simem:s6], [sflag:s4] =	dma.local [hbm:s3], $0xF7A  }
0x26: {  	[smem:$0x3F94] =	sst s1;
	(tag) =	ssettag s2;
	_ =	strace s9  }
0x27: {  	s1 =	sld [smem:$0x3FA4]  }
0x28: {  	s2 =	sld [smem:$0x3FA5]  }
0x29: {  	s4 =	sld [smem:$0x3FA7]  }
0x2a: {  	p0 =	seq.s32 s5, $0x0;
	s5 =	sld [smem:$0x3FA8]  }
0x2b: {  	s6 =	sld [smem:$0x3FA9]  }
0x2c: {  	s7 =	sld [smem:$0x3FAA]  }
0x2d: {  	s3 =	simm.s32 $0x108;
	s8 =	sld [smem:$0x3FAB]  }
0x2e: {  	s3 =	simm.s32 @!p0 $0x1082;
	s9 =	sld [smem:$0x3FAC]  }
0x2f: {  	lr =	sadd.s32 s0, s3;
	s0 =	sld [smem:$0x3FA3]  }
0x30: {  	s3 =	sld [smem:$0x3FA6]  }
0x31: {  	[smem:$0x3FAF] =	sst s10  }
0x32: {  	s10 =	sld [smem:$0x3FAD];
	_ =	sdelay $0x3  }
0x33: {  	p0 =	seq.s32 s10, $0x1;
	s10 =	sld [smem:$0x3FAF];
	_ =	sdelay $0x3  }
0x34: {  	[smem:$0x3FAF] =	sst s10  }
0x35: {  	s10 =	sld [smem:$0x3FAE];
	_ =	sdelay $0x3  }
0x36: {  	p1 =	seq.s32 s10, $0x1;
	s10 =	sld [smem:$0x3FAF];
	_ =	sdelay $0x3  }
0x37: {  	[smem:$0x3FAF] =	sst s10  }
0x38: {  	s10 =	sld [smem:$0x3FB0]  }
0x39: {  	_ = 	snop;
	(pc) =	sbr.ind lr, $3  }
0x3a: {  	_ = 	snop  }
0x3b: {  	_ = 	snop  }
0x3c: {  	p2 =	seq.s32 s10, $0x1;
	s10 =	sld [smem:$0x3FAF]  }
0x3d: {  	_ =	shalt  }
0x3e: {  	_ =	shalt  }
0x3f: {  	_ =	shalt  }
0x40: {  	_ =	shalt  }
0x41: {  	_ =	shalt  }
0x42: {  	_ =	shalt  }
0x43: {  	_ =	shalt  }
0x44: {  	_ =	shalt  }
0x45: {  	_ =	shalt  }
0x46: {  	_ =	shalt  }
0x47: {  	_ =	shalt  }
0x48: {  	_ =	shalt  }
0x49: {  	_ =	shalt  }
0x4a: {  	_ =	shalt  }
0x4b: {  	_ =	shalt  }
0x4c: {  	_ =	shalt  }
0x4d: {  	_ =	shalt  }
0x4e: {  	_ =	shalt  }
0x4f: {  	_ =	shalt  }
0x50: {  	_ =	shalt  }
0x51: {  	_ =	shalt  }
0x52: {  	_ =	shalt  }
0x53: {  	_ =	shalt  }
0x54: {  	_ =	shalt  }
0x55: {  	_ =	shalt  }
0x56: {  	_ =	shalt  }
0x57: {  	_ =	shalt  }
0x58: {  	_ =	shalt  }
0x59: {  	_ =	shalt  }
0x5a: {  	_ =	shalt  }
0x5b: {  	_ =	shalt  }
0x5c: {  	_ =	shalt  }
0x5d: {  	_ =	shalt  }
0x5e: {  	_ =	shalt  }
0x5f: {  	_ =	shalt  }
0x60: {  	_ =	shalt  }
0x61: {  	_ =	shalt  }
0x62: {  	_ =	shalt  }
0x63: {  	_ =	shalt  }
0x64: {  	_ =	shalt  }
0x65: {  	_ =	shalt  }
0x66: {  	_ =	shalt  }
0x67: {  	_ =	shalt  }
0x68: {  	_ =	shalt  }
0x69: {  	_ =	shalt  }
0x6a: {  	_ =	shalt  }
0x6b: {  	_ =	shalt  }
0x6c: {  	_ =	shalt  }
0x6d: {  	_ =	shalt  }
0x6e: {  	_ =	shalt  }
0x6f: {  	_ =	shalt  }
0x70: {  	_ =	shalt  }
0x71: {  	_ =	shalt  }
0x72: {  	_ =	shalt  }
0x73: {  	_ =	shalt  }
0x74: {  	_ =	shalt  }
0x75: {  	_ =	shalt  }
0x76: {  	_ =	shalt  }
0x77: {  	_ =	shalt  }
0x78: {  	_ =	shalt  }
0x79: {  	_ =	shalt  }
0x7a: {  	_ =	shalt  }
0x7b: {  	_ =	shalt  }
0x7c: {  	_ =	shalt  }
0x7d: {  	_ =	shalt  }
0x7e: {  	_ =	shalt  }
0x7f: {  	_ =	shalt  }
0x80: {  	_ =	shalt  }
0x81: {  	_ =	shalt  }
0x82: {  	_ =	shalt  }
0x83: {  	_ =	shalt  }
0x84: {  	_ =	shalt  }
0x85: {  	_ =	shalt  }
0x86: {  	_ =	shalt  }
0x87: {  	_ =	shalt  }
.Lfunc_end0:
.L_simem_size_0:
called_computation.2_lowered:
.L_overlay_start_0:
0x88: {  	s2 =	sld [smem:$0x3FD9]  }
0x89: {  	s3 =	sld [smem:$0x3FFE];
	_ =	sdelay $0x1  }
0x8a: {  	s1 =	srdreg.scid  }
0x8b: {  	s0 =	sand.u32 $0x1, s1  }
0x8c: {  	s14 =	sshll.u32 s0, $0xA;
	s2 =	sadd.s32 s3, s2  }
0x8d: {  	s2 =	sadd.s32 s2, s14  }
0x8e: {  	[smem:$0x3FBB] =	sst s2  }
0x8f: {  	_ = 	snop  }
0x90: {  	s2 =	sld [smem:$0x3FD0];
	_ =	sdelay $0x2  }
0x91: {  	s15 =	simm.s32 $0xB;
	s4 =	simm.s32 $0x10  }
0x92: {  	[smem:s4], [sflag:s15] =	dma.local [hbm:s2], $0x1  }
0x93: {  	_ =	swait.eq [sflag:s15], $0x1  }
0x94: {  	[sflag:s15] =	ssyncset.done $0x0  }
0x95: {  	[sflag:s15] =	ssyncadd.s32 $0xFFFFFFFF  }
0x96: {  	s16 =	sld [smem:$0x10];
	(tm) =	ssettm $0x1  }
0x97: {  	s17 =	sld [smem:$0x3FFB];
	_ =	sdelay $0x3  }
0x98: {  	_ =	strace s17  }
0x99: {  	s3 =	sld [smem:$0x3FFC];
	_ =	sdelay $0x3  }
0x9a: {  	_ =	strace s3  }
0x9b: {  	s3 =	sld [smem:$0x3FFD];
	_ =	sdelay $0x3  }
0x9c: {  	_ =	strace s3  }
0x9d: {  	_ =	strace $0x8FFFFFFF  }
0x9e: {  	s18 =	sld [smem:$0x3FDB];
	_ =	sdelay $0x1  }
0x9f: {  	s19 =	simm.s32 $_scs_section_size  }
0xa0: {  	s5 =	simm.s32 $_size__tile_overlayer_lowered;
	s6 =	simm.s32 $_tile_overlayer_lowered  }
0xa1: {  	s22 =	simm.s32 $0x1BFF;
	s21 =	sshll.u32 s6, $0x1;
	s3 =	sadd.s32 s19, s18  }
0xa2: {  	s7 =	simm.s32 $0x0;
	s20 =	sshll.u32 s5, $0x1;
	s5 =	sadd.s32 s21, s3  }
0xa3: {  	[timem:s7], [sflag:s22] =	dma.local [hbm:s5], s20  }
0xa4: {  	_ =	swait.ge [sflag:s22], s20  }
0xa5: {  	s4 =	ssub.s32 $0x0, s20;
	[sflag:s22] =	ssyncset.done $0x0  }
0xa6: {  	[sflag:s22] =	ssyncadd.s32 s4;
	_ =	sdelay $0x1  }
0xa7: {  	s23 =	simm.s32 $0x1B8B  }
0xa8: {  	_ =	swait.ge [sflag:s23], $0x1  }
0xa9: {  	[sflag:s23] =	ssyncset.done $0x0  }
0xaa: {  	s25 =	simm.s32 $0x1B8E;
	s24 =	sld [smem:$0x3FFE];
	[sflag:s23] =	ssyncadd.s32 $0xFFFFFFFF  }
0xab: {  	s26 =	simm.s32 $execute0_lowered;
	[smem:$0x3FD2] =	sst s25  }
0xac: {  	s5 =	sshll.u32 s26, $0x1;
	_ =	strace $0x8000004C;
	[dreg:$0x1] =	wrdreg $0xFFFFFFFF  }
0xad: {  	s28 =	simm.s32 $_size_execute0_lowered;
	s3 =	sadd.s32 s3, s5;
	[dreg:$0x0] =	wrdreg $0x0  }
0xae: {  	s5 =	sshll.u32 s28, $0x1;
	[dreg:$0x2] =	wrdreg s3  }
0xaf: {  	[dreg:$0x3] =	wrdreg s5  }
0xb0: {  	[dreg:$0x4] =	wrdreg $0xC0  }
0xb1: {  	_ =	task [dreg:s7], $0x5FFFF  }
0xb2: {  	[dreg:$0x1] =	wrdreg $0xFFFFFFFF  }
0xb3: {  	[dreg:$0x0] =	wrdreg $0x60  }
0xb4: {  	[dreg:$0x2] =	wrdreg s16  }
0xb5: {  	[dreg:$0x3] =	wrdreg s24  }
0xb6: {  	[dreg:$0x4] =	wrdreg $0xBD000  }
0xb7: {  	[dreg:$0x5] =	wrdreg $0x9  }
0xb8: {  	_ =	task.clear_ibuf [dreg:s7], $0x6FFFF;
	_ =	strace $0x9000004C  }
0xb9: {  	s29 =	simm.s32 $0x9;
	_ =	strace $0x8000004E  }
0xba: {  	_ =	swait.ge [sflag:s29], $0x1  }
0xbb: {  	[sflag:s29] =	ssyncadd.s32 $0xFFFFFFFF  }
0xbc: {  	_ =	strace $0x9000004E  }
0xbd: {  	_ =	sfence  }
0xbe: {  	s30 =	sld [smem:$0x0];
	_ =	sdelay $0x2  }
0xbf: {  	s31 =	sshll.u32 s1, $0xD;
	s1 =	sshrl.u32 s1, $0x2  }
0xc0: {  	s3 =	sand.u32 $0x4000, s31;
	s1 =	sadd.s32 s1, s30  }
0xc1: {  	s0 =	sor.u32 s3, s0;
	s1 =	sshll.u32 s1, $0x11  }
0xc2: {  	s0 =	sor.u32 s1, s0  }
0xc3: {  	s0 =	sadd.s32 $0x8F2B, s0  }
0xc4: {  	[sflag:s0] =	ssyncadd.remote.s32 $0x1  }
0xc5: {  	_ =	sfence.sel $0xFFFF  }
0xc6: {  	[dreg:$0x0] =	wrdreg $0xFFFFFFFF;
	(pc) =	sbr.abs _section_cstart, $3  }
0xc7: {  	[dreg:$0x1] =	wrdreg $0xFFFFFFFF  }
0xc8: {  	_ =	task.clear_ibuf [dreg:s7], $0x2FFFF;
	_ =	strace $0x9FFFFFFF  }
0xc9: {  	(tm) =	ssettm $0x7FFFFFFF  }
tec
execute0_lowered:
.L_overlay_start_1:
0x0: {  	(tag) =	ssettag $0x1  }
0x1: {  	s2 =	rddreg [dreg:$0x0]  }
0x2: {  	s6 =	rddreg [dreg:$0x1]  }
0x3: {  	s3 =	rddreg [dreg:$0x2];
	s0 =	stileid.u32;
	s4 =	simm.s32 $0x0  }
0x4: {  	s5 =	srdreg.scid;
	s21 =	simm.s32 $0xAD00;
	s22 =	simm.s32 $0x1  }
0x5: {  	s23 =	simm.s32 $0x2;
	s24 =	simm.s32 $0x9C80;
	s25 =	simm.s32 $0x0  }
0x6: {  	s13 =	smul.u32 $0x4E80, s0;
	[smem:$0x7FF] =	sst s4;
	s9 =	sand.u32 $0x1, s5  }
0x7: {  	s14 =	sadd.s32 $0xDC00, s6;
	s5 =	sadd.s32 $0x35000, s6;
	s15 =	sadd.s32 $0xD3C00, s6  }
0x8: {  	s16 =	smul.u32 $0x13800, s0;
	s29 =	sshll.u32 s0, $0x8;
	p0 =	sgt.u32 s0, $0x7  }
0x9: {  	_ =	strace $0x8000004D;
	s7 =	smul.u32 $0x9D000, s9;
	s28 =	ssub.s32 $0x2, s9  }
0xa: {  	s11 =	smul.u32 $0x271000, s9;
	s12 =	sadd.s32 s29, s3;
	s9 =	sshllo.u32 s9, $0x1  }
0xb: {  	s18 =	sor.u32 $0x138000, s29;
	s26 =	sshrl.u32 s13, $0x3;
	s19 =	smul.u32 $0x4E800, s9  }
0xc: {  	s10 =	sshrl.u32 s28, $0x1;
	s20 =	smul.u32 $0x138800, s9;
	s9 =	sadd.s32 $0x138000, s12  }
0xd: {  	s12 =	sadd.s32 s18, s3;
	s8 =	sadd.s32 s26, s6;
	s7 =	sadd.s32 s13, s7  }
0xe: {  	s17 =	ssub.s32 s28, s10;
	s30 =	sadd.s32 s16, s11;
	s11 =	sadd.s32 s11, s18  }
0xf: {  	s7 =	sshrl.u32 s7, $0x3;
	s6 =	sadd.s32 $0x3E00, s8;
	s8 =	sadd.s32 s16, s3  }
0x10: {  	s10 =	sshrl.u32 s30, $0x3;
	s11 =	sshrl.u32 s11, $0x3;
	s13 =	sadd.s32 s13, s19  }
0x11: {  	s16 =	sadd.s32 s16, s20;
	s18 =	sadd.s32 s18, s20;
	s19 =	simm.s32 $0x80  }
0x12: {  	s20 =	simm.s32 $0x9D00;
	s7 =	sadd.s32 s14, s7;
	s10 =	sadd.s32 s15, s10  }
0x13: {  	s11 =	sadd.s32 s15, s11;
	s13 =	sshrl.u32 s13, $0x3;
	s16 =	sshrl.u32 s16, $0x3  }
0x14: {  	s31 =	sshrl.u32 s18, $0x3;
	s18 =	simm.s32 $0x3;
	s13 =	sadd.s32 s14, s13  }
0x15: {  	s14 =	sadd.s32 s15, s16;
	s15 =	sadd.s32 s15, s31;
	s16 =	smax.u32 s17, $0x1  }
.LBB2_1:
0x16: {  	s0 =	simm.s32 $0x4E80  }
0x17: {  	[tilespmem:s0], [sflag:$0x3] =	stream.linear.gather [hbm4b:s6+s4], $0x4E80, $0x38;
	[tilespmem:$0x1F590] =	vst v63  }
0x18: {  	_ =	swait.ge [sflag:s18], $0x4E80  }
0x19: {  	[sflag:s18] =	ssyncset.done $0x0  }
0x1a: {  	[sflag:s18] =	ssyncadd.s32 $0xFFFFB180  }
0x1b: {  	[tilespmem:s4], [sflag:$0x3] =	stream.linear.gather [hbm4b:s7+s4], $0x4E80, $0x38;
	[tilespmem:$0x1F590] =	vst v63  }
0x1c: {  	s26 =	stileid.u32;
	_ =	swait.ge [sflag:s18], $0x4E80  }
0x1d: {  	s26 =	sshll.u32 s26, $0x6;
	[sflag:s18] =	ssyncset.done $0x0  }
0x1e: {  	s28 =	sshrl.u32 s8, $0x3;
	s26 =	sor.u32 $0x1C03, s26;
	[sflag:s18] =	ssyncadd.s32 $0xFFFFB180  }
0x1f: {  	[spmem:s28], [sflag:s26] =	dma.local [hbm:s5], $0x2700  }
0x20: {  	_ =	swait.ge [sflag:s18], $0x2700  }
0x21: {  	[sflag:s18] =	ssyncset.done $0x0  }
0x22: {  	s29 =	sshrl.u32 @!p0 s9, $0x3;
	s30 =	simm.s32 @!p0 $0x3;
	[sflag:s18] =	ssyncadd.s32 $0xFFFFD900  }
0x23: {  	[spmem:s29], [sflag:s26] =	dma.local @!p0 [hbm:s5], $0x20  }
0x24: {  	_ =	swait.ge @!p0 [sflag:s30], $0x20  }
0x25: {  	[sflag:s30] =	ssyncset.done @!p0 $0x0  }
0x26: {  	[sflag:s30] =	ssyncadd.s32 @!p0 $0xFFFFFFE0  }
0x27: {  	[bflag:$0x0] =	sbarrier.arrive $0xFFFF  }
0x28: {  	[tilespmem:s20], [sflag:$0x1] =	stream.indirect.gather [hbm4b:s2+s19], $0x20, s4, s19, $0xb8;
	[tilespmem:$0x1F590] =	vst v63  }
0x29: {  	s30 =	simm.s32 $0x80  }
0x2a: {  	[tilespmem:s21], [sflag:$0x2] =	stream.indirect.gather [hbm4b:s2+s19], $0x20, s30, s19, $0xb8;
	[tilespmem:$0x1F590] =	vst v63  }
0x2b: {  	_ =	swait.ge [sflag:s22], $0x1000  }
0x2c: {  	[sflag:s22] =	ssyncset.done $0x0  }
0x2d: {  	s30 =	simm.s32 $0x4E80;
	[sflag:s22] =	ssyncadd.s32 $0xFFFFF000  }
0x2e: {  	[spmem:s3] =	stream.indirect.scatter.add.f32 [tilespmem:s20], [sflag:$0x3], $0x20, s30, s19, $0xb8;
	[tilespmem:$0x1F590] =	vst v63  }
0x2f: {  	_ =	swait.ge [sflag:s18], $0x1000  }
0x30: {  	[sflag:s18] =	ssyncset.done $0x0  }
0x31: {  	s30 =	simm.s32 $0x100;
	[sflag:s18] =	ssyncadd.s32 $0xFFFFF000  }
0x32: {  	[tilespmem:s20], [sflag:$0x1] =	stream.indirect.gather [hbm4b:s2+s19], $0x20, s30, s19, $0xb8;
	[tilespmem:$0x1F590] =	vst v63  }
0x33: {  	_ =	swait.ge [sflag:s23], $0x1000  }
0x34: {  	[sflag:s23] =	ssyncset.done $0x0  }
0x35: {  	s30 =	simm.s32 $0x4F00;
	[sflag:s23] =	ssyncadd.s32 $0xFFFFF000  }
0x36: {  	[spmem:s3] =	stream.indirect.scatter.add.f32 [tilespmem:s21], [sflag:$0x3], $0x20, s30, s19, $0xb8;
	[tilespmem:$0x1F590] =	vst v63  }
0x37: {  	_ =	swait.ge [sflag:s18], $0x1000  }
0x38: {  	s31 =	simm.s32 $0x800;
	s30 =	simm.s32 $0x100;
	[sflag:s18] =	ssyncset.done $0x0  }
.LBB2_2:
0x39: {  	s0 =	sadd.s32 $0x80, s30  }
0x3a: {  	[sflag:s18] =	ssyncadd.s32 $0xFFFFF000;
	s1 =	smov.u32 s31;
	s17 =	sadd.s32 $0x400, s31  }
0x3b: {  	[tilespmem:s21], [sflag:$0x2] =	stream.indirect.gather [hbm4b:s2+s19], $0x20, s0, s19, $0xb8;
	[tilespmem:$0x1F590] =	vst v63  }
0x3c: {  	p1 =	sne.s32 s31, $0x13400;
	_ =	swait.ge [sflag:s22], $0x1000  }
0x3d: {  	[sflag:s22] =	ssyncset.done $0x0  }
0x3e: {  	s0 =	sadd.s32 $0x4E80, s30;
	[sflag:s22] =	ssyncadd.s32 $0xFFFFF000  }
0x3f: {  	[spmem:s3] =	stream.indirect.scatter.add.f32 [tilespmem:s20], [sflag:$0x3], $0x20, s0, s19, $0xb8;
	[tilespmem:$0x1F590] =	vst v63  }
0x40: {  	_ =	swait.ge [sflag:s18], $0x1000  }
0x41: {  	[sflag:s18] =	ssyncset.done $0x0  }
0x42: {  	s0 =	sadd.s32 $0x100, s30;
	[sflag:s18] =	ssyncadd.s32 $0xFFFFF000  }
0x43: {  	[tilespmem:s20], [sflag:$0x1] =	stream.indirect.gather [hbm4b:s2+s19], $0x20, s0, s19, $0xb8;
	[tilespmem:$0x1F590] =	vst v63  }
0x44: {  	_ =	swait.ge [sflag:s23], $0x1000  }
.Ltmp0:
0x45: {  	[sflag:s23] =	ssyncset.done $0x0;
	(pc) =	sbr.rel @p1 .LBB2_2-.Ltmp0, $4  }
0x46: {  	s0 =	sadd.s32 $0x4F00, s30;
	[sflag:s23] =	ssyncadd.s32 $0xFFFFF000  }
0x47: {  	[spmem:s3] =	stream.indirect.scatter.add.f32 [tilespmem:s21], [sflag:$0x3], $0x20, s0, s19, $0xb8;
	[tilespmem:$0x1F590] =	vst v63  }
0x48: {  	_ =	swait.ge [sflag:s18], $0x1000  }
0x49: {  	s31 =	smov.u32 s17;
	s30 =	sshra.s32 s1, $0x2;
	[sflag:s18] =	ssyncset.done $0x0  }
0x4a: {  	s0 =	sadd.s32 $0x80, s30;
	[sflag:s18] =	ssyncadd.s32 $0xFFFFF000  }
0x4b: {  	[tilespmem:s21], [sflag:$0x2] =	stream.indirect.gather [hbm4b:s2+s19], $0x20, s0, s19, $0xb8;
	[tilespmem:$0x1F590] =	vst v63  }
0x4c: {  	_ =	swait.ge [sflag:s22], $0x1000  }
0x4d: {  	[sflag:s22] =	ssyncset.done $0x0  }
0x4e: {  	s1 =	sadd.s32 $0x4E80, s30;
	[sflag:s22] =	ssyncadd.s32 $0xFFFFF000  }
0x4f: {  	[spmem:s3] =	stream.indirect.scatter.add.f32 [tilespmem:s20], [sflag:$0x3], $0x20, s1, s19, $0xb8;
	[tilespmem:$0x1F590] =	vst v63  }
0x50: {  	_ =	swait.ge [sflag:s18], $0x1000  }
0x51: {  	[sflag:s18] =	ssyncset.done $0x0  }
0x52: {  	s17 =	sadd.s32 $0x100, s30;
	[sflag:s18] =	ssyncadd.s32 $0xFFFFF000  }
0x53: {  	[tilespmem:s20], [sflag:$0x1] =	stream.indirect.gather [hbm4b:s2+s19], $0x20, s17, s19, $0xb8;
	[tilespmem:$0x1F590] =	vst v63  }
0x54: {  	_ =	swait.ge [sflag:s23], $0x1000  }
0x55: {  	[sflag:s23] =	ssyncset.done $0x0  }
0x56: {  	s1 =	sadd.s32 $0x4F00, s30;
	[sflag:s23] =	ssyncadd.s32 $0xFFFFF000  }
0x57: {  	[spmem:s3] =	stream.indirect.scatter.add.f32 [tilespmem:s21], [sflag:$0x3], $0x20, s1, s19, $0xb8;
	[tilespmem:$0x1F590] =	vst v63  }
0x58: {  	_ =	swait.ge [sflag:s18], $0x1000  }
0x59: {  	[sflag:s18] =	ssyncset.done $0x0  }
0x5a: {  	[sflag:s18] =	ssyncadd.s32 $0xFFFFF000  }
0x5b: {  	_ =	swait.ge [sflag:s22], $0x1000  }
0x5c: {  	[sflag:s22] =	ssyncset.done $0x0  }
0x5d: {  	[sflag:s22] =	ssyncadd.s32 $0xFFFFF000  }
0x5e: {  	[spmem:s3] =	stream.indirect.scatter.add.f32 [tilespmem:s20], [sflag:$0x3], $0x20, s24, s19, $0xb8;
	[tilespmem:$0x1F590] =	vst v63  }
0x5f: {  	_ =	swait.ge [sflag:s18], $0x1000  }
0x60: {  	[sflag:s18] =	ssyncset.done $0x0  }
0x61: {  	[sflag:s18] =	ssyncadd.s32 $0xFFFFF000  }
0x62: {  	[bflag:$0x0] =	sbarrier.arrive $0xFFFF  }
0x63: {  	[hbm:s10], [sflag:s26] =	dma.local [spmem:s28], $0x2700  }
0x64: {  	_ =	swait.ge [sflag:s18], $0x2700  }
0x65: {  	[sflag:s18] =	ssyncset.done $0x0  }
0x66: {  	s0 =	simm.s32 @!p0 $0x3;
	s30 =	sshrl.u32 @!p0 s12, $0x3;
	[sflag:s18] =	ssyncadd.s32 $0xFFFFD900  }
0x67: {  	[hbm:s11], [sflag:s26] =	dma.local @!p0 [spmem:s30], $0x20  }
0x68: {  	_ =	swait.ge @!p0 [sflag:s0], $0x20  }
0x69: {  	[sflag:s0] =	ssyncset.done @!p0 $0x0  }
0x6a: {  	[sflag:s0] =	ssyncadd.s32 @!p0 $0xFFFFFFE0  }
0x6b: {  	[bflag:$0x0] =	sbarrier.arrive $0xFFFF  }
0x6c: {  	[tilespmem:s4], [sflag:$0x3] =	stream.linear.gather [hbm4b:s13+s4], $0x4E80, $0x38;
	[tilespmem:$0x1F590] =	vst v63  }
0x6d: {  	_ =	swait.ge [sflag:s18], $0x4E80  }
0x6e: {  	[sflag:s18] =	ssyncset.done $0x0  }
0x6f: {  	[sflag:s18] =	ssyncadd.s32 $0xFFFFB180  }
0x70: {  	[spmem:s28], [sflag:s26] =	dma.local [hbm:s5], $0x2700  }
0x71: {  	_ =	swait.ge [sflag:s18], $0x2700  }
0x72: {  	[sflag:s18] =	ssyncset.done $0x0  }
0x73: {  	[sflag:s18] =	ssyncadd.s32 $0xFFFFD900  }
0x74: {  	[spmem:s29], [sflag:s26] =	dma.local @!p0 [hbm:s5], $0x20  }
0x75: {  	_ =	swait.ge @!p0 [sflag:s0], $0x20  }
0x76: {  	[sflag:s0] =	ssyncset.done @!p0 $0x0  }
0x77: {  	[sflag:s0] =	ssyncadd.s32 @!p0 $0xFFFFFFE0  }
0x78: {  	s17 =	simm.s32 $0x0;
	[bflag:$0x0] =	sbarrier.arrive $0xFFFF  }
0x79: {  	[tilespmem:s20], [sflag:$0x1] =	stream.indirect.gather [hbm4b:s2+s19], $0x20, s17, s19, $0xb8;
	[tilespmem:$0x1F590] =	vst v63  }
0x7a: {  	s1 =	simm.s32 $0x80  }
0x7b: {  	[tilespmem:s21], [sflag:$0x2] =	stream.indirect.gather [hbm4b:s2+s19], $0x20, s1, s19, $0xb8;
	[tilespmem:$0x1F590] =	vst v63  }
0x7c: {  	_ =	swait.ge [sflag:s22], $0x1000  }
0x7d: {  	[sflag:s22] =	ssyncset.done $0x0  }
0x7e: {  	s17 =	simm.s32 $0x4E80;
	[sflag:s22] =	ssyncadd.s32 $0xFFFFF000  }
0x7f: {  	[spmem:s3] =	stream.indirect.scatter.add.f32 [tilespmem:s20], [sflag:$0x3], $0x20, s17, s19, $0xb8;
	[tilespmem:$0x1F590] =	vst v63  }
0x80: {  	_ =	swait.ge [sflag:s18], $0x1000  }
0x81: {  	[sflag:s18] =	ssyncset.done $0x0  }
0x82: {  	s1 =	simm.s32 $0x100;
	[sflag:s18] =	ssyncadd.s32 $0xFFFFF000  }
0x83: {  	[tilespmem:s20], [sflag:$0x1] =	stream.indirect.gather [hbm4b:s2+s19], $0x20, s1, s19, $0xb8;
	[tilespmem:$0x1F590] =	vst v63  }
0x84: {  	_ =	swait.ge [sflag:s23], $0x1000  }
0x85: {  	[sflag:s23] =	ssyncset.done $0x0  }
0x86: {  	s17 =	simm.s32 $0x4F00;
	[sflag:s23] =	ssyncadd.s32 $0xFFFFF000  }
0x87: {  	[spmem:s3] =	stream.indirect.scatter.add.f32 [tilespmem:s21], [sflag:$0x3], $0x20, s17, s19, $0xb8;
	[tilespmem:$0x1F590] =	vst v63  }
0x88: {  	_ =	swait.ge [sflag:s18], $0x1000  }
0x89: {  	s31 =	simm.s32 $0x800;
	s29 =	simm.s32 $0x100;
	[sflag:s18] =	ssyncset.done $0x0  }
.LBB2_4:
0x8a: {  	s0 =	sadd.s32 $0x80, s29  }
0x8b: {  	[sflag:s18] =	ssyncadd.s32 $0xFFFFF000;
	s1 =	smov.u32 s31;
	s17 =	sadd.s32 $0x400, s31  }
0x8c: {  	[tilespmem:s21], [sflag:$0x2] =	stream.indirect.gather [hbm4b:s2+s19], $0x20, s0, s19, $0xb8;
	[tilespmem:$0x1F590] =	vst v63  }
0x8d: {  	p1 =	sne.s32 s31, $0x13400;
	_ =	swait.ge [sflag:s22], $0x1000  }
0x8e: {  	[sflag:s22] =	ssyncset.done $0x0  }
0x8f: {  	s0 =	sadd.s32 $0x4E80, s29;
	[sflag:s22] =	ssyncadd.s32 $0xFFFFF000  }
0x90: {  	[spmem:s3] =	stream.indirect.scatter.add.f32 [tilespmem:s20], [sflag:$0x3], $0x20, s0, s19, $0xb8;
	[tilespmem:$0x1F590] =	vst v63  }
0x91: {  	_ =	swait.ge [sflag:s18], $0x1000  }
0x92: {  	[sflag:s18] =	ssyncset.done $0x0  }
0x93: {  	s0 =	sadd.s32 $0x100, s29;
	[sflag:s18] =	ssyncadd.s32 $0xFFFFF000  }
0x94: {  	[tilespmem:s20], [sflag:$0x1] =	stream.indirect.gather [hbm4b:s2+s19], $0x20, s0, s19, $0xb8;
	[tilespmem:$0x1F590] =	vst v63  }
0x95: {  	_ =	swait.ge [sflag:s23], $0x1000  }
.Ltmp1:
0x96: {  	[sflag:s23] =	ssyncset.done $0x0;
	(pc) =	sbr.rel @p1 .LBB2_4-.Ltmp1, $4  }
0x97: {  	s0 =	sadd.s32 $0x4F00, s29;
	[sflag:s23] =	ssyncadd.s32 $0xFFFFF000  }
0x98: {  	[spmem:s3] =	stream.indirect.scatter.add.f32 [tilespmem:s21], [sflag:$0x3], $0x20, s0, s19, $0xb8;
	[tilespmem:$0x1F590] =	vst v63  }
0x99: {  	_ =	swait.ge [sflag:s18], $0x1000  }
0x9a: {  	s31 =	smov.u32 s17;
	s29 =	sshra.s32 s1, $0x2;
	[sflag:s18] =	ssyncset.done $0x0  }
0x9b: {  	s0 =	sadd.s32 $0x80, s29;
	[sflag:s18] =	ssyncadd.s32 $0xFFFFF000  }
0x9c: {  	[tilespmem:s21], [sflag:$0x2] =	stream.indirect.gather [hbm4b:s2+s19], $0x20, s0, s19, $0xb8;
	[tilespmem:$0x1F590] =	vst v63  }
0x9d: {  	_ =	swait.ge [sflag:s22], $0x1000  }
0x9e: {  	[sflag:s22] =	ssyncset.done $0x0  }
0x9f: {  	s1 =	sadd.s32 $0x4E80, s29;
	[sflag:s22] =	ssyncadd.s32 $0xFFFFF000  }
0xa0: {  	[spmem:s3] =	stream.indirect.scatter.add.f32 [tilespmem:s20], [sflag:$0x3], $0x20, s1, s19, $0xb8;
	[tilespmem:$0x1F590] =	vst v63  }
0xa1: {  	_ =	swait.ge [sflag:s18], $0x1000  }
0xa2: {  	[sflag:s18] =	ssyncset.done $0x0  }
0xa3: {  	s17 =	sadd.s32 $0x100, s29;
	[sflag:s18] =	ssyncadd.s32 $0xFFFFF000  }
0xa4: {  	[tilespmem:s20], [sflag:$0x1] =	stream.indirect.gather [hbm4b:s2+s19], $0x20, s17, s19, $0xb8;
	[tilespmem:$0x1F590] =	vst v63  }
0xa5: {  	_ =	swait.ge [sflag:s23], $0x1000  }
0xa6: {  	[sflag:s23] =	ssyncset.done $0x0  }
0xa7: {  	s31 =	sadd.s32 $0x4F00, s29;
	[sflag:s23] =	ssyncadd.s32 $0xFFFFF000  }
0xa8: {  	[spmem:s3] =	stream.indirect.scatter.add.f32 [tilespmem:s21], [sflag:$0x3], $0x20, s31, s19, $0xb8;
	[tilespmem:$0x1F590] =	vst v63  }
0xa9: {  	_ =	swait.ge [sflag:s18], $0x1000  }
0xaa: {  	[sflag:s18] =	ssyncset.done $0x0  }
0xab: {  	[sflag:s18] =	ssyncadd.s32 $0xFFFFF000  }
0xac: {  	_ =	swait.ge [sflag:s22], $0x1000  }
0xad: {  	[sflag:s22] =	ssyncset.done $0x0  }
0xae: {  	[sflag:s22] =	ssyncadd.s32 $0xFFFFF000  }
0xaf: {  	[spmem:s3] =	stream.indirect.scatter.add.f32 [tilespmem:s20], [sflag:$0x3], $0x20, s24, s19, $0xb8;
	[tilespmem:$0x1F590] =	vst v63  }
0xb0: {  	_ =	swait.ge [sflag:s18], $0x1000  }
0xb1: {  	[sflag:s18] =	ssyncset.done $0x0  }
0xb2: {  	[sflag:s18] =	ssyncadd.s32 $0xFFFFF000  }
0xb3: {  	[bflag:$0x0] =	sbarrier.arrive $0xFFFF  }
0xb4: {  	[hbm:s14], [sflag:s26] =	dma.local [spmem:s28], $0x2700  }
0xb5: {  	_ =	swait.ge [sflag:s18], $0x2700  }
0xb6: {  	s25 =	sadd.s32 $0x1, s25;
	[sflag:s18] =	ssyncset.done $0x0  }
0xb7: {  	s0 =	simm.s32 @!p0 $0x3;
	p1 =	sne.s32 s25, s16;
	[sflag:s18] =	ssyncadd.s32 $0xFFFFD900  }
0xb8: {  	[hbm:s15], [sflag:s26] =	dma.local @!p0 [spmem:s30], $0x20  }
.Ltmp2:
0xb9: {  	_ =	swait.ge @!p0 [sflag:s0], $0x20;
	(pc) =	sbr.rel @p1 .LBB2_1-.Ltmp2, $3  }
0xba: {  	[sflag:s0] =	ssyncset.done @!p0 $0x0  }
0xbb: {  	[sflag:s0] =	ssyncadd.s32 @!p0 $0xFFFFFFE0  }
0xbc: {  	[bflag:$0x0] =	sbarrier.arrive $0xFFFF;
	_ =	sdelay $0x1  }
0xbd: {  	_ =	sfence.sel $0x180000  }
0xbe: {  	[bflag:$0x0] =	sbarrier.arrive $0xFFFF  }
0xbf: {  	_ =	strace $0x9000004D  }
0xc0: {  	s0 =	stileid.u32;
	[bflag:$0x2] =	sbarrier.arrive $0xFFFF  }
0xc1: {  	p0 =	sne.s32 s0, $0x0;
	s0 =	rddreg [dreg:$0x3]  }
0xc2: {  	s0 =	sadd.s32 @!p0 $0x100000, s0  }
0xc3: {  	[sflag:s0] =	ssyncadd.tile.s32 @!p0 $0x1;
	_ =	shalt  }
.Lfunc_end2:
_tile_overlayer_lowered:
.L_overlay_start_2:
0xc4: {  	(tag) =	ssettag $0x2  }
0xc5: {  	s0 =	rddreg [dreg:$0x0];
	s2 =	stileid.u32  }
0xc6: {  	s1 =	rddreg [dreg:$0x1];
	p0 =	sne.s32 s2, $0x0  }
0xc7: {  	s3 =	rddreg [dreg:$0x2];
	[bflag:$0x3] =	sbarrier.arrive $0xFFFF;
	s2 =	simm.s32 @!p0 $0x1C03  }
0xc8: {  	[timem:s3], [sflag:s2] =	dma.local @!p0 [hbm:s0], s1  }
0xc9: {  	s0 =	simm.s32 @!p0 $0x3  }
0xca: {  	_ =	swait.ge @!p0 [sflag:s0], s1  }
0xcb: {  	s1 =	ssub.s32 @!p0 $0x0, s1;
	[sflag:s0] =	ssyncset.done @!p0 $0x0  }
0xcc: {  	[sflag:s0] =	ssyncadd.s32 @!p0 s1  }
0xcd: {  	[bflag:$0x3] =	sbarrier.arrive $0xFFFF  }
0xce: {  	_ =	shalt  }

// kernel: kernel.23.cloned.1.call-start
scs
__scs_entry_jumppad:
0x0: {  	(pc) =	sbr.rel $0x88, $3  }
0x1: {  	(tag) =	ssettag $0x0;
	lr =	simm.s32 $0x1  }
0x2: {  	[smem:$0x3F94] =	sst lr;
	_ =	strace $0xD0000000  }
0x3: {  	_ = 	snop  }
0x4: {  	_ = 	snop  }
0x5: {  	_ = 	snop  }
0x6: {  	_ = 	snop  }
0x7: {  	_ = 	snop  }
__scs_overlays_trampoline_lowered:
0x8: {  	[smem:$0x3FA3] =	sst s0  }
0x9: {  	[smem:$0x3FA4] =	sst s1  }
0xa: {  	[smem:$0x3FA5] =	sst s2  }
0xb: {  	[smem:$0x3FA6] =	sst s3  }
0xc: {  	[smem:$0x3FA7] =	sst s4  }
0xd: {  	[smem:$0x3FA8] =	sst s5  }
0xe: {  	[smem:$0x3FA9] =	sst s6  }
0xf: {  	[smem:$0x3FAA] =	sst s7  }
0x10: {  	[smem:$0x3FAB] =	sst s8  }
0x11: {  	[smem:$0x3FAC] =	sst s9;
	s0 =	simm.s32 @!p0 $0x0  }
0x12: {  	s1 =	sld [smem:$0x3F92];
	s0 =	simm.s32 @p0 $0x1  }
0x13: {  	[smem:$0x3FAD] =	sst s0;
	s0 =	simm.s32 @!p1 $0x0  }
0x14: {  	s2 =	sld [smem:$0x3F91];
	s0 =	simm.s32 @p1 $0x1  }
0x15: {  	[smem:$0x3FAE] =	sst s0;
	s0 =	simm.s32 @!p2 $0x0  }
0x16: {  	s3 =	sld [smem:$0x3FDB];
	s0 =	simm.s32 @p2 $0x1  }
0x17: {  	s4 =	simm.s32 $0x1BF5;
	[smem:$0x3FB0] =	sst s0  }
0x18: {  	s0 =	sld [smem:$0x3F93];
	_ =	swait.ge [sflag:s4], $0x0  }
0x19: {  	s7 =	sld [smem:$0x3F94]  }
0x1a: {  	s8 =	sadd.s32 $0xFFFFE003, lr  }
0x1b: {  	s9 =	sadd.s32 $0xFFFFFEF7, lr;
	s5 =	simm.s32 $0xFFFFFFFF;
	p2 =	slt.u32 s8, $0xFFFFF086  }
0x1c: {  	p1 =	slt.u32 s9, $0xF7A;
	s5 =	simm.s32 @!p2 $0x0  }
0x1d: {  	s5 =	simm.s32 @p1 $0x1;
	p0 =	seq.s32 s7, s2  }
0x1e: {  	s7 =	smul.u32 @!p0 $0xF7A, s2;
	p2 =	seq.s32 @!p0 s5, $0x0  }
0x1f: {  	s9 =	smul.u32 $0xF7A, s1;
	s8 =	simm.s32 @!p0 $0x1BF5;
	p2 =	por !p2, p0  }
0x20: {  	[sflag:s8] =	ssyncset.s32 @!p0 $0xFFFFF086;
	s6 =	sadd.s32 @!p0 s3, s7;
	s7 =	simm.s32 @!p0 $0x108  }
0x21: {  	s3 =	sadd.s32 s3, s9;
	s6 =	sadd.s32 @!p0 $0x88, s6;
	s7 =	simm.s32 @p2 $0x1082  }
0x22: {  	[simem:s7], [sflag:s8] =	dma.local @!p0 [hbm:s6], $0xF7A  }
0x23: {  	s9 =	sor.u32 $0xD0000000, s2;
	s6 =	simm.s32 $0x108;
	_ =	swait.ge @!p0 [sflag:s8], $0x0  }
0x24: {  	s3 =	sadd.s32 $0x88, s3;
	s6 =	simm.s32 @!p1 $0x1082;
	[sflag:s4] =	ssyncset.s32 $0xFFFFF086  }
0x25: {  	[simem:s6], [sflag:s4] =	dma.local [hbm:s3], $0xF7A  }
0x26: {  	[smem:$0x3F94] =	sst s1;
	(tag) =	ssettag s2;
	_ =	strace s9  }
0x27: {  	s1 =	sld [smem:$0x3FA4]  }
0x28: {  	s2 =	sld [smem:$0x3FA5]  }
0x29: {  	s4 =	sld [smem:$0x3FA7]  }
0x2a: {  	p0 =	seq.s32 s5, $0x0;
	s5 =	sld [smem:$0x3FA8]  }
0x2b: {  	s6 =	sld [smem:$0x3FA9]  }
0x2c: {  	s7 =	sld [smem:$0x3FAA]  }
0x2d: {  	s3 =	simm.s32 $0x108;
	s8 =	sld [smem:$0x3FAB]  }
0x2e: {  	s3 =	simm.s32 @!p0 $0x1082;
	s9 =	sld [smem:$0x3FAC]  }
0x2f: {  	lr =	sadd.s32 s0, s3;
	s0 =	sld [smem:$0x3FA3]  }
0x30: {  	s3 =	sld [smem:$0x3FA6]  }
0x31: {  	[smem:$0x3FAF] =	sst s10  }
0x32: {  	s10 =	sld [smem:$0x3FAD];
	_ =	sdelay $0x3  }
0x33: {  	p0 =	seq.s32 s10, $0x1;
	s10 =	sld [smem:$0x3FAF];
	_ =	sdelay $0x3  }
0x34: {  	[smem:$0x3FAF] =	sst s10  }
0x35: {  	s10 =	sld [smem:$0x3FAE];
	_ =	sdelay $0x3  }
0x36: {  	p1 =	seq.s32 s10, $0x1;
	s10 =	sld [smem:$0x3FAF];
	_ =	sdelay $0x3  }
0x37: {  	[smem:$0x3FAF] =	sst s10  }
0x38: {  	s10 =	sld [smem:$0x3FB0]  }
0x39: {  	_ = 	snop;
	(pc) =	sbr.ind lr, $3  }
0x3a: {  	_ = 	snop  }
0x3b: {  	_ = 	snop  }
0x3c: {  	p2 =	seq.s32 s10, $0x1;
	s10 =	sld [smem:$0x3FAF]  }
0x3d: {  	_ =	shalt  }
0x3e: {  	_ =	shalt  }
0x3f: {  	_ =	shalt  }
0x40: {  	_ =	shalt  }
0x41: {  	_ =	shalt  }
0x42: {  	_ =	shalt  }
0x43: {  	_ =	shalt  }
0x44: {  	_ =	shalt  }
0x45: {  	_ =	shalt  }
0x46: {  	_ =	shalt  }
0x47: {  	_ =	shalt  }
0x48: {  	_ =	shalt  }
0x49: {  	_ =	shalt  }
0x4a: {  	_ =	shalt  }
0x4b: {  	_ =	shalt  }
0x4c: {  	_ =	shalt  }
0x4d: {  	_ =	shalt  }
0x4e: {  	_ =	shalt  }
0x4f: {  	_ =	shalt  }
0x50: {  	_ =	shalt  }
0x51: {  	_ =	shalt  }
0x52: {  	_ =	shalt  }
0x53: {  	_ =	shalt  }
0x54: {  	_ =	shalt  }
0x55: {  	_ =	shalt  }
0x56: {  	_ =	shalt  }
0x57: {  	_ =	shalt  }
0x58: {  	_ =	shalt  }
0x59: {  	_ =	shalt  }
0x5a: {  	_ =	shalt  }
0x5b: {  	_ =	shalt  }
0x5c: {  	_ =	shalt  }
0x5d: {  	_ =	shalt  }
0x5e: {  	_ =	shalt  }
0x5f: {  	_ =	shalt  }
0x60: {  	_ =	shalt  }
0x61: {  	_ =	shalt  }
0x62: {  	_ =	shalt  }
0x63: {  	_ =	shalt  }
0x64: {  	_ =	shalt  }
0x65: {  	_ =	shalt  }
0x66: {  	_ =	shalt  }
0x67: {  	_ =	shalt  }
0x68: {  	_ =	shalt  }
0x69: {  	_ =	shalt  }
0x6a: {  	_ =	shalt  }
0x6b: {  	_ =	shalt  }
0x6c: {  	_ =	shalt  }
0x6d: {  	_ =	shalt  }
0x6e: {  	_ =	shalt  }
0x6f: {  	_ =	shalt  }
0x70: {  	_ =	shalt  }
0x71: {  	_ =	shalt  }
0x72: {  	_ =	shalt  }
0x73: {  	_ =	shalt  }
0x74: {  	_ =	shalt  }
0x75: {  	_ =	shalt  }
0x76: {  	_ =	shalt  }
0x77: {  	_ =	shalt  }
0x78: {  	_ =	shalt  }
0x79: {  	_ =	shalt  }
0x7a: {  	_ =	shalt  }
0x7b: {  	_ =	shalt  }
0x7c: {  	_ =	shalt  }
0x7d: {  	_ =	shalt  }
0x7e: {  	_ =	shalt  }
0x7f: {  	_ =	shalt  }
0x80: {  	_ =	shalt  }
0x81: {  	_ =	shalt  }
0x82: {  	_ =	shalt  }
0x83: {  	_ =	shalt  }
0x84: {  	_ =	shalt  }
0x85: {  	_ =	shalt  }
0x86: {  	_ =	shalt  }
0x87: {  	_ =	shalt  }
.Lfunc_end0:
.L_simem_size_0:
called_computation.3_lowered:
.L_overlay_start_0:
0x88: {  	s2 =	sld [smem:$0x3FD9]  }
0x89: {  	s3 =	sld [smem:$0x3FFE];
	_ =	sdelay $0x1  }
0x8a: {  	s1 =	srdreg.scid  }
0x8b: {  	s0 =	sand.u32 $0x1, s1  }
0x8c: {  	s14 =	sshll.u32 s0, $0xA;
	s2 =	sadd.s32 s3, s2  }
0x8d: {  	s2 =	sadd.s32 s2, s14  }
0x8e: {  	[smem:$0x3FBB] =	sst s2  }
0x8f: {  	_ = 	snop  }
0x90: {  	s2 =	sld [smem:$0x3FD0];
	_ =	sdelay $0x2  }
0x91: {  	s15 =	simm.s32 $0xB;
	s4 =	simm.s32 $0x10  }
0x92: {  	[smem:s4], [sflag:s15] =	dma.local [hbm:s2], $0x1  }
0x93: {  	_ =	swait.eq [sflag:s15], $0x1  }
0x94: {  	[sflag:s15] =	ssyncset.done $0x0  }
0x95: {  	[sflag:s15] =	ssyncadd.s32 $0xFFFFFFFF  }
0x96: {  	s16 =	sld [smem:$0x10];
	(tm) =	ssettm $0x1  }
0x97: {  	s17 =	sld [smem:$0x3FFB];
	_ =	sdelay $0x3  }
0x98: {  	_ =	strace s17  }
0x99: {  	s3 =	sld [smem:$0x3FFC];
	_ =	sdelay $0x3  }
0x9a: {  	_ =	strace s3  }
0x9b: {  	s3 =	sld [smem:$0x3FFD];
	_ =	sdelay $0x3  }
0x9c: {  	_ =	strace s3  }
0x9d: {  	_ =	strace $0x8FFFFFFF  }
0x9e: {  	s18 =	sld [smem:$0x3FDB];
	_ =	sdelay $0x1  }
0x9f: {  	s19 =	simm.s32 $_scs_section_size  }
0xa0: {  	s5 =	simm.s32 $_size__tile_overlayer_lowered;
	s6 =	simm.s32 $_tile_overlayer_lowered  }
0xa1: {  	s22 =	simm.s32 $0x1BFF;
	s21 =	sshll.u32 s6, $0x1;
	s3 =	sadd.s32 s19, s18  }
0xa2: {  	s7 =	simm.s32 $0x0;
	s20 =	sshll.u32 s5, $0x1;
	s5 =	sadd.s32 s21, s3  }
0xa3: {  	[timem:s7], [sflag:s22] =	dma.local [hbm:s5], s20  }
0xa4: {  	_ =	swait.ge [sflag:s22], s20  }
0xa5: {  	s4 =	ssub.s32 $0x0, s20;
	[sflag:s22] =	ssyncset.done $0x0  }
0xa6: {  	[sflag:s22] =	ssyncadd.s32 s4;
	_ =	sdelay $0x1  }
0xa7: {  	s23 =	simm.s32 $0x1B8B  }
0xa8: {  	_ =	swait.ge [sflag:s23], $0x1  }
0xa9: {  	[sflag:s23] =	ssyncset.done $0x0  }
0xaa: {  	s25 =	simm.s32 $0x1B8E;
	s24 =	sld [smem:$0x3FFE];
	[sflag:s23] =	ssyncadd.s32 $0xFFFFFFFF  }
0xab: {  	s26 =	simm.s32 $execute0_lowered;
	[smem:$0x3FD2] =	sst s25  }
0xac: {  	s5 =	sshll.u32 s26, $0x1;
	_ =	strace $0x8000004F;
	[dreg:$0x1] =	wrdreg $0xFFFFFFFF  }
0xad: {  	s28 =	simm.s32 $_size_execute0_lowered;
	s3 =	sadd.s32 s3, s5;
	[dreg:$0x0] =	wrdreg $0x0  }
0xae: {  	s5 =	sshll.u32 s28, $0x1;
	[dreg:$0x2] =	wrdreg s3  }
0xaf: {  	[dreg:$0x3] =	wrdreg s5  }
0xb0: {  	[dreg:$0x4] =	wrdreg $0xC0  }
0xb1: {  	_ =	task [dreg:s7], $0x5FFFF  }
0xb2: {  	[dreg:$0x1] =	wrdreg $0xFFFFFFFF  }
0xb3: {  	[dreg:$0x0] =	wrdreg $0x60  }
0xb4: {  	[dreg:$0x2] =	wrdreg s16  }
0xb5: {  	[dreg:$0x3] =	wrdreg s24  }
0xb6: {  	[dreg:$0x4] =	wrdreg $0xBD000  }
0xb7: {  	[dreg:$0x5] =	wrdreg $0x9  }
0xb8: {  	_ =	task.clear_ibuf [dreg:s7], $0x6FFFF;
	_ =	strace $0x9000004F  }
0xb9: {  	s29 =	simm.s32 $0x9;
	_ =	strace $0x80000051  }
0xba: {  	_ =	swait.ge [sflag:s29], $0x1  }
0xbb: {  	[sflag:s29] =	ssyncadd.s32 $0xFFFFFFFF  }
0xbc: {  	_ =	strace $0x90000051  }
0xbd: {  	_ =	sfence  }
0xbe: {  	s30 =	sld [smem:$0x0];
	_ =	sdelay $0x2  }
0xbf: {  	s31 =	sshll.u32 s1, $0xD;
	s1 =	sshrl.u32 s1, $0x2  }
0xc0: {  	s3 =	sand.u32 $0x4000, s31;
	s1 =	sadd.s32 s1, s30  }
0xc1: {  	s0 =	sor.u32 s3, s0;
	s1 =	sshll.u32 s1, $0x11  }
0xc2: {  	s0 =	sor.u32 s1, s0  }
0xc3: {  	s0 =	sadd.s32 $0x8F2B, s0  }
0xc4: {  	[sflag:s0] =	ssyncadd.remote.s32 $0x1  }
0xc5: {  	_ =	sfence.sel $0xFFFF  }
0xc6: {  	[dreg:$0x0] =	wrdreg $0xFFFFFFFF;
	(pc) =	sbr.abs _section_cstart, $3  }
0xc7: {  	[dreg:$0x1] =	wrdreg $0xFFFFFFFF  }
0xc8: {  	_ =	task.clear_ibuf [dreg:s7], $0x2FFFF;
	_ =	strace $0x9FFFFFFF  }
0xc9: {  	(tm) =	ssettm $0x7FFFFFFF  }
tec
execute0_lowered:
.L_overlay_start_1:
0x0: {  	(tag) =	ssettag $0x1  }
0x1: {  	s2 =	rddreg [dreg:$0x0]  }
0x2: {  	s6 =	rddreg [dreg:$0x1]  }
0x3: {  	s3 =	rddreg [dreg:$0x2];
	s0 =	stileid.u32;
	s4 =	simm.s32 $0x0  }
0x4: {  	s5 =	srdreg.scid;
	s21 =	simm.s32 $0xAD00;
	s22 =	simm.s32 $0x1  }
0x5: {  	s23 =	simm.s32 $0x2;
	s24 =	simm.s32 $0x9C80;
	s25 =	simm.s32 $0x0  }
0x6: {  	s13 =	smul.u32 $0x4E80, s0;
	[smem:$0x7FF] =	sst s4;
	s9 =	sand.u32 $0x1, s5  }
0x7: {  	s14 =	sadd.s32 $0xDC00, s6;
	s5 =	sadd.s32 $0x35000, s6;
	s15 =	sadd.s32 $0xD3C00, s6  }
0x8: {  	s16 =	smul.u32 $0x13800, s0;
	s29 =	sshll.u32 s0, $0x8;
	p0 =	sgt.u32 s0, $0x7  }
0x9: {  	_ =	strace $0x80000050;
	s7 =	smul.u32 $0x9D000, s9;
	s28 =	ssub.s32 $0x2, s9  }
0xa: {  	s11 =	smul.u32 $0x271000, s9;
	s12 =	sadd.s32 s29, s3;
	s9 =	sshllo.u32 s9, $0x1  }
0xb: {  	s18 =	sor.u32 $0x138000, s29;
	s26 =	sshrl.u32 s13, $0x3;
	s19 =	smul.u32 $0x4E800, s9  }
0xc: {  	s10 =	sshrl.u32 s28, $0x1;
	s20 =	smul.u32 $0x138800, s9;
	s9 =	sadd.s32 $0x138000, s12  }
0xd: {  	s12 =	sadd.s32 s18, s3;
	s8 =	sadd.s32 s26, s6;
	s7 =	sadd.s32 s13, s7  }
0xe: {  	s17 =	ssub.s32 s28, s10;
	s30 =	sadd.s32 s16, s11;
	s11 =	sadd.s32 s11, s18  }
0xf: {  	s7 =	sshrl.u32 s7, $0x3;
	s6 =	sadd.s32 $0x3E00, s8;
	s8 =	sadd.s32 s16, s3  }
0x10: {  	s10 =	sshrl.u32 s30, $0x3;
	s11 =	sshrl.u32 s11, $0x3;
	s13 =	sadd.s32 s13, s19  }
0x11: {  	s16 =	sadd.s32 s16, s20;
	s18 =	sadd.s32 s18, s20;
	s19 =	simm.s32 $0x80  }
0x12: {  	s20 =	simm.s32 $0x9D00;
	s7 =	sadd.s32 s14, s7;
	s10 =	sadd.s32 s15, s10  }
0x13: {  	s11 =	sadd.s32 s15, s11;
	s13 =	sshrl.u32 s13, $0x3;
	s16 =	sshrl.u32 s16, $0x3  }
0x14: {  	s31 =	sshrl.u32 s18, $0x3;
	s18 =	simm.s32 $0x3;
	s13 =	sadd.s32 s14, s13  }
0x15: {  	s14 =	sadd.s32 s15, s16;
	s15 =	sadd.s32 s15, s31;
	s16 =	smax.u32 s17, $0x1  }
.LBB2_1:
0x16: {  	s0 =	simm.s32 $0x4E80  }
0x17: {  	[tilespmem:s0], [sflag:$0x3] =	stream.linear.gather [hbm4b:s6+s4], $0x4E80, $0x38;
	[tilespmem:$0x1F590] =	vst v63  }
0x18: {  	_ =	swait.ge [sflag:s18], $0x4E80  }
0x19: {  	[sflag:s18] =	ssyncset.done $0x0  }
0x1a: {  	[sflag:s18] =	ssyncadd.s32 $0xFFFFB180  }
0x1b: {  	[tilespmem:s4], [sflag:$0x3] =	stream.linear.gather [hbm4b:s7+s4], $0x4E80, $0x38;
	[tilespmem:$0x1F590] =	vst v63  }
0x1c: {  	s26 =	stileid.u32;
	_ =	swait.ge [sflag:s18], $0x4E80  }
0x1d: {  	s26 =	sshll.u32 s26, $0x6;
	[sflag:s18] =	ssyncset.done $0x0  }
0x1e: {  	s28 =	sshrl.u32 s8, $0x3;
	s26 =	sor.u32 $0x1C03, s26;
	[sflag:s18] =	ssyncadd.s32 $0xFFFFB180  }
0x1f: {  	[spmem:s28], [sflag:s26] =	dma.local [hbm:s5], $0x2700  }
0x20: {  	_ =	swait.ge [sflag:s18], $0x2700  }
0x21: {  	[sflag:s18] =	ssyncset.done $0x0  }
0x22: {  	s29 =	sshrl.u32 @!p0 s9, $0x3;
	s30 =	simm.s32 @!p0 $0x3;
	[sflag:s18] =	ssyncadd.s32 $0xFFFFD900  }
0x23: {  	[spmem:s29], [sflag:s26] =	dma.local @!p0 [hbm:s5], $0x20  }
0x24: {  	_ =	swait.ge @!p0 [sflag:s30], $0x20  }
0x25: {  	[sflag:s30] =	ssyncset.done @!p0 $0x0  }
0x26: {  	[sflag:s30] =	ssyncadd.s32 @!p0 $0xFFFFFFE0  }
0x27: {  	[bflag:$0x0] =	sbarrier.arrive $0xFFFF  }
0x28: {  	[tilespmem:s20], [sflag:$0x1] =	stream.indirect.gather [hbm4b:s2+s19], $0x20, s4, s19, $0xb8;
	[tilespmem:$0x1F590] =	vst v63  }
0x29: {  	s30 =	simm.s32 $0x80  }
0x2a: {  	[tilespmem:s21], [sflag:$0x2] =	stream.indirect.gather [hbm4b:s2+s19], $0x20, s30, s19, $0xb8;
	[tilespmem:$0x1F590] =	vst v63  }
0x2b: {  	_ =	swait.ge [sflag:s22], $0x1000  }
0x2c: {  	[sflag:s22] =	ssyncset.done $0x0  }
0x2d: {  	s30 =	simm.s32 $0x4E80;
	[sflag:s22] =	ssyncadd.s32 $0xFFFFF000  }
0x2e: {  	[spmem:s3] =	stream.indirect.scatter.add.f32 [tilespmem:s20], [sflag:$0x3], $0x20, s30, s19, $0xb8;
	[tilespmem:$0x1F590] =	vst v63  }
0x2f: {  	_ =	swait.ge [sflag:s18], $0x1000  }
0x30: {  	[sflag:s18] =	ssyncset.done $0x0  }
0x31: {  	s30 =	simm.s32 $0x100;
	[sflag:s18] =	ssyncadd.s32 $0xFFFFF000  }
0x32: {  	[tilespmem:s20], [sflag:$0x1] =	stream.indirect.gather [hbm4b:s2+s19], $0x20, s30, s19, $0xb8;
	[tilespmem:$0x1F590] =	vst v63  }
0x33: {  	_ =	swait.ge [sflag:s23], $0x1000  }
0x34: {  	[sflag:s23] =	ssyncset.done $0x0  }
0x35: {  	s30 =	simm.s32 $0x4F00;
	[sflag:s23] =	ssyncadd.s32 $0xFFFFF000  }
0x36: {  	[spmem:s3] =	stream.indirect.scatter.add.f32 [tilespmem:s21], [sflag:$0x3], $0x20, s30, s19, $0xb8;
	[tilespmem:$0x1F590] =	vst v63  }
0x37: {  	_ =	swait.ge [sflag:s18], $0x1000  }
0x38: {  	s31 =	simm.s32 $0x800;
	s30 =	simm.s32 $0x100;
	[sflag:s18] =	ssyncset.done $0x0  }
.LBB2_2:
0x39: {  	s0 =	sadd.s32 $0x80, s30  }
0x3a: {  	[sflag:s18] =	ssyncadd.s32 $0xFFFFF000;
	s1 =	smov.u32 s31;
	s17 =	sadd.s32 $0x400, s31  }
0x3b: {  	[tilespmem:s21], [sflag:$0x2] =	stream.indirect.gather [hbm4b:s2+s19], $0x20, s0, s19, $0xb8;
	[tilespmem:$0x1F590] =	vst v63  }
0x3c: {  	p1 =	sne.s32 s31, $0x13400;
	_ =	swait.ge [sflag:s22], $0x1000  }
0x3d: {  	[sflag:s22] =	ssyncset.done $0x0  }
0x3e: {  	s0 =	sadd.s32 $0x4E80, s30;
	[sflag:s22] =	ssyncadd.s32 $0xFFFFF000  }
0x3f: {  	[spmem:s3] =	stream.indirect.scatter.add.f32 [tilespmem:s20], [sflag:$0x3], $0x20, s0, s19, $0xb8;
	[tilespmem:$0x1F590] =	vst v63  }
0x40: {  	_ =	swait.ge [sflag:s18], $0x1000  }
0x41: {  	[sflag:s18] =	ssyncset.done $0x0  }
0x42: {  	s0 =	sadd.s32 $0x100, s30;
	[sflag:s18] =	ssyncadd.s32 $0xFFFFF000  }
0x43: {  	[tilespmem:s20], [sflag:$0x1] =	stream.indirect.gather [hbm4b:s2+s19], $0x20, s0, s19, $0xb8;
	[tilespmem:$0x1F590] =	vst v63  }
0x44: {  	_ =	swait.ge [sflag:s23], $0x1000  }
.Ltmp0:
0x45: {  	[sflag:s23] =	ssyncset.done $0x0;
	(pc) =	sbr.rel @p1 .LBB2_2-.Ltmp0, $4  }
0x46: {  	s0 =	sadd.s32 $0x4F00, s30;
	[sflag:s23] =	ssyncadd.s32 $0xFFFFF000  }
0x47: {  	[spmem:s3] =	stream.indirect.scatter.add.f32 [tilespmem:s21], [sflag:$0x3], $0x20, s0, s19, $0xb8;
	[tilespmem:$0x1F590] =	vst v63  }
0x48: {  	_ =	swait.ge [sflag:s18], $0x1000  }
0x49: {  	s31 =	smov.u32 s17;
	s30 =	sshra.s32 s1, $0x2;
	[sflag:s18] =	ssyncset.done $0x0  }
0x4a: {  	s0 =	sadd.s32 $0x80, s30;
	[sflag:s18] =	ssyncadd.s32 $0xFFFFF000  }
0x4b: {  	[tilespmem:s21], [sflag:$0x2] =	stream.indirect.gather [hbm4b:s2+s19], $0x20, s0, s19, $0xb8;
	[tilespmem:$0x1F590] =	vst v63  }
0x4c: {  	_ =	swait.ge [sflag:s22], $0x1000  }
0x4d: {  	[sflag:s22] =	ssyncset.done $0x0  }
0x4e: {  	s1 =	sadd.s32 $0x4E80, s30;
	[sflag:s22] =	ssyncadd.s32 $0xFFFFF000  }
0x4f: {  	[spmem:s3] =	stream.indirect.scatter.add.f32 [tilespmem:s20], [sflag:$0x3], $0x20, s1, s19, $0xb8;
	[tilespmem:$0x1F590] =	vst v63  }
0x50: {  	_ =	swait.ge [sflag:s18], $0x1000  }
0x51: {  	[sflag:s18] =	ssyncset.done $0x0  }
0x52: {  	s17 =	sadd.s32 $0x100, s30;
	[sflag:s18] =	ssyncadd.s32 $0xFFFFF000  }
0x53: {  	[tilespmem:s20], [sflag:$0x1] =	stream.indirect.gather [hbm4b:s2+s19], $0x20, s17, s19, $0xb8;
	[tilespmem:$0x1F590] =	vst v63  }
0x54: {  	_ =	swait.ge [sflag:s23], $0x1000  }
0x55: {  	[sflag:s23] =	ssyncset.done $0x0  }
0x56: {  	s1 =	sadd.s32 $0x4F00, s30;
	[sflag:s23] =	ssyncadd.s32 $0xFFFFF000  }
0x57: {  	[spmem:s3] =	stream.indirect.scatter.add.f32 [tilespmem:s21], [sflag:$0x3], $0x20, s1, s19, $0xb8;
	[tilespmem:$0x1F590] =	vst v63  }
0x58: {  	_ =	swait.ge [sflag:s18], $0x1000  }
0x59: {  	[sflag:s18] =	ssyncset.done $0x0  }
0x5a: {  	[sflag:s18] =	ssyncadd.s32 $0xFFFFF000  }
0x5b: {  	_ =	swait.ge [sflag:s22], $0x1000  }
0x5c: {  	[sflag:s22] =	ssyncset.done $0x0  }
0x5d: {  	[sflag:s22] =	ssyncadd.s32 $0xFFFFF000  }
0x5e: {  	[spmem:s3] =	stream.indirect.scatter.add.f32 [tilespmem:s20], [sflag:$0x3], $0x20, s24, s19, $0xb8;
	[tilespmem:$0x1F590] =	vst v63  }
0x5f: {  	_ =	swait.ge [sflag:s18], $0x1000  }
0x60: {  	[sflag:s18] =	ssyncset.done $0x0  }
0x61: {  	[sflag:s18] =	ssyncadd.s32 $0xFFFFF000  }
0x62: {  	[bflag:$0x0] =	sbarrier.arrive $0xFFFF  }
0x63: {  	[hbm:s10], [sflag:s26] =	dma.local [spmem:s28], $0x2700  }
0x64: {  	_ =	swait.ge [sflag:s18], $0x2700  }
0x65: {  	[sflag:s18] =	ssyncset.done $0x0  }
0x66: {  	s0 =	simm.s32 @!p0 $0x3;
	s30 =	sshrl.u32 @!p0 s12, $0x3;
	[sflag:s18] =	ssyncadd.s32 $0xFFFFD900  }
0x67: {  	[hbm:s11], [sflag:s26] =	dma.local @!p0 [spmem:s30], $0x20  }
0x68: {  	_ =	swait.ge @!p0 [sflag:s0], $0x20  }
0x69: {  	[sflag:s0] =	ssyncset.done @!p0 $0x0  }
0x6a: {  	[sflag:s0] =	ssyncadd.s32 @!p0 $0xFFFFFFE0  }
0x6b: {  	[bflag:$0x0] =	sbarrier.arrive $0xFFFF  }
0x6c: {  	[tilespmem:s4], [sflag:$0x3] =	stream.linear.gather [hbm4b:s13+s4], $0x4E80, $0x38;
	[tilespmem:$0x1F590] =	vst v63  }
0x6d: {  	_ =	swait.ge [sflag:s18], $0x4E80  }
0x6e: {  	[sflag:s18] =	ssyncset.done $0x0  }
0x6f: {  	[sflag:s18] =	ssyncadd.s32 $0xFFFFB180  }
0x70: {  	[spmem:s28], [sflag:s26] =	dma.local [hbm:s5], $0x2700  }
0x71: {  	_ =	swait.ge [sflag:s18], $0x2700  }
0x72: {  	[sflag:s18] =	ssyncset.done $0x0  }
0x73: {  	[sflag:s18] =	ssyncadd.s32 $0xFFFFD900  }
0x74: {  	[spmem:s29], [sflag:s26] =	dma.local @!p0 [hbm:s5], $0x20  }
0x75: {  	_ =	swait.ge @!p0 [sflag:s0], $0x20  }
0x76: {  	[sflag:s0] =	ssyncset.done @!p0 $0x0  }
0x77: {  	[sflag:s0] =	ssyncadd.s32 @!p0 $0xFFFFFFE0  }
0x78: {  	s17 =	simm.s32 $0x0;
	[bflag:$0x0] =	sbarrier.arrive $0xFFFF  }
0x79: {  	[tilespmem:s20], [sflag:$0x1] =	stream.indirect.gather [hbm4b:s2+s19], $0x20, s17, s19, $0xb8;
	[tilespmem:$0x1F590] =	vst v63  }
0x7a: {  	s1 =	simm.s32 $0x80  }
0x7b: {  	[tilespmem:s21], [sflag:$0x2] =	stream.indirect.gather [hbm4b:s2+s19], $0x20, s1, s19, $0xb8;
	[tilespmem:$0x1F590] =	vst v63  }
0x7c: {  	_ =	swait.ge [sflag:s22], $0x1000  }
0x7d: {  	[sflag:s22] =	ssyncset.done $0x0  }
0x7e: {  	s17 =	simm.s32 $0x4E80;
	[sflag:s22] =	ssyncadd.s32 $0xFFFFF000  }
0x7f: {  	[spmem:s3] =	stream.indirect.scatter.add.f32 [tilespmem:s20], [sflag:$0x3], $0x20, s17, s19, $0xb8;
	[tilespmem:$0x1F590] =	vst v63  }
0x80: {  	_ =	swait.ge [sflag:s18], $0x1000  }
0x81: {  	[sflag:s18] =	ssyncset.done $0x0  }
0x82: {  	s1 =	simm.s32 $0x100;
	[sflag:s18] =	ssyncadd.s32 $0xFFFFF000  }
0x83: {  	[tilespmem:s20], [sflag:$0x1] =	stream.indirect.gather [hbm4b:s2+s19], $0x20, s1, s19, $0xb8;
	[tilespmem:$0x1F590] =	vst v63  }
0x84: {  	_ =	swait.ge [sflag:s23], $0x1000  }
0x85: {  	[sflag:s23] =	ssyncset.done $0x0  }
0x86: {  	s17 =	simm.s32 $0x4F00;
	[sflag:s23] =	ssyncadd.s32 $0xFFFFF000  }
0x87: {  	[spmem:s3] =	stream.indirect.scatter.add.f32 [tilespmem:s21], [sflag:$0x3], $0x20, s17, s19, $0xb8;
	[tilespmem:$0x1F590] =	vst v63  }
0x88: {  	_ =	swait.ge [sflag:s18], $0x1000  }
0x89: {  	s31 =	simm.s32 $0x800;
	s29 =	simm.s32 $0x100;
	[sflag:s18] =	ssyncset.done $0x0  }
.LBB2_4:
0x8a: {  	s0 =	sadd.s32 $0x80, s29  }
0x8b: {  	[sflag:s18] =	ssyncadd.s32 $0xFFFFF000;
	s1 =	smov.u32 s31;
	s17 =	sadd.s32 $0x400, s31  }
0x8c: {  	[tilespmem:s21], [sflag:$0x2] =	stream.indirect.gather [hbm4b:s2+s19], $0x20, s0, s19, $0xb8;
	[tilespmem:$0x1F590] =	vst v63  }
0x8d: {  	p1 =	sne.s32 s31, $0x13400;
	_ =	swait.ge [sflag:s22], $0x1000  }
0x8e: {  	[sflag:s22] =	ssyncset.done $0x0  }
0x8f: {  	s0 =	sadd.s32 $0x4E80, s29;
	[sflag:s22] =	ssyncadd.s32 $0xFFFFF000  }
0x90: {  	[spmem:s3] =	stream.indirect.scatter.add.f32 [tilespmem:s20], [sflag:$0x3], $0x20, s0, s19, $0xb8;
	[tilespmem:$0x1F590] =	vst v63  }
0x91: {  	_ =	swait.ge [sflag:s18], $0x1000  }
0x92: {  	[sflag:s18] =	ssyncset.done $0x0  }
0x93: {  	s0 =	sadd.s32 $0x100, s29;
	[sflag:s18] =	ssyncadd.s32 $0xFFFFF000  }
0x94: {  	[tilespmem:s20], [sflag:$0x1] =	stream.indirect.gather [hbm4b:s2+s19], $0x20, s0, s19, $0xb8;
	[tilespmem:$0x1F590] =	vst v63  }
0x95: {  	_ =	swait.ge [sflag:s23], $0x1000  }
.Ltmp1:
0x96: {  	[sflag:s23] =	ssyncset.done $0x0;
	(pc) =	sbr.rel @p1 .LBB2_4-.Ltmp1, $4  }
0x97: {  	s0 =	sadd.s32 $0x4F00, s29;
	[sflag:s23] =	ssyncadd.s32 $0xFFFFF000  }
0x98: {  	[spmem:s3] =	stream.indirect.scatter.add.f32 [tilespmem:s21], [sflag:$0x3], $0x20, s0, s19, $0xb8;
	[tilespmem:$0x1F590] =	vst v63  }
0x99: {  	_ =	swait.ge [sflag:s18], $0x1000  }
0x9a: {  	s31 =	smov.u32 s17;
	s29 =	sshra.s32 s1, $0x2;
	[sflag:s18] =	ssyncset.done $0x0  }
0x9b: {  	s0 =	sadd.s32 $0x80, s29;
	[sflag:s18] =	ssyncadd.s32 $0xFFFFF000  }
0x9c: {  	[tilespmem:s21], [sflag:$0x2] =	stream.indirect.gather [hbm4b:s2+s19], $0x20, s0, s19, $0xb8;
	[tilespmem:$0x1F590] =	vst v63  }
0x9d: {  	_ =	swait.ge [sflag:s22], $0x1000  }
0x9e: {  	[sflag:s22] =	ssyncset.done $0x0  }
0x9f: {  	s1 =	sadd.s32 $0x4E80, s29;
	[sflag:s22] =	ssyncadd.s32 $0xFFFFF000  }
0xa0: {  	[spmem:s3] =	stream.indirect.scatter.add.f32 [tilespmem:s20], [sflag:$0x3], $0x20, s1, s19, $0xb8;
	[tilespmem:$0x1F590] =	vst v63  }
0xa1: {  	_ =	swait.ge [sflag:s18], $0x1000  }
0xa2: {  	[sflag:s18] =	ssyncset.done $0x0  }
0xa3: {  	s17 =	sadd.s32 $0x100, s29;
	[sflag:s18] =	ssyncadd.s32 $0xFFFFF000  }
0xa4: {  	[tilespmem:s20], [sflag:$0x1] =	stream.indirect.gather [hbm4b:s2+s19], $0x20, s17, s19, $0xb8;
	[tilespmem:$0x1F590] =	vst v63  }
0xa5: {  	_ =	swait.ge [sflag:s23], $0x1000  }
0xa6: {  	[sflag:s23] =	ssyncset.done $0x0  }
0xa7: {  	s31 =	sadd.s32 $0x4F00, s29;
	[sflag:s23] =	ssyncadd.s32 $0xFFFFF000  }
0xa8: {  	[spmem:s3] =	stream.indirect.scatter.add.f32 [tilespmem:s21], [sflag:$0x3], $0x20, s31, s19, $0xb8;
	[tilespmem:$0x1F590] =	vst v63  }
0xa9: {  	_ =	swait.ge [sflag:s18], $0x1000  }
0xaa: {  	[sflag:s18] =	ssyncset.done $0x0  }
0xab: {  	[sflag:s18] =	ssyncadd.s32 $0xFFFFF000  }
0xac: {  	_ =	swait.ge [sflag:s22], $0x1000  }
0xad: {  	[sflag:s22] =	ssyncset.done $0x0  }
0xae: {  	[sflag:s22] =	ssyncadd.s32 $0xFFFFF000  }
0xaf: {  	[spmem:s3] =	stream.indirect.scatter.add.f32 [tilespmem:s20], [sflag:$0x3], $0x20, s24, s19, $0xb8;
	[tilespmem:$0x1F590] =	vst v63  }
0xb0: {  	_ =	swait.ge [sflag:s18], $0x1000  }
0xb1: {  	[sflag:s18] =	ssyncset.done $0x0  }
0xb2: {  	[sflag:s18] =	ssyncadd.s32 $0xFFFFF000  }
0xb3: {  	[bflag:$0x0] =	sbarrier.arrive $0xFFFF  }
0xb4: {  	[hbm:s14], [sflag:s26] =	dma.local [spmem:s28], $0x2700  }
0xb5: {  	_ =	swait.ge [sflag:s18], $0x2700  }
0xb6: {  	s25 =	sadd.s32 $0x1, s25;
	[sflag:s18] =	ssyncset.done $0x0  }
0xb7: {  	s0 =	simm.s32 @!p0 $0x3;
	p1 =	sne.s32 s25, s16;
	[sflag:s18] =	ssyncadd.s32 $0xFFFFD900  }
0xb8: {  	[hbm:s15], [sflag:s26] =	dma.local @!p0 [spmem:s30], $0x20  }
.Ltmp2:
0xb9: {  	_ =	swait.ge @!p0 [sflag:s0], $0x20;
	(pc) =	sbr.rel @p1 .LBB2_1-.Ltmp2, $3  }
0xba: {  	[sflag:s0] =	ssyncset.done @!p0 $0x0  }
0xbb: {  	[sflag:s0] =	ssyncadd.s32 @!p0 $0xFFFFFFE0  }
0xbc: {  	[bflag:$0x0] =	sbarrier.arrive $0xFFFF;
	_ =	sdelay $0x1  }
0xbd: {  	_ =	sfence.sel $0x180000  }
0xbe: {  	[bflag:$0x0] =	sbarrier.arrive $0xFFFF  }
0xbf: {  	_ =	strace $0x90000050  }
0xc0: {  	s0 =	stileid.u32;
	[bflag:$0x2] =	sbarrier.arrive $0xFFFF  }
0xc1: {  	p0 =	sne.s32 s0, $0x0;
	s0 =	rddreg [dreg:$0x3]  }
0xc2: {  	s0 =	sadd.s32 @!p0 $0x100000, s0  }
0xc3: {  	[sflag:s0] =	ssyncadd.tile.s32 @!p0 $0x1;
	_ =	shalt  }
.Lfunc_end2:
_tile_overlayer_lowered:
.L_overlay_start_2:
0xc4: {  	(tag) =	ssettag $0x2  }
0xc5: {  	s0 =	rddreg [dreg:$0x0];
	s2 =	stileid.u32  }
0xc6: {  	s1 =	rddreg [dreg:$0x1];
	p0 =	sne.s32 s2, $0x0  }
0xc7: {  	s3 =	rddreg [dreg:$0x2];
	[bflag:$0x3] =	sbarrier.arrive $0xFFFF;
	s2 =	simm.s32 @!p0 $0x1C03  }
0xc8: {  	[timem:s3], [sflag:s2] =	dma.local @!p0 [hbm:s0], s1  }
0xc9: {  	s0 =	simm.s32 @!p0 $0x3  }
0xca: {  	_ =	swait.ge @!p0 [sflag:s0], s1  }
0xcb: {  	s1 =	ssub.s32 @!p0 $0x0, s1;
	[sflag:s0] =	ssyncset.done @!p0 $0x0  }
0xcc: {  	[sflag:s0] =	ssyncadd.s32 @!p0 s1  }
0xcd: {  	[bflag:$0x3] =	sbarrier.arrive $0xFFFF  }
0xce: {  	_ =	shalt  }

</sc_bundles>
